<compile_context>
chip_gen: v7x
topology: tpu7x:2x2x1
jax: 0.10.2.dev20260603
libtpu: 0.0.44.dev20260713+nightly
codegen_flags: <defaults>
</compile_context>

<pallas_src>
import functools

import jax
import jax.numpy as jnp
from jax import lax
from jax.experimental import pallas as pl
from jax.experimental.pallas import tpu as pltpu
from jax.experimental.pallas import tpu_sc as plsc

HEADS = 16
T = 1024
NPOS = T * T
ROWS_PAD = 4096

_info = plsc.get_sparse_core_info()
NC, NS, L = _info.num_cores, _info.num_subcores, _info.num_lanes
NW = NC * NS

POS_PER_W = NPOS // NW
CHUNK = 512
NBUF = 4
N_CHUNKS = POS_PER_W // CHUNK


def _bias_kernel(tbl_hbm, idx_hbm, out_hbm, tbl_v, idx_v, out_v, isem, osem):
    wid = lax.axis_index("s") * NC + lax.axis_index("c")
    c0 = wid * N_CHUNKS

    def idx_copy(slot, c):
        return pltpu.make_async_copy(
            idx_hbm.at[c // 2, pl.ds((c % 2) * CHUNK, CHUNK)],
            idx_v.at[slot], isem.at[slot])

    def out_copy(slot, c):
        return pltpu.make_async_copy(
            out_v.at[slot],
            out_hbm.at[:, c // 2, pl.ds((c % 2) * CHUNK, CHUNK)],
            osem.at[slot])

    for b in range(NBUF):
        idx_copy(b, c0 + b).start()
    pltpu.sync_copy(tbl_hbm, tbl_v)

    def ring_body(gr, _):
        for b in range(NBUF):
            g = gr * NBUF + b
            c = c0 + g
            idx_copy(b, c).wait()

            @pl.when(gr >= 1)
            def _():
                out_copy(b, c - NBUF).wait()

            @plsc.parallel_loop(0, CHUNK, L, unroll=4)
            def vec_body(p):
                rvec = idx_v[b, pl.ds(p, L)]
                for h in range(HEADS):
                    gathered = plsc.load_gather(tbl_v, [rvec + h * ROWS_PAD])
                    out_v[b, h, pl.ds(p, L)] = gathered

            out_copy(b, c).start()

            @pl.when(g < N_CHUNKS - NBUF)
            def _():
                idx_copy(b, c + NBUF).start()
        return 0

    lax.fori_loop(0, N_CHUNKS // NBUF, ring_body, 0)
    for b in range(NBUF):
        out_copy(b, c0 + N_CHUNKS - NBUF + b).wait()


@jax.jit
def _run(tbl_flat, idx_flat):
    mesh = plsc.VectorSubcoreMesh(core_axis_name="c", subcore_axis_name="s")
    k = functools.partial(
        pl.kernel,
        mesh=mesh,
        out_type=jax.ShapeDtypeStruct((HEADS, T, T), jnp.float32),
        scratch_types=[
            pltpu.VMEM((HEADS * ROWS_PAD,), jnp.float32),
            pltpu.VMEM((NBUF, CHUNK), jnp.int32),
            pltpu.VMEM((NBUF, HEADS, CHUNK), jnp.float32),
            pltpu.SemaphoreType.DMA((NBUF,)),
            pltpu.SemaphoreType.DMA((NBUF,)),
        ],
        compiler_params=pltpu.CompilerParams(
            needs_layout_passes=False,
            disable_bounds_checks=True,
            skip_device_barrier=True,
        ),
    )(_bias_kernel)
    return k(tbl_flat, idx_flat)


def kernel(relative_bias_table, relative_position_index):
    tbl_t = jnp.swapaxes(relative_bias_table, 0, 1)
    tbl_flat = jnp.pad(
        tbl_t, ((0, 0), (0, ROWS_PAD - tbl_t.shape[1]))).reshape(-1)
    return _run(tbl_flat, relative_position_index)

# --- scband reference (transcript-rebuilt; emitter-appended) ---
"""Pipeline reference for scband-relative-position-bias-59605556134488 (READ-ONLY COPY).

The authoritative reference and input builder live on the scoring server;
editing this copy changes nothing except your own understanding.
"""

import jax, jax.numpy as jnp
import numpy as np

HEADS = 16
HEIGHT = 32
WIDTH = 32


def _relative_position_index(height, width):
    coords_h = np.arange(height)
    coords_w = np.arange(width)
    coords = np.stack(np.meshgrid(coords_h, coords_w, indexing='ij'))
    coords = coords.reshape(2, -1)
    relative_coords = coords[:, :, None] - coords[:, None, :]
    relative_coords[0] += height - 1
    relative_coords[1] += width - 1
    relative_coords[0] *= 2 * width - 1
    relative_index = relative_coords[0] + relative_coords[1]
    return relative_index


def setup_inputs(seed: int = 0) -> dict:
    key = jax.random.key(seed)
    num_rows = (2 * HEIGHT - 1) * (2 * WIDTH - 1)
    relative_bias_table = jax.random.truncated_normal(
        key, -2.0, 2.0, (num_rows, HEADS), dtype=jnp.float32) * 0.02
    relative_position_index = jnp.asarray(
        _relative_position_index(HEIGHT, WIDTH), dtype=jnp.int32)
    return {
        'relative_bias_table': relative_bias_table,
        'relative_position_index': relative_position_index,
    }


def reference(relative_bias_table, relative_position_index):
    T = HEIGHT * WIDTH
    idx = relative_position_index.reshape(-1)
    bias = jnp.take(relative_bias_table, idx, axis=0)
    bias = bias.reshape(T, T, HEADS)
    bias = jnp.transpose(bias, (2, 0, 1))
    return bias

if __name__ == "__main__":
    import jax
    _d = setup_inputs()
    print(jax.jit(kernel)(*tuple(_d.values())))

</pallas_src>

<mosaic_0001>
#map = affine_map<(d0, d1) -> (0)>
#map1 = affine_map<(d0, d1) -> (0, 0)>
#map2 = affine_map<(d0, d1) -> (0, 0, 0)>
module attributes {stable_mosaic.version = 14 : i64} {
  func.func @_bias_kernel(%arg0: i32, %arg1: i32, %arg2: memref<65536xf32, #tpu.memory_space<hbm>>, %arg3: memref<1024x1024xi32, #tpu.memory_space<hbm>>, %arg4: memref<16x1024x1024xf32, #tpu.memory_space<hbm>>, %arg5: memref<65536xf32, #tpu.memory_space<vmem>>, %arg6: memref<4x512xi32, #tpu.memory_space<vmem>>, %arg7: memref<4x16x512xf32, #tpu.memory_space<vmem>>, %arg8: memref<4x!tpu.dma_semaphore, #tpu.memory_space<semaphore_mem>>, %arg9: memref<4x!tpu.dma_semaphore, #tpu.memory_space<semaphore_mem>>) attributes {dimension_semantics = [#tpu.dimension_semantics<core_parallel>, #tpu.dimension_semantics<subcore_parallel>], iteration_bounds = array<i64: 2, 16>, scalar_prefetch = 0 : i64, scratch_operands = 5 : i64, tpu.core_type = #tpu.core_type<sc_vector_subcore>, window_params = [{transform_indices = #map}, {transform_indices = #map1}, {transform_indices = #map2}]} {
    %mul3A = arith.constant 2 : i32
    %mul3A_0 = arith.muli %arg1, %mul3A : i32
    %add3A = arith.addi %mul3A_0, %arg0 : i32
    %mul3A_1 = arith.constant 64 : i32
    %mul3A_2 = arith.muli %add3A, %mul3A_1 : i32
    %add3A_3 = arith.constant 0 : i32
    %add3A_4 = arith.addi %mul3A_2, %add3A_3 : i32
    %jit3A = arith.constant 2 : i32
    %div3A = arith.divsi %add3A_4, %jit3A : i32
    %sign3A = arith.constant 0 : i32
    %sign3A_5 = arith.cmpi sgt, %add3A_4, %sign3A : i32
    %sign3A_6 = arith.extui %sign3A_5 : i1 to i32
    %sign3A_7 = arith.constant 0 : i32
    %sign3A_8 = arith.cmpi slt, %add3A_4, %sign3A_7 : i32
    %sign3A_9 = arith.extui %sign3A_8 : i1 to i32
    %sign3A_10 = arith.subi %sign3A_6, %sign3A_9 : i32
    %sign3A_11 = arith.constant 0 : i32
    %sign3A_12 = arith.cmpi sgt, %jit3A, %sign3A_11 : i32
    %sign3A_13 = arith.extui %sign3A_12 : i1 to i32
    %sign3A_14 = arith.constant 0 : i32
    %sign3A_15 = arith.cmpi slt, %jit3A, %sign3A_14 : i32
    %sign3A_16 = arith.extui %sign3A_15 : i1 to i32
    %sign3A_17 = arith.subi %sign3A_13, %sign3A_16 : i32
    %ne3A = arith.cmpi ne, %sign3A_10, %sign3A_17 : i32
    %rem3A = arith.remsi %add3A_4, %jit3A : i32
    %ne3A_18 = arith.constant 0 : i32
    %ne3A_19 = arith.cmpi ne, %rem3A, %ne3A_18 : i32
    %and3A = arith.andi %ne3A, %ne3A_19 : i1
    %sub3A = arith.constant 1 : i32
    %sub3A_20 = arith.subi %div3A, %sub3A : i32
    %select_n3A = arith.select %and3A, %sub3A_20, %div3A : i32
    %jit3A_21 = arith.constant 2 : i32
    %eq3A = arith.constant 0 : i32
    %eq3A_22 = arith.cmpi eq, %jit3A_21, %eq3A : i32
    %jit3A_23 = arith.constant 1 : i32
    %select_n3A_24 = arith.select %eq3A_22, %jit3A_23, %jit3A_21 : i32
    %rem3A_25 = arith.remsi %add3A_4, %select_n3A_24 : i32
    %ne3A_26 = arith.constant 0 : i32
    %ne3A_27 = arith.cmpi ne, %rem3A_25, %ne3A_26 : i32
    %lt3A = arith.constant 0 : i32
    %lt3A_28 = arith.cmpi slt, %rem3A_25, %lt3A : i32
    %lt3A_29 = arith.constant 0 : i32
    %lt3A_30 = arith.cmpi slt, %select_n3A_24, %lt3A_29 : i32
    %ne3A_31 = arith.xori %lt3A_28, %lt3A_30 : i1
    %and3A_32 = arith.andi %ne3A_31, %ne3A_27 : i1
    %add3A_33 = arith.addi %rem3A_25, %select_n3A_24 : i32
    %select_n3A_34 = arith.select %and3A_32, %add3A_33, %rem3A_25 : i32
    %mul3A_35 = arith.constant 512 : i32
    %mul3A_36 = arith.muli %select_n3A_34, %mul3A_35 : i32
    %dma_start3A = arith.constant 0 : i32
    %dma_start3A_37 = arith.constant 0 : i32
    %dma_start3A_38 = arith.constant 0 : i32
    %dma_start3A_39 = tpu.memref_slice %arg6[%dma_start3A, %dma_start3A_38] : memref<4x512xi32, #tpu.memory_space<vmem>> -> memref<1x512xi32, #tpu.memory_space<vmem>>
    %dma_start3A_40 = tpu.memref_squeeze %dma_start3A_39 : memref<1x512xi32, #tpu.memory_space<vmem>> -> memref<512xi32, #tpu.memory_space<vmem>>
    %dma_start3A_41 = tpu.memref_slice %arg3[%select_n3A, %mul3A_36] : memref<1024x1024xi32, #tpu.memory_space<hbm>> -> memref<1x512xi32, #tpu.memory_space<hbm>>
    %dma_start3A_42 = tpu.memref_squeeze %dma_start3A_41 : memref<1x512xi32, #tpu.memory_space<hbm>> -> memref<512xi32, #tpu.memory_space<hbm>>
    %dma_start3A_43 = tpu.memref_slice %arg8[%dma_start3A_37] : memref<4x!tpu.dma_semaphore, #tpu.memory_space<semaphore_mem>> -> memref<1x!tpu.dma_semaphore, #tpu.memory_space<semaphore_mem>>
    %dma_start3A_44 = tpu.memref_squeeze %dma_start3A_43 : memref<1x!tpu.dma_semaphore, #tpu.memory_space<semaphore_mem>> -> memref<!tpu.dma_semaphore, #tpu.memory_space<semaphore_mem>>
    %dma_start3A_45 = arith.constant 0 : i32
    %dma_start3A_46 = tpu.memref_slice %arg6[%dma_start3A, %dma_start3A_45] : memref<4x512xi32, #tpu.memory_space<vmem>> -> memref<1x512xi32, #tpu.memory_space<vmem>>
    %dma_start3A_47 = tpu.memref_squeeze %dma_start3A_46 : memref<1x512xi32, #tpu.memory_space<vmem>> -> memref<512xi32, #tpu.memory_space<vmem>>
    %dma_start3A_48 = tpu.memref_slice %arg3[%select_n3A, %mul3A_36] : memref<1024x1024xi32, #tpu.memory_space<hbm>> -> memref<1x512xi32, #tpu.memory_space<hbm>>
    %dma_start3A_49 = tpu.memref_squeeze %dma_start3A_48 : memref<1x512xi32, #tpu.memory_space<hbm>> -> memref<512xi32, #tpu.memory_space<hbm>>
    tpu.enqueue_dma source(%dma_start3A_49 : memref<512xi32, #tpu.memory_space<hbm>>) target(%dma_start3A_47 : memref<512xi32, #tpu.memory_space<vmem>>) target_semaphore(%dma_start3A_44 : memref<!tpu.dma_semaphore, #tpu.memory_space<semaphore_mem>>)
    %add3A_50 = arith.constant 1 : i32
    %add3A_51 = arith.addi %mul3A_2, %add3A_50 : i32
    %jit3A_52 = arith.constant 2 : i32
    %div3A_53 = arith.divsi %add3A_51, %jit3A_52 : i32
    %sign3A_54 = arith.constant 0 : i32
    %sign3A_55 = arith.cmpi sgt, %add3A_51, %sign3A_54 : i32
    %sign3A_56 = arith.extui %sign3A_55 : i1 to i32
    %sign3A_57 = arith.constant 0 : i32
    %sign3A_58 = arith.cmpi slt, %add3A_51, %sign3A_57 : i32
    %sign3A_59 = arith.extui %sign3A_58 : i1 to i32
    %sign3A_60 = arith.subi %sign3A_56, %sign3A_59 : i32
    %sign3A_61 = arith.constant 0 : i32
    %sign3A_62 = arith.cmpi sgt, %jit3A_52, %sign3A_61 : i32
    %sign3A_63 = arith.extui %sign3A_62 : i1 to i32
    %sign3A_64 = arith.constant 0 : i32
    %sign3A_65 = arith.cmpi slt, %jit3A_52, %sign3A_64 : i32
    %sign3A_66 = arith.extui %sign3A_65 : i1 to i32
    %sign3A_67 = arith.subi %sign3A_63, %sign3A_66 : i32
    %ne3A_68 = arith.cmpi ne, %sign3A_60, %sign3A_67 : i32
    %rem3A_69 = arith.remsi %add3A_51, %jit3A_52 : i32
    %ne3A_70 = arith.constant 0 : i32
    %ne3A_71 = arith.cmpi ne, %rem3A_69, %ne3A_70 : i32
    %and3A_72 = arith.andi %ne3A_68, %ne3A_71 : i1
    %sub3A_73 = arith.constant 1 : i32
    %sub3A_74 = arith.subi %div3A_53, %sub3A_73 : i32
    %select_n3A_75 = arith.select %and3A_72, %sub3A_74, %div3A_53 : i32
    %jit3A_76 = arith.constant 2 : i32
    %eq3A_77 = arith.constant 0 : i32
    %eq3A_78 = arith.cmpi eq, %jit3A_76, %eq3A_77 : i32
    %jit3A_79 = arith.constant 1 : i32
    %select_n3A_80 = arith.select %eq3A_78, %jit3A_79, %jit3A_76 : i32
    %rem3A_81 = arith.remsi %add3A_51, %select_n3A_80 : i32
    %ne3A_82 = arith.constant 0 : i32
    %ne3A_83 = arith.cmpi ne, %rem3A_81, %ne3A_82 : i32
    %lt3A_84 = arith.constant 0 : i32
    %lt3A_85 = arith.cmpi slt, %rem3A_81, %lt3A_84 : i32
    %lt3A_86 = arith.constant 0 : i32
    %lt3A_87 = arith.cmpi slt, %select_n3A_80, %lt3A_86 : i32
    %ne3A_88 = arith.xori %lt3A_85, %lt3A_87 : i1
    %and3A_89 = arith.andi %ne3A_88, %ne3A_83 : i1
    %add3A_90 = arith.addi %rem3A_81, %select_n3A_80 : i32
    %select_n3A_91 = arith.select %and3A_89, %add3A_90, %rem3A_81 : i32
    %mul3A_92 = arith.constant 512 : i32
    %mul3A_93 = arith.muli %select_n3A_91, %mul3A_92 : i32
    %dma_start3A_94 = arith.constant 1 : i32
    %dma_start3A_95 = arith.constant 1 : i32
    %dma_start3A_96 = arith.constant 0 : i32
    %dma_start3A_97 = tpu.memref_slice %arg6[%dma_start3A_94, %dma_start3A_96] : memref<4x512xi32, #tpu.memory_space<vmem>> -> memref<1x512xi32, #tpu.memory_space<vmem>>
    %dma_start3A_98 = tpu.memref_squeeze %dma_start3A_97 : memref<1x512xi32, #tpu.memory_space<vmem>> -> memref<512xi32, #tpu.memory_space<vmem>>
    %dma_start3A_99 = tpu.memref_slice %arg3[%select_n3A_75, %mul3A_93] : memref<1024x1024xi32, #tpu.memory_space<hbm>> -> memref<1x512xi32, #tpu.memory_space<hbm>>
    %dma_start3A_100 = tpu.memref_squeeze %dma_start3A_99 : memref<1x512xi32, #tpu.memory_space<hbm>> -> memref<512xi32, #tpu.memory_space<hbm>>
    %dma_start3A_101 = tpu.memref_slice %arg8[%dma_start3A_95] : memref<4x!tpu.dma_semaphore, #tpu.memory_space<semaphore_mem>> -> memref<1x!tpu.dma_semaphore, #tpu.memory_space<semaphore_mem>>
    %dma_start3A_102 = tpu.memref_squeeze %dma_start3A_101 : memref<1x!tpu.dma_semaphore, #tpu.memory_space<semaphore_mem>> -> memref<!tpu.dma_semaphore, #tpu.memory_space<semaphore_mem>>
    %dma_start3A_103 = arith.constant 0 : i32
    %dma_start3A_104 = tpu.memref_slice %arg6[%dma_start3A_94, %dma_start3A_103] : memref<4x512xi32, #tpu.memory_space<vmem>> -> memref<1x512xi32, #tpu.memory_space<vmem>>
    %dma_start3A_105 = tpu.memref_squeeze %dma_start3A_104 : memref<1x512xi32, #tpu.memory_space<vmem>> -> memref<512xi32, #tpu.memory_space<vmem>>
    %dma_start3A_106 = tpu.memref_slice %arg3[%select_n3A_75, %mul3A_93] : memref<1024x1024xi32, #tpu.memory_space<hbm>> -> memref<1x512xi32, #tpu.memory_space<hbm>>
    %dma_start3A_107 = tpu.memref_squeeze %dma_start3A_106 : memref<1x512xi32, #tpu.memory_space<hbm>> -> memref<512xi32, #tpu.memory_space<hbm>>
    tpu.enqueue_dma source(%dma_start3A_107 : memref<512xi32, #tpu.memory_space<hbm>>) target(%dma_start3A_105 : memref<512xi32, #tpu.memory_space<vmem>>) target_semaphore(%dma_start3A_102 : memref<!tpu.dma_semaphore, #tpu.memory_space<semaphore_mem>>)
    %add3A_108 = arith.constant 2 : i32
    %add3A_109 = arith.addi %mul3A_2, %add3A_108 : i32
    %jit3A_110 = arith.constant 2 : i32
    %div3A_111 = arith.divsi %add3A_109, %jit3A_110 : i32
    %sign3A_112 = arith.constant 0 : i32
    %sign3A_113 = arith.cmpi sgt, %add3A_109, %sign3A_112 : i32
    %sign3A_114 = arith.extui %sign3A_113 : i1 to i32
    %sign3A_115 = arith.constant 0 : i32
    %sign3A_116 = arith.cmpi slt, %add3A_109, %sign3A_115 : i32
    %sign3A_117 = arith.extui %sign3A_116 : i1 to i32
    %sign3A_118 = arith.subi %sign3A_114, %sign3A_117 : i32
    %sign3A_119 = arith.constant 0 : i32
    %sign3A_120 = arith.cmpi sgt, %jit3A_110, %sign3A_119 : i32
    %sign3A_121 = arith.extui %sign3A_120 : i1 to i32
    %sign3A_122 = arith.constant 0 : i32
    %sign3A_123 = arith.cmpi slt, %jit3A_110, %sign3A_122 : i32
    %sign3A_124 = arith.extui %sign3A_123 : i1 to i32
    %sign3A_125 = arith.subi %sign3A_121, %sign3A_124 : i32
    %ne3A_126 = arith.cmpi ne, %sign3A_118, %sign3A_125 : i32
    %rem3A_127 = arith.remsi %add3A_109, %jit3A_110 : i32
    %ne3A_128 = arith.constant 0 : i32
    %ne3A_129 = arith.cmpi ne, %rem3A_127, %ne3A_128 : i32
    %and3A_130 = arith.andi %ne3A_126, %ne3A_129 : i1
    %sub3A_131 = arith.constant 1 : i32
    %sub3A_132 = arith.subi %div3A_111, %sub3A_131 : i32
    %select_n3A_133 = arith.select %and3A_130, %sub3A_132, %div3A_111 : i32
    %jit3A_134 = arith.constant 2 : i32
    %eq3A_135 = arith.constant 0 : i32
    %eq3A_136 = arith.cmpi eq, %jit3A_134, %eq3A_135 : i32
    %jit3A_137 = arith.constant 1 : i32
    %select_n3A_138 = arith.select %eq3A_136, %jit3A_137, %jit3A_134 : i32
    %rem3A_139 = arith.remsi %add3A_109, %select_n3A_138 : i32
    %ne3A_140 = arith.constant 0 : i32
    %ne3A_141 = arith.cmpi ne, %rem3A_139, %ne3A_140 : i32
    %lt3A_142 = arith.constant 0 : i32
    %lt3A_143 = arith.cmpi slt, %rem3A_139, %lt3A_142 : i32
    %lt3A_144 = arith.constant 0 : i32
    %lt3A_145 = arith.cmpi slt, %select_n3A_138, %lt3A_144 : i32
    %ne3A_146 = arith.xori %lt3A_143, %lt3A_145 : i1
    %and3A_147 = arith.andi %ne3A_146, %ne3A_141 : i1
    %add3A_148 = arith.addi %rem3A_139, %select_n3A_138 : i32
    %select_n3A_149 = arith.select %and3A_147, %add3A_148, %rem3A_139 : i32
    %mul3A_150 = arith.constant 512 : i32
    %mul3A_151 = arith.muli %select_n3A_149, %mul3A_150 : i32
    %dma_start3A_152 = arith.constant 2 : i32
    %dma_start3A_153 = arith.constant 2 : i32
    %dma_start3A_154 = arith.constant 0 : i32
    %dma_start3A_155 = tpu.memref_slice %arg6[%dma_start3A_152, %dma_start3A_154] : memref<4x512xi32, #tpu.memory_space<vmem>> -> memref<1x512xi32, #tpu.memory_space<vmem>>
    %dma_start3A_156 = tpu.memref_squeeze %dma_start3A_155 : memref<1x512xi32, #tpu.memory_space<vmem>> -> memref<512xi32, #tpu.memory_space<vmem>>
    %dma_start3A_157 = tpu.memref_slice %arg3[%select_n3A_133, %mul3A_151] : memref<1024x1024xi32, #tpu.memory_space<hbm>> -> memref<1x512xi32, #tpu.memory_space<hbm>>
    %dma_start3A_158 = tpu.memref_squeeze %dma_start3A_157 : memref<1x512xi32, #tpu.memory_space<hbm>> -> memref<512xi32, #tpu.memory_space<hbm>>
    %dma_start3A_159 = tpu.memref_slice %arg8[%dma_start3A_153] : memref<4x!tpu.dma_semaphore, #tpu.memory_space<semaphore_mem>> -> memref<1x!tpu.dma_semaphore, #tpu.memory_space<semaphore_mem>>
    %dma_start3A_160 = tpu.memref_squeeze %dma_start3A_159 : memref<1x!tpu.dma_semaphore, #tpu.memory_space<semaphore_mem>> -> memref<!tpu.dma_semaphore, #tpu.memory_space<semaphore_mem>>
    %dma_start3A_161 = arith.constant 0 : i32
    %dma_start3A_162 = tpu.memref_slice %arg6[%dma_start3A_152, %dma_start3A_161] : memref<4x512xi32, #tpu.memory_space<vmem>> -> memref<1x512xi32, #tpu.memory_space<vmem>>
    %dma_start3A_163 = tpu.memref_squeeze %dma_start3A_162 : memref<1x512xi32, #tpu.memory_space<vmem>> -> memref<512xi32, #tpu.memory_space<vmem>>
    %dma_start3A_164 = tpu.memref_slice %arg3[%select_n3A_133, %mul3A_151] : memref<1024x1024xi32, #tpu.memory_space<hbm>> -> memref<1x512xi32, #tpu.memory_space<hbm>>
    %dma_start3A_165 = tpu.memref_squeeze %dma_start3A_164 : memref<1x512xi32, #tpu.memory_space<hbm>> -> memref<512xi32, #tpu.memory_space<hbm>>
    tpu.enqueue_dma source(%dma_start3A_165 : memref<512xi32, #tpu.memory_space<hbm>>) target(%dma_start3A_163 : memref<512xi32, #tpu.memory_space<vmem>>) target_semaphore(%dma_start3A_160 : memref<!tpu.dma_semaphore, #tpu.memory_space<semaphore_mem>>)
    %add3A_166 = arith.constant 3 : i32
    %add3A_167 = arith.addi %mul3A_2, %add3A_166 : i32
    %jit3A_168 = arith.constant 2 : i32
    %div3A_169 = arith.divsi %add3A_167, %jit3A_168 : i32
    %sign3A_170 = arith.constant 0 : i32
    %sign3A_171 = arith.cmpi sgt, %add3A_167, %sign3A_170 : i32
    %sign3A_172 = arith.extui %sign3A_171 : i1 to i32
    %sign3A_173 = arith.constant 0 : i32
    %sign3A_174 = arith.cmpi slt, %add3A_167, %sign3A_173 : i32
    %sign3A_175 = arith.extui %sign3A_174 : i1 to i32
    %sign3A_176 = arith.subi %sign3A_172, %sign3A_175 : i32
    %sign3A_177 = arith.constant 0 : i32
    %sign3A_178 = arith.cmpi sgt, %jit3A_168, %sign3A_177 : i32
    %sign3A_179 = arith.extui %sign3A_178 : i1 to i32
    %sign3A_180 = arith.constant 0 : i32
    %sign3A_181 = arith.cmpi slt, %jit3A_168, %sign3A_180 : i32
    %sign3A_182 = arith.extui %sign3A_181 : i1 to i32
    %sign3A_183 = arith.subi %sign3A_179, %sign3A_182 : i32
    %ne3A_184 = arith.cmpi ne, %sign3A_176, %sign3A_183 : i32
    %rem3A_185 = arith.remsi %add3A_167, %jit3A_168 : i32
    %ne3A_186 = arith.constant 0 : i32
    %ne3A_187 = arith.cmpi ne, %rem3A_185, %ne3A_186 : i32
    %and3A_188 = arith.andi %ne3A_184, %ne3A_187 : i1
    %sub3A_189 = arith.constant 1 : i32
    %sub3A_190 = arith.subi %div3A_169, %sub3A_189 : i32
    %select_n3A_191 = arith.select %and3A_188, %sub3A_190, %div3A_169 : i32
    %jit3A_192 = arith.constant 2 : i32
    %eq3A_193 = arith.constant 0 : i32
    %eq3A_194 = arith.cmpi eq, %jit3A_192, %eq3A_193 : i32
    %jit3A_195 = arith.constant 1 : i32
    %select_n3A_196 = arith.select %eq3A_194, %jit3A_195, %jit3A_192 : i32
    %rem3A_197 = arith.remsi %add3A_167, %select_n3A_196 : i32
    %ne3A_198 = arith.constant 0 : i32
    %ne3A_199 = arith.cmpi ne, %rem3A_197, %ne3A_198 : i32
    %lt3A_200 = arith.constant 0 : i32
    %lt3A_201 = arith.cmpi slt, %rem3A_197, %lt3A_200 : i32
    %lt3A_202 = arith.constant 0 : i32
    %lt3A_203 = arith.cmpi slt, %select_n3A_196, %lt3A_202 : i32
    %ne3A_204 = arith.xori %lt3A_201, %lt3A_203 : i1
    %and3A_205 = arith.andi %ne3A_204, %ne3A_199 : i1
    %add3A_206 = arith.addi %rem3A_197, %select_n3A_196 : i32
    %select_n3A_207 = arith.select %and3A_205, %add3A_206, %rem3A_197 : i32
    %mul3A_208 = arith.constant 512 : i32
    %mul3A_209 = arith.muli %select_n3A_207, %mul3A_208 : i32
    %dma_start3A_210 = arith.constant 3 : i32
    %dma_start3A_211 = arith.constant 3 : i32
    %dma_start3A_212 = arith.constant 0 : i32
    %dma_start3A_213 = tpu.memref_slice %arg6[%dma_start3A_210, %dma_start3A_212] : memref<4x512xi32, #tpu.memory_space<vmem>> -> memref<1x512xi32, #tpu.memory_space<vmem>>
    %dma_start3A_214 = tpu.memref_squeeze %dma_start3A_213 : memref<1x512xi32, #tpu.memory_space<vmem>> -> memref<512xi32, #tpu.memory_space<vmem>>
    %dma_start3A_215 = tpu.memref_slice %arg3[%select_n3A_191, %mul3A_209] : memref<1024x1024xi32, #tpu.memory_space<hbm>> -> memref<1x512xi32, #tpu.memory_space<hbm>>
    %dma_start3A_216 = tpu.memref_squeeze %dma_start3A_215 : memref<1x512xi32, #tpu.memory_space<hbm>> -> memref<512xi32, #tpu.memory_space<hbm>>
    %dma_start3A_217 = tpu.memref_slice %arg8[%dma_start3A_211] : memref<4x!tpu.dma_semaphore, #tpu.memory_space<semaphore_mem>> -> memref<1x!tpu.dma_semaphore, #tpu.memory_space<semaphore_mem>>
    %dma_start3A_218 = tpu.memref_squeeze %dma_start3A_217 : memref<1x!tpu.dma_semaphore, #tpu.memory_space<semaphore_mem>> -> memref<!tpu.dma_semaphore, #tpu.memory_space<semaphore_mem>>
    %dma_start3A_219 = arith.constant 0 : i32
    %dma_start3A_220 = tpu.memref_slice %arg6[%dma_start3A_210, %dma_start3A_219] : memref<4x512xi32, #tpu.memory_space<vmem>> -> memref<1x512xi32, #tpu.memory_space<vmem>>
    %dma_start3A_221 = tpu.memref_squeeze %dma_start3A_220 : memref<1x512xi32, #tpu.memory_space<vmem>> -> memref<512xi32, #tpu.memory_space<vmem>>
    %dma_start3A_222 = tpu.memref_slice %arg3[%select_n3A_191, %mul3A_209] : memref<1024x1024xi32, #tpu.memory_space<hbm>> -> memref<1x512xi32, #tpu.memory_space<hbm>>
    %dma_start3A_223 = tpu.memref_squeeze %dma_start3A_222 : memref<1x512xi32, #tpu.memory_space<hbm>> -> memref<512xi32, #tpu.memory_space<hbm>>
    tpu.enqueue_dma source(%dma_start3A_223 : memref<512xi32, #tpu.memory_space<hbm>>) target(%dma_start3A_221 : memref<512xi32, #tpu.memory_space<vmem>>) target_semaphore(%dma_start3A_218 : memref<!tpu.dma_semaphore, #tpu.memory_space<semaphore_mem>>)
    "tpu.region"() ({
      %run_scoped3A = tpu.sem_alloc : memref<!tpu.dma_semaphore, #tpu.memory_space<semaphore_mem>>
      tpu.enqueue_dma source(%arg2 : memref<65536xf32, #tpu.memory_space<hbm>>) target(%arg5 : memref<65536xf32, #tpu.memory_space<vmem>>) target_semaphore(%run_scoped3A : memref<!tpu.dma_semaphore, #tpu.memory_space<semaphore_mem>>)
      tpu.wait_dma2 semaphore(%run_scoped3A : memref<!tpu.dma_semaphore, #tpu.memory_space<semaphore_mem>>) src(%arg2 : memref<65536xf32, #tpu.memory_space<hbm>>) dst(%arg5 : memref<65536xf32, #tpu.memory_space<vmem>>)
      tpu.yield
    }) : () -> ()
    %scan3A = arith.constant 0 : i32
    %scan3A_224 = arith.constant 0 : i32
    %scan3A_225 = arith.constant 16 : i32
    %scan3A_226 = arith.addi %scan3A_224, %scan3A_225 : i32
    %scan3A_227 = arith.constant 1 : i32
    %scan3A_228 = scf.for %scan3A_493 = %scan3A_224 to %scan3A_226 step %scan3A_227 iter_args(%scan3A_494 = %scan3A) -> (i32)  : i32 {
      %mul3A_495 = arith.constant 4 : i32
      %mul3A_496 = arith.muli %scan3A_493, %mul3A_495 : i32
      %add3A_497 = arith.constant 0 : i32
      %add3A_498 = arith.addi %mul3A_496, %add3A_497 : i32
      %add3A_499 = arith.addi %mul3A_2, %add3A_498 : i32
      %jit3A_500 = arith.constant 2 : i32
      %div3A_501 = arith.divsi %add3A_499, %jit3A_500 : i32
      %sign3A_502 = arith.constant 0 : i32
      %sign3A_503 = arith.cmpi sgt, %add3A_499, %sign3A_502 : i32
      %sign3A_504 = arith.extui %sign3A_503 : i1 to i32
      %sign3A_505 = arith.constant 0 : i32
      %sign3A_506 = arith.cmpi slt, %add3A_499, %sign3A_505 : i32
      %sign3A_507 = arith.extui %sign3A_506 : i1 to i32
      %sign3A_508 = arith.subi %sign3A_504, %sign3A_507 : i32
      %sign3A_509 = arith.constant 0 : i32
      %sign3A_510 = arith.cmpi sgt, %jit3A_500, %sign3A_509 : i32
      %sign3A_511 = arith.extui %sign3A_510 : i1 to i32
      %sign3A_512 = arith.constant 0 : i32
      %sign3A_513 = arith.cmpi slt, %jit3A_500, %sign3A_512 : i32
      %sign3A_514 = arith.extui %sign3A_513 : i1 to i32
      %sign3A_515 = arith.subi %sign3A_511, %sign3A_514 : i32
      %ne3A_516 = arith.cmpi ne, %sign3A_508, %sign3A_515 : i32
      %rem3A_517 = arith.remsi %add3A_499, %jit3A_500 : i32
      %ne3A_518 = arith.constant 0 : i32
      %ne3A_519 = arith.cmpi ne, %rem3A_517, %ne3A_518 : i32
      %and3A_520 = arith.andi %ne3A_516, %ne3A_519 : i1
      %sub3A_521 = arith.constant 1 : i32
      %sub3A_522 = arith.subi %div3A_501, %sub3A_521 : i32
      %select_n3A_523 = arith.select %and3A_520, %sub3A_522, %div3A_501 : i32
      %jit3A_524 = arith.constant 2 : i32
      %eq3A_525 = arith.constant 0 : i32
      %eq3A_526 = arith.cmpi eq, %jit3A_524, %eq3A_525 : i32
      %jit3A_527 = arith.constant 1 : i32
      %select_n3A_528 = arith.select %eq3A_526, %jit3A_527, %jit3A_524 : i32
      %rem3A_529 = arith.remsi %add3A_499, %select_n3A_528 : i32
      %ne3A_530 = arith.constant 0 : i32
      %ne3A_531 = arith.cmpi ne, %rem3A_529, %ne3A_530 : i32
      %lt3A_532 = arith.constant 0 : i32
      %lt3A_533 = arith.cmpi slt, %rem3A_529, %lt3A_532 : i32
      %lt3A_534 = arith.constant 0 : i32
      %lt3A_535 = arith.cmpi slt, %select_n3A_528, %lt3A_534 : i32
      %ne3A_536 = arith.xori %lt3A_533, %lt3A_535 : i1
      %and3A_537 = arith.andi %ne3A_536, %ne3A_531 : i1
      %add3A_538 = arith.addi %rem3A_529, %select_n3A_528 : i32
      %select_n3A_539 = arith.select %and3A_537, %add3A_538, %rem3A_529 : i32
      %mul3A_540 = arith.constant 512 : i32
      %mul3A_541 = arith.muli %select_n3A_539, %mul3A_540 : i32
      %dma_wait3A_542 = arith.constant 0 : i32
      %dma_wait3A_543 = arith.constant 0 : i32
      %dma_wait3A_544 = arith.constant 0 : i32
      %dma_wait3A_545 = tpu.memref_slice %arg6[%dma_wait3A_542, %dma_wait3A_544] : memref<4x512xi32, #tpu.memory_space<vmem>> -> memref<1x512xi32, #tpu.memory_space<vmem>>
      %dma_wait3A_546 = tpu.memref_squeeze %dma_wait3A_545 : memref<1x512xi32, #tpu.memory_space<vmem>> -> memref<512xi32, #tpu.memory_space<vmem>>
      %dma_wait3A_547 = tpu.memref_slice %arg3[%select_n3A_523, %mul3A_541] : memref<1024x1024xi32, #tpu.memory_space<hbm>> -> memref<1x512xi32, #tpu.memory_space<hbm>>
      %dma_wait3A_548 = tpu.memref_squeeze %dma_wait3A_547 : memref<1x512xi32, #tpu.memory_space<hbm>> -> memref<512xi32, #tpu.memory_space<hbm>>
      %dma_wait3A_549 = tpu.memref_slice %arg8[%dma_wait3A_543] : memref<4x!tpu.dma_semaphore, #tpu.memory_space<semaphore_mem>> -> memref<1x!tpu.dma_semaphore, #tpu.memory_space<semaphore_mem>>
      %dma_wait3A_550 = tpu.memref_squeeze %dma_wait3A_549 : memref<1x!tpu.dma_semaphore, #tpu.memory_space<semaphore_mem>> -> memref<!tpu.dma_semaphore, #tpu.memory_space<semaphore_mem>>
      %dma_wait3A_551 = arith.constant 0 : i32
      %dma_wait3A_552 = tpu.memref_slice %arg6[%dma_wait3A_542, %dma_wait3A_551] : memref<4x512xi32, #tpu.memory_space<vmem>> -> memref<1x512xi32, #tpu.memory_space<vmem>>
      %dma_wait3A_553 = tpu.memref_squeeze %dma_wait3A_552 : memref<1x512xi32, #tpu.memory_space<vmem>> -> memref<512xi32, #tpu.memory_space<vmem>>
      %dma_wait3A_554 = tpu.memref_slice %arg3[%select_n3A_523, %mul3A_541] : memref<1024x1024xi32, #tpu.memory_space<hbm>> -> memref<1x512xi32, #tpu.memory_space<hbm>>
      %dma_wait3A_555 = tpu.memref_squeeze %dma_wait3A_554 : memref<1x512xi32, #tpu.memory_space<hbm>> -> memref<512xi32, #tpu.memory_space<hbm>>
      tpu.wait_dma2 semaphore(%dma_wait3A_550 : memref<!tpu.dma_semaphore, #tpu.memory_space<semaphore_mem>>) src(%dma_wait3A_555 : memref<512xi32, #tpu.memory_space<hbm>>) dst(%dma_wait3A_553 : memref<512xi32, #tpu.memory_space<vmem>>)
      %ge3A = arith.constant 1 : i32
      %ge3A_556 = arith.cmpi sge, %scan3A_493, %ge3A : i32
      %convert_element_type3A = arith.extui %ge3A_556 : i1 to i32
      %cond3A = arith.constant 0 : i32
      %cond3A_557 = arith.cmpi ne, %convert_element_type3A, %cond3A : i32
      scf.if %cond3A_557 {
        %sub3A_1028 = arith.constant 4 : i32
        %sub3A_1029 = arith.subi %add3A_499, %sub3A_1028 : i32
        %jit3A_1030 = arith.constant 2 : i32
        %div3A_1031 = arith.divsi %sub3A_1029, %jit3A_1030 : i32
        %sign3A_1032 = arith.constant 0 : i32
        %sign3A_1033 = arith.cmpi sgt, %sub3A_1029, %sign3A_1032 : i32
        %sign3A_1034 = arith.extui %sign3A_1033 : i1 to i32
        %sign3A_1035 = arith.constant 0 : i32
        %sign3A_1036 = arith.cmpi slt, %sub3A_1029, %sign3A_1035 : i32
        %sign3A_1037 = arith.extui %sign3A_1036 : i1 to i32
        %sign3A_1038 = arith.subi %sign3A_1034, %sign3A_1037 : i32
        %sign3A_1039 = arith.constant 0 : i32
        %sign3A_1040 = arith.cmpi sgt, %jit3A_1030, %sign3A_1039 : i32
        %sign3A_1041 = arith.extui %sign3A_1040 : i1 to i32
        %sign3A_1042 = arith.constant 0 : i32
        %sign3A_1043 = arith.cmpi slt, %jit3A_1030, %sign3A_1042 : i32
        %sign3A_1044 = arith.extui %sign3A_1043 : i1 to i32
        %sign3A_1045 = arith.subi %sign3A_1041, %sign3A_1044 : i32
        %ne3A_1046 = arith.cmpi ne, %sign3A_1038, %sign3A_1045 : i32
        %rem3A_1047 = arith.remsi %sub3A_1029, %jit3A_1030 : i32
        %ne3A_1048 = arith.constant 0 : i32
        %ne3A_1049 = arith.cmpi ne, %rem3A_1047, %ne3A_1048 : i32
        %and3A_1050 = arith.andi %ne3A_1046, %ne3A_1049 : i1
        %sub3A_1051 = arith.constant 1 : i32
        %sub3A_1052 = arith.subi %div3A_1031, %sub3A_1051 : i32
        %select_n3A_1053 = arith.select %and3A_1050, %sub3A_1052, %div3A_1031 : i32
        %jit3A_1054 = arith.constant 2 : i32
        %eq3A_1055 = arith.constant 0 : i32
        %eq3A_1056 = arith.cmpi eq, %jit3A_1054, %eq3A_1055 : i32
        %jit3A_1057 = arith.constant 1 : i32
        %select_n3A_1058 = arith.select %eq3A_1056, %jit3A_1057, %jit3A_1054 : i32
        %rem3A_1059 = arith.remsi %sub3A_1029, %select_n3A_1058 : i32
        %ne3A_1060 = arith.constant 0 : i32
        %ne3A_1061 = arith.cmpi ne, %rem3A_1059, %ne3A_1060 : i32
        %lt3A_1062 = arith.constant 0 : i32
        %lt3A_1063 = arith.cmpi slt, %rem3A_1059, %lt3A_1062 : i32
        %lt3A_1064 = arith.constant 0 : i32
        %lt3A_1065 = arith.cmpi slt, %select_n3A_1058, %lt3A_1064 : i32
        %ne3A_1066 = arith.xori %lt3A_1063, %lt3A_1065 : i1
        %and3A_1067 = arith.andi %ne3A_1066, %ne3A_1061 : i1
        %add3A_1068 = arith.addi %rem3A_1059, %select_n3A_1058 : i32
        %select_n3A_1069 = arith.select %and3A_1067, %add3A_1068, %rem3A_1059 : i32
        %mul3A_1070 = arith.constant 512 : i32
        %mul3A_1071 = arith.muli %select_n3A_1069, %mul3A_1070 : i32
        %dma_wait3A_1072 = arith.constant 0 : i32
        %dma_wait3A_1073 = arith.constant 0 : i32
        %dma_wait3A_1074 = arith.constant 0 : i32
        %dma_wait3A_1075 = arith.constant 0 : i32
        %dma_wait3A_1076 = tpu.memref_slice %arg7[%dma_wait3A_1072, %dma_wait3A_1074, %dma_wait3A_1075] : memref<4x16x512xf32, #tpu.memory_space<vmem>> -> memref<1x16x512xf32, #tpu.memory_space<vmem>>
        %dma_wait3A_1077 = tpu.memref_squeeze %dma_wait3A_1076 : memref<1x16x512xf32, #tpu.memory_space<vmem>> -> memref<16x512xf32, #tpu.memory_space<vmem>>
        %dma_wait3A_1078 = arith.constant 0 : i32
        %dma_wait3A_1079 = tpu.memref_slice %arg4[%dma_wait3A_1078, %select_n3A_1053, %mul3A_1071] : memref<16x1024x1024xf32, #tpu.memory_space<hbm>> -> memref<16x1x512xf32, #tpu.memory_space<hbm>>
        %dma_wait3A_1080 = tpu.memref_squeeze %dma_wait3A_1079 : memref<16x1x512xf32, #tpu.memory_space<hbm>> -> memref<16x512xf32, #tpu.memory_space<hbm>>
        %dma_wait3A_1081 = tpu.memref_slice %arg9[%dma_wait3A_1073] : memref<4x!tpu.dma_semaphore, #tpu.memory_space<semaphore_mem>> -> memref<1x!tpu.dma_semaphore, #tpu.memory_space<semaphore_mem>>
        %dma_wait3A_1082 = tpu.memref_squeeze %dma_wait3A_1081 : memref<1x!tpu.dma_semaphore, #tpu.memory_space<semaphore_mem>> -> memref<!tpu.dma_semaphore, #tpu.memory_space<semaphore_mem>>
        %dma_wait3A_1083 = arith.constant 0 : i32
        %dma_wait3A_1084 = tpu.memref_slice %arg4[%dma_wait3A_1083, %select_n3A_1053, %mul3A_1071] : memref<16x1024x1024xf32, #tpu.memory_space<hbm>> -> memref<16x1x512xf32, #tpu.memory_space<hbm>>
        %dma_wait3A_1085 = tpu.memref_squeeze %dma_wait3A_1084 : memref<16x1x512xf32, #tpu.memory_space<hbm>> -> memref<16x512xf32, #tpu.memory_space<hbm>>
        %dma_wait3A_1086 = arith.constant 0 : i32
        %dma_wait3A_1087 = arith.constant 0 : i32
        %dma_wait3A_1088 = tpu.memref_slice %arg7[%dma_wait3A_1072, %dma_wait3A_1086, %dma_wait3A_1087] : memref<4x16x512xf32, #tpu.memory_space<vmem>> -> memref<1x16x512xf32, #tpu.memory_space<vmem>>
        %dma_wait3A_1089 = tpu.memref_squeeze %dma_wait3A_1088 : memref<1x16x512xf32, #tpu.memory_space<vmem>> -> memref<16x512xf32, #tpu.memory_space<vmem>>
        tpu.wait_dma2 semaphore(%dma_wait3A_1082 : memref<!tpu.dma_semaphore, #tpu.memory_space<semaphore_mem>>) src(%dma_wait3A_1089 : memref<16x512xf32, #tpu.memory_space<vmem>>) dst(%dma_wait3A_1085 : memref<16x512xf32, #tpu.memory_space<hbm>>)
      } else {
      }
      %parallel_loop3A = arith.constant 0 : i32
      %parallel_loop3A_558 = arith.constant 512 : i32
      %parallel_loop3A_559 = arith.constant 16 : i32
      scf.for %parallel_loop3A_1028 = %parallel_loop3A to %parallel_loop3A_558 step %parallel_loop3A_559  : i32 {
        %parallel_loop3A_1029 = arith.constant 0 : i32
        %parallel_loop3A_1030 = arith.index_cast %parallel_loop3A_1029 : i32 to index
        %parallel_loop3A_1031 = arith.index_cast %parallel_loop3A_1028 : i32 to index
        %parallel_loop3A_1032 = tpu.vector_load %arg6[%parallel_loop3A_1030, %parallel_loop3A_1031] {strides = array<i32>} : memref<4x512xi32, #tpu.memory_space<vmem>>, vector<16xi32>,
        %parallel_loop3A_1033 = arith.constant 0 : i32
        %parallel_loop3A_1034 = vector.broadcast %parallel_loop3A_1033 : i32 to vector<16xi32>
        %parallel_loop3A_1035 = arith.addi %parallel_loop3A_1032, %parallel_loop3A_1034 : vector<16xi32>
        %parallel_loop3A_1036 = tpu.vector_load_idx %arg5[%parallel_loop3A_1035] : memref<65536xf32, #tpu.memory_space<vmem>>[vector<16xi32>], vector<16xf32>,
        %parallel_loop3A_1037 = arith.constant 0 : i32
        %parallel_loop3A_1038 = arith.constant 0 : i32
        %parallel_loop3A_1039 = arith.index_cast %parallel_loop3A_1037 : i32 to index
        %parallel_loop3A_1040 = arith.index_cast %parallel_loop3A_1038 : i32 to index
        %parallel_loop3A_1041 = arith.index_cast %parallel_loop3A_1028 : i32 to index
        %parallel_loop3A_1042 = tpu.vector_load %arg7[%parallel_loop3A_1039, %parallel_loop3A_1040, %parallel_loop3A_1041] {strides = array<i32>} : memref<4x16x512xf32, #tpu.memory_space<vmem>>, vector<16xf32>,
        tpu.vector_store %arg7[%parallel_loop3A_1039, %parallel_loop3A_1040, %parallel_loop3A_1041], %parallel_loop3A_1036 {strides = array<i32>} : memref<4x16x512xf32, #tpu.memory_space<vmem>>, vector<16xf32>,
        %parallel_loop3A_1043 = arith.constant 4096 : i32
        %parallel_loop3A_1044 = vector.broadcast %parallel_loop3A_1043 : i32 to vector<16xi32>
        %parallel_loop3A_1045 = arith.addi %parallel_loop3A_1032, %parallel_loop3A_1044 : vector<16xi32>
        %parallel_loop3A_1046 = tpu.vector_load_idx %arg5[%parallel_loop3A_1045] : memref<65536xf32, #tpu.memory_space<vmem>>[vector<16xi32>], vector<16xf32>,
        %parallel_loop3A_1047 = arith.constant 0 : i32
        %parallel_loop3A_1048 = arith.constant 1 : i32
        %parallel_loop3A_1049 = arith.index_cast %parallel_loop3A_1047 : i32 to index
        %parallel_loop3A_1050 = arith.index_cast %parallel_loop3A_1048 : i32 to index
        %parallel_loop3A_1051 = arith.index_cast %parallel_loop3A_1028 : i32 to index
        %parallel_loop3A_1052 = tpu.vector_load %arg7[%parallel_loop3A_1049, %parallel_loop3A_1050, %parallel_loop3A_1051] {strides = array<i32>} : memref<4x16x512xf32, #tpu.memory_space<vmem>>, vector<16xf32>,
        tpu.vector_store %arg7[%parallel_loop3A_1049, %parallel_loop3A_1050, %parallel_loop3A_1051], %parallel_loop3A_1046 {strides = array<i32>} : memref<4x16x512xf32, #tpu.memory_space<vmem>>, vector<16xf32>,
        %parallel_loop3A_1053 = arith.constant 8192 : i32
        %parallel_loop3A_1054 = vector.broadcast %parallel_loop3A_1053 : i32 to vector<16xi32>
        %parallel_loop3A_1055 = arith.addi %parallel_loop3A_1032, %parallel_loop3A_1054 : vector<16xi32>
        %parallel_loop3A_1056 = tpu.vector_load_idx %arg5[%parallel_loop3A_1055] : memref<65536xf32, #tpu.memory_space<vmem>>[vector<16xi32>], vector<16xf32>,
        %parallel_loop3A_1057 = arith.constant 0 : i32
        %parallel_loop3A_1058 = arith.constant 2 : i32
        %parallel_loop3A_1059 = arith.index_cast %parallel_loop3A_1057 : i32 to index
        %parallel_loop3A_1060 = arith.index_cast %parallel_loop3A_1058 : i32 to index
        %parallel_loop3A_1061 = arith.index_cast %parallel_loop3A_1028 : i32 to index
        %parallel_loop3A_1062 = tpu.vector_load %arg7[%parallel_loop3A_1059, %parallel_loop3A_1060, %parallel_loop3A_1061] {strides = array<i32>} : memref<4x16x512xf32, #tpu.memory_space<vmem>>, vector<16xf32>,
        tpu.vector_store %arg7[%parallel_loop3A_1059, %parallel_loop3A_1060, %parallel_loop3A_1061], %parallel_loop3A_1056 {strides = array<i32>} : memref<4x16x512xf32, #tpu.memory_space<vmem>>, vector<16xf32>,
        %parallel_loop3A_1063 = arith.constant 12288 : i32
        %parallel_loop3A_1064 = vector.broadcast %parallel_loop3A_1063 : i32 to vector<16xi32>
        %parallel_loop3A_1065 = arith.addi %parallel_loop3A_1032, %parallel_loop3A_1064 : vector<16xi32>
        %parallel_loop3A_1066 = tpu.vector_load_idx %arg5[%parallel_loop3A_1065] : memref<65536xf32, #tpu.memory_space<vmem>>[vector<16xi32>], vector<16xf32>,
        %parallel_loop3A_1067 = arith.constant 0 : i32
        %parallel_loop3A_1068 = arith.constant 3 : i32
        %parallel_loop3A_1069 = arith.index_cast %parallel_loop3A_1067 : i32 to index
        %parallel_loop3A_1070 = arith.index_cast %parallel_loop3A_1068 : i32 to index
        %parallel_loop3A_1071 = arith.index_cast %parallel_loop3A_1028 : i32 to index
        %parallel_loop3A_1072 = tpu.vector_load %arg7[%parallel_loop3A_1069, %parallel_loop3A_1070, %parallel_loop3A_1071] {strides = array<i32>} : memref<4x16x512xf32, #tpu.memory_space<vmem>>, vector<16xf32>,
        tpu.vector_store %arg7[%parallel_loop3A_1069, %parallel_loop3A_1070, %parallel_loop3A_1071], %parallel_loop3A_1066 {strides = array<i32>} : memref<4x16x512xf32, #tpu.memory_space<vmem>>, vector<16xf32>,
        %parallel_loop3A_1073 = arith.constant 16384 : i32
        %parallel_loop3A_1074 = vector.broadcast %parallel_loop3A_1073 : i32 to vector<16xi32>
        %parallel_loop3A_1075 = arith.addi %parallel_loop3A_1032, %parallel_loop3A_1074 : vector<16xi32>
        %parallel_loop3A_1076 = tpu.vector_load_idx %arg5[%parallel_loop3A_1075] : memref<65536xf32, #tpu.memory_space<vmem>>[vector<16xi32>], vector<16xf32>,
        %parallel_loop3A_1077 = arith.constant 0 : i32
        %parallel_loop3A_1078 = arith.constant 4 : i32
        %parallel_loop3A_1079 = arith.index_cast %parallel_loop3A_1077 : i32 to index
        %parallel_loop3A_1080 = arith.index_cast %parallel_loop3A_1078 : i32 to index
        %parallel_loop3A_1081 = arith.index_cast %parallel_loop3A_1028 : i32 to index
        %parallel_loop3A_1082 = tpu.vector_load %arg7[%parallel_loop3A_1079, %parallel_loop3A_1080, %parallel_loop3A_1081] {strides = array<i32>} : memref<4x16x512xf32, #tpu.memory_space<vmem>>, vector<16xf32>,
        tpu.vector_store %arg7[%parallel_loop3A_1079, %parallel_loop3A_1080, %parallel_loop3A_1081], %parallel_loop3A_1076 {strides = array<i32>} : memref<4x16x512xf32, #tpu.memory_space<vmem>>, vector<16xf32>,
        %parallel_loop3A_1083 = arith.constant 20480 : i32
        %parallel_loop3A_1084 = vector.broadcast %parallel_loop3A_1083 : i32 to vector<16xi32>
        %parallel_loop3A_1085 = arith.addi %parallel_loop3A_1032, %parallel_loop3A_1084 : vector<16xi32>
        %parallel_loop3A_1086 = tpu.vector_load_idx %arg5[%parallel_loop3A_1085] : memref<65536xf32, #tpu.memory_space<vmem>>[vector<16xi32>], vector<16xf32>,
        %parallel_loop3A_1087 = arith.constant 0 : i32
        %parallel_loop3A_1088 = arith.constant 5 : i32
        %parallel_loop3A_1089 = arith.index_cast %parallel_loop3A_1087 : i32 to index
        %parallel_loop3A_1090 = arith.index_cast %parallel_loop3A_1088 : i32 to index
        %parallel_loop3A_1091 = arith.index_cast %parallel_loop3A_1028 : i32 to index
        %parallel_loop3A_1092 = tpu.vector_load %arg7[%parallel_loop3A_1089, %parallel_loop3A_1090, %parallel_loop3A_1091] {strides = array<i32>} : memref<4x16x512xf32, #tpu.memory_space<vmem>>, vector<16xf32>,
        tpu.vector_store %arg7[%parallel_loop3A_1089, %parallel_loop3A_1090, %parallel_loop3A_1091], %parallel_loop3A_1086 {strides = array<i32>} : memref<4x16x512xf32, #tpu.memory_space<vmem>>, vector<16xf32>,
        %parallel_loop3A_1093 = arith.constant 24576 : i32
        %parallel_loop3A_1094 = vector.broadcast %parallel_loop3A_1093 : i32 to vector<16xi32>
        %parallel_loop3A_1095 = arith.addi %parallel_loop3A_1032, %parallel_loop3A_1094 : vector<16xi32>
        %parallel_loop3A_1096 = tpu.vector_load_idx %arg5[%parallel_loop3A_1095] : memref<65536xf32, #tpu.memory_space<vmem>>[vector<16xi32>], vector<16xf32>,
        %parallel_loop3A_1097 = arith.constant 0 : i32
        %parallel_loop3A_1098 = arith.constant 6 : i32
        %parallel_loop3A_1099 = arith.index_cast %parallel_loop3A_1097 : i32 to index
        %parallel_loop3A_1100 = arith.index_cast %parallel_loop3A_1098 : i32 to index
        %parallel_loop3A_1101 = arith.index_cast %parallel_loop3A_1028 : i32 to index
        %parallel_loop3A_1102 = tpu.vector_load %arg7[%parallel_loop3A_1099, %parallel_loop3A_1100, %parallel_loop3A_1101] {strides = array<i32>} : memref<4x16x512xf32, #tpu.memory_space<vmem>>, vector<16xf32>,
        tpu.vector_store %arg7[%parallel_loop3A_1099, %parallel_loop3A_1100, %parallel_loop3A_1101], %parallel_loop3A_1096 {strides = array<i32>} : memref<4x16x512xf32, #tpu.memory_space<vmem>>, vector<16xf32>,
        %parallel_loop3A_1103 = arith.constant 28672 : i32
        %parallel_loop3A_1104 = vector.broadcast %parallel_loop3A_1103 : i32 to vector<16xi32>
        %parallel_loop3A_1105 = arith.addi %parallel_loop3A_1032, %parallel_loop3A_1104 : vector<16xi32>
        %parallel_loop3A_1106 = tpu.vector_load_idx %arg5[%parallel_loop3A_1105] : memref<65536xf32, #tpu.memory_space<vmem>>[vector<16xi32>], vector<16xf32>,
        %parallel_loop3A_1107 = arith.constant 0 : i32
        %parallel_loop3A_1108 = arith.constant 7 : i32
        %parallel_loop3A_1109 = arith.index_cast %parallel_loop3A_1107 : i32 to index
        %parallel_loop3A_1110 = arith.index_cast %parallel_loop3A_1108 : i32 to index
        %parallel_loop3A_1111 = arith.index_cast %parallel_loop3A_1028 : i32 to index
        %parallel_loop3A_1112 = tpu.vector_load %arg7[%parallel_loop3A_1109, %parallel_loop3A_1110, %parallel_loop3A_1111] {strides = array<i32>} : memref<4x16x512xf32, #tpu.memory_space<vmem>>, vector<16xf32>,
        tpu.vector_store %arg7[%parallel_loop3A_1109, %parallel_loop3A_1110, %parallel_loop3A_1111], %parallel_loop3A_1106 {strides = array<i32>} : memref<4x16x512xf32, #tpu.memory_space<vmem>>, vector<16xf32>,
        %parallel_loop3A_1113 = arith.constant 32768 : i32
        %parallel_loop3A_1114 = vector.broadcast %parallel_loop3A_1113 : i32 to vector<16xi32>
        %parallel_loop3A_1115 = arith.addi %parallel_loop3A_1032, %parallel_loop3A_1114 : vector<16xi32>
        %parallel_loop3A_1116 = tpu.vector_load_idx %arg5[%parallel_loop3A_1115] : memref<65536xf32, #tpu.memory_space<vmem>>[vector<16xi32>], vector<16xf32>,
        %parallel_loop3A_1117 = arith.constant 0 : i32
        %parallel_loop3A_1118 = arith.constant 8 : i32
        %parallel_loop3A_1119 = arith.index_cast %parallel_loop3A_1117 : i32 to index
        %parallel_loop3A_1120 = arith.index_cast %parallel_loop3A_1118 : i32 to index
        %parallel_loop3A_1121 = arith.index_cast %parallel_loop3A_1028 : i32 to index
        %parallel_loop3A_1122 = tpu.vector_load %arg7[%parallel_loop3A_1119, %parallel_loop3A_1120, %parallel_loop3A_1121] {strides = array<i32>} : memref<4x16x512xf32, #tpu.memory_space<vmem>>, vector<16xf32>,
        tpu.vector_store %arg7[%parallel_loop3A_1119, %parallel_loop3A_1120, %parallel_loop3A_1121], %parallel_loop3A_1116 {strides = array<i32>} : memref<4x16x512xf32, #tpu.memory_space<vmem>>, vector<16xf32>,
        %parallel_loop3A_1123 = arith.constant 36864 : i32
        %parallel_loop3A_1124 = vector.broadcast %parallel_loop3A_1123 : i32 to vector<16xi32>
        %parallel_loop3A_1125 = arith.addi %parallel_loop3A_1032, %parallel_loop3A_1124 : vector<16xi32>
        %parallel_loop3A_1126 = tpu.vector_load_idx %arg5[%parallel_loop3A_1125] : memref<65536xf32, #tpu.memory_space<vmem>>[vector<16xi32>], vector<16xf32>,
        %parallel_loop3A_1127 = arith.constant 0 : i32
        %parallel_loop3A_1128 = arith.constant 9 : i32
        %parallel_loop3A_1129 = arith.index_cast %parallel_loop3A_1127 : i32 to index
        %parallel_loop3A_1130 = arith.index_cast %parallel_loop3A_1128 : i32 to index
        %parallel_loop3A_1131 = arith.index_cast %parallel_loop3A_1028 : i32 to index
        %parallel_loop3A_1132 = tpu.vector_load %arg7[%parallel_loop3A_1129, %parallel_loop3A_1130, %parallel_loop3A_1131] {strides = array<i32>} : memref<4x16x512xf32, #tpu.memory_space<vmem>>, vector<16xf32>,
        tpu.vector_store %arg7[%parallel_loop3A_1129, %parallel_loop3A_1130, %parallel_loop3A_1131], %parallel_loop3A_1126 {strides = array<i32>} : memref<4x16x512xf32, #tpu.memory_space<vmem>>, vector<16xf32>,
        %parallel_loop3A_1133 = arith.constant 40960 : i32
        %parallel_loop3A_1134 = vector.broadcast %parallel_loop3A_1133 : i32 to vector<16xi32>
        %parallel_loop3A_1135 = arith.addi %parallel_loop3A_1032, %parallel_loop3A_1134 : vector<16xi32>
        %parallel_loop3A_1136 = tpu.vector_load_idx %arg5[%parallel_loop3A_1135] : memref<65536xf32, #tpu.memory_space<vmem>>[vector<16xi32>], vector<16xf32>,
        %parallel_loop3A_1137 = arith.constant 0 : i32
        %parallel_loop3A_1138 = arith.constant 10 : i32
        %parallel_loop3A_1139 = arith.index_cast %parallel_loop3A_1137 : i32 to index
        %parallel_loop3A_1140 = arith.index_cast %parallel_loop3A_1138 : i32 to index
        %parallel_loop3A_1141 = arith.index_cast %parallel_loop3A_1028 : i32 to index
        %parallel_loop3A_1142 = tpu.vector_load %arg7[%parallel_loop3A_1139, %parallel_loop3A_1140, %parallel_loop3A_1141] {strides = array<i32>} : memref<4x16x512xf32, #tpu.memory_space<vmem>>, vector<16xf32>,
        tpu.vector_store %arg7[%parallel_loop3A_1139, %parallel_loop3A_1140, %parallel_loop3A_1141], %parallel_loop3A_1136 {strides = array<i32>} : memref<4x16x512xf32, #tpu.memory_space<vmem>>, vector<16xf32>,
        %parallel_loop3A_1143 = arith.constant 45056 : i32
        %parallel_loop3A_1144 = vector.broadcast %parallel_loop3A_1143 : i32 to vector<16xi32>
        %parallel_loop3A_1145 = arith.addi %parallel_loop3A_1032, %parallel_loop3A_1144 : vector<16xi32>
        %parallel_loop3A_1146 = tpu.vector_load_idx %arg5[%parallel_loop3A_1145] : memref<65536xf32, #tpu.memory_space<vmem>>[vector<16xi32>], vector<16xf32>,
        %parallel_loop3A_1147 = arith.constant 0 : i32
        %parallel_loop3A_1148 = arith.constant 11 : i32
        %parallel_loop3A_1149 = arith.index_cast %parallel_loop3A_1147 : i32 to index
        %parallel_loop3A_1150 = arith.index_cast %parallel_loop3A_1148 : i32 to index
        %parallel_loop3A_1151 = arith.index_cast %parallel_loop3A_1028 : i32 to index
        %parallel_loop3A_1152 = tpu.vector_load %arg7[%parallel_loop3A_1149, %parallel_loop3A_1150, %parallel_loop3A_1151] {strides = array<i32>} : memref<4x16x512xf32, #tpu.memory_space<vmem>>, vector<16xf32>,
        tpu.vector_store %arg7[%parallel_loop3A_1149, %parallel_loop3A_1150, %parallel_loop3A_1151], %parallel_loop3A_1146 {strides = array<i32>} : memref<4x16x512xf32, #tpu.memory_space<vmem>>, vector<16xf32>,
        %parallel_loop3A_1153 = arith.constant 49152 : i32
        %parallel_loop3A_1154 = vector.broadcast %parallel_loop3A_1153 : i32 to vector<16xi32>
        %parallel_loop3A_1155 = arith.addi %parallel_loop3A_1032, %parallel_loop3A_1154 : vector<16xi32>
        %parallel_loop3A_1156 = tpu.vector_load_idx %arg5[%parallel_loop3A_1155] : memref<65536xf32, #tpu.memory_space<vmem>>[vector<16xi32>], vector<16xf32>,
        %parallel_loop3A_1157 = arith.constant 0 : i32
        %parallel_loop3A_1158 = arith.constant 12 : i32
        %parallel_loop3A_1159 = arith.index_cast %parallel_loop3A_1157 : i32 to index
        %parallel_loop3A_1160 = arith.index_cast %parallel_loop3A_1158 : i32 to index
        %parallel_loop3A_1161 = arith.index_cast %parallel_loop3A_1028 : i32 to index
        %parallel_loop3A_1162 = tpu.vector_load %arg7[%parallel_loop3A_1159, %parallel_loop3A_1160, %parallel_loop3A_1161] {strides = array<i32>} : memref<4x16x512xf32, #tpu.memory_space<vmem>>, vector<16xf32>,
        tpu.vector_store %arg7[%parallel_loop3A_1159, %parallel_loop3A_1160, %parallel_loop3A_1161], %parallel_loop3A_1156 {strides = array<i32>} : memref<4x16x512xf32, #tpu.memory_space<vmem>>, vector<16xf32>,
        %parallel_loop3A_1163 = arith.constant 53248 : i32
        %parallel_loop3A_1164 = vector.broadcast %parallel_loop3A_1163 : i32 to vector<16xi32>
        %parallel_loop3A_1165 = arith.addi %parallel_loop3A_1032, %parallel_loop3A_1164 : vector<16xi32>
        %parallel_loop3A_1166 = tpu.vector_load_idx %arg5[%parallel_loop3A_1165] : memref<65536xf32, #tpu.memory_space<vmem>>[vector<16xi32>], vector<16xf32>,
        %parallel_loop3A_1167 = arith.constant 0 : i32
        %parallel_loop3A_1168 = arith.constant 13 : i32
        %parallel_loop3A_1169 = arith.index_cast %parallel_loop3A_1167 : i32 to index
        %parallel_loop3A_1170 = arith.index_cast %parallel_loop3A_1168 : i32 to index
        %parallel_loop3A_1171 = arith.index_cast %parallel_loop3A_1028 : i32 to index
        %parallel_loop3A_1172 = tpu.vector_load %arg7[%parallel_loop3A_1169, %parallel_loop3A_1170, %parallel_loop3A_1171] {strides = array<i32>} : memref<4x16x512xf32, #tpu.memory_space<vmem>>, vector<16xf32>,
        tpu.vector_store %arg7[%parallel_loop3A_1169, %parallel_loop3A_1170, %parallel_loop3A_1171], %parallel_loop3A_1166 {strides = array<i32>} : memref<4x16x512xf32, #tpu.memory_space<vmem>>, vector<16xf32>,
        %parallel_loop3A_1173 = arith.constant 57344 : i32
        %parallel_loop3A_1174 = vector.broadcast %parallel_loop3A_1173 : i32 to vector<16xi32>
        %parallel_loop3A_1175 = arith.addi %parallel_loop3A_1032, %parallel_loop3A_1174 : vector<16xi32>
        %parallel_loop3A_1176 = tpu.vector_load_idx %arg5[%parallel_loop3A_1175] : memref<65536xf32, #tpu.memory_space<vmem>>[vector<16xi32>], vector<16xf32>,
        %parallel_loop3A_1177 = arith.constant 0 : i32
        %parallel_loop3A_1178 = arith.constant 14 : i32
        %parallel_loop3A_1179 = arith.index_cast %parallel_loop3A_1177 : i32 to index
        %parallel_loop3A_1180 = arith.index_cast %parallel_loop3A_1178 : i32 to index
        %parallel_loop3A_1181 = arith.index_cast %parallel_loop3A_1028 : i32 to index
        %parallel_loop3A_1182 = tpu.vector_load %arg7[%parallel_loop3A_1179, %parallel_loop3A_1180, %parallel_loop3A_1181] {strides = array<i32>} : memref<4x16x512xf32, #tpu.memory_space<vmem>>, vector<16xf32>,
        tpu.vector_store %arg7[%parallel_loop3A_1179, %parallel_loop3A_1180, %parallel_loop3A_1181], %parallel_loop3A_1176 {strides = array<i32>} : memref<4x16x512xf32, #tpu.memory_space<vmem>>, vector<16xf32>,
        %parallel_loop3A_1183 = arith.constant 61440 : i32
        %parallel_loop3A_1184 = vector.broadcast %parallel_loop3A_1183 : i32 to vector<16xi32>
        %parallel_loop3A_1185 = arith.addi %parallel_loop3A_1032, %parallel_loop3A_1184 : vector<16xi32>
        %parallel_loop3A_1186 = tpu.vector_load_idx %arg5[%parallel_loop3A_1185] : memref<65536xf32, #tpu.memory_space<vmem>>[vector<16xi32>], vector<16xf32>,
        %parallel_loop3A_1187 = arith.constant 0 : i32
        %parallel_loop3A_1188 = arith.constant 15 : i32
        %parallel_loop3A_1189 = arith.index_cast %parallel_loop3A_1187 : i32 to index
        %parallel_loop3A_1190 = arith.index_cast %parallel_loop3A_1188 : i32 to index
        %parallel_loop3A_1191 = arith.index_cast %parallel_loop3A_1028 : i32 to index
        %parallel_loop3A_1192 = tpu.vector_load %arg7[%parallel_loop3A_1189, %parallel_loop3A_1190, %parallel_loop3A_1191] {strides = array<i32>} : memref<4x16x512xf32, #tpu.memory_space<vmem>>, vector<16xf32>,
        tpu.vector_store %arg7[%parallel_loop3A_1189, %parallel_loop3A_1190, %parallel_loop3A_1191], %parallel_loop3A_1186 {strides = array<i32>} : memref<4x16x512xf32, #tpu.memory_space<vmem>>, vector<16xf32>,
      } {sc.loop_unroll_factor = 4 : i64, sc.parallel_access}
      %jit3A_560 = arith.constant 2 : i32
      %div3A_561 = arith.divsi %add3A_499, %jit3A_560 : i32
      %sign3A_562 = arith.constant 0 : i32
      %sign3A_563 = arith.cmpi sgt, %add3A_499, %sign3A_562 : i32
      %sign3A_564 = arith.extui %sign3A_563 : i1 to i32
      %sign3A_565 = arith.constant 0 : i32
      %sign3A_566 = arith.cmpi slt, %add3A_499, %sign3A_565 : i32
      %sign3A_567 = arith.extui %sign3A_566 : i1 to i32
      %sign3A_568 = arith.subi %sign3A_564, %sign3A_567 : i32
      %sign3A_569 = arith.constant 0 : i32
      %sign3A_570 = arith.cmpi sgt, %jit3A_560, %sign3A_569 : i32
      %sign3A_571 = arith.extui %sign3A_570 : i1 to i32
      %sign3A_572 = arith.constant 0 : i32
      %sign3A_573 = arith.cmpi slt, %jit3A_560, %sign3A_572 : i32
      %sign3A_574 = arith.extui %sign3A_573 : i1 to i32
      %sign3A_575 = arith.subi %sign3A_571, %sign3A_574 : i32
      %ne3A_576 = arith.cmpi ne, %sign3A_568, %sign3A_575 : i32
      %rem3A_577 = arith.remsi %add3A_499, %jit3A_560 : i32
      %ne3A_578 = arith.constant 0 : i32
      %ne3A_579 = arith.cmpi ne, %rem3A_577, %ne3A_578 : i32
      %and3A_580 = arith.andi %ne3A_576, %ne3A_579 : i1
      %sub3A_581 = arith.constant 1 : i32
      %sub3A_582 = arith.subi %div3A_561, %sub3A_581 : i32
      %select_n3A_583 = arith.select %and3A_580, %sub3A_582, %div3A_561 : i32
      %jit3A_584 = arith.constant 2 : i32
      %eq3A_585 = arith.constant 0 : i32
      %eq3A_586 = arith.cmpi eq, %jit3A_584, %eq3A_585 : i32
      %jit3A_587 = arith.constant 1 : i32
      %select_n3A_588 = arith.select %eq3A_586, %jit3A_587, %jit3A_584 : i32
      %rem3A_589 = arith.remsi %add3A_499, %select_n3A_588 : i32
      %ne3A_590 = arith.constant 0 : i32
      %ne3A_591 = arith.cmpi ne, %rem3A_589, %ne3A_590 : i32
      %lt3A_592 = arith.constant 0 : i32
      %lt3A_593 = arith.cmpi slt, %rem3A_589, %lt3A_592 : i32
      %lt3A_594 = arith.constant 0 : i32
      %lt3A_595 = arith.cmpi slt, %select_n3A_588, %lt3A_594 : i32
      %ne3A_596 = arith.xori %lt3A_593, %lt3A_595 : i1
      %and3A_597 = arith.andi %ne3A_596, %ne3A_591 : i1
      %add3A_598 = arith.addi %rem3A_589, %select_n3A_588 : i32
      %select_n3A_599 = arith.select %and3A_597, %add3A_598, %rem3A_589 : i32
      %mul3A_600 = arith.constant 512 : i32
      %mul3A_601 = arith.muli %select_n3A_599, %mul3A_600 : i32
      %dma_start3A_602 = arith.constant 0 : i32
      %dma_start3A_603 = arith.constant 0 : i32
      %dma_start3A_604 = arith.constant 0 : i32
      %dma_start3A_605 = arith.constant 0 : i32
      %dma_start3A_606 = tpu.memref_slice %arg7[%dma_start3A_602, %dma_start3A_604, %dma_start3A_605] : memref<4x16x512xf32, #tpu.memory_space<vmem>> -> memref<1x16x512xf32, #tpu.memory_space<vmem>>
      %dma_start3A_607 = tpu.memref_squeeze %dma_start3A_606 : memref<1x16x512xf32, #tpu.memory_space<vmem>> -> memref<16x512xf32, #tpu.memory_space<vmem>>
      %dma_start3A_608 = arith.constant 0 : i32
      %dma_start3A_609 = tpu.memref_slice %arg4[%dma_start3A_608, %select_n3A_583, %mul3A_601] : memref<16x1024x1024xf32, #tpu.memory_space<hbm>> -> memref<16x1x512xf32, #tpu.memory_space<hbm>>
      %dma_start3A_610 = tpu.memref_squeeze %dma_start3A_609 : memref<16x1x512xf32, #tpu.memory_space<hbm>> -> memref<16x512xf32, #tpu.memory_space<hbm>>
      %dma_start3A_611 = tpu.memref_slice %arg9[%dma_start3A_603] : memref<4x!tpu.dma_semaphore, #tpu.memory_space<semaphore_mem>> -> memref<1x!tpu.dma_semaphore, #tpu.memory_space<semaphore_mem>>
      %dma_start3A_612 = tpu.memref_squeeze %dma_start3A_611 : memref<1x!tpu.dma_semaphore, #tpu.memory_space<semaphore_mem>> -> memref<!tpu.dma_semaphore, #tpu.memory_space<semaphore_mem>>
      %dma_start3A_613 = arith.constant 0 : i32
      %dma_start3A_614 = tpu.memref_slice %arg4[%dma_start3A_613, %select_n3A_583, %mul3A_601] : memref<16x1024x1024xf32, #tpu.memory_space<hbm>> -> memref<16x1x512xf32, #tpu.memory_space<hbm>>
      %dma_start3A_615 = tpu.memref_squeeze %dma_start3A_614 : memref<16x1x512xf32, #tpu.memory_space<hbm>> -> memref<16x512xf32, #tpu.memory_space<hbm>>
      %dma_start3A_616 = arith.constant 0 : i32
      %dma_start3A_617 = arith.constant 0 : i32
      %dma_start3A_618 = tpu.memref_slice %arg7[%dma_start3A_602, %dma_start3A_616, %dma_start3A_617] : memref<4x16x512xf32, #tpu.memory_space<vmem>> -> memref<1x16x512xf32, #tpu.memory_space<vmem>>
      %dma_start3A_619 = tpu.memref_squeeze %dma_start3A_618 : memref<1x16x512xf32, #tpu.memory_space<vmem>> -> memref<16x512xf32, #tpu.memory_space<vmem>>
      tpu.enqueue_dma source(%dma_start3A_619 : memref<16x512xf32, #tpu.memory_space<vmem>>) target(%dma_start3A_615 : memref<16x512xf32, #tpu.memory_space<hbm>>) target_semaphore(%dma_start3A_612 : memref<!tpu.dma_semaphore, #tpu.memory_space<semaphore_mem>>)
      %lt3A_620 = arith.constant 60 : i32
      %lt3A_621 = arith.cmpi slt, %add3A_498, %lt3A_620 : i32
      %convert_element_type3A_622 = arith.extui %lt3A_621 : i1 to i32
      %cond3A_623 = arith.constant 0 : i32
      %cond3A_624 = arith.cmpi ne, %convert_element_type3A_622, %cond3A_623 : i32
      scf.if %cond3A_624 {
        %add3A_1028 = arith.constant 4 : i32
        %add3A_1029 = arith.addi %add3A_499, %add3A_1028 : i32
        %jit3A_1030 = arith.constant 2 : i32
        %div3A_1031 = arith.divsi %add3A_1029, %jit3A_1030 : i32
        %sign3A_1032 = arith.constant 0 : i32
        %sign3A_1033 = arith.cmpi sgt, %add3A_1029, %sign3A_1032 : i32
        %sign3A_1034 = arith.extui %sign3A_1033 : i1 to i32
        %sign3A_1035 = arith.constant 0 : i32
        %sign3A_1036 = arith.cmpi slt, %add3A_1029, %sign3A_1035 : i32
        %sign3A_1037 = arith.extui %sign3A_1036 : i1 to i32
        %sign3A_1038 = arith.subi %sign3A_1034, %sign3A_1037 : i32
        %sign3A_1039 = arith.constant 0 : i32
        %sign3A_1040 = arith.cmpi sgt, %jit3A_1030, %sign3A_1039 : i32
        %sign3A_1041 = arith.extui %sign3A_1040 : i1 to i32
        %sign3A_1042 = arith.constant 0 : i32
        %sign3A_1043 = arith.cmpi slt, %jit3A_1030, %sign3A_1042 : i32
        %sign3A_1044 = arith.extui %sign3A_1043 : i1 to i32
        %sign3A_1045 = arith.subi %sign3A_1041, %sign3A_1044 : i32
        %ne3A_1046 = arith.cmpi ne, %sign3A_1038, %sign3A_1045 : i32
        %rem3A_1047 = arith.remsi %add3A_1029, %jit3A_1030 : i32
        %ne3A_1048 = arith.constant 0 : i32
        %ne3A_1049 = arith.cmpi ne, %rem3A_1047, %ne3A_1048 : i32
        %and3A_1050 = arith.andi %ne3A_1046, %ne3A_1049 : i1
        %sub3A_1051 = arith.constant 1 : i32
        %sub3A_1052 = arith.subi %div3A_1031, %sub3A_1051 : i32
        %select_n3A_1053 = arith.select %and3A_1050, %sub3A_1052, %div3A_1031 : i32
        %jit3A_1054 = arith.constant 2 : i32
        %eq3A_1055 = arith.constant 0 : i32
        %eq3A_1056 = arith.cmpi eq, %jit3A_1054, %eq3A_1055 : i32
        %jit3A_1057 = arith.constant 1 : i32
        %select_n3A_1058 = arith.select %eq3A_1056, %jit3A_1057, %jit3A_1054 : i32
        %rem3A_1059 = arith.remsi %add3A_1029, %select_n3A_1058 : i32
        %ne3A_1060 = arith.constant 0 : i32
        %ne3A_1061 = arith.cmpi ne, %rem3A_1059, %ne3A_1060 : i32
        %lt3A_1062 = arith.constant 0 : i32
        %lt3A_1063 = arith.cmpi slt, %rem3A_1059, %lt3A_1062 : i32
        %lt3A_1064 = arith.constant 0 : i32
        %lt3A_1065 = arith.cmpi slt, %select_n3A_1058, %lt3A_1064 : i32
        %ne3A_1066 = arith.xori %lt3A_1063, %lt3A_1065 : i1
        %and3A_1067 = arith.andi %ne3A_1066, %ne3A_1061 : i1
        %add3A_1068 = arith.addi %rem3A_1059, %select_n3A_1058 : i32
        %select_n3A_1069 = arith.select %and3A_1067, %add3A_1068, %rem3A_1059 : i32
        %mul3A_1070 = arith.constant 512 : i32
        %mul3A_1071 = arith.muli %select_n3A_1069, %mul3A_1070 : i32
        %dma_start3A_1072 = arith.constant 0 : i32
        %dma_start3A_1073 = arith.constant 0 : i32
        %dma_start3A_1074 = arith.constant 0 : i32
        %dma_start3A_1075 = tpu.memref_slice %arg6[%dma_start3A_1072, %dma_start3A_1074] : memref<4x512xi32, #tpu.memory_space<vmem>> -> memref<1x512xi32, #tpu.memory_space<vmem>>
        %dma_start3A_1076 = tpu.memref_squeeze %dma_start3A_1075 : memref<1x512xi32, #tpu.memory_space<vmem>> -> memref<512xi32, #tpu.memory_space<vmem>>
        %dma_start3A_1077 = tpu.memref_slice %arg3[%select_n3A_1053, %mul3A_1071] : memref<1024x1024xi32, #tpu.memory_space<hbm>> -> memref<1x512xi32, #tpu.memory_space<hbm>>
        %dma_start3A_1078 = tpu.memref_squeeze %dma_start3A_1077 : memref<1x512xi32, #tpu.memory_space<hbm>> -> memref<512xi32, #tpu.memory_space<hbm>>
        %dma_start3A_1079 = tpu.memref_slice %arg8[%dma_start3A_1073] : memref<4x!tpu.dma_semaphore, #tpu.memory_space<semaphore_mem>> -> memref<1x!tpu.dma_semaphore, #tpu.memory_space<semaphore_mem>>
        %dma_start3A_1080 = tpu.memref_squeeze %dma_start3A_1079 : memref<1x!tpu.dma_semaphore, #tpu.memory_space<semaphore_mem>> -> memref<!tpu.dma_semaphore, #tpu.memory_space<semaphore_mem>>
        %dma_start3A_1081 = arith.constant 0 : i32
        %dma_start3A_1082 = tpu.memref_slice %arg6[%dma_start3A_1072, %dma_start3A_1081] : memref<4x512xi32, #tpu.memory_space<vmem>> -> memref<1x512xi32, #tpu.memory_space<vmem>>
        %dma_start3A_1083 = tpu.memref_squeeze %dma_start3A_1082 : memref<1x512xi32, #tpu.memory_space<vmem>> -> memref<512xi32, #tpu.memory_space<vmem>>
        %dma_start3A_1084 = tpu.memref_slice %arg3[%select_n3A_1053, %mul3A_1071] : memref<1024x1024xi32, #tpu.memory_space<hbm>> -> memref<1x512xi32, #tpu.memory_space<hbm>>
        %dma_start3A_1085 = tpu.memref_squeeze %dma_start3A_1084 : memref<1x512xi32, #tpu.memory_space<hbm>> -> memref<512xi32, #tpu.memory_space<hbm>>
        tpu.enqueue_dma source(%dma_start3A_1085 : memref<512xi32, #tpu.memory_space<hbm>>) target(%dma_start3A_1083 : memref<512xi32, #tpu.memory_space<vmem>>) target_semaphore(%dma_start3A_1080 : memref<!tpu.dma_semaphore, #tpu.memory_space<semaphore_mem>>)
      } else {
      }
      %mul3A_625 = arith.constant 4 : i32
      %mul3A_626 = arith.muli %scan3A_493, %mul3A_625 : i32
      %add3A_627 = arith.constant 1 : i32
      %add3A_628 = arith.addi %mul3A_626, %add3A_627 : i32
      %add3A_629 = arith.addi %mul3A_2, %add3A_628 : i32
      %jit3A_630 = arith.constant 2 : i32
      %div3A_631 = arith.divsi %add3A_629, %jit3A_630 : i32
      %sign3A_632 = arith.constant 0 : i32
      %sign3A_633 = arith.cmpi sgt, %add3A_629, %sign3A_632 : i32
      %sign3A_634 = arith.extui %sign3A_633 : i1 to i32
      %sign3A_635 = arith.constant 0 : i32
      %sign3A_636 = arith.cmpi slt, %add3A_629, %sign3A_635 : i32
      %sign3A_637 = arith.extui %sign3A_636 : i1 to i32
      %sign3A_638 = arith.subi %sign3A_634, %sign3A_637 : i32
      %sign3A_639 = arith.constant 0 : i32
      %sign3A_640 = arith.cmpi sgt, %jit3A_630, %sign3A_639 : i32
      %sign3A_641 = arith.extui %sign3A_640 : i1 to i32
      %sign3A_642 = arith.constant 0 : i32
      %sign3A_643 = arith.cmpi slt, %jit3A_630, %sign3A_642 : i32
      %sign3A_644 = arith.extui %sign3A_643 : i1 to i32
      %sign3A_645 = arith.subi %sign3A_641, %sign3A_644 : i32
      %ne3A_646 = arith.cmpi ne, %sign3A_638, %sign3A_645 : i32
      %rem3A_647 = arith.remsi %add3A_629, %jit3A_630 : i32
      %ne3A_648 = arith.constant 0 : i32
      %ne3A_649 = arith.cmpi ne, %rem3A_647, %ne3A_648 : i32
      %and3A_650 = arith.andi %ne3A_646, %ne3A_649 : i1
      %sub3A_651 = arith.constant 1 : i32
      %sub3A_652 = arith.subi %div3A_631, %sub3A_651 : i32
      %select_n3A_653 = arith.select %and3A_650, %sub3A_652, %div3A_631 : i32
      %jit3A_654 = arith.constant 2 : i32
      %eq3A_655 = arith.constant 0 : i32
      %eq3A_656 = arith.cmpi eq, %jit3A_654, %eq3A_655 : i32
      %jit3A_657 = arith.constant 1 : i32
      %select_n3A_658 = arith.select %eq3A_656, %jit3A_657, %jit3A_654 : i32
      %rem3A_659 = arith.remsi %add3A_629, %select_n3A_658 : i32
      %ne3A_660 = arith.constant 0 : i32
      %ne3A_661 = arith.cmpi ne, %rem3A_659, %ne3A_660 : i32
      %lt3A_662 = arith.constant 0 : i32
      %lt3A_663 = arith.cmpi slt, %rem3A_659, %lt3A_662 : i32
      %lt3A_664 = arith.constant 0 : i32
      %lt3A_665 = arith.cmpi slt, %select_n3A_658, %lt3A_664 : i32
      %ne3A_666 = arith.xori %lt3A_663, %lt3A_665 : i1
      %and3A_667 = arith.andi %ne3A_666, %ne3A_661 : i1
      %add3A_668 = arith.addi %rem3A_659, %select_n3A_658 : i32
      %select_n3A_669 = arith.select %and3A_667, %add3A_668, %rem3A_659 : i32
      %mul3A_670 = arith.constant 512 : i32
      %mul3A_671 = arith.muli %select_n3A_669, %mul3A_670 : i32
      %dma_wait3A_672 = arith.constant 1 : i32
      %dma_wait3A_673 = arith.constant 1 : i32
      %dma_wait3A_674 = arith.constant 0 : i32
      %dma_wait3A_675 = tpu.memref_slice %arg6[%dma_wait3A_672, %dma_wait3A_674] : memref<4x512xi32, #tpu.memory_space<vmem>> -> memref<1x512xi32, #tpu.memory_space<vmem>>
      %dma_wait3A_676 = tpu.memref_squeeze %dma_wait3A_675 : memref<1x512xi32, #tpu.memory_space<vmem>> -> memref<512xi32, #tpu.memory_space<vmem>>
      %dma_wait3A_677 = tpu.memref_slice %arg3[%select_n3A_653, %mul3A_671] : memref<1024x1024xi32, #tpu.memory_space<hbm>> -> memref<1x512xi32, #tpu.memory_space<hbm>>
      %dma_wait3A_678 = tpu.memref_squeeze %dma_wait3A_677 : memref<1x512xi32, #tpu.memory_space<hbm>> -> memref<512xi32, #tpu.memory_space<hbm>>
      %dma_wait3A_679 = tpu.memref_slice %arg8[%dma_wait3A_673] : memref<4x!tpu.dma_semaphore, #tpu.memory_space<semaphore_mem>> -> memref<1x!tpu.dma_semaphore, #tpu.memory_space<semaphore_mem>>
      %dma_wait3A_680 = tpu.memref_squeeze %dma_wait3A_679 : memref<1x!tpu.dma_semaphore, #tpu.memory_space<semaphore_mem>> -> memref<!tpu.dma_semaphore, #tpu.memory_space<semaphore_mem>>
      %dma_wait3A_681 = arith.constant 0 : i32
      %dma_wait3A_682 = tpu.memref_slice %arg6[%dma_wait3A_672, %dma_wait3A_681] : memref<4x512xi32, #tpu.memory_space<vmem>> -> memref<1x512xi32, #tpu.memory_space<vmem>>
      %dma_wait3A_683 = tpu.memref_squeeze %dma_wait3A_682 : memref<1x512xi32, #tpu.memory_space<vmem>> -> memref<512xi32, #tpu.memory_space<vmem>>
      %dma_wait3A_684 = tpu.memref_slice %arg3[%select_n3A_653, %mul3A_671] : memref<1024x1024xi32, #tpu.memory_space<hbm>> -> memref<1x512xi32, #tpu.memory_space<hbm>>
      %dma_wait3A_685 = tpu.memref_squeeze %dma_wait3A_684 : memref<1x512xi32, #tpu.memory_space<hbm>> -> memref<512xi32, #tpu.memory_space<hbm>>
      tpu.wait_dma2 semaphore(%dma_wait3A_680 : memref<!tpu.dma_semaphore, #tpu.memory_space<semaphore_mem>>) src(%dma_wait3A_685 : memref<512xi32, #tpu.memory_space<hbm>>) dst(%dma_wait3A_683 : memref<512xi32, #tpu.memory_space<vmem>>)
      %ge3A_686 = arith.constant 1 : i32
      %ge3A_687 = arith.cmpi sge, %scan3A_493, %ge3A_686 : i32
      %convert_element_type3A_688 = arith.extui %ge3A_687 : i1 to i32
      %cond3A_689 = arith.constant 0 : i32
      %cond3A_690 = arith.cmpi ne, %convert_element_type3A_688, %cond3A_689 : i32
      scf.if %cond3A_690 {
        %sub3A_1028 = arith.constant 4 : i32
        %sub3A_1029 = arith.subi %add3A_629, %sub3A_1028 : i32
        %jit3A_1030 = arith.constant 2 : i32
        %div3A_1031 = arith.divsi %sub3A_1029, %jit3A_1030 : i32
        %sign3A_1032 = arith.constant 0 : i32
        %sign3A_1033 = arith.cmpi sgt, %sub3A_1029, %sign3A_1032 : i32
        %sign3A_1034 = arith.extui %sign3A_1033 : i1 to i32
        %sign3A_1035 = arith.constant 0 : i32
        %sign3A_1036 = arith.cmpi slt, %sub3A_1029, %sign3A_1035 : i32
        %sign3A_1037 = arith.extui %sign3A_1036 : i1 to i32
        %sign3A_1038 = arith.subi %sign3A_1034, %sign3A_1037 : i32
        %sign3A_1039 = arith.constant 0 : i32
        %sign3A_1040 = arith.cmpi sgt, %jit3A_1030, %sign3A_1039 : i32
        %sign3A_1041 = arith.extui %sign3A_1040 : i1 to i32
        %sign3A_1042 = arith.constant 0 : i32
        %sign3A_1043 = arith.cmpi slt, %jit3A_1030, %sign3A_1042 : i32
        %sign3A_1044 = arith.extui %sign3A_1043 : i1 to i32
        %sign3A_1045 = arith.subi %sign3A_1041, %sign3A_1044 : i32
        %ne3A_1046 = arith.cmpi ne, %sign3A_1038, %sign3A_1045 : i32
        %rem3A_1047 = arith.remsi %sub3A_1029, %jit3A_1030 : i32
        %ne3A_1048 = arith.constant 0 : i32
        %ne3A_1049 = arith.cmpi ne, %rem3A_1047, %ne3A_1048 : i32
        %and3A_1050 = arith.andi %ne3A_1046, %ne3A_1049 : i1
        %sub3A_1051 = arith.constant 1 : i32
        %sub3A_1052 = arith.subi %div3A_1031, %sub3A_1051 : i32
        %select_n3A_1053 = arith.select %and3A_1050, %sub3A_1052, %div3A_1031 : i32
        %jit3A_1054 = arith.constant 2 : i32
        %eq3A_1055 = arith.constant 0 : i32
        %eq3A_1056 = arith.cmpi eq, %jit3A_1054, %eq3A_1055 : i32
        %jit3A_1057 = arith.constant 1 : i32
        %select_n3A_1058 = arith.select %eq3A_1056, %jit3A_1057, %jit3A_1054 : i32
        %rem3A_1059 = arith.remsi %sub3A_1029, %select_n3A_1058 : i32
        %ne3A_1060 = arith.constant 0 : i32
        %ne3A_1061 = arith.cmpi ne, %rem3A_1059, %ne3A_1060 : i32
        %lt3A_1062 = arith.constant 0 : i32
        %lt3A_1063 = arith.cmpi slt, %rem3A_1059, %lt3A_1062 : i32
        %lt3A_1064 = arith.constant 0 : i32
        %lt3A_1065 = arith.cmpi slt, %select_n3A_1058, %lt3A_1064 : i32
        %ne3A_1066 = arith.xori %lt3A_1063, %lt3A_1065 : i1
        %and3A_1067 = arith.andi %ne3A_1066, %ne3A_1061 : i1
        %add3A_1068 = arith.addi %rem3A_1059, %select_n3A_1058 : i32
        %select_n3A_1069 = arith.select %and3A_1067, %add3A_1068, %rem3A_1059 : i32
        %mul3A_1070 = arith.constant 512 : i32
        %mul3A_1071 = arith.muli %select_n3A_1069, %mul3A_1070 : i32
        %dma_wait3A_1072 = arith.constant 1 : i32
        %dma_wait3A_1073 = arith.constant 1 : i32
        %dma_wait3A_1074 = arith.constant 0 : i32
        %dma_wait3A_1075 = arith.constant 0 : i32
        %dma_wait3A_1076 = tpu.memref_slice %arg7[%dma_wait3A_1072, %dma_wait3A_1074, %dma_wait3A_1075] : memref<4x16x512xf32, #tpu.memory_space<vmem>> -> memref<1x16x512xf32, #tpu.memory_space<vmem>>
        %dma_wait3A_1077 = tpu.memref_squeeze %dma_wait3A_1076 : memref<1x16x512xf32, #tpu.memory_space<vmem>> -> memref<16x512xf32, #tpu.memory_space<vmem>>
        %dma_wait3A_1078 = arith.constant 0 : i32
        %dma_wait3A_1079 = tpu.memref_slice %arg4[%dma_wait3A_1078, %select_n3A_1053, %mul3A_1071] : memref<16x1024x1024xf32, #tpu.memory_space<hbm>> -> memref<16x1x512xf32, #tpu.memory_space<hbm>>
        %dma_wait3A_1080 = tpu.memref_squeeze %dma_wait3A_1079 : memref<16x1x512xf32, #tpu.memory_space<hbm>> -> memref<16x512xf32, #tpu.memory_space<hbm>>
        %dma_wait3A_1081 = tpu.memref_slice %arg9[%dma_wait3A_1073] : memref<4x!tpu.dma_semaphore, #tpu.memory_space<semaphore_mem>> -> memref<1x!tpu.dma_semaphore, #tpu.memory_space<semaphore_mem>>
        %dma_wait3A_1082 = tpu.memref_squeeze %dma_wait3A_1081 : memref<1x!tpu.dma_semaphore, #tpu.memory_space<semaphore_mem>> -> memref<!tpu.dma_semaphore, #tpu.memory_space<semaphore_mem>>
        %dma_wait3A_1083 = arith.constant 0 : i32
        %dma_wait3A_1084 = tpu.memref_slice %arg4[%dma_wait3A_1083, %select_n3A_1053, %mul3A_1071] : memref<16x1024x1024xf32, #tpu.memory_space<hbm>> -> memref<16x1x512xf32, #tpu.memory_space<hbm>>
        %dma_wait3A_1085 = tpu.memref_squeeze %dma_wait3A_1084 : memref<16x1x512xf32, #tpu.memory_space<hbm>> -> memref<16x512xf32, #tpu.memory_space<hbm>>
        %dma_wait3A_1086 = arith.constant 0 : i32
        %dma_wait3A_1087 = arith.constant 0 : i32
        %dma_wait3A_1088 = tpu.memref_slice %arg7[%dma_wait3A_1072, %dma_wait3A_1086, %dma_wait3A_1087] : memref<4x16x512xf32, #tpu.memory_space<vmem>> -> memref<1x16x512xf32, #tpu.memory_space<vmem>>
        %dma_wait3A_1089 = tpu.memref_squeeze %dma_wait3A_1088 : memref<1x16x512xf32, #tpu.memory_space<vmem>> -> memref<16x512xf32, #tpu.memory_space<vmem>>
        tpu.wait_dma2 semaphore(%dma_wait3A_1082 : memref<!tpu.dma_semaphore, #tpu.memory_space<semaphore_mem>>) src(%dma_wait3A_1089 : memref<16x512xf32, #tpu.memory_space<vmem>>) dst(%dma_wait3A_1085 : memref<16x512xf32, #tpu.memory_space<hbm>>)
      } else {
      }
      %parallel_loop3A_691 = arith.constant 0 : i32
      %parallel_loop3A_692 = arith.constant 512 : i32
      %parallel_loop3A_693 = arith.constant 16 : i32
      scf.for %parallel_loop3A_1028 = %parallel_loop3A_691 to %parallel_loop3A_692 step %parallel_loop3A_693  : i32 {
        %parallel_loop3A_1029 = arith.constant 1 : i32
        %parallel_loop3A_1030 = arith.index_cast %parallel_loop3A_1029 : i32 to index
        %parallel_loop3A_1031 = arith.index_cast %parallel_loop3A_1028 : i32 to index
        %parallel_loop3A_1032 = tpu.vector_load %arg6[%parallel_loop3A_1030, %parallel_loop3A_1031] {strides = array<i32>} : memref<4x512xi32, #tpu.memory_space<vmem>>, vector<16xi32>,
        %parallel_loop3A_1033 = arith.constant 0 : i32
        %parallel_loop3A_1034 = vector.broadcast %parallel_loop3A_1033 : i32 to vector<16xi32>
        %parallel_loop3A_1035 = arith.addi %parallel_loop3A_1032, %parallel_loop3A_1034 : vector<16xi32>
        %parallel_loop3A_1036 = tpu.vector_load_idx %arg5[%parallel_loop3A_1035] : memref<65536xf32, #tpu.memory_space<vmem>>[vector<16xi32>], vector<16xf32>,
        %parallel_loop3A_1037 = arith.constant 1 : i32
        %parallel_loop3A_1038 = arith.constant 0 : i32
        %parallel_loop3A_1039 = arith.index_cast %parallel_loop3A_1037 : i32 to index
        %parallel_loop3A_1040 = arith.index_cast %parallel_loop3A_1038 : i32 to index
        %parallel_loop3A_1041 = arith.index_cast %parallel_loop3A_1028 : i32 to index
        %parallel_loop3A_1042 = tpu.vector_load %arg7[%parallel_loop3A_1039, %parallel_loop3A_1040, %parallel_loop3A_1041] {strides = array<i32>} : memref<4x16x512xf32, #tpu.memory_space<vmem>>, vector<16xf32>,
        tpu.vector_store %arg7[%parallel_loop3A_1039, %parallel_loop3A_1040, %parallel_loop3A_1041], %parallel_loop3A_1036 {strides = array<i32>} : memref<4x16x512xf32, #tpu.memory_space<vmem>>, vector<16xf32>,
        %parallel_loop3A_1043 = arith.constant 4096 : i32
        %parallel_loop3A_1044 = vector.broadcast %parallel_loop3A_1043 : i32 to vector<16xi32>
        %parallel_loop3A_1045 = arith.addi %parallel_loop3A_1032, %parallel_loop3A_1044 : vector<16xi32>
        %parallel_loop3A_1046 = tpu.vector_load_idx %arg5[%parallel_loop3A_1045] : memref<65536xf32, #tpu.memory_space<vmem>>[vector<16xi32>], vector<16xf32>,
        %parallel_loop3A_1047 = arith.constant 1 : i32
        %parallel_loop3A_1048 = arith.constant 1 : i32
        %parallel_loop3A_1049 = arith.index_cast %parallel_loop3A_1047 : i32 to index
        %parallel_loop3A_1050 = arith.index_cast %parallel_loop3A_1048 : i32 to index
        %parallel_loop3A_1051 = arith.index_cast %parallel_loop3A_1028 : i32 to index
        %parallel_loop3A_1052 = tpu.vector_load %arg7[%parallel_loop3A_1049, %parallel_loop3A_1050, %parallel_loop3A_1051] {strides = array<i32>} : memref<4x16x512xf32, #tpu.memory_space<vmem>>, vector<16xf32>,
        tpu.vector_store %arg7[%parallel_loop3A_1049, %parallel_loop3A_1050, %parallel_loop3A_1051], %parallel_loop3A_1046 {strides = array<i32>} : memref<4x16x512xf32, #tpu.memory_space<vmem>>, vector<16xf32>,
        %parallel_loop3A_1053 = arith.constant 8192 : i32
        %parallel_loop3A_1054 = vector.broadcast %parallel_loop3A_1053 : i32 to vector<16xi32>
        %parallel_loop3A_1055 = arith.addi %parallel_loop3A_1032, %parallel_loop3A_1054 : vector<16xi32>
        %parallel_loop3A_1056 = tpu.vector_load_idx %arg5[%parallel_loop3A_1055] : memref<65536xf32, #tpu.memory_space<vmem>>[vector<16xi32>], vector<16xf32>,
        %parallel_loop3A_1057 = arith.constant 1 : i32
        %parallel_loop3A_1058 = arith.constant 2 : i32
        %parallel_loop3A_1059 = arith.index_cast %parallel_loop3A_1057 : i32 to index
        %parallel_loop3A_1060 = arith.index_cast %parallel_loop3A_1058 : i32 to index
        %parallel_loop3A_1061 = arith.index_cast %parallel_loop3A_1028 : i32 to index
        %parallel_loop3A_1062 = tpu.vector_load %arg7[%parallel_loop3A_1059, %parallel_loop3A_1060, %parallel_loop3A_1061] {strides = array<i32>} : memref<4x16x512xf32, #tpu.memory_space<vmem>>, vector<16xf32>,
        tpu.vector_store %arg7[%parallel_loop3A_1059, %parallel_loop3A_1060, %parallel_loop3A_1061], %parallel_loop3A_1056 {strides = array<i32>} : memref<4x16x512xf32, #tpu.memory_space<vmem>>, vector<16xf32>,
        %parallel_loop3A_1063 = arith.constant 12288 : i32
        %parallel_loop3A_1064 = vector.broadcast %parallel_loop3A_1063 : i32 to vector<16xi32>
        %parallel_loop3A_1065 = arith.addi %parallel_loop3A_1032, %parallel_loop3A_1064 : vector<16xi32>
        %parallel_loop3A_1066 = tpu.vector_load_idx %arg5[%parallel_loop3A_1065] : memref<65536xf32, #tpu.memory_space<vmem>>[vector<16xi32>], vector<16xf32>,
        %parallel_loop3A_1067 = arith.constant 1 : i32
        %parallel_loop3A_1068 = arith.constant 3 : i32
        %parallel_loop3A_1069 = arith.index_cast %parallel_loop3A_1067 : i32 to index
        %parallel_loop3A_1070 = arith.index_cast %parallel_loop3A_1068 : i32 to index
        %parallel_loop3A_1071 = arith.index_cast %parallel_loop3A_1028 : i32 to index
        %parallel_loop3A_1072 = tpu.vector_load %arg7[%parallel_loop3A_1069, %parallel_loop3A_1070, %parallel_loop3A_1071] {strides = array<i32>} : memref<4x16x512xf32, #tpu.memory_space<vmem>>, vector<16xf32>,
        tpu.vector_store %arg7[%parallel_loop3A_1069, %parallel_loop3A_1070, %parallel_loop3A_1071], %parallel_loop3A_1066 {strides = array<i32>} : memref<4x16x512xf32, #tpu.memory_space<vmem>>, vector<16xf32>,
        %parallel_loop3A_1073 = arith.constant 16384 : i32
        %parallel_loop3A_1074 = vector.broadcast %parallel_loop3A_1073 : i32 to vector<16xi32>
        %parallel_loop3A_1075 = arith.addi %parallel_loop3A_1032, %parallel_loop3A_1074 : vector<16xi32>
        %parallel_loop3A_1076 = tpu.vector_load_idx %arg5[%parallel_loop3A_1075] : memref<65536xf32, #tpu.memory_space<vmem>>[vector<16xi32>], vector<16xf32>,
        %parallel_loop3A_1077 = arith.constant 1 : i32
        %parallel_loop3A_1078 = arith.constant 4 : i32
        %parallel_loop3A_1079 = arith.index_cast %parallel_loop3A_1077 : i32 to index
        %parallel_loop3A_1080 = arith.index_cast %parallel_loop3A_1078 : i32 to index
        %parallel_loop3A_1081 = arith.index_cast %parallel_loop3A_1028 : i32 to index
        %parallel_loop3A_1082 = tpu.vector_load %arg7[%parallel_loop3A_1079, %parallel_loop3A_1080, %parallel_loop3A_1081] {strides = array<i32>} : memref<4x16x512xf32, #tpu.memory_space<vmem>>, vector<16xf32>,
        tpu.vector_store %arg7[%parallel_loop3A_1079, %parallel_loop3A_1080, %parallel_loop3A_1081], %parallel_loop3A_1076 {strides = array<i32>} : memref<4x16x512xf32, #tpu.memory_space<vmem>>, vector<16xf32>,
        %parallel_loop3A_1083 = arith.constant 20480 : i32
        %parallel_loop3A_1084 = vector.broadcast %parallel_loop3A_1083 : i32 to vector<16xi32>
        %parallel_loop3A_1085 = arith.addi %parallel_loop3A_1032, %parallel_loop3A_1084 : vector<16xi32>
        %parallel_loop3A_1086 = tpu.vector_load_idx %arg5[%parallel_loop3A_1085] : memref<65536xf32, #tpu.memory_space<vmem>>[vector<16xi32>], vector<16xf32>,
        %parallel_loop3A_1087 = arith.constant 1 : i32
        %parallel_loop3A_1088 = arith.constant 5 : i32
        %parallel_loop3A_1089 = arith.index_cast %parallel_loop3A_1087 : i32 to index
        %parallel_loop3A_1090 = arith.index_cast %parallel_loop3A_1088 : i32 to index
        %parallel_loop3A_1091 = arith.index_cast %parallel_loop3A_1028 : i32 to index
        %parallel_loop3A_1092 = tpu.vector_load %arg7[%parallel_loop3A_1089, %parallel_loop3A_1090, %parallel_loop3A_1091] {strides = array<i32>} : memref<4x16x512xf32, #tpu.memory_space<vmem>>, vector<16xf32>,
        tpu.vector_store %arg7[%parallel_loop3A_1089, %parallel_loop3A_1090, %parallel_loop3A_1091], %parallel_loop3A_1086 {strides = array<i32>} : memref<4x16x512xf32, #tpu.memory_space<vmem>>, vector<16xf32>,
        %parallel_loop3A_1093 = arith.constant 24576 : i32
        %parallel_loop3A_1094 = vector.broadcast %parallel_loop3A_1093 : i32 to vector<16xi32>
        %parallel_loop3A_1095 = arith.addi %parallel_loop3A_1032, %parallel_loop3A_1094 : vector<16xi32>
        %parallel_loop3A_1096 = tpu.vector_load_idx %arg5[%parallel_loop3A_1095] : memref<65536xf32, #tpu.memory_space<vmem>>[vector<16xi32>], vector<16xf32>,
        %parallel_loop3A_1097 = arith.constant 1 : i32
        %parallel_loop3A_1098 = arith.constant 6 : i32
        %parallel_loop3A_1099 = arith.index_cast %parallel_loop3A_1097 : i32 to index
        %parallel_loop3A_1100 = arith.index_cast %parallel_loop3A_1098 : i32 to index
        %parallel_loop3A_1101 = arith.index_cast %parallel_loop3A_1028 : i32 to index
        %parallel_loop3A_1102 = tpu.vector_load %arg7[%parallel_loop3A_1099, %parallel_loop3A_1100, %parallel_loop3A_1101] {strides = array<i32>} : memref<4x16x512xf32, #tpu.memory_space<vmem>>, vector<16xf32>,
        tpu.vector_store %arg7[%parallel_loop3A_1099, %parallel_loop3A_1100, %parallel_loop3A_1101], %parallel_loop3A_1096 {strides = array<i32>} : memref<4x16x512xf32, #tpu.memory_space<vmem>>, vector<16xf32>,
        %parallel_loop3A_1103 = arith.constant 28672 : i32
        %parallel_loop3A_1104 = vector.broadcast %parallel_loop3A_1103 : i32 to vector<16xi32>
        %parallel_loop3A_1105 = arith.addi %parallel_loop3A_1032, %parallel_loop3A_1104 : vector<16xi32>
        %parallel_loop3A_1106 = tpu.vector_load_idx %arg5[%parallel_loop3A_1105] : memref<65536xf32, #tpu.memory_space<vmem>>[vector<16xi32>], vector<16xf32>,
        %parallel_loop3A_1107 = arith.constant 1 : i32
        %parallel_loop3A_1108 = arith.constant 7 : i32
        %parallel_loop3A_1109 = arith.index_cast %parallel_loop3A_1107 : i32 to index
        %parallel_loop3A_1110 = arith.index_cast %parallel_loop3A_1108 : i32 to index
        %parallel_loop3A_1111 = arith.index_cast %parallel_loop3A_1028 : i32 to index
        %parallel_loop3A_1112 = tpu.vector_load %arg7[%parallel_loop3A_1109, %parallel_loop3A_1110, %parallel_loop3A_1111] {strides = array<i32>} : memref<4x16x512xf32, #tpu.memory_space<vmem>>, vector<16xf32>,
        tpu.vector_store %arg7[%parallel_loop3A_1109, %parallel_loop3A_1110, %parallel_loop3A_1111], %parallel_loop3A_1106 {strides = array<i32>} : memref<4x16x512xf32, #tpu.memory_space<vmem>>, vector<16xf32>,
        %parallel_loop3A_1113 = arith.constant 32768 : i32
        %parallel_loop3A_1114 = vector.broadcast %parallel_loop3A_1113 : i32 to vector<16xi32>
        %parallel_loop3A_1115 = arith.addi %parallel_loop3A_1032, %parallel_loop3A_1114 : vector<16xi32>
        %parallel_loop3A_1116 = tpu.vector_load_idx %arg5[%parallel_loop3A_1115] : memref<65536xf32, #tpu.memory_space<vmem>>[vector<16xi32>], vector<16xf32>,
        %parallel_loop3A_1117 = arith.constant 1 : i32
        %parallel_loop3A_1118 = arith.constant 8 : i32
        %parallel_loop3A_1119 = arith.index_cast %parallel_loop3A_1117 : i32 to index
        %parallel_loop3A_1120 = arith.index_cast %parallel_loop3A_1118 : i32 to index
        %parallel_loop3A_1121 = arith.index_cast %parallel_loop3A_1028 : i32 to index
        %parallel_loop3A_1122 = tpu.vector_load %arg7[%parallel_loop3A_1119, %parallel_loop3A_1120, %parallel_loop3A_1121] {strides = array<i32>} : memref<4x16x512xf32, #tpu.memory_space<vmem>>, vector<16xf32>,
        tpu.vector_store %arg7[%parallel_loop3A_1119, %parallel_loop3A_1120, %parallel_loop3A_1121], %parallel_loop3A_1116 {strides = array<i32>} : memref<4x16x512xf32, #tpu.memory_space<vmem>>, vector<16xf32>,
        %parallel_loop3A_1123 = arith.constant 36864 : i32
        %parallel_loop3A_1124 = vector.broadcast %parallel_loop3A_1123 : i32 to vector<16xi32>
        %parallel_loop3A_1125 = arith.addi %parallel_loop3A_1032, %parallel_loop3A_1124 : vector<16xi32>
        %parallel_loop3A_1126 = tpu.vector_load_idx %arg5[%parallel_loop3A_1125] : memref<65536xf32, #tpu.memory_space<vmem>>[vector<16xi32>], vector<16xf32>,
        %parallel_loop3A_1127 = arith.constant 1 : i32
        %parallel_loop3A_1128 = arith.constant 9 : i32
        %parallel_loop3A_1129 = arith.index_cast %parallel_loop3A_1127 : i32 to index
        %parallel_loop3A_1130 = arith.index_cast %parallel_loop3A_1128 : i32 to index
        %parallel_loop3A_1131 = arith.index_cast %parallel_loop3A_1028 : i32 to index
        %parallel_loop3A_1132 = tpu.vector_load %arg7[%parallel_loop3A_1129, %parallel_loop3A_1130, %parallel_loop3A_1131] {strides = array<i32>} : memref<4x16x512xf32, #tpu.memory_space<vmem>>, vector<16xf32>,
        tpu.vector_store %arg7[%parallel_loop3A_1129, %parallel_loop3A_1130, %parallel_loop3A_1131], %parallel_loop3A_1126 {strides = array<i32>} : memref<4x16x512xf32, #tpu.memory_space<vmem>>, vector<16xf32>,
        %parallel_loop3A_1133 = arith.constant 40960 : i32
        %parallel_loop3A_1134 = vector.broadcast %parallel_loop3A_1133 : i32 to vector<16xi32>
        %parallel_loop3A_1135 = arith.addi %parallel_loop3A_1032, %parallel_loop3A_1134 : vector<16xi32>
        %parallel_loop3A_1136 = tpu.vector_load_idx %arg5[%parallel_loop3A_1135] : memref<65536xf32, #tpu.memory_space<vmem>>[vector<16xi32>], vector<16xf32>,
        %parallel_loop3A_1137 = arith.constant 1 : i32
        %parallel_loop3A_1138 = arith.constant 10 : i32
        %parallel_loop3A_1139 = arith.index_cast %parallel_loop3A_1137 : i32 to index
        %parallel_loop3A_1140 = arith.index_cast %parallel_loop3A_1138 : i32 to index
        %parallel_loop3A_1141 = arith.index_cast %parallel_loop3A_1028 : i32 to index
        %parallel_loop3A_1142 = tpu.vector_load %arg7[%parallel_loop3A_1139, %parallel_loop3A_1140, %parallel_loop3A_1141] {strides = array<i32>} : memref<4x16x512xf32, #tpu.memory_space<vmem>>, vector<16xf32>,
        tpu.vector_store %arg7[%parallel_loop3A_1139, %parallel_loop3A_1140, %parallel_loop3A_1141], %parallel_loop3A_1136 {strides = array<i32>} : memref<4x16x512xf32, #tpu.memory_space<vmem>>, vector<16xf32>,
        %parallel_loop3A_1143 = arith.constant 45056 : i32
        %parallel_loop3A_1144 = vector.broadcast %parallel_loop3A_1143 : i32 to vector<16xi32>
        %parallel_loop3A_1145 = arith.addi %parallel_loop3A_1032, %parallel_loop3A_1144 : vector<16xi32>
        %parallel_loop3A_1146 = tpu.vector_load_idx %arg5[%parallel_loop3A_1145] : memref<65536xf32, #tpu.memory_space<vmem>>[vector<16xi32>], vector<16xf32>,
        %parallel_loop3A_1147 = arith.constant 1 : i32
        %parallel_loop3A_1148 = arith.constant 11 : i32
        %parallel_loop3A_1149 = arith.index_cast %parallel_loop3A_1147 : i32 to index
        %parallel_loop3A_1150 = arith.index_cast %parallel_loop3A_1148 : i32 to index
        %parallel_loop3A_1151 = arith.index_cast %parallel_loop3A_1028 : i32 to index
        %parallel_loop3A_1152 = tpu.vector_load %arg7[%parallel_loop3A_1149, %parallel_loop3A_1150, %parallel_loop3A_1151] {strides = array<i32>} : memref<4x16x512xf32, #tpu.memory_space<vmem>>, vector<16xf32>,
        tpu.vector_store %arg7[%parallel_loop3A_1149, %parallel_loop3A_1150, %parallel_loop3A_1151], %parallel_loop3A_1146 {strides = array<i32>} : memref<4x16x512xf32, #tpu.memory_space<vmem>>, vector<16xf32>,
        %parallel_loop3A_1153 = arith.constant 49152 : i32
        %parallel_loop3A_1154 = vector.broadcast %parallel_loop3A_1153 : i32 to vector<16xi32>
        %parallel_loop3A_1155 = arith.addi %parallel_loop3A_1032, %parallel_loop3A_1154 : vector<16xi32>
        %parallel_loop3A_1156 = tpu.vector_load_idx %arg5[%parallel_loop3A_1155] : memref<65536xf32, #tpu.memory_space<vmem>>[vector<16xi32>], vector<16xf32>,
        %parallel_loop3A_1157 = arith.constant 1 : i32
        %parallel_loop3A_1158 = arith.constant 12 : i32
        %parallel_loop3A_1159 = arith.index_cast %parallel_loop3A_1157 : i32 to index
        %parallel_loop3A_1160 = arith.index_cast %parallel_loop3A_1158 : i32 to index
        %parallel_loop3A_1161 = arith.index_cast %parallel_loop3A_1028 : i32 to index
        %parallel_loop3A_1162 = tpu.vector_load %arg7[%parallel_loop3A_1159, %parallel_loop3A_1160, %parallel_loop3A_1161] {strides = array<i32>} : memref<4x16x512xf32, #tpu.memory_space<vmem>>, vector<16xf32>,
        tpu.vector_store %arg7[%parallel_loop3A_1159, %parallel_loop3A_1160, %parallel_loop3A_1161], %parallel_loop3A_1156 {strides = array<i32>} : memref<4x16x512xf32, #tpu.memory_space<vmem>>, vector<16xf32>,
        %parallel_loop3A_1163 = arith.constant 53248 : i32
        %parallel_loop3A_1164 = vector.broadcast %parallel_loop3A_1163 : i32 to vector<16xi32>
        %parallel_loop3A_1165 = arith.addi %parallel_loop3A_1032, %parallel_loop3A_1164 : vector<16xi32>
        %parallel_loop3A_1166 = tpu.vector_load_idx %arg5[%parallel_loop3A_1165] : memref<65536xf32, #tpu.memory_space<vmem>>[vector<16xi32>], vector<16xf32>,
        %parallel_loop3A_1167 = arith.constant 1 : i32
        %parallel_loop3A_1168 = arith.constant 13 : i32
        %parallel_loop3A_1169 = arith.index_cast %parallel_loop3A_1167 : i32 to index
        %parallel_loop3A_1170 = arith.index_cast %parallel_loop3A_1168 : i32 to index
        %parallel_loop3A_1171 = arith.index_cast %parallel_loop3A_1028 : i32 to index
        %parallel_loop3A_1172 = tpu.vector_load %arg7[%parallel_loop3A_1169, %parallel_loop3A_1170, %parallel_loop3A_1171] {strides = array<i32>} : memref<4x16x512xf32, #tpu.memory_space<vmem>>, vector<16xf32>,
        tpu.vector_store %arg7[%parallel_loop3A_1169, %parallel_loop3A_1170, %parallel_loop3A_1171], %parallel_loop3A_1166 {strides = array<i32>} : memref<4x16x512xf32, #tpu.memory_space<vmem>>, vector<16xf32>,
        %parallel_loop3A_1173 = arith.constant 57344 : i32
        %parallel_loop3A_1174 = vector.broadcast %parallel_loop3A_1173 : i32 to vector<16xi32>
        %parallel_loop3A_1175 = arith.addi %parallel_loop3A_1032, %parallel_loop3A_1174 : vector<16xi32>
        %parallel_loop3A_1176 = tpu.vector_load_idx %arg5[%parallel_loop3A_1175] : memref<65536xf32, #tpu.memory_space<vmem>>[vector<16xi32>], vector<16xf32>,
        %parallel_loop3A_1177 = arith.constant 1 : i32
        %parallel_loop3A_1178 = arith.constant 14 : i32
        %parallel_loop3A_1179 = arith.index_cast %parallel_loop3A_1177 : i32 to index
        %parallel_loop3A_1180 = arith.index_cast %parallel_loop3A_1178 : i32 to index
        %parallel_loop3A_1181 = arith.index_cast %parallel_loop3A_1028 : i32 to index
        %parallel_loop3A_1182 = tpu.vector_load %arg7[%parallel_loop3A_1179, %parallel_loop3A_1180, %parallel_loop3A_1181] {strides = array<i32>} : memref<4x16x512xf32, #tpu.memory_space<vmem>>, vector<16xf32>,
        tpu.vector_store %arg7[%parallel_loop3A_1179, %parallel_loop3A_1180, %parallel_loop3A_1181], %parallel_loop3A_1176 {strides = array<i32>} : memref<4x16x512xf32, #tpu.memory_space<vmem>>, vector<16xf32>,
        %parallel_loop3A_1183 = arith.constant 61440 : i32
        %parallel_loop3A_1184 = vector.broadcast %parallel_loop3A_1183 : i32 to vector<16xi32>
        %parallel_loop3A_1185 = arith.addi %parallel_loop3A_1032, %parallel_loop3A_1184 : vector<16xi32>
        %parallel_loop3A_1186 = tpu.vector_load_idx %arg5[%parallel_loop3A_1185] : memref<65536xf32, #tpu.memory_space<vmem>>[vector<16xi32>], vector<16xf32>,
        %parallel_loop3A_1187 = arith.constant 1 : i32
        %parallel_loop3A_1188 = arith.constant 15 : i32
        %parallel_loop3A_1189 = arith.index_cast %parallel_loop3A_1187 : i32 to index
        %parallel_loop3A_1190 = arith.index_cast %parallel_loop3A_1188 : i32 to index
        %parallel_loop3A_1191 = arith.index_cast %parallel_loop3A_1028 : i32 to index
        %parallel_loop3A_1192 = tpu.vector_load %arg7[%parallel_loop3A_1189, %parallel_loop3A_1190, %parallel_loop3A_1191] {strides = array<i32>} : memref<4x16x512xf32, #tpu.memory_space<vmem>>, vector<16xf32>,
        tpu.vector_store %arg7[%parallel_loop3A_1189, %parallel_loop3A_1190, %parallel_loop3A_1191], %parallel_loop3A_1186 {strides = array<i32>} : memref<4x16x512xf32, #tpu.memory_space<vmem>>, vector<16xf32>,
      } {sc.loop_unroll_factor = 4 : i64, sc.parallel_access}
      %jit3A_694 = arith.constant 2 : i32
      %div3A_695 = arith.divsi %add3A_629, %jit3A_694 : i32
      %sign3A_696 = arith.constant 0 : i32
      %sign3A_697 = arith.cmpi sgt, %add3A_629, %sign3A_696 : i32
      %sign3A_698 = arith.extui %sign3A_697 : i1 to i32
      %sign3A_699 = arith.constant 0 : i32
      %sign3A_700 = arith.cmpi slt, %add3A_629, %sign3A_699 : i32
      %sign3A_701 = arith.extui %sign3A_700 : i1 to i32
      %sign3A_702 = arith.subi %sign3A_698, %sign3A_701 : i32
      %sign3A_703 = arith.constant 0 : i32
      %sign3A_704 = arith.cmpi sgt, %jit3A_694, %sign3A_703 : i32
      %sign3A_705 = arith.extui %sign3A_704 : i1 to i32
      %sign3A_706 = arith.constant 0 : i32
      %sign3A_707 = arith.cmpi slt, %jit3A_694, %sign3A_706 : i32
      %sign3A_708 = arith.extui %sign3A_707 : i1 to i32
      %sign3A_709 = arith.subi %sign3A_705, %sign3A_708 : i32
      %ne3A_710 = arith.cmpi ne, %sign3A_702, %sign3A_709 : i32
      %rem3A_711 = arith.remsi %add3A_629, %jit3A_694 : i32
      %ne3A_712 = arith.constant 0 : i32
      %ne3A_713 = arith.cmpi ne, %rem3A_711, %ne3A_712 : i32
      %and3A_714 = arith.andi %ne3A_710, %ne3A_713 : i1
      %sub3A_715 = arith.constant 1 : i32
      %sub3A_716 = arith.subi %div3A_695, %sub3A_715 : i32
      %select_n3A_717 = arith.select %and3A_714, %sub3A_716, %div3A_695 : i32
      %jit3A_718 = arith.constant 2 : i32
      %eq3A_719 = arith.constant 0 : i32
      %eq3A_720 = arith.cmpi eq, %jit3A_718, %eq3A_719 : i32
      %jit3A_721 = arith.constant 1 : i32
      %select_n3A_722 = arith.select %eq3A_720, %jit3A_721, %jit3A_718 : i32
      %rem3A_723 = arith.remsi %add3A_629, %select_n3A_722 : i32
      %ne3A_724 = arith.constant 0 : i32
      %ne3A_725 = arith.cmpi ne, %rem3A_723, %ne3A_724 : i32
      %lt3A_726 = arith.constant 0 : i32
      %lt3A_727 = arith.cmpi slt, %rem3A_723, %lt3A_726 : i32
      %lt3A_728 = arith.constant 0 : i32
      %lt3A_729 = arith.cmpi slt, %select_n3A_722, %lt3A_728 : i32
      %ne3A_730 = arith.xori %lt3A_727, %lt3A_729 : i1
      %and3A_731 = arith.andi %ne3A_730, %ne3A_725 : i1
      %add3A_732 = arith.addi %rem3A_723, %select_n3A_722 : i32
      %select_n3A_733 = arith.select %and3A_731, %add3A_732, %rem3A_723 : i32
      %mul3A_734 = arith.constant 512 : i32
      %mul3A_735 = arith.muli %select_n3A_733, %mul3A_734 : i32
      %dma_start3A_736 = arith.constant 1 : i32
      %dma_start3A_737 = arith.constant 1 : i32
      %dma_start3A_738 = arith.constant 0 : i32
      %dma_start3A_739 = arith.constant 0 : i32
      %dma_start3A_740 = tpu.memref_slice %arg7[%dma_start3A_736, %dma_start3A_738, %dma_start3A_739] : memref<4x16x512xf32, #tpu.memory_space<vmem>> -> memref<1x16x512xf32, #tpu.memory_space<vmem>>
      %dma_start3A_741 = tpu.memref_squeeze %dma_start3A_740 : memref<1x16x512xf32, #tpu.memory_space<vmem>> -> memref<16x512xf32, #tpu.memory_space<vmem>>
      %dma_start3A_742 = arith.constant 0 : i32
      %dma_start3A_743 = tpu.memref_slice %arg4[%dma_start3A_742, %select_n3A_717, %mul3A_735] : memref<16x1024x1024xf32, #tpu.memory_space<hbm>> -> memref<16x1x512xf32, #tpu.memory_space<hbm>>
      %dma_start3A_744 = tpu.memref_squeeze %dma_start3A_743 : memref<16x1x512xf32, #tpu.memory_space<hbm>> -> memref<16x512xf32, #tpu.memory_space<hbm>>
      %dma_start3A_745 = tpu.memref_slice %arg9[%dma_start3A_737] : memref<4x!tpu.dma_semaphore, #tpu.memory_space<semaphore_mem>> -> memref<1x!tpu.dma_semaphore, #tpu.memory_space<semaphore_mem>>
      %dma_start3A_746 = tpu.memref_squeeze %dma_start3A_745 : memref<1x!tpu.dma_semaphore, #tpu.memory_space<semaphore_mem>> -> memref<!tpu.dma_semaphore, #tpu.memory_space<semaphore_mem>>
      %dma_start3A_747 = arith.constant 0 : i32
      %dma_start3A_748 = tpu.memref_slice %arg4[%dma_start3A_747, %select_n3A_717, %mul3A_735] : memref<16x1024x1024xf32, #tpu.memory_space<hbm>> -> memref<16x1x512xf32, #tpu.memory_space<hbm>>
      %dma_start3A_749 = tpu.memref_squeeze %dma_start3A_748 : memref<16x1x512xf32, #tpu.memory_space<hbm>> -> memref<16x512xf32, #tpu.memory_space<hbm>>
      %dma_start3A_750 = arith.constant 0 : i32
      %dma_start3A_751 = arith.constant 0 : i32
      %dma_start3A_752 = tpu.memref_slice %arg7[%dma_start3A_736, %dma_start3A_750, %dma_start3A_751] : memref<4x16x512xf32, #tpu.memory_space<vmem>> -> memref<1x16x512xf32, #tpu.memory_space<vmem>>
      %dma_start3A_753 = tpu.memref_squeeze %dma_start3A_752 : memref<1x16x512xf32, #tpu.memory_space<vmem>> -> memref<16x512xf32, #tpu.memory_space<vmem>>
      tpu.enqueue_dma source(%dma_start3A_753 : memref<16x512xf32, #tpu.memory_space<vmem>>) target(%dma_start3A_749 : memref<16x512xf32, #tpu.memory_space<hbm>>) target_semaphore(%dma_start3A_746 : memref<!tpu.dma_semaphore, #tpu.memory_space<semaphore_mem>>)
      %lt3A_754 = arith.constant 60 : i32
      %lt3A_755 = arith.cmpi slt, %add3A_628, %lt3A_754 : i32
      %convert_element_type3A_756 = arith.extui %lt3A_755 : i1 to i32
      %cond3A_757 = arith.constant 0 : i32
      %cond3A_758 = arith.cmpi ne, %convert_element_type3A_756, %cond3A_757 : i32
      scf.if %cond3A_758 {
        %add3A_1028 = arith.constant 4 : i32
        %add3A_1029 = arith.addi %add3A_629, %add3A_1028 : i32
        %jit3A_1030 = arith.constant 2 : i32
        %div3A_1031 = arith.divsi %add3A_1029, %jit3A_1030 : i32
        %sign3A_1032 = arith.constant 0 : i32
        %sign3A_1033 = arith.cmpi sgt, %add3A_1029, %sign3A_1032 : i32
        %sign3A_1034 = arith.extui %sign3A_1033 : i1 to i32
        %sign3A_1035 = arith.constant 0 : i32
        %sign3A_1036 = arith.cmpi slt, %add3A_1029, %sign3A_1035 : i32
        %sign3A_1037 = arith.extui %sign3A_1036 : i1 to i32
        %sign3A_1038 = arith.subi %sign3A_1034, %sign3A_1037 : i32
        %sign3A_1039 = arith.constant 0 : i32
        %sign3A_1040 = arith.cmpi sgt, %jit3A_1030, %sign3A_1039 : i32
        %sign3A_1041 = arith.extui %sign3A_1040 : i1 to i32
        %sign3A_1042 = arith.constant 0 : i32
        %sign3A_1043 = arith.cmpi slt, %jit3A_1030, %sign3A_1042 : i32
        %sign3A_1044 = arith.extui %sign3A_1043 : i1 to i32
        %sign3A_1045 = arith.subi %sign3A_1041, %sign3A_1044 : i32
        %ne3A_1046 = arith.cmpi ne, %sign3A_1038, %sign3A_1045 : i32
        %rem3A_1047 = arith.remsi %add3A_1029, %jit3A_1030 : i32
        %ne3A_1048 = arith.constant 0 : i32
        %ne3A_1049 = arith.cmpi ne, %rem3A_1047, %ne3A_1048 : i32
        %and3A_1050 = arith.andi %ne3A_1046, %ne3A_1049 : i1
        %sub3A_1051 = arith.constant 1 : i32
        %sub3A_1052 = arith.subi %div3A_1031, %sub3A_1051 : i32
        %select_n3A_1053 = arith.select %and3A_1050, %sub3A_1052, %div3A_1031 : i32
        %jit3A_1054 = arith.constant 2 : i32
        %eq3A_1055 = arith.constant 0 : i32
        %eq3A_1056 = arith.cmpi eq, %jit3A_1054, %eq3A_1055 : i32
        %jit3A_1057 = arith.constant 1 : i32
        %select_n3A_1058 = arith.select %eq3A_1056, %jit3A_1057, %jit3A_1054 : i32
        %rem3A_1059 = arith.remsi %add3A_1029, %select_n3A_1058 : i32
        %ne3A_1060 = arith.constant 0 : i32
        %ne3A_1061 = arith.cmpi ne, %rem3A_1059, %ne3A_1060 : i32
        %lt3A_1062 = arith.constant 0 : i32
        %lt3A_1063 = arith.cmpi slt, %rem3A_1059, %lt3A_1062 : i32
        %lt3A_1064 = arith.constant 0 : i32
        %lt3A_1065 = arith.cmpi slt, %select_n3A_1058, %lt3A_1064 : i32
        %ne3A_1066 = arith.xori %lt3A_1063, %lt3A_1065 : i1
        %and3A_1067 = arith.andi %ne3A_1066, %ne3A_1061 : i1
        %add3A_1068 = arith.addi %rem3A_1059, %select_n3A_1058 : i32
        %select_n3A_1069 = arith.select %and3A_1067, %add3A_1068, %rem3A_1059 : i32
        %mul3A_1070 = arith.constant 512 : i32
        %mul3A_1071 = arith.muli %select_n3A_1069, %mul3A_1070 : i32
        %dma_start3A_1072 = arith.constant 1 : i32
        %dma_start3A_1073 = arith.constant 1 : i32
        %dma_start3A_1074 = arith.constant 0 : i32
        %dma_start3A_1075 = tpu.memref_slice %arg6[%dma_start3A_1072, %dma_start3A_1074] : memref<4x512xi32, #tpu.memory_space<vmem>> -> memref<1x512xi32, #tpu.memory_space<vmem>>
        %dma_start3A_1076 = tpu.memref_squeeze %dma_start3A_1075 : memref<1x512xi32, #tpu.memory_space<vmem>> -> memref<512xi32, #tpu.memory_space<vmem>>
        %dma_start3A_1077 = tpu.memref_slice %arg3[%select_n3A_1053, %mul3A_1071] : memref<1024x1024xi32, #tpu.memory_space<hbm>> -> memref<1x512xi32, #tpu.memory_space<hbm>>
        %dma_start3A_1078 = tpu.memref_squeeze %dma_start3A_1077 : memref<1x512xi32, #tpu.memory_space<hbm>> -> memref<512xi32, #tpu.memory_space<hbm>>
        %dma_start3A_1079 = tpu.memref_slice %arg8[%dma_start3A_1073] : memref<4x!tpu.dma_semaphore, #tpu.memory_space<semaphore_mem>> -> memref<1x!tpu.dma_semaphore, #tpu.memory_space<semaphore_mem>>
        %dma_start3A_1080 = tpu.memref_squeeze %dma_start3A_1079 : memref<1x!tpu.dma_semaphore, #tpu.memory_space<semaphore_mem>> -> memref<!tpu.dma_semaphore, #tpu.memory_space<semaphore_mem>>
        %dma_start3A_1081 = arith.constant 0 : i32
        %dma_start3A_1082 = tpu.memref_slice %arg6[%dma_start3A_1072, %dma_start3A_1081] : memref<4x512xi32, #tpu.memory_space<vmem>> -> memref<1x512xi32, #tpu.memory_space<vmem>>
        %dma_start3A_1083 = tpu.memref_squeeze %dma_start3A_1082 : memref<1x512xi32, #tpu.memory_space<vmem>> -> memref<512xi32, #tpu.memory_space<vmem>>
        %dma_start3A_1084 = tpu.memref_slice %arg3[%select_n3A_1053, %mul3A_1071] : memref<1024x1024xi32, #tpu.memory_space<hbm>> -> memref<1x512xi32, #tpu.memory_space<hbm>>
        %dma_start3A_1085 = tpu.memref_squeeze %dma_start3A_1084 : memref<1x512xi32, #tpu.memory_space<hbm>> -> memref<512xi32, #tpu.memory_space<hbm>>
        tpu.enqueue_dma source(%dma_start3A_1085 : memref<512xi32, #tpu.memory_space<hbm>>) target(%dma_start3A_1083 : memref<512xi32, #tpu.memory_space<vmem>>) target_semaphore(%dma_start3A_1080 : memref<!tpu.dma_semaphore, #tpu.memory_space<semaphore_mem>>)
      } else {
      }
      %mul3A_759 = arith.constant 4 : i32
      %mul3A_760 = arith.muli %scan3A_493, %mul3A_759 : i32
      %add3A_761 = arith.constant 2 : i32
      %add3A_762 = arith.addi %mul3A_760, %add3A_761 : i32
      %add3A_763 = arith.addi %mul3A_2, %add3A_762 : i32
      %jit3A_764 = arith.constant 2 : i32
      %div3A_765 = arith.divsi %add3A_763, %jit3A_764 : i32
      %sign3A_766 = arith.constant 0 : i32
      %sign3A_767 = arith.cmpi sgt, %add3A_763, %sign3A_766 : i32
      %sign3A_768 = arith.extui %sign3A_767 : i1 to i32
      %sign3A_769 = arith.constant 0 : i32
      %sign3A_770 = arith.cmpi slt, %add3A_763, %sign3A_769 : i32
      %sign3A_771 = arith.extui %sign3A_770 : i1 to i32
      %sign3A_772 = arith.subi %sign3A_768, %sign3A_771 : i32
      %sign3A_773 = arith.constant 0 : i32
      %sign3A_774 = arith.cmpi sgt, %jit3A_764, %sign3A_773 : i32
      %sign3A_775 = arith.extui %sign3A_774 : i1 to i32
      %sign3A_776 = arith.constant 0 : i32
      %sign3A_777 = arith.cmpi slt, %jit3A_764, %sign3A_776 : i32
      %sign3A_778 = arith.extui %sign3A_777 : i1 to i32
      %sign3A_779 = arith.subi %sign3A_775, %sign3A_778 : i32
      %ne3A_780 = arith.cmpi ne, %sign3A_772, %sign3A_779 : i32
      %rem3A_781 = arith.remsi %add3A_763, %jit3A_764 : i32
      %ne3A_782 = arith.constant 0 : i32
      %ne3A_783 = arith.cmpi ne, %rem3A_781, %ne3A_782 : i32
      %and3A_784 = arith.andi %ne3A_780, %ne3A_783 : i1
      %sub3A_785 = arith.constant 1 : i32
      %sub3A_786 = arith.subi %div3A_765, %sub3A_785 : i32
      %select_n3A_787 = arith.select %and3A_784, %sub3A_786, %div3A_765 : i32
      %jit3A_788 = arith.constant 2 : i32
      %eq3A_789 = arith.constant 0 : i32
      %eq3A_790 = arith.cmpi eq, %jit3A_788, %eq3A_789 : i32
      %jit3A_791 = arith.constant 1 : i32
      %select_n3A_792 = arith.select %eq3A_790, %jit3A_791, %jit3A_788 : i32
      %rem3A_793 = arith.remsi %add3A_763, %select_n3A_792 : i32
      %ne3A_794 = arith.constant 0 : i32
      %ne3A_795 = arith.cmpi ne, %rem3A_793, %ne3A_794 : i32
      %lt3A_796 = arith.constant 0 : i32
      %lt3A_797 = arith.cmpi slt, %rem3A_793, %lt3A_796 : i32
      %lt3A_798 = arith.constant 0 : i32
      %lt3A_799 = arith.cmpi slt, %select_n3A_792, %lt3A_798 : i32
      %ne3A_800 = arith.xori %lt3A_797, %lt3A_799 : i1
      %and3A_801 = arith.andi %ne3A_800, %ne3A_795 : i1
      %add3A_802 = arith.addi %rem3A_793, %select_n3A_792 : i32
      %select_n3A_803 = arith.select %and3A_801, %add3A_802, %rem3A_793 : i32
      %mul3A_804 = arith.constant 512 : i32
      %mul3A_805 = arith.muli %select_n3A_803, %mul3A_804 : i32
      %dma_wait3A_806 = arith.constant 2 : i32
      %dma_wait3A_807 = arith.constant 2 : i32
      %dma_wait3A_808 = arith.constant 0 : i32
      %dma_wait3A_809 = tpu.memref_slice %arg6[%dma_wait3A_806, %dma_wait3A_808] : memref<4x512xi32, #tpu.memory_space<vmem>> -> memref<1x512xi32, #tpu.memory_space<vmem>>
      %dma_wait3A_810 = tpu.memref_squeeze %dma_wait3A_809 : memref<1x512xi32, #tpu.memory_space<vmem>> -> memref<512xi32, #tpu.memory_space<vmem>>
      %dma_wait3A_811 = tpu.memref_slice %arg3[%select_n3A_787, %mul3A_805] : memref<1024x1024xi32, #tpu.memory_space<hbm>> -> memref<1x512xi32, #tpu.memory_space<hbm>>
      %dma_wait3A_812 = tpu.memref_squeeze %dma_wait3A_811 : memref<1x512xi32, #tpu.memory_space<hbm>> -> memref<512xi32, #tpu.memory_space<hbm>>
      %dma_wait3A_813 = tpu.memref_slice %arg8[%dma_wait3A_807] : memref<4x!tpu.dma_semaphore, #tpu.memory_space<semaphore_mem>> -> memref<1x!tpu.dma_semaphore, #tpu.memory_space<semaphore_mem>>
      %dma_wait3A_814 = tpu.memref_squeeze %dma_wait3A_813 : memref<1x!tpu.dma_semaphore, #tpu.memory_space<semaphore_mem>> -> memref<!tpu.dma_semaphore, #tpu.memory_space<semaphore_mem>>
      %dma_wait3A_815 = arith.constant 0 : i32
      %dma_wait3A_816 = tpu.memref_slice %arg6[%dma_wait3A_806, %dma_wait3A_815] : memref<4x512xi32, #tpu.memory_space<vmem>> -> memref<1x512xi32, #tpu.memory_space<vmem>>
      %dma_wait3A_817 = tpu.memref_squeeze %dma_wait3A_816 : memref<1x512xi32, #tpu.memory_space<vmem>> -> memref<512xi32, #tpu.memory_space<vmem>>
      %dma_wait3A_818 = tpu.memref_slice %arg3[%select_n3A_787, %mul3A_805] : memref<1024x1024xi32, #tpu.memory_space<hbm>> -> memref<1x512xi32, #tpu.memory_space<hbm>>
      %dma_wait3A_819 = tpu.memref_squeeze %dma_wait3A_818 : memref<1x512xi32, #tpu.memory_space<hbm>> -> memref<512xi32, #tpu.memory_space<hbm>>
      tpu.wait_dma2 semaphore(%dma_wait3A_814 : memref<!tpu.dma_semaphore, #tpu.memory_space<semaphore_mem>>) src(%dma_wait3A_819 : memref<512xi32, #tpu.memory_space<hbm>>) dst(%dma_wait3A_817 : memref<512xi32, #tpu.memory_space<vmem>>)
      %ge3A_820 = arith.constant 1 : i32
      %ge3A_821 = arith.cmpi sge, %scan3A_493, %ge3A_820 : i32
      %convert_element_type3A_822 = arith.extui %ge3A_821 : i1 to i32
      %cond3A_823 = arith.constant 0 : i32
      %cond3A_824 = arith.cmpi ne, %convert_element_type3A_822, %cond3A_823 : i32
      scf.if %cond3A_824 {
        %sub3A_1028 = arith.constant 4 : i32
        %sub3A_1029 = arith.subi %add3A_763, %sub3A_1028 : i32
        %jit3A_1030 = arith.constant 2 : i32
        %div3A_1031 = arith.divsi %sub3A_1029, %jit3A_1030 : i32
        %sign3A_1032 = arith.constant 0 : i32
        %sign3A_1033 = arith.cmpi sgt, %sub3A_1029, %sign3A_1032 : i32
        %sign3A_1034 = arith.extui %sign3A_1033 : i1 to i32
        %sign3A_1035 = arith.constant 0 : i32
        %sign3A_1036 = arith.cmpi slt, %sub3A_1029, %sign3A_1035 : i32
        %sign3A_1037 = arith.extui %sign3A_1036 : i1 to i32
        %sign3A_1038 = arith.subi %sign3A_1034, %sign3A_1037 : i32
        %sign3A_1039 = arith.constant 0 : i32
        %sign3A_1040 = arith.cmpi sgt, %jit3A_1030, %sign3A_1039 : i32
        %sign3A_1041 = arith.extui %sign3A_1040 : i1 to i32
        %sign3A_1042 = arith.constant 0 : i32
        %sign3A_1043 = arith.cmpi slt, %jit3A_1030, %sign3A_1042 : i32
        %sign3A_1044 = arith.extui %sign3A_1043 : i1 to i32
        %sign3A_1045 = arith.subi %sign3A_1041, %sign3A_1044 : i32
        %ne3A_1046 = arith.cmpi ne, %sign3A_1038, %sign3A_1045 : i32
        %rem3A_1047 = arith.remsi %sub3A_1029, %jit3A_1030 : i32
        %ne3A_1048 = arith.constant 0 : i32
        %ne3A_1049 = arith.cmpi ne, %rem3A_1047, %ne3A_1048 : i32
        %and3A_1050 = arith.andi %ne3A_1046, %ne3A_1049 : i1
        %sub3A_1051 = arith.constant 1 : i32
        %sub3A_1052 = arith.subi %div3A_1031, %sub3A_1051 : i32
        %select_n3A_1053 = arith.select %and3A_1050, %sub3A_1052, %div3A_1031 : i32
        %jit3A_1054 = arith.constant 2 : i32
        %eq3A_1055 = arith.constant 0 : i32
        %eq3A_1056 = arith.cmpi eq, %jit3A_1054, %eq3A_1055 : i32
        %jit3A_1057 = arith.constant 1 : i32
        %select_n3A_1058 = arith.select %eq3A_1056, %jit3A_1057, %jit3A_1054 : i32
        %rem3A_1059 = arith.remsi %sub3A_1029, %select_n3A_1058 : i32
        %ne3A_1060 = arith.constant 0 : i32
        %ne3A_1061 = arith.cmpi ne, %rem3A_1059, %ne3A_1060 : i32
        %lt3A_1062 = arith.constant 0 : i32
        %lt3A_1063 = arith.cmpi slt, %rem3A_1059, %lt3A_1062 : i32
        %lt3A_1064 = arith.constant 0 : i32
        %lt3A_1065 = arith.cmpi slt, %select_n3A_1058, %lt3A_1064 : i32
        %ne3A_1066 = arith.xori %lt3A_1063, %lt3A_1065 : i1
        %and3A_1067 = arith.andi %ne3A_1066, %ne3A_1061 : i1
        %add3A_1068 = arith.addi %rem3A_1059, %select_n3A_1058 : i32
        %select_n3A_1069 = arith.select %and3A_1067, %add3A_1068, %rem3A_1059 : i32
        %mul3A_1070 = arith.constant 512 : i32
        %mul3A_1071 = arith.muli %select_n3A_1069, %mul3A_1070 : i32
        %dma_wait3A_1072 = arith.constant 2 : i32
        %dma_wait3A_1073 = arith.constant 2 : i32
        %dma_wait3A_1074 = arith.constant 0 : i32
        %dma_wait3A_1075 = arith.constant 0 : i32
        %dma_wait3A_1076 = tpu.memref_slice %arg7[%dma_wait3A_1072, %dma_wait3A_1074, %dma_wait3A_1075] : memref<4x16x512xf32, #tpu.memory_space<vmem>> -> memref<1x16x512xf32, #tpu.memory_space<vmem>>
        %dma_wait3A_1077 = tpu.memref_squeeze %dma_wait3A_1076 : memref<1x16x512xf32, #tpu.memory_space<vmem>> -> memref<16x512xf32, #tpu.memory_space<vmem>>
        %dma_wait3A_1078 = arith.constant 0 : i32
        %dma_wait3A_1079 = tpu.memref_slice %arg4[%dma_wait3A_1078, %select_n3A_1053, %mul3A_1071] : memref<16x1024x1024xf32, #tpu.memory_space<hbm>> -> memref<16x1x512xf32, #tpu.memory_space<hbm>>
        %dma_wait3A_1080 = tpu.memref_squeeze %dma_wait3A_1079 : memref<16x1x512xf32, #tpu.memory_space<hbm>> -> memref<16x512xf32, #tpu.memory_space<hbm>>
        %dma_wait3A_1081 = tpu.memref_slice %arg9[%dma_wait3A_1073] : memref<4x!tpu.dma_semaphore, #tpu.memory_space<semaphore_mem>> -> memref<1x!tpu.dma_semaphore, #tpu.memory_space<semaphore_mem>>
        %dma_wait3A_1082 = tpu.memref_squeeze %dma_wait3A_1081 : memref<1x!tpu.dma_semaphore, #tpu.memory_space<semaphore_mem>> -> memref<!tpu.dma_semaphore, #tpu.memory_space<semaphore_mem>>
        %dma_wait3A_1083 = arith.constant 0 : i32
        %dma_wait3A_1084 = tpu.memref_slice %arg4[%dma_wait3A_1083, %select_n3A_1053, %mul3A_1071] : memref<16x1024x1024xf32, #tpu.memory_space<hbm>> -> memref<16x1x512xf32, #tpu.memory_space<hbm>>
        %dma_wait3A_1085 = tpu.memref_squeeze %dma_wait3A_1084 : memref<16x1x512xf32, #tpu.memory_space<hbm>> -> memref<16x512xf32, #tpu.memory_space<hbm>>
        %dma_wait3A_1086 = arith.constant 0 : i32
        %dma_wait3A_1087 = arith.constant 0 : i32
        %dma_wait3A_1088 = tpu.memref_slice %arg7[%dma_wait3A_1072, %dma_wait3A_1086, %dma_wait3A_1087] : memref<4x16x512xf32, #tpu.memory_space<vmem>> -> memref<1x16x512xf32, #tpu.memory_space<vmem>>
        %dma_wait3A_1089 = tpu.memref_squeeze %dma_wait3A_1088 : memref<1x16x512xf32, #tpu.memory_space<vmem>> -> memref<16x512xf32, #tpu.memory_space<vmem>>
        tpu.wait_dma2 semaphore(%dma_wait3A_1082 : memref<!tpu.dma_semaphore, #tpu.memory_space<semaphore_mem>>) src(%dma_wait3A_1089 : memref<16x512xf32, #tpu.memory_space<vmem>>) dst(%dma_wait3A_1085 : memref<16x512xf32, #tpu.memory_space<hbm>>)
      } else {
      }
      %parallel_loop3A_825 = arith.constant 0 : i32
      %parallel_loop3A_826 = arith.constant 512 : i32
      %parallel_loop3A_827 = arith.constant 16 : i32
      scf.for %parallel_loop3A_1028 = %parallel_loop3A_825 to %parallel_loop3A_826 step %parallel_loop3A_827  : i32 {
        %parallel_loop3A_1029 = arith.constant 2 : i32
        %parallel_loop3A_1030 = arith.index_cast %parallel_loop3A_1029 : i32 to index
        %parallel_loop3A_1031 = arith.index_cast %parallel_loop3A_1028 : i32 to index
        %parallel_loop3A_1032 = tpu.vector_load %arg6[%parallel_loop3A_1030, %parallel_loop3A_1031] {strides = array<i32>} : memref<4x512xi32, #tpu.memory_space<vmem>>, vector<16xi32>,
        %parallel_loop3A_1033 = arith.constant 0 : i32
        %parallel_loop3A_1034 = vector.broadcast %parallel_loop3A_1033 : i32 to vector<16xi32>
        %parallel_loop3A_1035 = arith.addi %parallel_loop3A_1032, %parallel_loop3A_1034 : vector<16xi32>
        %parallel_loop3A_1036 = tpu.vector_load_idx %arg5[%parallel_loop3A_1035] : memref<65536xf32, #tpu.memory_space<vmem>>[vector<16xi32>], vector<16xf32>,
        %parallel_loop3A_1037 = arith.constant 2 : i32
        %parallel_loop3A_1038 = arith.constant 0 : i32
        %parallel_loop3A_1039 = arith.index_cast %parallel_loop3A_1037 : i32 to index
        %parallel_loop3A_1040 = arith.index_cast %parallel_loop3A_1038 : i32 to index
        %parallel_loop3A_1041 = arith.index_cast %parallel_loop3A_1028 : i32 to index
        %parallel_loop3A_1042 = tpu.vector_load %arg7[%parallel_loop3A_1039, %parallel_loop3A_1040, %parallel_loop3A_1041] {strides = array<i32>} : memref<4x16x512xf32, #tpu.memory_space<vmem>>, vector<16xf32>,
        tpu.vector_store %arg7[%parallel_loop3A_1039, %parallel_loop3A_1040, %parallel_loop3A_1041], %parallel_loop3A_1036 {strides = array<i32>} : memref<4x16x512xf32, #tpu.memory_space<vmem>>, vector<16xf32>,
        %parallel_loop3A_1043 = arith.constant 4096 : i32
        %parallel_loop3A_1044 = vector.broadcast %parallel_loop3A_1043 : i32 to vector<16xi32>
        %parallel_loop3A_1045 = arith.addi %parallel_loop3A_1032, %parallel_loop3A_1044 : vector<16xi32>
        %parallel_loop3A_1046 = tpu.vector_load_idx %arg5[%parallel_loop3A_1045] : memref<65536xf32, #tpu.memory_space<vmem>>[vector<16xi32>], vector<16xf32>,
        %parallel_loop3A_1047 = arith.constant 2 : i32
        %parallel_loop3A_1048 = arith.constant 1 : i32
        %parallel_loop3A_1049 = arith.index_cast %parallel_loop3A_1047 : i32 to index
        %parallel_loop3A_1050 = arith.index_cast %parallel_loop3A_1048 : i32 to index
        %parallel_loop3A_1051 = arith.index_cast %parallel_loop3A_1028 : i32 to index
        %parallel_loop3A_1052 = tpu.vector_load %arg7[%parallel_loop3A_1049, %parallel_loop3A_1050, %parallel_loop3A_1051] {strides = array<i32>} : memref<4x16x512xf32, #tpu.memory_space<vmem>>, vector<16xf32>,
        tpu.vector_store %arg7[%parallel_loop3A_1049, %parallel_loop3A_1050, %parallel_loop3A_1051], %parallel_loop3A_1046 {strides = array<i32>} : memref<4x16x512xf32, #tpu.memory_space<vmem>>, vector<16xf32>,
        %parallel_loop3A_1053 = arith.constant 8192 : i32
        %parallel_loop3A_1054 = vector.broadcast %parallel_loop3A_1053 : i32 to vector<16xi32>
        %parallel_loop3A_1055 = arith.addi %parallel_loop3A_1032, %parallel_loop3A_1054 : vector<16xi32>
        %parallel_loop3A_1056 = tpu.vector_load_idx %arg5[%parallel_loop3A_1055] : memref<65536xf32, #tpu.memory_space<vmem>>[vector<16xi32>], vector<16xf32>,
        %parallel_loop3A_1057 = arith.constant 2 : i32
        %parallel_loop3A_1058 = arith.constant 2 : i32
        %parallel_loop3A_1059 = arith.index_cast %parallel_loop3A_1057 : i32 to index
        %parallel_loop3A_1060 = arith.index_cast %parallel_loop3A_1058 : i32 to index
        %parallel_loop3A_1061 = arith.index_cast %parallel_loop3A_1028 : i32 to index
        %parallel_loop3A_1062 = tpu.vector_load %arg7[%parallel_loop3A_1059, %parallel_loop3A_1060, %parallel_loop3A_1061] {strides = array<i32>} : memref<4x16x512xf32, #tpu.memory_space<vmem>>, vector<16xf32>,
        tpu.vector_store %arg7[%parallel_loop3A_1059, %parallel_loop3A_1060, %parallel_loop3A_1061], %parallel_loop3A_1056 {strides = array<i32>} : memref<4x16x512xf32, #tpu.memory_space<vmem>>, vector<16xf32>,
        %parallel_loop3A_1063 = arith.constant 12288 : i32
        %parallel_loop3A_1064 = vector.broadcast %parallel_loop3A_1063 : i32 to vector<16xi32>
        %parallel_loop3A_1065 = arith.addi %parallel_loop3A_1032, %parallel_loop3A_1064 : vector<16xi32>
        %parallel_loop3A_1066 = tpu.vector_load_idx %arg5[%parallel_loop3A_1065] : memref<65536xf32, #tpu.memory_space<vmem>>[vector<16xi32>], vector<16xf32>,
        %parallel_loop3A_1067 = arith.constant 2 : i32
        %parallel_loop3A_1068 = arith.constant 3 : i32
        %parallel_loop3A_1069 = arith.index_cast %parallel_loop3A_1067 : i32 to index
        %parallel_loop3A_1070 = arith.index_cast %parallel_loop3A_1068 : i32 to index
        %parallel_loop3A_1071 = arith.index_cast %parallel_loop3A_1028 : i32 to index
        %parallel_loop3A_1072 = tpu.vector_load %arg7[%parallel_loop3A_1069, %parallel_loop3A_1070, %parallel_loop3A_1071] {strides = array<i32>} : memref<4x16x512xf32, #tpu.memory_space<vmem>>, vector<16xf32>,
        tpu.vector_store %arg7[%parallel_loop3A_1069, %parallel_loop3A_1070, %parallel_loop3A_1071], %parallel_loop3A_1066 {strides = array<i32>} : memref<4x16x512xf32, #tpu.memory_space<vmem>>, vector<16xf32>,
        %parallel_loop3A_1073 = arith.constant 16384 : i32
        %parallel_loop3A_1074 = vector.broadcast %parallel_loop3A_1073 : i32 to vector<16xi32>
        %parallel_loop3A_1075 = arith.addi %parallel_loop3A_1032, %parallel_loop3A_1074 : vector<16xi32>
        %parallel_loop3A_1076 = tpu.vector_load_idx %arg5[%parallel_loop3A_1075] : memref<65536xf32, #tpu.memory_space<vmem>>[vector<16xi32>], vector<16xf32>,
        %parallel_loop3A_1077 = arith.constant 2 : i32
        %parallel_loop3A_1078 = arith.constant 4 : i32
        %parallel_loop3A_1079 = arith.index_cast %parallel_loop3A_1077 : i32 to index
        %parallel_loop3A_1080 = arith.index_cast %parallel_loop3A_1078 : i32 to index
        %parallel_loop3A_1081 = arith.index_cast %parallel_loop3A_1028 : i32 to index
        %parallel_loop3A_1082 = tpu.vector_load %arg7[%parallel_loop3A_1079, %parallel_loop3A_1080, %parallel_loop3A_1081] {strides = array<i32>} : memref<4x16x512xf32, #tpu.memory_space<vmem>>, vector<16xf32>,
        tpu.vector_store %arg7[%parallel_loop3A_1079, %parallel_loop3A_1080, %parallel_loop3A_1081], %parallel_loop3A_1076 {strides = array<i32>} : memref<4x16x512xf32, #tpu.memory_space<vmem>>, vector<16xf32>,
        %parallel_loop3A_1083 = arith.constant 20480 : i32
        %parallel_loop3A_1084 = vector.broadcast %parallel_loop3A_1083 : i32 to vector<16xi32>
        %parallel_loop3A_1085 = arith.addi %parallel_loop3A_1032, %parallel_loop3A_1084 : vector<16xi32>
        %parallel_loop3A_1086 = tpu.vector_load_idx %arg5[%parallel_loop3A_1085] : memref<65536xf32, #tpu.memory_space<vmem>>[vector<16xi32>], vector<16xf32>,
        %parallel_loop3A_1087 = arith.constant 2 : i32
        %parallel_loop3A_1088 = arith.constant 5 : i32
        %parallel_loop3A_1089 = arith.index_cast %parallel_loop3A_1087 : i32 to index
        %parallel_loop3A_1090 = arith.index_cast %parallel_loop3A_1088 : i32 to index
        %parallel_loop3A_1091 = arith.index_cast %parallel_loop3A_1028 : i32 to index
        %parallel_loop3A_1092 = tpu.vector_load %arg7[%parallel_loop3A_1089, %parallel_loop3A_1090, %parallel_loop3A_1091] {strides = array<i32>} : memref<4x16x512xf32, #tpu.memory_space<vmem>>, vector<16xf32>,
        tpu.vector_store %arg7[%parallel_loop3A_1089, %parallel_loop3A_1090, %parallel_loop3A_1091], %parallel_loop3A_1086 {strides = array<i32>} : memref<4x16x512xf32, #tpu.memory_space<vmem>>, vector<16xf32>,
        %parallel_loop3A_1093 = arith.constant 24576 : i32
        %parallel_loop3A_1094 = vector.broadcast %parallel_loop3A_1093 : i32 to vector<16xi32>
        %parallel_loop3A_1095 = arith.addi %parallel_loop3A_1032, %parallel_loop3A_1094 : vector<16xi32>
        %parallel_loop3A_1096 = tpu.vector_load_idx %arg5[%parallel_loop3A_1095] : memref<65536xf32, #tpu.memory_space<vmem>>[vector<16xi32>], vector<16xf32>,
        %parallel_loop3A_1097 = arith.constant 2 : i32
        %parallel_loop3A_1098 = arith.constant 6 : i32
        %parallel_loop3A_1099 = arith.index_cast %parallel_loop3A_1097 : i32 to index
        %parallel_loop3A_1100 = arith.index_cast %parallel_loop3A_1098 : i32 to index
        %parallel_loop3A_1101 = arith.index_cast %parallel_loop3A_1028 : i32 to index
        %parallel_loop3A_1102 = tpu.vector_load %arg7[%parallel_loop3A_1099, %parallel_loop3A_1100, %parallel_loop3A_1101] {strides = array<i32>} : memref<4x16x512xf32, #tpu.memory_space<vmem>>, vector<16xf32>,
        tpu.vector_store %arg7[%parallel_loop3A_1099, %parallel_loop3A_1100, %parallel_loop3A_1101], %parallel_loop3A_1096 {strides = array<i32>} : memref<4x16x512xf32, #tpu.memory_space<vmem>>, vector<16xf32>,
        %parallel_loop3A_1103 = arith.constant 28672 : i32
        %parallel_loop3A_1104 = vector.broadcast %parallel_loop3A_1103 : i32 to vector<16xi32>
        %parallel_loop3A_1105 = arith.addi %parallel_loop3A_1032, %parallel_loop3A_1104 : vector<16xi32>
        %parallel_loop3A_1106 = tpu.vector_load_idx %arg5[%parallel_loop3A_1105] : memref<65536xf32, #tpu.memory_space<vmem>>[vector<16xi32>], vector<16xf32>,
        %parallel_loop3A_1107 = arith.constant 2 : i32
        %parallel_loop3A_1108 = arith.constant 7 : i32
        %parallel_loop3A_1109 = arith.index_cast %parallel_loop3A_1107 : i32 to index
        %parallel_loop3A_1110 = arith.index_cast %parallel_loop3A_1108 : i32 to index
        %parallel_loop3A_1111 = arith.index_cast %parallel_loop3A_1028 : i32 to index
        %parallel_loop3A_1112 = tpu.vector_load %arg7[%parallel_loop3A_1109, %parallel_loop3A_1110, %parallel_loop3A_1111] {strides = array<i32>} : memref<4x16x512xf32, #tpu.memory_space<vmem>>, vector<16xf32>,
        tpu.vector_store %arg7[%parallel_loop3A_1109, %parallel_loop3A_1110, %parallel_loop3A_1111], %parallel_loop3A_1106 {strides = array<i32>} : memref<4x16x512xf32, #tpu.memory_space<vmem>>, vector<16xf32>,
        %parallel_loop3A_1113 = arith.constant 32768 : i32
        %parallel_loop3A_1114 = vector.broadcast %parallel_loop3A_1113 : i32 to vector<16xi32>
        %parallel_loop3A_1115 = arith.addi %parallel_loop3A_1032, %parallel_loop3A_1114 : vector<16xi32>
        %parallel_loop3A_1116 = tpu.vector_load_idx %arg5[%parallel_loop3A_1115] : memref<65536xf32, #tpu.memory_space<vmem>>[vector<16xi32>], vector<16xf32>,
        %parallel_loop3A_1117 = arith.constant 2 : i32
        %parallel_loop3A_1118 = arith.constant 8 : i32
        %parallel_loop3A_1119 = arith.index_cast %parallel_loop3A_1117 : i32 to index
        %parallel_loop3A_1120 = arith.index_cast %parallel_loop3A_1118 : i32 to index
        %parallel_loop3A_1121 = arith.index_cast %parallel_loop3A_1028 : i32 to index
        %parallel_loop3A_1122 = tpu.vector_load %arg7[%parallel_loop3A_1119, %parallel_loop3A_1120, %parallel_loop3A_1121] {strides = array<i32>} : memref<4x16x512xf32, #tpu.memory_space<vmem>>, vector<16xf32>,
        tpu.vector_store %arg7[%parallel_loop3A_1119, %parallel_loop3A_1120, %parallel_loop3A_1121], %parallel_loop3A_1116 {strides = array<i32>} : memref<4x16x512xf32, #tpu.memory_space<vmem>>, vector<16xf32>,
        %parallel_loop3A_1123 = arith.constant 36864 : i32
        %parallel_loop3A_1124 = vector.broadcast %parallel_loop3A_1123 : i32 to vector<16xi32>
        %parallel_loop3A_1125 = arith.addi %parallel_loop3A_1032, %parallel_loop3A_1124 : vector<16xi32>
        %parallel_loop3A_1126 = tpu.vector_load_idx %arg5[%parallel_loop3A_1125] : memref<65536xf32, #tpu.memory_space<vmem>>[vector<16xi32>], vector<16xf32>,
        %parallel_loop3A_1127 = arith.constant 2 : i32
        %parallel_loop3A_1128 = arith.constant 9 : i32
        %parallel_loop3A_1129 = arith.index_cast %parallel_loop3A_1127 : i32 to index
        %parallel_loop3A_1130 = arith.index_cast %parallel_loop3A_1128 : i32 to index
        %parallel_loop3A_1131 = arith.index_cast %parallel_loop3A_1028 : i32 to index
        %parallel_loop3A_1132 = tpu.vector_load %arg7[%parallel_loop3A_1129, %parallel_loop3A_1130, %parallel_loop3A_1131] {strides = array<i32>} : memref<4x16x512xf32, #tpu.memory_space<vmem>>, vector<16xf32>,
        tpu.vector_store %arg7[%parallel_loop3A_1129, %parallel_loop3A_1130, %parallel_loop3A_1131], %parallel_loop3A_1126 {strides = array<i32>} : memref<4x16x512xf32, #tpu.memory_space<vmem>>, vector<16xf32>,
        %parallel_loop3A_1133 = arith.constant 40960 : i32
        %parallel_loop3A_1134 = vector.broadcast %parallel_loop3A_1133 : i32 to vector<16xi32>
        %parallel_loop3A_1135 = arith.addi %parallel_loop3A_1032, %parallel_loop3A_1134 : vector<16xi32>
        %parallel_loop3A_1136 = tpu.vector_load_idx %arg5[%parallel_loop3A_1135] : memref<65536xf32, #tpu.memory_space<vmem>>[vector<16xi32>], vector<16xf32>,
        %parallel_loop3A_1137 = arith.constant 2 : i32
        %parallel_loop3A_1138 = arith.constant 10 : i32
        %parallel_loop3A_1139 = arith.index_cast %parallel_loop3A_1137 : i32 to index
        %parallel_loop3A_1140 = arith.index_cast %parallel_loop3A_1138 : i32 to index
        %parallel_loop3A_1141 = arith.index_cast %parallel_loop3A_1028 : i32 to index
        %parallel_loop3A_1142 = tpu.vector_load %arg7[%parallel_loop3A_1139, %parallel_loop3A_1140, %parallel_loop3A_1141] {strides = array<i32>} : memref<4x16x512xf32, #tpu.memory_space<vmem>>, vector<16xf32>,
        tpu.vector_store %arg7[%parallel_loop3A_1139, %parallel_loop3A_1140, %parallel_loop3A_1141], %parallel_loop3A_1136 {strides = array<i32>} : memref<4x16x512xf32, #tpu.memory_space<vmem>>, vector<16xf32>,
        %parallel_loop3A_1143 = arith.constant 45056 : i32
        %parallel_loop3A_1144 = vector.broadcast %parallel_loop3A_1143 : i32 to vector<16xi32>
        %parallel_loop3A_1145 = arith.addi %parallel_loop3A_1032, %parallel_loop3A_1144 : vector<16xi32>
        %parallel_loop3A_1146 = tpu.vector_load_idx %arg5[%parallel_loop3A_1145] : memref<65536xf32, #tpu.memory_space<vmem>>[vector<16xi32>], vector<16xf32>,
        %parallel_loop3A_1147 = arith.constant 2 : i32
        %parallel_loop3A_1148 = arith.constant 11 : i32
        %parallel_loop3A_1149 = arith.index_cast %parallel_loop3A_1147 : i32 to index
        %parallel_loop3A_1150 = arith.index_cast %parallel_loop3A_1148 : i32 to index
        %parallel_loop3A_1151 = arith.index_cast %parallel_loop3A_1028 : i32 to index
        %parallel_loop3A_1152 = tpu.vector_load %arg7[%parallel_loop3A_1149, %parallel_loop3A_1150, %parallel_loop3A_1151] {strides = array<i32>} : memref<4x16x512xf32, #tpu.memory_space<vmem>>, vector<16xf32>,
        tpu.vector_store %arg7[%parallel_loop3A_1149, %parallel_loop3A_1150, %parallel_loop3A_1151], %parallel_loop3A_1146 {strides = array<i32>} : memref<4x16x512xf32, #tpu.memory_space<vmem>>, vector<16xf32>,
        %parallel_loop3A_1153 = arith.constant 49152 : i32
        %parallel_loop3A_1154 = vector.broadcast %parallel_loop3A_1153 : i32 to vector<16xi32>
        %parallel_loop3A_1155 = arith.addi %parallel_loop3A_1032, %parallel_loop3A_1154 : vector<16xi32>
        %parallel_loop3A_1156 = tpu.vector_load_idx %arg5[%parallel_loop3A_1155] : memref<65536xf32, #tpu.memory_space<vmem>>[vector<16xi32>], vector<16xf32>,
        %parallel_loop3A_1157 = arith.constant 2 : i32
        %parallel_loop3A_1158 = arith.constant 12 : i32
        %parallel_loop3A_1159 = arith.index_cast %parallel_loop3A_1157 : i32 to index
        %parallel_loop3A_1160 = arith.index_cast %parallel_loop3A_1158 : i32 to index
        %parallel_loop3A_1161 = arith.index_cast %parallel_loop3A_1028 : i32 to index
        %parallel_loop3A_1162 = tpu.vector_load %arg7[%parallel_loop3A_1159, %parallel_loop3A_1160, %parallel_loop3A_1161] {strides = array<i32>} : memref<4x16x512xf32, #tpu.memory_space<vmem>>, vector<16xf32>,
        tpu.vector_store %arg7[%parallel_loop3A_1159, %parallel_loop3A_1160, %parallel_loop3A_1161], %parallel_loop3A_1156 {strides = array<i32>} : memref<4x16x512xf32, #tpu.memory_space<vmem>>, vector<16xf32>,
        %parallel_loop3A_1163 = arith.constant 53248 : i32
        %parallel_loop3A_1164 = vector.broadcast %parallel_loop3A_1163 : i32 to vector<16xi32>
        %parallel_loop3A_1165 = arith.addi %parallel_loop3A_1032, %parallel_loop3A_1164 : vector<16xi32>
        %parallel_loop3A_1166 = tpu.vector_load_idx %arg5[%parallel_loop3A_1165] : memref<65536xf32, #tpu.memory_space<vmem>>[vector<16xi32>], vector<16xf32>,
        %parallel_loop3A_1167 = arith.constant 2 : i32
        %parallel_loop3A_1168 = arith.constant 13 : i32
        %parallel_loop3A_1169 = arith.index_cast %parallel_loop3A_1167 : i32 to index
        %parallel_loop3A_1170 = arith.index_cast %parallel_loop3A_1168 : i32 to index
        %parallel_loop3A_1171 = arith.index_cast %parallel_loop3A_1028 : i32 to index
        %parallel_loop3A_1172 = tpu.vector_load %arg7[%parallel_loop3A_1169, %parallel_loop3A_1170, %parallel_loop3A_1171] {strides = array<i32>} : memref<4x16x512xf32, #tpu.memory_space<vmem>>, vector<16xf32>,
        tpu.vector_store %arg7[%parallel_loop3A_1169, %parallel_loop3A_1170, %parallel_loop3A_1171], %parallel_loop3A_1166 {strides = array<i32>} : memref<4x16x512xf32, #tpu.memory_space<vmem>>, vector<16xf32>,
        %parallel_loop3A_1173 = arith.constant 57344 : i32
        %parallel_loop3A_1174 = vector.broadcast %parallel_loop3A_1173 : i32 to vector<16xi32>
        %parallel_loop3A_1175 = arith.addi %parallel_loop3A_1032, %parallel_loop3A_1174 : vector<16xi32>
        %parallel_loop3A_1176 = tpu.vector_load_idx %arg5[%parallel_loop3A_1175] : memref<65536xf32, #tpu.memory_space<vmem>>[vector<16xi32>], vector<16xf32>,
        %parallel_loop3A_1177 = arith.constant 2 : i32
        %parallel_loop3A_1178 = arith.constant 14 : i32
        %parallel_loop3A_1179 = arith.index_cast %parallel_loop3A_1177 : i32 to index
        %parallel_loop3A_1180 = arith.index_cast %parallel_loop3A_1178 : i32 to index
        %parallel_loop3A_1181 = arith.index_cast %parallel_loop3A_1028 : i32 to index
        %parallel_loop3A_1182 = tpu.vector_load %arg7[%parallel_loop3A_1179, %parallel_loop3A_1180, %parallel_loop3A_1181] {strides = array<i32>} : memref<4x16x512xf32, #tpu.memory_space<vmem>>, vector<16xf32>,
        tpu.vector_store %arg7[%parallel_loop3A_1179, %parallel_loop3A_1180, %parallel_loop3A_1181], %parallel_loop3A_1176 {strides = array<i32>} : memref<4x16x512xf32, #tpu.memory_space<vmem>>, vector<16xf32>,
        %parallel_loop3A_1183 = arith.constant 61440 : i32
        %parallel_loop3A_1184 = vector.broadcast %parallel_loop3A_1183 : i32 to vector<16xi32>
        %parallel_loop3A_1185 = arith.addi %parallel_loop3A_1032, %parallel_loop3A_1184 : vector<16xi32>
        %parallel_loop3A_1186 = tpu.vector_load_idx %arg5[%parallel_loop3A_1185] : memref<65536xf32, #tpu.memory_space<vmem>>[vector<16xi32>], vector<16xf32>,
        %parallel_loop3A_1187 = arith.constant 2 : i32
        %parallel_loop3A_1188 = arith.constant 15 : i32
        %parallel_loop3A_1189 = arith.index_cast %parallel_loop3A_1187 : i32 to index
        %parallel_loop3A_1190 = arith.index_cast %parallel_loop3A_1188 : i32 to index
        %parallel_loop3A_1191 = arith.index_cast %parallel_loop3A_1028 : i32 to index
        %parallel_loop3A_1192 = tpu.vector_load %arg7[%parallel_loop3A_1189, %parallel_loop3A_1190, %parallel_loop3A_1191] {strides = array<i32>} : memref<4x16x512xf32, #tpu.memory_space<vmem>>, vector<16xf32>,
        tpu.vector_store %arg7[%parallel_loop3A_1189, %parallel_loop3A_1190, %parallel_loop3A_1191], %parallel_loop3A_1186 {strides = array<i32>} : memref<4x16x512xf32, #tpu.memory_space<vmem>>, vector<16xf32>,
      } {sc.loop_unroll_factor = 4 : i64, sc.parallel_access}
      %jit3A_828 = arith.constant 2 : i32
      %div3A_829 = arith.divsi %add3A_763, %jit3A_828 : i32
      %sign3A_830 = arith.constant 0 : i32
      %sign3A_831 = arith.cmpi sgt, %add3A_763, %sign3A_830 : i32
      %sign3A_832 = arith.extui %sign3A_831 : i1 to i32
      %sign3A_833 = arith.constant 0 : i32
      %sign3A_834 = arith.cmpi slt, %add3A_763, %sign3A_833 : i32
      %sign3A_835 = arith.extui %sign3A_834 : i1 to i32
      %sign3A_836 = arith.subi %sign3A_832, %sign3A_835 : i32
      %sign3A_837 = arith.constant 0 : i32
      %sign3A_838 = arith.cmpi sgt, %jit3A_828, %sign3A_837 : i32
      %sign3A_839 = arith.extui %sign3A_838 : i1 to i32
      %sign3A_840 = arith.constant 0 : i32
      %sign3A_841 = arith.cmpi slt, %jit3A_828, %sign3A_840 : i32
      %sign3A_842 = arith.extui %sign3A_841 : i1 to i32
      %sign3A_843 = arith.subi %sign3A_839, %sign3A_842 : i32
      %ne3A_844 = arith.cmpi ne, %sign3A_836, %sign3A_843 : i32
      %rem3A_845 = arith.remsi %add3A_763, %jit3A_828 : i32
      %ne3A_846 = arith.constant 0 : i32
      %ne3A_847 = arith.cmpi ne, %rem3A_845, %ne3A_846 : i32
      %and3A_848 = arith.andi %ne3A_844, %ne3A_847 : i1
      %sub3A_849 = arith.constant 1 : i32
      %sub3A_850 = arith.subi %div3A_829, %sub3A_849 : i32
      %select_n3A_851 = arith.select %and3A_848, %sub3A_850, %div3A_829 : i32
      %jit3A_852 = arith.constant 2 : i32
      %eq3A_853 = arith.constant 0 : i32
      %eq3A_854 = arith.cmpi eq, %jit3A_852, %eq3A_853 : i32
      %jit3A_855 = arith.constant 1 : i32
      %select_n3A_856 = arith.select %eq3A_854, %jit3A_855, %jit3A_852 : i32
      %rem3A_857 = arith.remsi %add3A_763, %select_n3A_856 : i32
      %ne3A_858 = arith.constant 0 : i32
      %ne3A_859 = arith.cmpi ne, %rem3A_857, %ne3A_858 : i32
      %lt3A_860 = arith.constant 0 : i32
      %lt3A_861 = arith.cmpi slt, %rem3A_857, %lt3A_860 : i32
      %lt3A_862 = arith.constant 0 : i32
      %lt3A_863 = arith.cmpi slt, %select_n3A_856, %lt3A_862 : i32
      %ne3A_864 = arith.xori %lt3A_861, %lt3A_863 : i1
      %and3A_865 = arith.andi %ne3A_864, %ne3A_859 : i1
      %add3A_866 = arith.addi %rem3A_857, %select_n3A_856 : i32
      %select_n3A_867 = arith.select %and3A_865, %add3A_866, %rem3A_857 : i32
      %mul3A_868 = arith.constant 512 : i32
      %mul3A_869 = arith.muli %select_n3A_867, %mul3A_868 : i32
      %dma_start3A_870 = arith.constant 2 : i32
      %dma_start3A_871 = arith.constant 2 : i32
      %dma_start3A_872 = arith.constant 0 : i32
      %dma_start3A_873 = arith.constant 0 : i32
      %dma_start3A_874 = tpu.memref_slice %arg7[%dma_start3A_870, %dma_start3A_872, %dma_start3A_873] : memref<4x16x512xf32, #tpu.memory_space<vmem>> -> memref<1x16x512xf32, #tpu.memory_space<vmem>>
      %dma_start3A_875 = tpu.memref_squeeze %dma_start3A_874 : memref<1x16x512xf32, #tpu.memory_space<vmem>> -> memref<16x512xf32, #tpu.memory_space<vmem>>
      %dma_start3A_876 = arith.constant 0 : i32
      %dma_start3A_877 = tpu.memref_slice %arg4[%dma_start3A_876, %select_n3A_851, %mul3A_869] : memref<16x1024x1024xf32, #tpu.memory_space<hbm>> -> memref<16x1x512xf32, #tpu.memory_space<hbm>>
      %dma_start3A_878 = tpu.memref_squeeze %dma_start3A_877 : memref<16x1x512xf32, #tpu.memory_space<hbm>> -> memref<16x512xf32, #tpu.memory_space<hbm>>
      %dma_start3A_879 = tpu.memref_slice %arg9[%dma_start3A_871] : memref<4x!tpu.dma_semaphore, #tpu.memory_space<semaphore_mem>> -> memref<1x!tpu.dma_semaphore, #tpu.memory_space<semaphore_mem>>
      %dma_start3A_880 = tpu.memref_squeeze %dma_start3A_879 : memref<1x!tpu.dma_semaphore, #tpu.memory_space<semaphore_mem>> -> memref<!tpu.dma_semaphore, #tpu.memory_space<semaphore_mem>>
      %dma_start3A_881 = arith.constant 0 : i32
      %dma_start3A_882 = tpu.memref_slice %arg4[%dma_start3A_881, %select_n3A_851, %mul3A_869] : memref<16x1024x1024xf32, #tpu.memory_space<hbm>> -> memref<16x1x512xf32, #tpu.memory_space<hbm>>
      %dma_start3A_883 = tpu.memref_squeeze %dma_start3A_882 : memref<16x1x512xf32, #tpu.memory_space<hbm>> -> memref<16x512xf32, #tpu.memory_space<hbm>>
      %dma_start3A_884 = arith.constant 0 : i32
      %dma_start3A_885 = arith.constant 0 : i32
      %dma_start3A_886 = tpu.memref_slice %arg7[%dma_start3A_870, %dma_start3A_884, %dma_start3A_885] : memref<4x16x512xf32, #tpu.memory_space<vmem>> -> memref<1x16x512xf32, #tpu.memory_space<vmem>>
      %dma_start3A_887 = tpu.memref_squeeze %dma_start3A_886 : memref<1x16x512xf32, #tpu.memory_space<vmem>> -> memref<16x512xf32, #tpu.memory_space<vmem>>
      tpu.enqueue_dma source(%dma_start3A_887 : memref<16x512xf32, #tpu.memory_space<vmem>>) target(%dma_start3A_883 : memref<16x512xf32, #tpu.memory_space<hbm>>) target_semaphore(%dma_start3A_880 : memref<!tpu.dma_semaphore, #tpu.memory_space<semaphore_mem>>)
      %lt3A_888 = arith.constant 60 : i32
      %lt3A_889 = arith.cmpi slt, %add3A_762, %lt3A_888 : i32
      %convert_element_type3A_890 = arith.extui %lt3A_889 : i1 to i32
      %cond3A_891 = arith.constant 0 : i32
      %cond3A_892 = arith.cmpi ne, %convert_element_type3A_890, %cond3A_891 : i32
      scf.if %cond3A_892 {
        %add3A_1028 = arith.constant 4 : i32
        %add3A_1029 = arith.addi %add3A_763, %add3A_1028 : i32
        %jit3A_1030 = arith.constant 2 : i32
        %div3A_1031 = arith.divsi %add3A_1029, %jit3A_1030 : i32
        %sign3A_1032 = arith.constant 0 : i32
        %sign3A_1033 = arith.cmpi sgt, %add3A_1029, %sign3A_1032 : i32
        %sign3A_1034 = arith.extui %sign3A_1033 : i1 to i32
        %sign3A_1035 = arith.constant 0 : i32
        %sign3A_1036 = arith.cmpi slt, %add3A_1029, %sign3A_1035 : i32
        %sign3A_1037 = arith.extui %sign3A_1036 : i1 to i32
        %sign3A_1038 = arith.subi %sign3A_1034, %sign3A_1037 : i32
        %sign3A_1039 = arith.constant 0 : i32
        %sign3A_1040 = arith.cmpi sgt, %jit3A_1030, %sign3A_1039 : i32
        %sign3A_1041 = arith.extui %sign3A_1040 : i1 to i32
        %sign3A_1042 = arith.constant 0 : i32
        %sign3A_1043 = arith.cmpi slt, %jit3A_1030, %sign3A_1042 : i32
        %sign3A_1044 = arith.extui %sign3A_1043 : i1 to i32
        %sign3A_1045 = arith.subi %sign3A_1041, %sign3A_1044 : i32
        %ne3A_1046 = arith.cmpi ne, %sign3A_1038, %sign3A_1045 : i32
        %rem3A_1047 = arith.remsi %add3A_1029, %jit3A_1030 : i32
        %ne3A_1048 = arith.constant 0 : i32
        %ne3A_1049 = arith.cmpi ne, %rem3A_1047, %ne3A_1048 : i32
        %and3A_1050 = arith.andi %ne3A_1046, %ne3A_1049 : i1
        %sub3A_1051 = arith.constant 1 : i32
        %sub3A_1052 = arith.subi %div3A_1031, %sub3A_1051 : i32
        %select_n3A_1053 = arith.select %and3A_1050, %sub3A_1052, %div3A_1031 : i32
        %jit3A_1054 = arith.constant 2 : i32
        %eq3A_1055 = arith.constant 0 : i32
        %eq3A_1056 = arith.cmpi eq, %jit3A_1054, %eq3A_1055 : i32
        %jit3A_1057 = arith.constant 1 : i32
        %select_n3A_1058 = arith.select %eq3A_1056, %jit3A_1057, %jit3A_1054 : i32
        %rem3A_1059 = arith.remsi %add3A_1029, %select_n3A_1058 : i32
        %ne3A_1060 = arith.constant 0 : i32
        %ne3A_1061 = arith.cmpi ne, %rem3A_1059, %ne3A_1060 : i32
        %lt3A_1062 = arith.constant 0 : i32
        %lt3A_1063 = arith.cmpi slt, %rem3A_1059, %lt3A_1062 : i32
        %lt3A_1064 = arith.constant 0 : i32
        %lt3A_1065 = arith.cmpi slt, %select_n3A_1058, %lt3A_1064 : i32
        %ne3A_1066 = arith.xori %lt3A_1063, %lt3A_1065 : i1
        %and3A_1067 = arith.andi %ne3A_1066, %ne3A_1061 : i1
        %add3A_1068 = arith.addi %rem3A_1059, %select_n3A_1058 : i32
        %select_n3A_1069 = arith.select %and3A_1067, %add3A_1068, %rem3A_1059 : i32
        %mul3A_1070 = arith.constant 512 : i32
        %mul3A_1071 = arith.muli %select_n3A_1069, %mul3A_1070 : i32
        %dma_start3A_1072 = arith.constant 2 : i32
        %dma_start3A_1073 = arith.constant 2 : i32
        %dma_start3A_1074 = arith.constant 0 : i32
        %dma_start3A_1075 = tpu.memref_slice %arg6[%dma_start3A_1072, %dma_start3A_1074] : memref<4x512xi32, #tpu.memory_space<vmem>> -> memref<1x512xi32, #tpu.memory_space<vmem>>
        %dma_start3A_1076 = tpu.memref_squeeze %dma_start3A_1075 : memref<1x512xi32, #tpu.memory_space<vmem>> -> memref<512xi32, #tpu.memory_space<vmem>>
        %dma_start3A_1077 = tpu.memref_slice %arg3[%select_n3A_1053, %mul3A_1071] : memref<1024x1024xi32, #tpu.memory_space<hbm>> -> memref<1x512xi32, #tpu.memory_space<hbm>>
        %dma_start3A_1078 = tpu.memref_squeeze %dma_start3A_1077 : memref<1x512xi32, #tpu.memory_space<hbm>> -> memref<512xi32, #tpu.memory_space<hbm>>
        %dma_start3A_1079 = tpu.memref_slice %arg8[%dma_start3A_1073] : memref<4x!tpu.dma_semaphore, #tpu.memory_space<semaphore_mem>> -> memref<1x!tpu.dma_semaphore, #tpu.memory_space<semaphore_mem>>
        %dma_start3A_1080 = tpu.memref_squeeze %dma_start3A_1079 : memref<1x!tpu.dma_semaphore, #tpu.memory_space<semaphore_mem>> -> memref<!tpu.dma_semaphore, #tpu.memory_space<semaphore_mem>>
        %dma_start3A_1081 = arith.constant 0 : i32
        %dma_start3A_1082 = tpu.memref_slice %arg6[%dma_start3A_1072, %dma_start3A_1081] : memref<4x512xi32, #tpu.memory_space<vmem>> -> memref<1x512xi32, #tpu.memory_space<vmem>>
        %dma_start3A_1083 = tpu.memref_squeeze %dma_start3A_1082 : memref<1x512xi32, #tpu.memory_space<vmem>> -> memref<512xi32, #tpu.memory_space<vmem>>
        %dma_start3A_1084 = tpu.memref_slice %arg3[%select_n3A_1053, %mul3A_1071] : memref<1024x1024xi32, #tpu.memory_space<hbm>> -> memref<1x512xi32, #tpu.memory_space<hbm>>
        %dma_start3A_1085 = tpu.memref_squeeze %dma_start3A_1084 : memref<1x512xi32, #tpu.memory_space<hbm>> -> memref<512xi32, #tpu.memory_space<hbm>>
        tpu.enqueue_dma source(%dma_start3A_1085 : memref<512xi32, #tpu.memory_space<hbm>>) target(%dma_start3A_1083 : memref<512xi32, #tpu.memory_space<vmem>>) target_semaphore(%dma_start3A_1080 : memref<!tpu.dma_semaphore, #tpu.memory_space<semaphore_mem>>)
      } else {
      }
      %mul3A_893 = arith.constant 4 : i32
      %mul3A_894 = arith.muli %scan3A_493, %mul3A_893 : i32
      %add3A_895 = arith.constant 3 : i32
      %add3A_896 = arith.addi %mul3A_894, %add3A_895 : i32
      %add3A_897 = arith.addi %mul3A_2, %add3A_896 : i32
      %jit3A_898 = arith.constant 2 : i32
      %div3A_899 = arith.divsi %add3A_897, %jit3A_898 : i32
      %sign3A_900 = arith.constant 0 : i32
      %sign3A_901 = arith.cmpi sgt, %add3A_897, %sign3A_900 : i32
      %sign3A_902 = arith.extui %sign3A_901 : i1 to i32
      %sign3A_903 = arith.constant 0 : i32
      %sign3A_904 = arith.cmpi slt, %add3A_897, %sign3A_903 : i32
      %sign3A_905 = arith.extui %sign3A_904 : i1 to i32
      %sign3A_906 = arith.subi %sign3A_902, %sign3A_905 : i32
      %sign3A_907 = arith.constant 0 : i32
      %sign3A_908 = arith.cmpi sgt, %jit3A_898, %sign3A_907 : i32
      %sign3A_909 = arith.extui %sign3A_908 : i1 to i32
      %sign3A_910 = arith.constant 0 : i32
      %sign3A_911 = arith.cmpi slt, %jit3A_898, %sign3A_910 : i32
      %sign3A_912 = arith.extui %sign3A_911 : i1 to i32
      %sign3A_913 = arith.subi %sign3A_909, %sign3A_912 : i32
      %ne3A_914 = arith.cmpi ne, %sign3A_906, %sign3A_913 : i32
      %rem3A_915 = arith.remsi %add3A_897, %jit3A_898 : i32
      %ne3A_916 = arith.constant 0 : i32
      %ne3A_917 = arith.cmpi ne, %rem3A_915, %ne3A_916 : i32
      %and3A_918 = arith.andi %ne3A_914, %ne3A_917 : i1
      %sub3A_919 = arith.constant 1 : i32
      %sub3A_920 = arith.subi %div3A_899, %sub3A_919 : i32
      %select_n3A_921 = arith.select %and3A_918, %sub3A_920, %div3A_899 : i32
      %jit3A_922 = arith.constant 2 : i32
      %eq3A_923 = arith.constant 0 : i32
      %eq3A_924 = arith.cmpi eq, %jit3A_922, %eq3A_923 : i32
      %jit3A_925 = arith.constant 1 : i32
      %select_n3A_926 = arith.select %eq3A_924, %jit3A_925, %jit3A_922 : i32
      %rem3A_927 = arith.remsi %add3A_897, %select_n3A_926 : i32
      %ne3A_928 = arith.constant 0 : i32
      %ne3A_929 = arith.cmpi ne, %rem3A_927, %ne3A_928 : i32
      %lt3A_930 = arith.constant 0 : i32
      %lt3A_931 = arith.cmpi slt, %rem3A_927, %lt3A_930 : i32
      %lt3A_932 = arith.constant 0 : i32
      %lt3A_933 = arith.cmpi slt, %select_n3A_926, %lt3A_932 : i32
      %ne3A_934 = arith.xori %lt3A_931, %lt3A_933 : i1
      %and3A_935 = arith.andi %ne3A_934, %ne3A_929 : i1
      %add3A_936 = arith.addi %rem3A_927, %select_n3A_926 : i32
      %select_n3A_937 = arith.select %and3A_935, %add3A_936, %rem3A_927 : i32
      %mul3A_938 = arith.constant 512 : i32
      %mul3A_939 = arith.muli %select_n3A_937, %mul3A_938 : i32
      %dma_wait3A_940 = arith.constant 3 : i32
      %dma_wait3A_941 = arith.constant 3 : i32
      %dma_wait3A_942 = arith.constant 0 : i32
      %dma_wait3A_943 = tpu.memref_slice %arg6[%dma_wait3A_940, %dma_wait3A_942] : memref<4x512xi32, #tpu.memory_space<vmem>> -> memref<1x512xi32, #tpu.memory_space<vmem>>
      %dma_wait3A_944 = tpu.memref_squeeze %dma_wait3A_943 : memref<1x512xi32, #tpu.memory_space<vmem>> -> memref<512xi32, #tpu.memory_space<vmem>>
      %dma_wait3A_945 = tpu.memref_slice %arg3[%select_n3A_921, %mul3A_939] : memref<1024x1024xi32, #tpu.memory_space<hbm>> -> memref<1x512xi32, #tpu.memory_space<hbm>>
      %dma_wait3A_946 = tpu.memref_squeeze %dma_wait3A_945 : memref<1x512xi32, #tpu.memory_space<hbm>> -> memref<512xi32, #tpu.memory_space<hbm>>
      %dma_wait3A_947 = tpu.memref_slice %arg8[%dma_wait3A_941] : memref<4x!tpu.dma_semaphore, #tpu.memory_space<semaphore_mem>> -> memref<1x!tpu.dma_semaphore, #tpu.memory_space<semaphore_mem>>
      %dma_wait3A_948 = tpu.memref_squeeze %dma_wait3A_947 : memref<1x!tpu.dma_semaphore, #tpu.memory_space<semaphore_mem>> -> memref<!tpu.dma_semaphore, #tpu.memory_space<semaphore_mem>>
      %dma_wait3A_949 = arith.constant 0 : i32
      %dma_wait3A_950 = tpu.memref_slice %arg6[%dma_wait3A_940, %dma_wait3A_949] : memref<4x512xi32, #tpu.memory_space<vmem>> -> memref<1x512xi32, #tpu.memory_space<vmem>>
      %dma_wait3A_951 = tpu.memref_squeeze %dma_wait3A_950 : memref<1x512xi32, #tpu.memory_space<vmem>> -> memref<512xi32, #tpu.memory_space<vmem>>
      %dma_wait3A_952 = tpu.memref_slice %arg3[%select_n3A_921, %mul3A_939] : memref<1024x1024xi32, #tpu.memory_space<hbm>> -> memref<1x512xi32, #tpu.memory_space<hbm>>
      %dma_wait3A_953 = tpu.memref_squeeze %dma_wait3A_952 : memref<1x512xi32, #tpu.memory_space<hbm>> -> memref<512xi32, #tpu.memory_space<hbm>>
      tpu.wait_dma2 semaphore(%dma_wait3A_948 : memref<!tpu.dma_semaphore, #tpu.memory_space<semaphore_mem>>) src(%dma_wait3A_953 : memref<512xi32, #tpu.memory_space<hbm>>) dst(%dma_wait3A_951 : memref<512xi32, #tpu.memory_space<vmem>>)
      %ge3A_954 = arith.constant 1 : i32
      %ge3A_955 = arith.cmpi sge, %scan3A_493, %ge3A_954 : i32
      %convert_element_type3A_956 = arith.extui %ge3A_955 : i1 to i32
      %cond3A_957 = arith.constant 0 : i32
      %cond3A_958 = arith.cmpi ne, %convert_element_type3A_956, %cond3A_957 : i32
      scf.if %cond3A_958 {
        %sub3A_1028 = arith.constant 4 : i32
        %sub3A_1029 = arith.subi %add3A_897, %sub3A_1028 : i32
        %jit3A_1030 = arith.constant 2 : i32
        %div3A_1031 = arith.divsi %sub3A_1029, %jit3A_1030 : i32
        %sign3A_1032 = arith.constant 0 : i32
        %sign3A_1033 = arith.cmpi sgt, %sub3A_1029, %sign3A_1032 : i32
        %sign3A_1034 = arith.extui %sign3A_1033 : i1 to i32
        %sign3A_1035 = arith.constant 0 : i32
        %sign3A_1036 = arith.cmpi slt, %sub3A_1029, %sign3A_1035 : i32
        %sign3A_1037 = arith.extui %sign3A_1036 : i1 to i32
        %sign3A_1038 = arith.subi %sign3A_1034, %sign3A_1037 : i32
        %sign3A_1039 = arith.constant 0 : i32
        %sign3A_1040 = arith.cmpi sgt, %jit3A_1030, %sign3A_1039 : i32
        %sign3A_1041 = arith.extui %sign3A_1040 : i1 to i32
        %sign3A_1042 = arith.constant 0 : i32
        %sign3A_1043 = arith.cmpi slt, %jit3A_1030, %sign3A_1042 : i32
        %sign3A_1044 = arith.extui %sign3A_1043 : i1 to i32
        %sign3A_1045 = arith.subi %sign3A_1041, %sign3A_1044 : i32
        %ne3A_1046 = arith.cmpi ne, %sign3A_1038, %sign3A_1045 : i32
        %rem3A_1047 = arith.remsi %sub3A_1029, %jit3A_1030 : i32
        %ne3A_1048 = arith.constant 0 : i32
        %ne3A_1049 = arith.cmpi ne, %rem3A_1047, %ne3A_1048 : i32
        %and3A_1050 = arith.andi %ne3A_1046, %ne3A_1049 : i1
        %sub3A_1051 = arith.constant 1 : i32
        %sub3A_1052 = arith.subi %div3A_1031, %sub3A_1051 : i32
        %select_n3A_1053 = arith.select %and3A_1050, %sub3A_1052, %div3A_1031 : i32
        %jit3A_1054 = arith.constant 2 : i32
        %eq3A_1055 = arith.constant 0 : i32
        %eq3A_1056 = arith.cmpi eq, %jit3A_1054, %eq3A_1055 : i32
        %jit3A_1057 = arith.constant 1 : i32
        %select_n3A_1058 = arith.select %eq3A_1056, %jit3A_1057, %jit3A_1054 : i32
        %rem3A_1059 = arith.remsi %sub3A_1029, %select_n3A_1058 : i32
        %ne3A_1060 = arith.constant 0 : i32
        %ne3A_1061 = arith.cmpi ne, %rem3A_1059, %ne3A_1060 : i32
        %lt3A_1062 = arith.constant 0 : i32
        %lt3A_1063 = arith.cmpi slt, %rem3A_1059, %lt3A_1062 : i32
        %lt3A_1064 = arith.constant 0 : i32
        %lt3A_1065 = arith.cmpi slt, %select_n3A_1058, %lt3A_1064 : i32
        %ne3A_1066 = arith.xori %lt3A_1063, %lt3A_1065 : i1
        %and3A_1067 = arith.andi %ne3A_1066, %ne3A_1061 : i1
        %add3A_1068 = arith.addi %rem3A_1059, %select_n3A_1058 : i32
        %select_n3A_1069 = arith.select %and3A_1067, %add3A_1068, %rem3A_1059 : i32
        %mul3A_1070 = arith.constant 512 : i32
        %mul3A_1071 = arith.muli %select_n3A_1069, %mul3A_1070 : i32
        %dma_wait3A_1072 = arith.constant 3 : i32
        %dma_wait3A_1073 = arith.constant 3 : i32
        %dma_wait3A_1074 = arith.constant 0 : i32
        %dma_wait3A_1075 = arith.constant 0 : i32
        %dma_wait3A_1076 = tpu.memref_slice %arg7[%dma_wait3A_1072, %dma_wait3A_1074, %dma_wait3A_1075] : memref<4x16x512xf32, #tpu.memory_space<vmem>> -> memref<1x16x512xf32, #tpu.memory_space<vmem>>
        %dma_wait3A_1077 = tpu.memref_squeeze %dma_wait3A_1076 : memref<1x16x512xf32, #tpu.memory_space<vmem>> -> memref<16x512xf32, #tpu.memory_space<vmem>>
        %dma_wait3A_1078 = arith.constant 0 : i32
        %dma_wait3A_1079 = tpu.memref_slice %arg4[%dma_wait3A_1078, %select_n3A_1053, %mul3A_1071] : memref<16x1024x1024xf32, #tpu.memory_space<hbm>> -> memref<16x1x512xf32, #tpu.memory_space<hbm>>
        %dma_wait3A_1080 = tpu.memref_squeeze %dma_wait3A_1079 : memref<16x1x512xf32, #tpu.memory_space<hbm>> -> memref<16x512xf32, #tpu.memory_space<hbm>>
        %dma_wait3A_1081 = tpu.memref_slice %arg9[%dma_wait3A_1073] : memref<4x!tpu.dma_semaphore, #tpu.memory_space<semaphore_mem>> -> memref<1x!tpu.dma_semaphore, #tpu.memory_space<semaphore_mem>>
        %dma_wait3A_1082 = tpu.memref_squeeze %dma_wait3A_1081 : memref<1x!tpu.dma_semaphore, #tpu.memory_space<semaphore_mem>> -> memref<!tpu.dma_semaphore, #tpu.memory_space<semaphore_mem>>
        %dma_wait3A_1083 = arith.constant 0 : i32
        %dma_wait3A_1084 = tpu.memref_slice %arg4[%dma_wait3A_1083, %select_n3A_1053, %mul3A_1071] : memref<16x1024x1024xf32, #tpu.memory_space<hbm>> -> memref<16x1x512xf32, #tpu.memory_space<hbm>>
        %dma_wait3A_1085 = tpu.memref_squeeze %dma_wait3A_1084 : memref<16x1x512xf32, #tpu.memory_space<hbm>> -> memref<16x512xf32, #tpu.memory_space<hbm>>
        %dma_wait3A_1086 = arith.constant 0 : i32
        %dma_wait3A_1087 = arith.constant 0 : i32
        %dma_wait3A_1088 = tpu.memref_slice %arg7[%dma_wait3A_1072, %dma_wait3A_1086, %dma_wait3A_1087] : memref<4x16x512xf32, #tpu.memory_space<vmem>> -> memref<1x16x512xf32, #tpu.memory_space<vmem>>
        %dma_wait3A_1089 = tpu.memref_squeeze %dma_wait3A_1088 : memref<1x16x512xf32, #tpu.memory_space<vmem>> -> memref<16x512xf32, #tpu.memory_space<vmem>>
        tpu.wait_dma2 semaphore(%dma_wait3A_1082 : memref<!tpu.dma_semaphore, #tpu.memory_space<semaphore_mem>>) src(%dma_wait3A_1089 : memref<16x512xf32, #tpu.memory_space<vmem>>) dst(%dma_wait3A_1085 : memref<16x512xf32, #tpu.memory_space<hbm>>)
      } else {
      }
      %parallel_loop3A_959 = arith.constant 0 : i32
      %parallel_loop3A_960 = arith.constant 512 : i32
      %parallel_loop3A_961 = arith.constant 16 : i32
      scf.for %parallel_loop3A_1028 = %parallel_loop3A_959 to %parallel_loop3A_960 step %parallel_loop3A_961  : i32 {
        %parallel_loop3A_1029 = arith.constant 3 : i32
        %parallel_loop3A_1030 = arith.index_cast %parallel_loop3A_1029 : i32 to index
        %parallel_loop3A_1031 = arith.index_cast %parallel_loop3A_1028 : i32 to index
        %parallel_loop3A_1032 = tpu.vector_load %arg6[%parallel_loop3A_1030, %parallel_loop3A_1031] {strides = array<i32>} : memref<4x512xi32, #tpu.memory_space<vmem>>, vector<16xi32>,
        %parallel_loop3A_1033 = arith.constant 0 : i32
        %parallel_loop3A_1034 = vector.broadcast %parallel_loop3A_1033 : i32 to vector<16xi32>
        %parallel_loop3A_1035 = arith.addi %parallel_loop3A_1032, %parallel_loop3A_1034 : vector<16xi32>
        %parallel_loop3A_1036 = tpu.vector_load_idx %arg5[%parallel_loop3A_1035] : memref<65536xf32, #tpu.memory_space<vmem>>[vector<16xi32>], vector<16xf32>,
        %parallel_loop3A_1037 = arith.constant 3 : i32
        %parallel_loop3A_1038 = arith.constant 0 : i32
        %parallel_loop3A_1039 = arith.index_cast %parallel_loop3A_1037 : i32 to index
        %parallel_loop3A_1040 = arith.index_cast %parallel_loop3A_1038 : i32 to index
        %parallel_loop3A_1041 = arith.index_cast %parallel_loop3A_1028 : i32 to index
        %parallel_loop3A_1042 = tpu.vector_load %arg7[%parallel_loop3A_1039, %parallel_loop3A_1040, %parallel_loop3A_1041] {strides = array<i32>} : memref<4x16x512xf32, #tpu.memory_space<vmem>>, vector<16xf32>,
        tpu.vector_store %arg7[%parallel_loop3A_1039, %parallel_loop3A_1040, %parallel_loop3A_1041], %parallel_loop3A_1036 {strides = array<i32>} : memref<4x16x512xf32, #tpu.memory_space<vmem>>, vector<16xf32>,
        %parallel_loop3A_1043 = arith.constant 4096 : i32
        %parallel_loop3A_1044 = vector.broadcast %parallel_loop3A_1043 : i32 to vector<16xi32>
        %parallel_loop3A_1045 = arith.addi %parallel_loop3A_1032, %parallel_loop3A_1044 : vector<16xi32>
        %parallel_loop3A_1046 = tpu.vector_load_idx %arg5[%parallel_loop3A_1045] : memref<65536xf32, #tpu.memory_space<vmem>>[vector<16xi32>], vector<16xf32>,
        %parallel_loop3A_1047 = arith.constant 3 : i32
        %parallel_loop3A_1048 = arith.constant 1 : i32
        %parallel_loop3A_1049 = arith.index_cast %parallel_loop3A_1047 : i32 to index
        %parallel_loop3A_1050 = arith.index_cast %parallel_loop3A_1048 : i32 to index
        %parallel_loop3A_1051 = arith.index_cast %parallel_loop3A_1028 : i32 to index
        %parallel_loop3A_1052 = tpu.vector_load %arg7[%parallel_loop3A_1049, %parallel_loop3A_1050, %parallel_loop3A_1051] {strides = array<i32>} : memref<4x16x512xf32, #tpu.memory_space<vmem>>, vector<16xf32>,
        tpu.vector_store %arg7[%parallel_loop3A_1049, %parallel_loop3A_1050, %parallel_loop3A_1051], %parallel_loop3A_1046 {strides = array<i32>} : memref<4x16x512xf32, #tpu.memory_space<vmem>>, vector<16xf32>,
        %parallel_loop3A_1053 = arith.constant 8192 : i32
        %parallel_loop3A_1054 = vector.broadcast %parallel_loop3A_1053 : i32 to vector<16xi32>
        %parallel_loop3A_1055 = arith.addi %parallel_loop3A_1032, %parallel_loop3A_1054 : vector<16xi32>
        %parallel_loop3A_1056 = tpu.vector_load_idx %arg5[%parallel_loop3A_1055] : memref<65536xf32, #tpu.memory_space<vmem>>[vector<16xi32>], vector<16xf32>,
        %parallel_loop3A_1057 = arith.constant 3 : i32
        %parallel_loop3A_1058 = arith.constant 2 : i32
        %parallel_loop3A_1059 = arith.index_cast %parallel_loop3A_1057 : i32 to index
        %parallel_loop3A_1060 = arith.index_cast %parallel_loop3A_1058 : i32 to index
        %parallel_loop3A_1061 = arith.index_cast %parallel_loop3A_1028 : i32 to index
        %parallel_loop3A_1062 = tpu.vector_load %arg7[%parallel_loop3A_1059, %parallel_loop3A_1060, %parallel_loop3A_1061] {strides = array<i32>} : memref<4x16x512xf32, #tpu.memory_space<vmem>>, vector<16xf32>,
        tpu.vector_store %arg7[%parallel_loop3A_1059, %parallel_loop3A_1060, %parallel_loop3A_1061], %parallel_loop3A_1056 {strides = array<i32>} : memref<4x16x512xf32, #tpu.memory_space<vmem>>, vector<16xf32>,
        %parallel_loop3A_1063 = arith.constant 12288 : i32
        %parallel_loop3A_1064 = vector.broadcast %parallel_loop3A_1063 : i32 to vector<16xi32>
        %parallel_loop3A_1065 = arith.addi %parallel_loop3A_1032, %parallel_loop3A_1064 : vector<16xi32>
        %parallel_loop3A_1066 = tpu.vector_load_idx %arg5[%parallel_loop3A_1065] : memref<65536xf32, #tpu.memory_space<vmem>>[vector<16xi32>], vector<16xf32>,
        %parallel_loop3A_1067 = arith.constant 3 : i32
        %parallel_loop3A_1068 = arith.constant 3 : i32
        %parallel_loop3A_1069 = arith.index_cast %parallel_loop3A_1067 : i32 to index
        %parallel_loop3A_1070 = arith.index_cast %parallel_loop3A_1068 : i32 to index
        %parallel_loop3A_1071 = arith.index_cast %parallel_loop3A_1028 : i32 to index
        %parallel_loop3A_1072 = tpu.vector_load %arg7[%parallel_loop3A_1069, %parallel_loop3A_1070, %parallel_loop3A_1071] {strides = array<i32>} : memref<4x16x512xf32, #tpu.memory_space<vmem>>, vector<16xf32>,
        tpu.vector_store %arg7[%parallel_loop3A_1069, %parallel_loop3A_1070, %parallel_loop3A_1071], %parallel_loop3A_1066 {strides = array<i32>} : memref<4x16x512xf32, #tpu.memory_space<vmem>>, vector<16xf32>,
        %parallel_loop3A_1073 = arith.constant 16384 : i32
        %parallel_loop3A_1074 = vector.broadcast %parallel_loop3A_1073 : i32 to vector<16xi32>
        %parallel_loop3A_1075 = arith.addi %parallel_loop3A_1032, %parallel_loop3A_1074 : vector<16xi32>
        %parallel_loop3A_1076 = tpu.vector_load_idx %arg5[%parallel_loop3A_1075] : memref<65536xf32, #tpu.memory_space<vmem>>[vector<16xi32>], vector<16xf32>,
        %parallel_loop3A_1077 = arith.constant 3 : i32
        %parallel_loop3A_1078 = arith.constant 4 : i32
        %parallel_loop3A_1079 = arith.index_cast %parallel_loop3A_1077 : i32 to index
        %parallel_loop3A_1080 = arith.index_cast %parallel_loop3A_1078 : i32 to index
        %parallel_loop3A_1081 = arith.index_cast %parallel_loop3A_1028 : i32 to index
        %parallel_loop3A_1082 = tpu.vector_load %arg7[%parallel_loop3A_1079, %parallel_loop3A_1080, %parallel_loop3A_1081] {strides = array<i32>} : memref<4x16x512xf32, #tpu.memory_space<vmem>>, vector<16xf32>,
        tpu.vector_store %arg7[%parallel_loop3A_1079, %parallel_loop3A_1080, %parallel_loop3A_1081], %parallel_loop3A_1076 {strides = array<i32>} : memref<4x16x512xf32, #tpu.memory_space<vmem>>, vector<16xf32>,
        %parallel_loop3A_1083 = arith.constant 20480 : i32
        %parallel_loop3A_1084 = vector.broadcast %parallel_loop3A_1083 : i32 to vector<16xi32>
        %parallel_loop3A_1085 = arith.addi %parallel_loop3A_1032, %parallel_loop3A_1084 : vector<16xi32>
        %parallel_loop3A_1086 = tpu.vector_load_idx %arg5[%parallel_loop3A_1085] : memref<65536xf32, #tpu.memory_space<vmem>>[vector<16xi32>], vector<16xf32>,
        %parallel_loop3A_1087 = arith.constant 3 : i32
        %parallel_loop3A_1088 = arith.constant 5 : i32
        %parallel_loop3A_1089 = arith.index_cast %parallel_loop3A_1087 : i32 to index
        %parallel_loop3A_1090 = arith.index_cast %parallel_loop3A_1088 : i32 to index
        %parallel_loop3A_1091 = arith.index_cast %parallel_loop3A_1028 : i32 to index
        %parallel_loop3A_1092 = tpu.vector_load %arg7[%parallel_loop3A_1089, %parallel_loop3A_1090, %parallel_loop3A_1091] {strides = array<i32>} : memref<4x16x512xf32, #tpu.memory_space<vmem>>, vector<16xf32>,
        tpu.vector_store %arg7[%parallel_loop3A_1089, %parallel_loop3A_1090, %parallel_loop3A_1091], %parallel_loop3A_1086 {strides = array<i32>} : memref<4x16x512xf32, #tpu.memory_space<vmem>>, vector<16xf32>,
        %parallel_loop3A_1093 = arith.constant 24576 : i32
        %parallel_loop3A_1094 = vector.broadcast %parallel_loop3A_1093 : i32 to vector<16xi32>
        %parallel_loop3A_1095 = arith.addi %parallel_loop3A_1032, %parallel_loop3A_1094 : vector<16xi32>
        %parallel_loop3A_1096 = tpu.vector_load_idx %arg5[%parallel_loop3A_1095] : memref<65536xf32, #tpu.memory_space<vmem>>[vector<16xi32>], vector<16xf32>,
        %parallel_loop3A_1097 = arith.constant 3 : i32
        %parallel_loop3A_1098 = arith.constant 6 : i32
        %parallel_loop3A_1099 = arith.index_cast %parallel_loop3A_1097 : i32 to index
        %parallel_loop3A_1100 = arith.index_cast %parallel_loop3A_1098 : i32 to index
        %parallel_loop3A_1101 = arith.index_cast %parallel_loop3A_1028 : i32 to index
        %parallel_loop3A_1102 = tpu.vector_load %arg7[%parallel_loop3A_1099, %parallel_loop3A_1100, %parallel_loop3A_1101] {strides = array<i32>} : memref<4x16x512xf32, #tpu.memory_space<vmem>>, vector<16xf32>,
        tpu.vector_store %arg7[%parallel_loop3A_1099, %parallel_loop3A_1100, %parallel_loop3A_1101], %parallel_loop3A_1096 {strides = array<i32>} : memref<4x16x512xf32, #tpu.memory_space<vmem>>, vector<16xf32>,
        %parallel_loop3A_1103 = arith.constant 28672 : i32
        %parallel_loop3A_1104 = vector.broadcast %parallel_loop3A_1103 : i32 to vector<16xi32>
        %parallel_loop3A_1105 = arith.addi %parallel_loop3A_1032, %parallel_loop3A_1104 : vector<16xi32>
        %parallel_loop3A_1106 = tpu.vector_load_idx %arg5[%parallel_loop3A_1105] : memref<65536xf32, #tpu.memory_space<vmem>>[vector<16xi32>], vector<16xf32>,
        %parallel_loop3A_1107 = arith.constant 3 : i32
        %parallel_loop3A_1108 = arith.constant 7 : i32
        %parallel_loop3A_1109 = arith.index_cast %parallel_loop3A_1107 : i32 to index
        %parallel_loop3A_1110 = arith.index_cast %parallel_loop3A_1108 : i32 to index
        %parallel_loop3A_1111 = arith.index_cast %parallel_loop3A_1028 : i32 to index
        %parallel_loop3A_1112 = tpu.vector_load %arg7[%parallel_loop3A_1109, %parallel_loop3A_1110, %parallel_loop3A_1111] {strides = array<i32>} : memref<4x16x512xf32, #tpu.memory_space<vmem>>, vector<16xf32>,
        tpu.vector_store %arg7[%parallel_loop3A_1109, %parallel_loop3A_1110, %parallel_loop3A_1111], %parallel_loop3A_1106 {strides = array<i32>} : memref<4x16x512xf32, #tpu.memory_space<vmem>>, vector<16xf32>,
        %parallel_loop3A_1113 = arith.constant 32768 : i32
        %parallel_loop3A_1114 = vector.broadcast %parallel_loop3A_1113 : i32 to vector<16xi32>
        %parallel_loop3A_1115 = arith.addi %parallel_loop3A_1032, %parallel_loop3A_1114 : vector<16xi32>
        %parallel_loop3A_1116 = tpu.vector_load_idx %arg5[%parallel_loop3A_1115] : memref<65536xf32, #tpu.memory_space<vmem>>[vector<16xi32>], vector<16xf32>,
        %parallel_loop3A_1117 = arith.constant 3 : i32
        %parallel_loop3A_1118 = arith.constant 8 : i32
        %parallel_loop3A_1119 = arith.index_cast %parallel_loop3A_1117 : i32 to index
        %parallel_loop3A_1120 = arith.index_cast %parallel_loop3A_1118 : i32 to index
        %parallel_loop3A_1121 = arith.index_cast %parallel_loop3A_1028 : i32 to index
        %parallel_loop3A_1122 = tpu.vector_load %arg7[%parallel_loop3A_1119, %parallel_loop3A_1120, %parallel_loop3A_1121] {strides = array<i32>} : memref<4x16x512xf32, #tpu.memory_space<vmem>>, vector<16xf32>,
        tpu.vector_store %arg7[%parallel_loop3A_1119, %parallel_loop3A_1120, %parallel_loop3A_1121], %parallel_loop3A_1116 {strides = array<i32>} : memref<4x16x512xf32, #tpu.memory_space<vmem>>, vector<16xf32>,
        %parallel_loop3A_1123 = arith.constant 36864 : i32
        %parallel_loop3A_1124 = vector.broadcast %parallel_loop3A_1123 : i32 to vector<16xi32>
        %parallel_loop3A_1125 = arith.addi %parallel_loop3A_1032, %parallel_loop3A_1124 : vector<16xi32>
        %parallel_loop3A_1126 = tpu.vector_load_idx %arg5[%parallel_loop3A_1125] : memref<65536xf32, #tpu.memory_space<vmem>>[vector<16xi32>], vector<16xf32>,
        %parallel_loop3A_1127 = arith.constant 3 : i32
        %parallel_loop3A_1128 = arith.constant 9 : i32
        %parallel_loop3A_1129 = arith.index_cast %parallel_loop3A_1127 : i32 to index
        %parallel_loop3A_1130 = arith.index_cast %parallel_loop3A_1128 : i32 to index
        %parallel_loop3A_1131 = arith.index_cast %parallel_loop3A_1028 : i32 to index
        %parallel_loop3A_1132 = tpu.vector_load %arg7[%parallel_loop3A_1129, %parallel_loop3A_1130, %parallel_loop3A_1131] {strides = array<i32>} : memref<4x16x512xf32, #tpu.memory_space<vmem>>, vector<16xf32>,
        tpu.vector_store %arg7[%parallel_loop3A_1129, %parallel_loop3A_1130, %parallel_loop3A_1131], %parallel_loop3A_1126 {strides = array<i32>} : memref<4x16x512xf32, #tpu.memory_space<vmem>>, vector<16xf32>,
        %parallel_loop3A_1133 = arith.constant 40960 : i32
        %parallel_loop3A_1134 = vector.broadcast %parallel_loop3A_1133 : i32 to vector<16xi32>
        %parallel_loop3A_1135 = arith.addi %parallel_loop3A_1032, %parallel_loop3A_1134 : vector<16xi32>
        %parallel_loop3A_1136 = tpu.vector_load_idx %arg5[%parallel_loop3A_1135] : memref<65536xf32, #tpu.memory_space<vmem>>[vector<16xi32>], vector<16xf32>,
        %parallel_loop3A_1137 = arith.constant 3 : i32
        %parallel_loop3A_1138 = arith.constant 10 : i32
        %parallel_loop3A_1139 = arith.index_cast %parallel_loop3A_1137 : i32 to index
        %parallel_loop3A_1140 = arith.index_cast %parallel_loop3A_1138 : i32 to index
        %parallel_loop3A_1141 = arith.index_cast %parallel_loop3A_1028 : i32 to index
        %parallel_loop3A_1142 = tpu.vector_load %arg7[%parallel_loop3A_1139, %parallel_loop3A_1140, %parallel_loop3A_1141] {strides = array<i32>} : memref<4x16x512xf32, #tpu.memory_space<vmem>>, vector<16xf32>,
        tpu.vector_store %arg7[%parallel_loop3A_1139, %parallel_loop3A_1140, %parallel_loop3A_1141], %parallel_loop3A_1136 {strides = array<i32>} : memref<4x16x512xf32, #tpu.memory_space<vmem>>, vector<16xf32>,
        %parallel_loop3A_1143 = arith.constant 45056 : i32
        %parallel_loop3A_1144 = vector.broadcast %parallel_loop3A_1143 : i32 to vector<16xi32>
        %parallel_loop3A_1145 = arith.addi %parallel_loop3A_1032, %parallel_loop3A_1144 : vector<16xi32>
        %parallel_loop3A_1146 = tpu.vector_load_idx %arg5[%parallel_loop3A_1145] : memref<65536xf32, #tpu.memory_space<vmem>>[vector<16xi32>], vector<16xf32>,
        %parallel_loop3A_1147 = arith.constant 3 : i32
        %parallel_loop3A_1148 = arith.constant 11 : i32
        %parallel_loop3A_1149 = arith.index_cast %parallel_loop3A_1147 : i32 to index
        %parallel_loop3A_1150 = arith.index_cast %parallel_loop3A_1148 : i32 to index
        %parallel_loop3A_1151 = arith.index_cast %parallel_loop3A_1028 : i32 to index
        %parallel_loop3A_1152 = tpu.vector_load %arg7[%parallel_loop3A_1149, %parallel_loop3A_1150, %parallel_loop3A_1151] {strides = array<i32>} : memref<4x16x512xf32, #tpu.memory_space<vmem>>, vector<16xf32>,
        tpu.vector_store %arg7[%parallel_loop3A_1149, %parallel_loop3A_1150, %parallel_loop3A_1151], %parallel_loop3A_1146 {strides = array<i32>} : memref<4x16x512xf32, #tpu.memory_space<vmem>>, vector<16xf32>,
        %parallel_loop3A_1153 = arith.constant 49152 : i32
        %parallel_loop3A_1154 = vector.broadcast %parallel_loop3A_1153 : i32 to vector<16xi32>
        %parallel_loop3A_1155 = arith.addi %parallel_loop3A_1032, %parallel_loop3A_1154 : vector<16xi32>
        %parallel_loop3A_1156 = tpu.vector_load_idx %arg5[%parallel_loop3A_1155] : memref<65536xf32, #tpu.memory_space<vmem>>[vector<16xi32>], vector<16xf32>,
        %parallel_loop3A_1157 = arith.constant 3 : i32
        %parallel_loop3A_1158 = arith.constant 12 : i32
        %parallel_loop3A_1159 = arith.index_cast %parallel_loop3A_1157 : i32 to index
        %parallel_loop3A_1160 = arith.index_cast %parallel_loop3A_1158 : i32 to index
        %parallel_loop3A_1161 = arith.index_cast %parallel_loop3A_1028 : i32 to index
        %parallel_loop3A_1162 = tpu.vector_load %arg7[%parallel_loop3A_1159, %parallel_loop3A_1160, %parallel_loop3A_1161] {strides = array<i32>} : memref<4x16x512xf32, #tpu.memory_space<vmem>>, vector<16xf32>,
        tpu.vector_store %arg7[%parallel_loop3A_1159, %parallel_loop3A_1160, %parallel_loop3A_1161], %parallel_loop3A_1156 {strides = array<i32>} : memref<4x16x512xf32, #tpu.memory_space<vmem>>, vector<16xf32>,
        %parallel_loop3A_1163 = arith.constant 53248 : i32
        %parallel_loop3A_1164 = vector.broadcast %parallel_loop3A_1163 : i32 to vector<16xi32>
        %parallel_loop3A_1165 = arith.addi %parallel_loop3A_1032, %parallel_loop3A_1164 : vector<16xi32>
        %parallel_loop3A_1166 = tpu.vector_load_idx %arg5[%parallel_loop3A_1165] : memref<65536xf32, #tpu.memory_space<vmem>>[vector<16xi32>], vector<16xf32>,
        %parallel_loop3A_1167 = arith.constant 3 : i32
        %parallel_loop3A_1168 = arith.constant 13 : i32
        %parallel_loop3A_1169 = arith.index_cast %parallel_loop3A_1167 : i32 to index
        %parallel_loop3A_1170 = arith.index_cast %parallel_loop3A_1168 : i32 to index
        %parallel_loop3A_1171 = arith.index_cast %parallel_loop3A_1028 : i32 to index
        %parallel_loop3A_1172 = tpu.vector_load %arg7[%parallel_loop3A_1169, %parallel_loop3A_1170, %parallel_loop3A_1171] {strides = array<i32>} : memref<4x16x512xf32, #tpu.memory_space<vmem>>, vector<16xf32>,
        tpu.vector_store %arg7[%parallel_loop3A_1169, %parallel_loop3A_1170, %parallel_loop3A_1171], %parallel_loop3A_1166 {strides = array<i32>} : memref<4x16x512xf32, #tpu.memory_space<vmem>>, vector<16xf32>,
        %parallel_loop3A_1173 = arith.constant 57344 : i32
        %parallel_loop3A_1174 = vector.broadcast %parallel_loop3A_1173 : i32 to vector<16xi32>
        %parallel_loop3A_1175 = arith.addi %parallel_loop3A_1032, %parallel_loop3A_1174 : vector<16xi32>
        %parallel_loop3A_1176 = tpu.vector_load_idx %arg5[%parallel_loop3A_1175] : memref<65536xf32, #tpu.memory_space<vmem>>[vector<16xi32>], vector<16xf32>,
        %parallel_loop3A_1177 = arith.constant 3 : i32
        %parallel_loop3A_1178 = arith.constant 14 : i32
        %parallel_loop3A_1179 = arith.index_cast %parallel_loop3A_1177 : i32 to index
        %parallel_loop3A_1180 = arith.index_cast %parallel_loop3A_1178 : i32 to index
        %parallel_loop3A_1181 = arith.index_cast %parallel_loop3A_1028 : i32 to index
        %parallel_loop3A_1182 = tpu.vector_load %arg7[%parallel_loop3A_1179, %parallel_loop3A_1180, %parallel_loop3A_1181] {strides = array<i32>} : memref<4x16x512xf32, #tpu.memory_space<vmem>>, vector<16xf32>,
        tpu.vector_store %arg7[%parallel_loop3A_1179, %parallel_loop3A_1180, %parallel_loop3A_1181], %parallel_loop3A_1176 {strides = array<i32>} : memref<4x16x512xf32, #tpu.memory_space<vmem>>, vector<16xf32>,
        %parallel_loop3A_1183 = arith.constant 61440 : i32
        %parallel_loop3A_1184 = vector.broadcast %parallel_loop3A_1183 : i32 to vector<16xi32>
        %parallel_loop3A_1185 = arith.addi %parallel_loop3A_1032, %parallel_loop3A_1184 : vector<16xi32>
        %parallel_loop3A_1186 = tpu.vector_load_idx %arg5[%parallel_loop3A_1185] : memref<65536xf32, #tpu.memory_space<vmem>>[vector<16xi32>], vector<16xf32>,
        %parallel_loop3A_1187 = arith.constant 3 : i32
        %parallel_loop3A_1188 = arith.constant 15 : i32
        %parallel_loop3A_1189 = arith.index_cast %parallel_loop3A_1187 : i32 to index
        %parallel_loop3A_1190 = arith.index_cast %parallel_loop3A_1188 : i32 to index
        %parallel_loop3A_1191 = arith.index_cast %parallel_loop3A_1028 : i32 to index
        %parallel_loop3A_1192 = tpu.vector_load %arg7[%parallel_loop3A_1189, %parallel_loop3A_1190, %parallel_loop3A_1191] {strides = array<i32>} : memref<4x16x512xf32, #tpu.memory_space<vmem>>, vector<16xf32>,
        tpu.vector_store %arg7[%parallel_loop3A_1189, %parallel_loop3A_1190, %parallel_loop3A_1191], %parallel_loop3A_1186 {strides = array<i32>} : memref<4x16x512xf32, #tpu.memory_space<vmem>>, vector<16xf32>,
      } {sc.loop_unroll_factor = 4 : i64, sc.parallel_access}
      %jit3A_962 = arith.constant 2 : i32
      %div3A_963 = arith.divsi %add3A_897, %jit3A_962 : i32
      %sign3A_964 = arith.constant 0 : i32
      %sign3A_965 = arith.cmpi sgt, %add3A_897, %sign3A_964 : i32
      %sign3A_966 = arith.extui %sign3A_965 : i1 to i32
      %sign3A_967 = arith.constant 0 : i32
      %sign3A_968 = arith.cmpi slt, %add3A_897, %sign3A_967 : i32
      %sign3A_969 = arith.extui %sign3A_968 : i1 to i32
      %sign3A_970 = arith.subi %sign3A_966, %sign3A_969 : i32
      %sign3A_971 = arith.constant 0 : i32
      %sign3A_972 = arith.cmpi sgt, %jit3A_962, %sign3A_971 : i32
      %sign3A_973 = arith.extui %sign3A_972 : i1 to i32
      %sign3A_974 = arith.constant 0 : i32
      %sign3A_975 = arith.cmpi slt, %jit3A_962, %sign3A_974 : i32
      %sign3A_976 = arith.extui %sign3A_975 : i1 to i32
      %sign3A_977 = arith.subi %sign3A_973, %sign3A_976 : i32
      %ne3A_978 = arith.cmpi ne, %sign3A_970, %sign3A_977 : i32
      %rem3A_979 = arith.remsi %add3A_897, %jit3A_962 : i32
      %ne3A_980 = arith.constant 0 : i32
      %ne3A_981 = arith.cmpi ne, %rem3A_979, %ne3A_980 : i32
      %and3A_982 = arith.andi %ne3A_978, %ne3A_981 : i1
      %sub3A_983 = arith.constant 1 : i32
      %sub3A_984 = arith.subi %div3A_963, %sub3A_983 : i32
      %select_n3A_985 = arith.select %and3A_982, %sub3A_984, %div3A_963 : i32
      %jit3A_986 = arith.constant 2 : i32
      %eq3A_987 = arith.constant 0 : i32
      %eq3A_988 = arith.cmpi eq, %jit3A_986, %eq3A_987 : i32
      %jit3A_989 = arith.constant 1 : i32
      %select_n3A_990 = arith.select %eq3A_988, %jit3A_989, %jit3A_986 : i32
      %rem3A_991 = arith.remsi %add3A_897, %select_n3A_990 : i32
      %ne3A_992 = arith.constant 0 : i32
      %ne3A_993 = arith.cmpi ne, %rem3A_991, %ne3A_992 : i32
      %lt3A_994 = arith.constant 0 : i32
      %lt3A_995 = arith.cmpi slt, %rem3A_991, %lt3A_994 : i32
      %lt3A_996 = arith.constant 0 : i32
      %lt3A_997 = arith.cmpi slt, %select_n3A_990, %lt3A_996 : i32
      %ne3A_998 = arith.xori %lt3A_995, %lt3A_997 : i1
      %and3A_999 = arith.andi %ne3A_998, %ne3A_993 : i1
      %add3A_1000 = arith.addi %rem3A_991, %select_n3A_990 : i32
      %select_n3A_1001 = arith.select %and3A_999, %add3A_1000, %rem3A_991 : i32
      %mul3A_1002 = arith.constant 512 : i32
      %mul3A_1003 = arith.muli %select_n3A_1001, %mul3A_1002 : i32
      %dma_start3A_1004 = arith.constant 3 : i32
      %dma_start3A_1005 = arith.constant 3 : i32
      %dma_start3A_1006 = arith.constant 0 : i32
      %dma_start3A_1007 = arith.constant 0 : i32
      %dma_start3A_1008 = tpu.memref_slice %arg7[%dma_start3A_1004, %dma_start3A_1006, %dma_start3A_1007] : memref<4x16x512xf32, #tpu.memory_space<vmem>> -> memref<1x16x512xf32, #tpu.memory_space<vmem>>
      %dma_start3A_1009 = tpu.memref_squeeze %dma_start3A_1008 : memref<1x16x512xf32, #tpu.memory_space<vmem>> -> memref<16x512xf32, #tpu.memory_space<vmem>>
      %dma_start3A_1010 = arith.constant 0 : i32
      %dma_start3A_1011 = tpu.memref_slice %arg4[%dma_start3A_1010, %select_n3A_985, %mul3A_1003] : memref<16x1024x1024xf32, #tpu.memory_space<hbm>> -> memref<16x1x512xf32, #tpu.memory_space<hbm>>
      %dma_start3A_1012 = tpu.memref_squeeze %dma_start3A_1011 : memref<16x1x512xf32, #tpu.memory_space<hbm>> -> memref<16x512xf32, #tpu.memory_space<hbm>>
      %dma_start3A_1013 = tpu.memref_slice %arg9[%dma_start3A_1005] : memref<4x!tpu.dma_semaphore, #tpu.memory_space<semaphore_mem>> -> memref<1x!tpu.dma_semaphore, #tpu.memory_space<semaphore_mem>>
      %dma_start3A_1014 = tpu.memref_squeeze %dma_start3A_1013 : memref<1x!tpu.dma_semaphore, #tpu.memory_space<semaphore_mem>> -> memref<!tpu.dma_semaphore, #tpu.memory_space<semaphore_mem>>
      %dma_start3A_1015 = arith.constant 0 : i32
      %dma_start3A_1016 = tpu.memref_slice %arg4[%dma_start3A_1015, %select_n3A_985, %mul3A_1003] : memref<16x1024x1024xf32, #tpu.memory_space<hbm>> -> memref<16x1x512xf32, #tpu.memory_space<hbm>>
      %dma_start3A_1017 = tpu.memref_squeeze %dma_start3A_1016 : memref<16x1x512xf32, #tpu.memory_space<hbm>> -> memref<16x512xf32, #tpu.memory_space<hbm>>
      %dma_start3A_1018 = arith.constant 0 : i32
      %dma_start3A_1019 = arith.constant 0 : i32
      %dma_start3A_1020 = tpu.memref_slice %arg7[%dma_start3A_1004, %dma_start3A_1018, %dma_start3A_1019] : memref<4x16x512xf32, #tpu.memory_space<vmem>> -> memref<1x16x512xf32, #tpu.memory_space<vmem>>
      %dma_start3A_1021 = tpu.memref_squeeze %dma_start3A_1020 : memref<1x16x512xf32, #tpu.memory_space<vmem>> -> memref<16x512xf32, #tpu.memory_space<vmem>>
      tpu.enqueue_dma source(%dma_start3A_1021 : memref<16x512xf32, #tpu.memory_space<vmem>>) target(%dma_start3A_1017 : memref<16x512xf32, #tpu.memory_space<hbm>>) target_semaphore(%dma_start3A_1014 : memref<!tpu.dma_semaphore, #tpu.memory_space<semaphore_mem>>)
      %lt3A_1022 = arith.constant 60 : i32
      %lt3A_1023 = arith.cmpi slt, %add3A_896, %lt3A_1022 : i32
      %convert_element_type3A_1024 = arith.extui %lt3A_1023 : i1 to i32
      %cond3A_1025 = arith.constant 0 : i32
      %cond3A_1026 = arith.cmpi ne, %convert_element_type3A_1024, %cond3A_1025 : i32
      scf.if %cond3A_1026 {
        %add3A_1028 = arith.constant 4 : i32
        %add3A_1029 = arith.addi %add3A_897, %add3A_1028 : i32
        %jit3A_1030 = arith.constant 2 : i32
        %div3A_1031 = arith.divsi %add3A_1029, %jit3A_1030 : i32
        %sign3A_1032 = arith.constant 0 : i32
        %sign3A_1033 = arith.cmpi sgt, %add3A_1029, %sign3A_1032 : i32
        %sign3A_1034 = arith.extui %sign3A_1033 : i1 to i32
        %sign3A_1035 = arith.constant 0 : i32
        %sign3A_1036 = arith.cmpi slt, %add3A_1029, %sign3A_1035 : i32
        %sign3A_1037 = arith.extui %sign3A_1036 : i1 to i32
        %sign3A_1038 = arith.subi %sign3A_1034, %sign3A_1037 : i32
        %sign3A_1039 = arith.constant 0 : i32
        %sign3A_1040 = arith.cmpi sgt, %jit3A_1030, %sign3A_1039 : i32
        %sign3A_1041 = arith.extui %sign3A_1040 : i1 to i32
        %sign3A_1042 = arith.constant 0 : i32
        %sign3A_1043 = arith.cmpi slt, %jit3A_1030, %sign3A_1042 : i32
        %sign3A_1044 = arith.extui %sign3A_1043 : i1 to i32
        %sign3A_1045 = arith.subi %sign3A_1041, %sign3A_1044 : i32
        %ne3A_1046 = arith.cmpi ne, %sign3A_1038, %sign3A_1045 : i32
        %rem3A_1047 = arith.remsi %add3A_1029, %jit3A_1030 : i32
        %ne3A_1048 = arith.constant 0 : i32
        %ne3A_1049 = arith.cmpi ne, %rem3A_1047, %ne3A_1048 : i32
        %and3A_1050 = arith.andi %ne3A_1046, %ne3A_1049 : i1
        %sub3A_1051 = arith.constant 1 : i32
        %sub3A_1052 = arith.subi %div3A_1031, %sub3A_1051 : i32
        %select_n3A_1053 = arith.select %and3A_1050, %sub3A_1052, %div3A_1031 : i32
        %jit3A_1054 = arith.constant 2 : i32
        %eq3A_1055 = arith.constant 0 : i32
        %eq3A_1056 = arith.cmpi eq, %jit3A_1054, %eq3A_1055 : i32
        %jit3A_1057 = arith.constant 1 : i32
        %select_n3A_1058 = arith.select %eq3A_1056, %jit3A_1057, %jit3A_1054 : i32
        %rem3A_1059 = arith.remsi %add3A_1029, %select_n3A_1058 : i32
        %ne3A_1060 = arith.constant 0 : i32
        %ne3A_1061 = arith.cmpi ne, %rem3A_1059, %ne3A_1060 : i32
        %lt3A_1062 = arith.constant 0 : i32
        %lt3A_1063 = arith.cmpi slt, %rem3A_1059, %lt3A_1062 : i32
        %lt3A_1064 = arith.constant 0 : i32
        %lt3A_1065 = arith.cmpi slt, %select_n3A_1058, %lt3A_1064 : i32
        %ne3A_1066 = arith.xori %lt3A_1063, %lt3A_1065 : i1
        %and3A_1067 = arith.andi %ne3A_1066, %ne3A_1061 : i1
        %add3A_1068 = arith.addi %rem3A_1059, %select_n3A_1058 : i32
        %select_n3A_1069 = arith.select %and3A_1067, %add3A_1068, %rem3A_1059 : i32
        %mul3A_1070 = arith.constant 512 : i32
        %mul3A_1071 = arith.muli %select_n3A_1069, %mul3A_1070 : i32
        %dma_start3A_1072 = arith.constant 3 : i32
        %dma_start3A_1073 = arith.constant 3 : i32
        %dma_start3A_1074 = arith.constant 0 : i32
        %dma_start3A_1075 = tpu.memref_slice %arg6[%dma_start3A_1072, %dma_start3A_1074] : memref<4x512xi32, #tpu.memory_space<vmem>> -> memref<1x512xi32, #tpu.memory_space<vmem>>
        %dma_start3A_1076 = tpu.memref_squeeze %dma_start3A_1075 : memref<1x512xi32, #tpu.memory_space<vmem>> -> memref<512xi32, #tpu.memory_space<vmem>>
        %dma_start3A_1077 = tpu.memref_slice %arg3[%select_n3A_1053, %mul3A_1071] : memref<1024x1024xi32, #tpu.memory_space<hbm>> -> memref<1x512xi32, #tpu.memory_space<hbm>>
        %dma_start3A_1078 = tpu.memref_squeeze %dma_start3A_1077 : memref<1x512xi32, #tpu.memory_space<hbm>> -> memref<512xi32, #tpu.memory_space<hbm>>
        %dma_start3A_1079 = tpu.memref_slice %arg8[%dma_start3A_1073] : memref<4x!tpu.dma_semaphore, #tpu.memory_space<semaphore_mem>> -> memref<1x!tpu.dma_semaphore, #tpu.memory_space<semaphore_mem>>
        %dma_start3A_1080 = tpu.memref_squeeze %dma_start3A_1079 : memref<1x!tpu.dma_semaphore, #tpu.memory_space<semaphore_mem>> -> memref<!tpu.dma_semaphore, #tpu.memory_space<semaphore_mem>>
        %dma_start3A_1081 = arith.constant 0 : i32
        %dma_start3A_1082 = tpu.memref_slice %arg6[%dma_start3A_1072, %dma_start3A_1081] : memref<4x512xi32, #tpu.memory_space<vmem>> -> memref<1x512xi32, #tpu.memory_space<vmem>>
        %dma_start3A_1083 = tpu.memref_squeeze %dma_start3A_1082 : memref<1x512xi32, #tpu.memory_space<vmem>> -> memref<512xi32, #tpu.memory_space<vmem>>
        %dma_start3A_1084 = tpu.memref_slice %arg3[%select_n3A_1053, %mul3A_1071] : memref<1024x1024xi32, #tpu.memory_space<hbm>> -> memref<1x512xi32, #tpu.memory_space<hbm>>
        %dma_start3A_1085 = tpu.memref_squeeze %dma_start3A_1084 : memref<1x512xi32, #tpu.memory_space<hbm>> -> memref<512xi32, #tpu.memory_space<hbm>>
        tpu.enqueue_dma source(%dma_start3A_1085 : memref<512xi32, #tpu.memory_space<hbm>>) target(%dma_start3A_1083 : memref<512xi32, #tpu.memory_space<vmem>>) target_semaphore(%dma_start3A_1080 : memref<!tpu.dma_semaphore, #tpu.memory_space<semaphore_mem>>)
      } else {
      }
      %scan3A_1027 = arith.constant 0 : i32
      scf.yield %scan3A_1027 : i32
    }
    %scan3A_229 = arith.constant 16 : i32
    %add3A_230 = arith.constant 64 : i32
    %add3A_231 = arith.addi %mul3A_2, %add3A_230 : i32
    %sub3A_232 = arith.constant 4 : i32
    %sub3A_233 = arith.subi %add3A_231, %sub3A_232 : i32
    %add3A_234 = arith.constant 0 : i32
    %add3A_235 = arith.addi %sub3A_233, %add3A_234 : i32
    %jit3A_236 = arith.constant 2 : i32
    %div3A_237 = arith.divsi %add3A_235, %jit3A_236 : i32
    %sign3A_238 = arith.constant 0 : i32
    %sign3A_239 = arith.cmpi sgt, %add3A_235, %sign3A_238 : i32
    %sign3A_240 = arith.extui %sign3A_239 : i1 to i32
    %sign3A_241 = arith.constant 0 : i32
    %sign3A_242 = arith.cmpi slt, %add3A_235, %sign3A_241 : i32
    %sign3A_243 = arith.extui %sign3A_242 : i1 to i32
    %sign3A_244 = arith.subi %sign3A_240, %sign3A_243 : i32
    %sign3A_245 = arith.constant 0 : i32
    %sign3A_246 = arith.cmpi sgt, %jit3A_236, %sign3A_245 : i32
    %sign3A_247 = arith.extui %sign3A_246 : i1 to i32
    %sign3A_248 = arith.constant 0 : i32
    %sign3A_249 = arith.cmpi slt, %jit3A_236, %sign3A_248 : i32
    %sign3A_250 = arith.extui %sign3A_249 : i1 to i32
    %sign3A_251 = arith.subi %sign3A_247, %sign3A_250 : i32
    %ne3A_252 = arith.cmpi ne, %sign3A_244, %sign3A_251 : i32
    %rem3A_253 = arith.remsi %add3A_235, %jit3A_236 : i32
    %ne3A_254 = arith.constant 0 : i32
    %ne3A_255 = arith.cmpi ne, %rem3A_253, %ne3A_254 : i32
    %and3A_256 = arith.andi %ne3A_252, %ne3A_255 : i1
    %sub3A_257 = arith.constant 1 : i32
    %sub3A_258 = arith.subi %div3A_237, %sub3A_257 : i32
    %select_n3A_259 = arith.select %and3A_256, %sub3A_258, %div3A_237 : i32
    %jit3A_260 = arith.constant 2 : i32
    %eq3A_261 = arith.constant 0 : i32
    %eq3A_262 = arith.cmpi eq, %jit3A_260, %eq3A_261 : i32
    %jit3A_263 = arith.constant 1 : i32
    %select_n3A_264 = arith.select %eq3A_262, %jit3A_263, %jit3A_260 : i32
    %rem3A_265 = arith.remsi %add3A_235, %select_n3A_264 : i32
    %ne3A_266 = arith.constant 0 : i32
    %ne3A_267 = arith.cmpi ne, %rem3A_265, %ne3A_266 : i32
    %lt3A_268 = arith.constant 0 : i32
    %lt3A_269 = arith.cmpi slt, %rem3A_265, %lt3A_268 : i32
    %lt3A_270 = arith.constant 0 : i32
    %lt3A_271 = arith.cmpi slt, %select_n3A_264, %lt3A_270 : i32
    %ne3A_272 = arith.xori %lt3A_269, %lt3A_271 : i1
    %and3A_273 = arith.andi %ne3A_272, %ne3A_267 : i1
    %add3A_274 = arith.addi %rem3A_265, %select_n3A_264 : i32
    %select_n3A_275 = arith.select %and3A_273, %add3A_274, %rem3A_265 : i32
    %mul3A_276 = arith.constant 512 : i32
    %mul3A_277 = arith.muli %select_n3A_275, %mul3A_276 : i32
    %dma_wait3A = arith.constant 0 : i32
    %dma_wait3A_278 = arith.constant 0 : i32
    %dma_wait3A_279 = arith.constant 0 : i32
    %dma_wait3A_280 = arith.constant 0 : i32
    %dma_wait3A_281 = tpu.memref_slice %arg7[%dma_wait3A, %dma_wait3A_279, %dma_wait3A_280] : memref<4x16x512xf32, #tpu.memory_space<vmem>> -> memref<1x16x512xf32, #tpu.memory_space<vmem>>
    %dma_wait3A_282 = tpu.memref_squeeze %dma_wait3A_281 : memref<1x16x512xf32, #tpu.memory_space<vmem>> -> memref<16x512xf32, #tpu.memory_space<vmem>>
    %dma_wait3A_283 = arith.constant 0 : i32
    %dma_wait3A_284 = tpu.memref_slice %arg4[%dma_wait3A_283, %select_n3A_259, %mul3A_277] : memref<16x1024x1024xf32, #tpu.memory_space<hbm>> -> memref<16x1x512xf32, #tpu.memory_space<hbm>>
    %dma_wait3A_285 = tpu.memref_squeeze %dma_wait3A_284 : memref<16x1x512xf32, #tpu.memory_space<hbm>> -> memref<16x512xf32, #tpu.memory_space<hbm>>
    %dma_wait3A_286 = tpu.memref_slice %arg9[%dma_wait3A_278] : memref<4x!tpu.dma_semaphore, #tpu.memory_space<semaphore_mem>> -> memref<1x!tpu.dma_semaphore, #tpu.memory_space<semaphore_mem>>
    %dma_wait3A_287 = tpu.memref_squeeze %dma_wait3A_286 : memref<1x!tpu.dma_semaphore, #tpu.memory_space<semaphore_mem>> -> memref<!tpu.dma_semaphore, #tpu.memory_space<semaphore_mem>>
    %dma_wait3A_288 = arith.constant 0 : i32
    %dma_wait3A_289 = tpu.memref_slice %arg4[%dma_wait3A_288, %select_n3A_259, %mul3A_277] : memref<16x1024x1024xf32, #tpu.memory_space<hbm>> -> memref<16x1x512xf32, #tpu.memory_space<hbm>>
    %dma_wait3A_290 = tpu.memref_squeeze %dma_wait3A_289 : memref<16x1x512xf32, #tpu.memory_space<hbm>> -> memref<16x512xf32, #tpu.memory_space<hbm>>
    %dma_wait3A_291 = arith.constant 0 : i32
    %dma_wait3A_292 = arith.constant 0 : i32
    %dma_wait3A_293 = tpu.memref_slice %arg7[%dma_wait3A, %dma_wait3A_291, %dma_wait3A_292] : memref<4x16x512xf32, #tpu.memory_space<vmem>> -> memref<1x16x512xf32, #tpu.memory_space<vmem>>
    %dma_wait3A_294 = tpu.memref_squeeze %dma_wait3A_293 : memref<1x16x512xf32, #tpu.memory_space<vmem>> -> memref<16x512xf32, #tpu.memory_space<vmem>>
    tpu.wait_dma2 semaphore(%dma_wait3A_287 : memref<!tpu.dma_semaphore, #tpu.memory_space<semaphore_mem>>) src(%dma_wait3A_294 : memref<16x512xf32, #tpu.memory_space<vmem>>) dst(%dma_wait3A_290 : memref<16x512xf32, #tpu.memory_space<hbm>>)
    %add3A_295 = arith.constant 64 : i32
    %add3A_296 = arith.addi %mul3A_2, %add3A_295 : i32
    %sub3A_297 = arith.constant 4 : i32
    %sub3A_298 = arith.subi %add3A_296, %sub3A_297 : i32
    %add3A_299 = arith.constant 1 : i32
    %add3A_300 = arith.addi %sub3A_298, %add3A_299 : i32
    %jit3A_301 = arith.constant 2 : i32
    %div3A_302 = arith.divsi %add3A_300, %jit3A_301 : i32
    %sign3A_303 = arith.constant 0 : i32
    %sign3A_304 = arith.cmpi sgt, %add3A_300, %sign3A_303 : i32
    %sign3A_305 = arith.extui %sign3A_304 : i1 to i32
    %sign3A_306 = arith.constant 0 : i32
    %sign3A_307 = arith.cmpi slt, %add3A_300, %sign3A_306 : i32
    %sign3A_308 = arith.extui %sign3A_307 : i1 to i32
    %sign3A_309 = arith.subi %sign3A_305, %sign3A_308 : i32
    %sign3A_310 = arith.constant 0 : i32
    %sign3A_311 = arith.cmpi sgt, %jit3A_301, %sign3A_310 : i32
    %sign3A_312 = arith.extui %sign3A_311 : i1 to i32
    %sign3A_313 = arith.constant 0 : i32
    %sign3A_314 = arith.cmpi slt, %jit3A_301, %sign3A_313 : i32
    %sign3A_315 = arith.extui %sign3A_314 : i1 to i32
    %sign3A_316 = arith.subi %sign3A_312, %sign3A_315 : i32
    %ne3A_317 = arith.cmpi ne, %sign3A_309, %sign3A_316 : i32
    %rem3A_318 = arith.remsi %add3A_300, %jit3A_301 : i32
    %ne3A_319 = arith.constant 0 : i32
    %ne3A_320 = arith.cmpi ne, %rem3A_318, %ne3A_319 : i32
    %and3A_321 = arith.andi %ne3A_317, %ne3A_320 : i1
    %sub3A_322 = arith.constant 1 : i32
    %sub3A_323 = arith.subi %div3A_302, %sub3A_322 : i32
    %select_n3A_324 = arith.select %and3A_321, %sub3A_323, %div3A_302 : i32
    %jit3A_325 = arith.constant 2 : i32
    %eq3A_326 = arith.constant 0 : i32
    %eq3A_327 = arith.cmpi eq, %jit3A_325, %eq3A_326 : i32
    %jit3A_328 = arith.constant 1 : i32
    %select_n3A_329 = arith.select %eq3A_327, %jit3A_328, %jit3A_325 : i32
    %rem3A_330 = arith.remsi %add3A_300, %select_n3A_329 : i32
    %ne3A_331 = arith.constant 0 : i32
    %ne3A_332 = arith.cmpi ne, %rem3A_330, %ne3A_331 : i32
    %lt3A_333 = arith.constant 0 : i32
    %lt3A_334 = arith.cmpi slt, %rem3A_330, %lt3A_333 : i32
    %lt3A_335 = arith.constant 0 : i32
    %lt3A_336 = arith.cmpi slt, %select_n3A_329, %lt3A_335 : i32
    %ne3A_337 = arith.xori %lt3A_334, %lt3A_336 : i1
    %and3A_338 = arith.andi %ne3A_337, %ne3A_332 : i1
    %add3A_339 = arith.addi %rem3A_330, %select_n3A_329 : i32
    %select_n3A_340 = arith.select %and3A_338, %add3A_339, %rem3A_330 : i32
    %mul3A_341 = arith.constant 512 : i32
    %mul3A_342 = arith.muli %select_n3A_340, %mul3A_341 : i32
    %dma_wait3A_343 = arith.constant 1 : i32
    %dma_wait3A_344 = arith.constant 1 : i32
    %dma_wait3A_345 = arith.constant 0 : i32
    %dma_wait3A_346 = arith.constant 0 : i32
    %dma_wait3A_347 = tpu.memref_slice %arg7[%dma_wait3A_343, %dma_wait3A_345, %dma_wait3A_346] : memref<4x16x512xf32, #tpu.memory_space<vmem>> -> memref<1x16x512xf32, #tpu.memory_space<vmem>>
    %dma_wait3A_348 = tpu.memref_squeeze %dma_wait3A_347 : memref<1x16x512xf32, #tpu.memory_space<vmem>> -> memref<16x512xf32, #tpu.memory_space<vmem>>
    %dma_wait3A_349 = arith.constant 0 : i32
    %dma_wait3A_350 = tpu.memref_slice %arg4[%dma_wait3A_349, %select_n3A_324, %mul3A_342] : memref<16x1024x1024xf32, #tpu.memory_space<hbm>> -> memref<16x1x512xf32, #tpu.memory_space<hbm>>
    %dma_wait3A_351 = tpu.memref_squeeze %dma_wait3A_350 : memref<16x1x512xf32, #tpu.memory_space<hbm>> -> memref<16x512xf32, #tpu.memory_space<hbm>>
    %dma_wait3A_352 = tpu.memref_slice %arg9[%dma_wait3A_344] : memref<4x!tpu.dma_semaphore, #tpu.memory_space<semaphore_mem>> -> memref<1x!tpu.dma_semaphore, #tpu.memory_space<semaphore_mem>>
    %dma_wait3A_353 = tpu.memref_squeeze %dma_wait3A_352 : memref<1x!tpu.dma_semaphore, #tpu.memory_space<semaphore_mem>> -> memref<!tpu.dma_semaphore, #tpu.memory_space<semaphore_mem>>
    %dma_wait3A_354 = arith.constant 0 : i32
    %dma_wait3A_355 = tpu.memref_slice %arg4[%dma_wait3A_354, %select_n3A_324, %mul3A_342] : memref<16x1024x1024xf32, #tpu.memory_space<hbm>> -> memref<16x1x512xf32, #tpu.memory_space<hbm>>
    %dma_wait3A_356 = tpu.memref_squeeze %dma_wait3A_355 : memref<16x1x512xf32, #tpu.memory_space<hbm>> -> memref<16x512xf32, #tpu.memory_space<hbm>>
    %dma_wait3A_357 = arith.constant 0 : i32
    %dma_wait3A_358 = arith.constant 0 : i32
    %dma_wait3A_359 = tpu.memref_slice %arg7[%dma_wait3A_343, %dma_wait3A_357, %dma_wait3A_358] : memref<4x16x512xf32, #tpu.memory_space<vmem>> -> memref<1x16x512xf32, #tpu.memory_space<vmem>>
    %dma_wait3A_360 = tpu.memref_squeeze %dma_wait3A_359 : memref<1x16x512xf32, #tpu.memory_space<vmem>> -> memref<16x512xf32, #tpu.memory_space<vmem>>
    tpu.wait_dma2 semaphore(%dma_wait3A_353 : memref<!tpu.dma_semaphore, #tpu.memory_space<semaphore_mem>>) src(%dma_wait3A_360 : memref<16x512xf32, #tpu.memory_space<vmem>>) dst(%dma_wait3A_356 : memref<16x512xf32, #tpu.memory_space<hbm>>)
    %add3A_361 = arith.constant 64 : i32
    %add3A_362 = arith.addi %mul3A_2, %add3A_361 : i32
    %sub3A_363 = arith.constant 4 : i32
    %sub3A_364 = arith.subi %add3A_362, %sub3A_363 : i32
    %add3A_365 = arith.constant 2 : i32
    %add3A_366 = arith.addi %sub3A_364, %add3A_365 : i32
    %jit3A_367 = arith.constant 2 : i32
    %div3A_368 = arith.divsi %add3A_366, %jit3A_367 : i32
    %sign3A_369 = arith.constant 0 : i32
    %sign3A_370 = arith.cmpi sgt, %add3A_366, %sign3A_369 : i32
    %sign3A_371 = arith.extui %sign3A_370 : i1 to i32
    %sign3A_372 = arith.constant 0 : i32
    %sign3A_373 = arith.cmpi slt, %add3A_366, %sign3A_372 : i32
    %sign3A_374 = arith.extui %sign3A_373 : i1 to i32
    %sign3A_375 = arith.subi %sign3A_371, %sign3A_374 : i32
    %sign3A_376 = arith.constant 0 : i32
    %sign3A_377 = arith.cmpi sgt, %jit3A_367, %sign3A_376 : i32
    %sign3A_378 = arith.extui %sign3A_377 : i1 to i32
    %sign3A_379 = arith.constant 0 : i32
    %sign3A_380 = arith.cmpi slt, %jit3A_367, %sign3A_379 : i32
    %sign3A_381 = arith.extui %sign3A_380 : i1 to i32
    %sign3A_382 = arith.subi %sign3A_378, %sign3A_381 : i32
    %ne3A_383 = arith.cmpi ne, %sign3A_375, %sign3A_382 : i32
    %rem3A_384 = arith.remsi %add3A_366, %jit3A_367 : i32
    %ne3A_385 = arith.constant 0 : i32
    %ne3A_386 = arith.cmpi ne, %rem3A_384, %ne3A_385 : i32
    %and3A_387 = arith.andi %ne3A_383, %ne3A_386 : i1
    %sub3A_388 = arith.constant 1 : i32
    %sub3A_389 = arith.subi %div3A_368, %sub3A_388 : i32
    %select_n3A_390 = arith.select %and3A_387, %sub3A_389, %div3A_368 : i32
    %jit3A_391 = arith.constant 2 : i32
    %eq3A_392 = arith.constant 0 : i32
    %eq3A_393 = arith.cmpi eq, %jit3A_391, %eq3A_392 : i32
    %jit3A_394 = arith.constant 1 : i32
    %select_n3A_395 = arith.select %eq3A_393, %jit3A_394, %jit3A_391 : i32
    %rem3A_396 = arith.remsi %add3A_366, %select_n3A_395 : i32
    %ne3A_397 = arith.constant 0 : i32
    %ne3A_398 = arith.cmpi ne, %rem3A_396, %ne3A_397 : i32
    %lt3A_399 = arith.constant 0 : i32
    %lt3A_400 = arith.cmpi slt, %rem3A_396, %lt3A_399 : i32
    %lt3A_401 = arith.constant 0 : i32
    %lt3A_402 = arith.cmpi slt, %select_n3A_395, %lt3A_401 : i32
    %ne3A_403 = arith.xori %lt3A_400, %lt3A_402 : i1
    %and3A_404 = arith.andi %ne3A_403, %ne3A_398 : i1
    %add3A_405 = arith.addi %rem3A_396, %select_n3A_395 : i32
    %select_n3A_406 = arith.select %and3A_404, %add3A_405, %rem3A_396 : i32
    %mul3A_407 = arith.constant 512 : i32
    %mul3A_408 = arith.muli %select_n3A_406, %mul3A_407 : i32
    %dma_wait3A_409 = arith.constant 2 : i32
    %dma_wait3A_410 = arith.constant 2 : i32
    %dma_wait3A_411 = arith.constant 0 : i32
    %dma_wait3A_412 = arith.constant 0 : i32
    %dma_wait3A_413 = tpu.memref_slice %arg7[%dma_wait3A_409, %dma_wait3A_411, %dma_wait3A_412] : memref<4x16x512xf32, #tpu.memory_space<vmem>> -> memref<1x16x512xf32, #tpu.memory_space<vmem>>
    %dma_wait3A_414 = tpu.memref_squeeze %dma_wait3A_413 : memref<1x16x512xf32, #tpu.memory_space<vmem>> -> memref<16x512xf32, #tpu.memory_space<vmem>>
    %dma_wait3A_415 = arith.constant 0 : i32
    %dma_wait3A_416 = tpu.memref_slice %arg4[%dma_wait3A_415, %select_n3A_390, %mul3A_408] : memref<16x1024x1024xf32, #tpu.memory_space<hbm>> -> memref<16x1x512xf32, #tpu.memory_space<hbm>>
    %dma_wait3A_417 = tpu.memref_squeeze %dma_wait3A_416 : memref<16x1x512xf32, #tpu.memory_space<hbm>> -> memref<16x512xf32, #tpu.memory_space<hbm>>
    %dma_wait3A_418 = tpu.memref_slice %arg9[%dma_wait3A_410] : memref<4x!tpu.dma_semaphore, #tpu.memory_space<semaphore_mem>> -> memref<1x!tpu.dma_semaphore, #tpu.memory_space<semaphore_mem>>
    %dma_wait3A_419 = tpu.memref_squeeze %dma_wait3A_418 : memref<1x!tpu.dma_semaphore, #tpu.memory_space<semaphore_mem>> -> memref<!tpu.dma_semaphore, #tpu.memory_space<semaphore_mem>>
    %dma_wait3A_420 = arith.constant 0 : i32
    %dma_wait3A_421 = tpu.memref_slice %arg4[%dma_wait3A_420, %select_n3A_390, %mul3A_408] : memref<16x1024x1024xf32, #tpu.memory_space<hbm>> -> memref<16x1x512xf32, #tpu.memory_space<hbm>>
    %dma_wait3A_422 = tpu.memref_squeeze %dma_wait3A_421 : memref<16x1x512xf32, #tpu.memory_space<hbm>> -> memref<16x512xf32, #tpu.memory_space<hbm>>
    %dma_wait3A_423 = arith.constant 0 : i32
    %dma_wait3A_424 = arith.constant 0 : i32
    %dma_wait3A_425 = tpu.memref_slice %arg7[%dma_wait3A_409, %dma_wait3A_423, %dma_wait3A_424] : memref<4x16x512xf32, #tpu.memory_space<vmem>> -> memref<1x16x512xf32, #tpu.memory_space<vmem>>
    %dma_wait3A_426 = tpu.memref_squeeze %dma_wait3A_425 : memref<1x16x512xf32, #tpu.memory_space<vmem>> -> memref<16x512xf32, #tpu.memory_space<vmem>>
    tpu.wait_dma2 semaphore(%dma_wait3A_419 : memref<!tpu.dma_semaphore, #tpu.memory_space<semaphore_mem>>) src(%dma_wait3A_426 : memref<16x512xf32, #tpu.memory_space<vmem>>) dst(%dma_wait3A_422 : memref<16x512xf32, #tpu.memory_space<hbm>>)
    %add3A_427 = arith.constant 64 : i32
    %add3A_428 = arith.addi %mul3A_2, %add3A_427 : i32
    %sub3A_429 = arith.constant 4 : i32
    %sub3A_430 = arith.subi %add3A_428, %sub3A_429 : i32
    %add3A_431 = arith.constant 3 : i32
    %add3A_432 = arith.addi %sub3A_430, %add3A_431 : i32
    %jit3A_433 = arith.constant 2 : i32
    %div3A_434 = arith.divsi %add3A_432, %jit3A_433 : i32
    %sign3A_435 = arith.constant 0 : i32
    %sign3A_436 = arith.cmpi sgt, %add3A_432, %sign3A_435 : i32
    %sign3A_437 = arith.extui %sign3A_436 : i1 to i32
    %sign3A_438 = arith.constant 0 : i32
    %sign3A_439 = arith.cmpi slt, %add3A_432, %sign3A_438 : i32
    %sign3A_440 = arith.extui %sign3A_439 : i1 to i32
    %sign3A_441 = arith.subi %sign3A_437, %sign3A_440 : i32
    %sign3A_442 = arith.constant 0 : i32
    %sign3A_443 = arith.cmpi sgt, %jit3A_433, %sign3A_442 : i32
    %sign3A_444 = arith.extui %sign3A_443 : i1 to i32
    %sign3A_445 = arith.constant 0 : i32
    %sign3A_446 = arith.cmpi slt, %jit3A_433, %sign3A_445 : i32
    %sign3A_447 = arith.extui %sign3A_446 : i1 to i32
    %sign3A_448 = arith.subi %sign3A_444, %sign3A_447 : i32
    %ne3A_449 = arith.cmpi ne, %sign3A_441, %sign3A_448 : i32
    %rem3A_450 = arith.remsi %add3A_432, %jit3A_433 : i32
    %ne3A_451 = arith.constant 0 : i32
    %ne3A_452 = arith.cmpi ne, %rem3A_450, %ne3A_451 : i32
    %and3A_453 = arith.andi %ne3A_449, %ne3A_452 : i1
    %sub3A_454 = arith.constant 1 : i32
    %sub3A_455 = arith.subi %div3A_434, %sub3A_454 : i32
    %select_n3A_456 = arith.select %and3A_453, %sub3A_455, %div3A_434 : i32
    %jit3A_457 = arith.constant 2 : i32
    %eq3A_458 = arith.constant 0 : i32
    %eq3A_459 = arith.cmpi eq, %jit3A_457, %eq3A_458 : i32
    %jit3A_460 = arith.constant 1 : i32
    %select_n3A_461 = arith.select %eq3A_459, %jit3A_460, %jit3A_457 : i32
    %rem3A_462 = arith.remsi %add3A_432, %select_n3A_461 : i32
    %ne3A_463 = arith.constant 0 : i32
    %ne3A_464 = arith.cmpi ne, %rem3A_462, %ne3A_463 : i32
    %lt3A_465 = arith.constant 0 : i32
    %lt3A_466 = arith.cmpi slt, %rem3A_462, %lt3A_465 : i32
    %lt3A_467 = arith.constant 0 : i32
    %lt3A_468 = arith.cmpi slt, %select_n3A_461, %lt3A_467 : i32
    %ne3A_469 = arith.xori %lt3A_466, %lt3A_468 : i1
    %and3A_470 = arith.andi %ne3A_469, %ne3A_464 : i1
    %add3A_471 = arith.addi %rem3A_462, %select_n3A_461 : i32
    %select_n3A_472 = arith.select %and3A_470, %add3A_471, %rem3A_462 : i32
    %mul3A_473 = arith.constant 512 : i32
    %mul3A_474 = arith.muli %select_n3A_472, %mul3A_473 : i32
    %dma_wait3A_475 = arith.constant 3 : i32
    %dma_wait3A_476 = arith.constant 3 : i32
    %dma_wait3A_477 = arith.constant 0 : i32
    %dma_wait3A_478 = arith.constant 0 : i32
    %dma_wait3A_479 = tpu.memref_slice %arg7[%dma_wait3A_475, %dma_wait3A_477, %dma_wait3A_478] : memref<4x16x512xf32, #tpu.memory_space<vmem>> -> memref<1x16x512xf32, #tpu.memory_space<vmem>>
    %dma_wait3A_480 = tpu.memref_squeeze %dma_wait3A_479 : memref<1x16x512xf32, #tpu.memory_space<vmem>> -> memref<16x512xf32, #tpu.memory_space<vmem>>
    %dma_wait3A_481 = arith.constant 0 : i32
    %dma_wait3A_482 = tpu.memref_slice %arg4[%dma_wait3A_481, %select_n3A_456, %mul3A_474] : memref<16x1024x1024xf32, #tpu.memory_space<hbm>> -> memref<16x1x512xf32, #tpu.memory_space<hbm>>
    %dma_wait3A_483 = tpu.memref_squeeze %dma_wait3A_482 : memref<16x1x512xf32, #tpu.memory_space<hbm>> -> memref<16x512xf32, #tpu.memory_space<hbm>>
    %dma_wait3A_484 = tpu.memref_slice %arg9[%dma_wait3A_476] : memref<4x!tpu.dma_semaphore, #tpu.memory_space<semaphore_mem>> -> memref<1x!tpu.dma_semaphore, #tpu.memory_space<semaphore_mem>>
    %dma_wait3A_485 = tpu.memref_squeeze %dma_wait3A_484 : memref<1x!tpu.dma_semaphore, #tpu.memory_space<semaphore_mem>> -> memref<!tpu.dma_semaphore, #tpu.memory_space<semaphore_mem>>
    %dma_wait3A_486 = arith.constant 0 : i32
    %dma_wait3A_487 = tpu.memref_slice %arg4[%dma_wait3A_486, %select_n3A_456, %mul3A_474] : memref<16x1024x1024xf32, #tpu.memory_space<hbm>> -> memref<16x1x512xf32, #tpu.memory_space<hbm>>
    %dma_wait3A_488 = tpu.memref_squeeze %dma_wait3A_487 : memref<16x1x512xf32, #tpu.memory_space<hbm>> -> memref<16x512xf32, #tpu.memory_space<hbm>>
    %dma_wait3A_489 = arith.constant 0 : i32
    %dma_wait3A_490 = arith.constant 0 : i32
    %dma_wait3A_491 = tpu.memref_slice %arg7[%dma_wait3A_475, %dma_wait3A_489, %dma_wait3A_490] : memref<4x16x512xf32, #tpu.memory_space<vmem>> -> memref<1x16x512xf32, #tpu.memory_space<vmem>>
    %dma_wait3A_492 = tpu.memref_squeeze %dma_wait3A_491 : memref<1x16x512xf32, #tpu.memory_space<vmem>> -> memref<16x512xf32, #tpu.memory_space<vmem>>
    tpu.wait_dma2 semaphore(%dma_wait3A_485 : memref<!tpu.dma_semaphore, #tpu.memory_space<semaphore_mem>>) src(%dma_wait3A_492 : memref<16x512xf32, #tpu.memory_space<vmem>>) dst(%dma_wait3A_488 : memref<16x512xf32, #tpu.memory_space<hbm>>)
    return
  }
}

</mosaic_0001>

<sc_bundles>
// kernel: _run.3.cloned.1.call-start
scs
__scs_entry_jumppad:
0x0: {  	(pc) =	sbr.rel $0x88, $3  }
0x1: {  	(tag) =	ssettag $0x0;
	lr =	simm.s32 $0x1  }
0x2: {  	[smem:$0x3F9F] =	sst lr;
	_ =	strace $0xD0000000  }
0x3: {  	_ = 	snop  }
0x4: {  	_ = 	snop  }
0x5: {  	_ = 	snop  }
0x6: {  	_ = 	snop  }
0x7: {  	_ = 	snop  }
__scs_overlays_trampoline_lowered:
0x8: {  	[smem:$0x3FAE] =	sst s0  }
0x9: {  	[smem:$0x3FAF] =	sst s1  }
0xa: {  	[smem:$0x3FB0] =	sst s2  }
0xb: {  	[smem:$0x3FB1] =	sst s3  }
0xc: {  	[smem:$0x3FB2] =	sst s4  }
0xd: {  	[smem:$0x3FB3] =	sst s5  }
0xe: {  	[smem:$0x3FB4] =	sst s6  }
0xf: {  	[smem:$0x3FB5] =	sst s7  }
0x10: {  	[smem:$0x3FB6] =	sst s8  }
0x11: {  	[smem:$0x3FB7] =	sst s9;
	s0 =	simm.s32 @!p0 $0x0  }
0x12: {  	s1 =	sld [smem:$0x3F9D];
	s0 =	simm.s32 @p0 $0x1  }
0x13: {  	[smem:$0x3FB8] =	sst s0;
	s0 =	simm.s32 @!p1 $0x0  }
0x14: {  	s2 =	sld [smem:$0x3F9C];
	s0 =	simm.s32 @p1 $0x1  }
0x15: {  	[smem:$0x3FB9] =	sst s0;
	s0 =	simm.s32 @!p2 $0x0  }
0x16: {  	s3 =	sld [smem:$0x3FDB];
	s0 =	simm.s32 @p2 $0x1  }
0x17: {  	s4 =	simm.s32 $0x1BF5;
	[smem:$0x3FBB] =	sst s0  }
0x18: {  	s0 =	sld [smem:$0x3F9E];
	_ =	swait.ge [sflag:s4], $0x0  }
0x19: {  	s7 =	sld [smem:$0x3F9F]  }
0x1a: {  	s8 =	sadd.s32 $0xFFFFE003, lr  }
0x1b: {  	s9 =	sadd.s32 $0xFFFFFEF7, lr;
	s5 =	simm.s32 $0xFFFFFFFF;
	p2 =	slt.u32 s8, $0xFFFFF086  }
0x1c: {  	p1 =	slt.u32 s9, $0xF7A;
	s5 =	simm.s32 @!p2 $0x0  }
0x1d: {  	s5 =	simm.s32 @p1 $0x1;
	p0 =	seq.s32 s7, s2  }
0x1e: {  	s7 =	smul.u32 @!p0 $0xF7A, s2;
	p2 =	seq.s32 @!p0 s5, $0x0  }
0x1f: {  	s9 =	smul.u32 $0xF7A, s1;
	s8 =	simm.s32 @!p0 $0x1BF5;
	p2 =	por !p2, p0  }
0x20: {  	[sflag:s8] =	ssyncset.s32 @!p0 $0xFFFFF086;
	s6 =	sadd.s32 @!p0 s3, s7;
	s7 =	simm.s32 @!p0 $0x108  }
0x21: {  	s3 =	sadd.s32 s3, s9;
	s6 =	sadd.s32 @!p0 $0x88, s6;
	s7 =	simm.s32 @p2 $0x1082  }
0x22: {  	[simem:s7], [sflag:s8] =	dma.local @!p0 [hbm:s6], $0xF7A  }
0x23: {  	s9 =	sor.u32 $0xD0000000, s2;
	s6 =	simm.s32 $0x108;
	_ =	swait.ge @!p0 [sflag:s8], $0x0  }
0x24: {  	s3 =	sadd.s32 $0x88, s3;
	s6 =	simm.s32 @!p1 $0x1082;
	[sflag:s4] =	ssyncset.s32 $0xFFFFF086  }
0x25: {  	[simem:s6], [sflag:s4] =	dma.local [hbm:s3], $0xF7A  }
0x26: {  	[smem:$0x3F9F] =	sst s1;
	(tag) =	ssettag s2;
	_ =	strace s9  }
0x27: {  	s1 =	sld [smem:$0x3FAF]  }
0x28: {  	s2 =	sld [smem:$0x3FB0]  }
0x29: {  	s4 =	sld [smem:$0x3FB2]  }
0x2a: {  	p0 =	seq.s32 s5, $0x0;
	s5 =	sld [smem:$0x3FB3]  }
0x2b: {  	s6 =	sld [smem:$0x3FB4]  }
0x2c: {  	s7 =	sld [smem:$0x3FB5]  }
0x2d: {  	s3 =	simm.s32 $0x108;
	s8 =	sld [smem:$0x3FB6]  }
0x2e: {  	s3 =	simm.s32 @!p0 $0x1082;
	s9 =	sld [smem:$0x3FB7]  }
0x2f: {  	lr =	sadd.s32 s0, s3;
	s0 =	sld [smem:$0x3FAE]  }
0x30: {  	s3 =	sld [smem:$0x3FB1]  }
0x31: {  	[smem:$0x3FBA] =	sst s10  }
0x32: {  	s10 =	sld [smem:$0x3FB8];
	_ =	sdelay $0x3  }
0x33: {  	p0 =	seq.s32 s10, $0x1;
	s10 =	sld [smem:$0x3FBA];
	_ =	sdelay $0x3  }
0x34: {  	[smem:$0x3FBA] =	sst s10  }
0x35: {  	s10 =	sld [smem:$0x3FB9];
	_ =	sdelay $0x3  }
0x36: {  	p1 =	seq.s32 s10, $0x1;
	s10 =	sld [smem:$0x3FBA];
	_ =	sdelay $0x3  }
0x37: {  	[smem:$0x3FBA] =	sst s10  }
0x38: {  	s10 =	sld [smem:$0x3FBB]  }
0x39: {  	_ = 	snop;
	(pc) =	sbr.ind lr, $3  }
0x3a: {  	_ = 	snop  }
0x3b: {  	_ = 	snop  }
0x3c: {  	p2 =	seq.s32 s10, $0x1;
	s10 =	sld [smem:$0x3FBA]  }
0x3d: {  	_ =	shalt  }
0x3e: {  	_ =	shalt  }
0x3f: {  	_ =	shalt  }
0x40: {  	_ =	shalt  }
0x41: {  	_ =	shalt  }
0x42: {  	_ =	shalt  }
0x43: {  	_ =	shalt  }
0x44: {  	_ =	shalt  }
0x45: {  	_ =	shalt  }
0x46: {  	_ =	shalt  }
0x47: {  	_ =	shalt  }
0x48: {  	_ =	shalt  }
0x49: {  	_ =	shalt  }
0x4a: {  	_ =	shalt  }
0x4b: {  	_ =	shalt  }
0x4c: {  	_ =	shalt  }
0x4d: {  	_ =	shalt  }
0x4e: {  	_ =	shalt  }
0x4f: {  	_ =	shalt  }
0x50: {  	_ =	shalt  }
0x51: {  	_ =	shalt  }
0x52: {  	_ =	shalt  }
0x53: {  	_ =	shalt  }
0x54: {  	_ =	shalt  }
0x55: {  	_ =	shalt  }
0x56: {  	_ =	shalt  }
0x57: {  	_ =	shalt  }
0x58: {  	_ =	shalt  }
0x59: {  	_ =	shalt  }
0x5a: {  	_ =	shalt  }
0x5b: {  	_ =	shalt  }
0x5c: {  	_ =	shalt  }
0x5d: {  	_ =	shalt  }
0x5e: {  	_ =	shalt  }
0x5f: {  	_ =	shalt  }
0x60: {  	_ =	shalt  }
0x61: {  	_ =	shalt  }
0x62: {  	_ =	shalt  }
0x63: {  	_ =	shalt  }
0x64: {  	_ =	shalt  }
0x65: {  	_ =	shalt  }
0x66: {  	_ =	shalt  }
0x67: {  	_ =	shalt  }
0x68: {  	_ =	shalt  }
0x69: {  	_ =	shalt  }
0x6a: {  	_ =	shalt  }
0x6b: {  	_ =	shalt  }
0x6c: {  	_ =	shalt  }
0x6d: {  	_ =	shalt  }
0x6e: {  	_ =	shalt  }
0x6f: {  	_ =	shalt  }
0x70: {  	_ =	shalt  }
0x71: {  	_ =	shalt  }
0x72: {  	_ =	shalt  }
0x73: {  	_ =	shalt  }
0x74: {  	_ =	shalt  }
0x75: {  	_ =	shalt  }
0x76: {  	_ =	shalt  }
0x77: {  	_ =	shalt  }
0x78: {  	_ =	shalt  }
0x79: {  	_ =	shalt  }
0x7a: {  	_ =	shalt  }
0x7b: {  	_ =	shalt  }
0x7c: {  	_ =	shalt  }
0x7d: {  	_ =	shalt  }
0x7e: {  	_ =	shalt  }
0x7f: {  	_ =	shalt  }
0x80: {  	_ =	shalt  }
0x81: {  	_ =	shalt  }
0x82: {  	_ =	shalt  }
0x83: {  	_ =	shalt  }
0x84: {  	_ =	shalt  }
0x85: {  	_ =	shalt  }
0x86: {  	_ =	shalt  }
0x87: {  	_ =	shalt  }
.Lfunc_end0:
.L_simem_size_0:
called_computation_lowered:
.L_overlay_start_0:
0x88: {  	s2 =	sld [smem:$0x3FD9]  }
0x89: {  	s3 =	sld [smem:$0x3FFE];
	_ =	sdelay $0x1  }
0x8a: {  	s1 =	srdreg.scid  }
0x8b: {  	s0 =	sand.u32 $0x1, s1  }
0x8c: {  	s18 =	sshll.u32 s0, $0xA;
	s2 =	sadd.s32 s3, s2  }
0x8d: {  	s2 =	sadd.s32 s2, s18  }
0x8e: {  	[smem:$0x3FC6] =	sst s2  }
0x8f: {  	_ = 	snop  }
0x90: {  	s2 =	sld [smem:$0x3FC9]  }
0x91: {  	s19 =	sld [smem:$0x3FC8]  }
0x92: {  	s4 =	sld [smem:$0x3FD0];
	(tm) =	ssettm $0x1  }
0x93: {  	s5 =	sld [smem:$0x3FFB];
	_ =	sdelay $0x3  }
0x94: {  	_ =	strace s5  }
0x95: {  	s5 =	sld [smem:$0x3FFC];
	_ =	sdelay $0x3  }
0x96: {  	_ =	strace s5  }
0x97: {  	s5 =	sld [smem:$0x3FFD];
	_ =	sdelay $0x3  }
0x98: {  	_ =	strace s5  }
0x99: {  	_ =	strace $0x8FFFFFFF  }
0x9a: {  	s20 =	sld [smem:$0x3FDB];
	_ =	sdelay $0x1  }
0x9b: {  	s6 =	simm.s32 $_scs_section_size  }
0x9c: {  	s7 =	simm.s32 $_size__tile_overlayer_lowered;
	s8 =	simm.s32 $_tile_overlayer_lowered  }
0x9d: {  	s23 =	simm.s32 $0x1BFF;
	s22 =	sshll.u32 s8, $0x1;
	s5 =	sadd.s32 s6, s20  }
0x9e: {  	s9 =	simm.s32 $0x0;
	s21 =	sshll.u32 s7, $0x1;
	s7 =	sadd.s32 s22, s5  }
0x9f: {  	[timem:s9], [sflag:s23] =	dma.local [hbm:s7], s21  }
0xa0: {  	_ =	swait.ge [sflag:s23], s21  }
0xa1: {  	s6 =	ssub.s32 $0x0, s21;
	[sflag:s23] =	ssyncset.done $0x0  }
0xa2: {  	[sflag:s23] =	ssyncadd.s32 s6;
	_ =	sdelay $0x1  }
0xa3: {  	s24 =	simm.s32 $0x1B8B  }
0xa4: {  	_ =	swait.ge [sflag:s24], $0x1  }
0xa5: {  	[sflag:s24] =	ssyncset.done $0x0  }
0xa6: {  	s25 =	simm.s32 $0x1B8E;
	[sflag:s24] =	ssyncadd.s32 $0xFFFFFFFF  }
0xa7: {  	s26 =	simm.s32 $execute0_lowered;
	[smem:$0x3FD2] =	sst s25  }
0xa8: {  	s6 =	sshll.u32 s26, $0x1;
	_ =	strace $0x80000046;
	[dreg:$0x1] =	wrdreg $0xFFFFFFFF  }
0xa9: {  	s28 =	simm.s32 $_size_execute0_lowered;
	s5 =	sadd.s32 s5, s6;
	[dreg:$0x0] =	wrdreg $0x0  }
0xaa: {  	s6 =	sshll.u32 s28, $0x1;
	[dreg:$0x2] =	wrdreg s5  }
0xab: {  	[dreg:$0x3] =	wrdreg s6  }
0xac: {  	[dreg:$0x4] =	wrdreg $0xC0  }
0xad: {  	_ =	task [dreg:s9], $0x5FFFF  }
0xae: {  	[dreg:$0x1] =	wrdreg $0xFFFFFFFF  }
0xaf: {  	[dreg:$0x0] =	wrdreg $0x60  }
0xb0: {  	[dreg:$0x2] =	wrdreg s2  }
0xb1: {  	[dreg:$0x3] =	wrdreg s19  }
0xb2: {  	[dreg:$0x4] =	wrdreg s4  }
0xb3: {  	[dreg:$0x5] =	wrdreg $0x9  }
0xb4: {  	_ =	task.clear_ibuf [dreg:s9], $0x6FFFF;
	_ =	strace $0x90000046  }
0xb5: {  	s29 =	simm.s32 $0x9;
	_ =	strace $0x80000048  }
0xb6: {  	_ =	swait.ge [sflag:s29], $0x1  }
0xb7: {  	[sflag:s29] =	ssyncadd.s32 $0xFFFFFFFF  }
0xb8: {  	_ =	strace $0x90000048  }
0xb9: {  	_ =	sfence  }
0xba: {  	s30 =	sld [smem:$0x0];
	_ =	sdelay $0x2  }
0xbb: {  	s31 =	sshll.u32 s1, $0xD;
	s1 =	sshrl.u32 s1, $0x2  }
0xbc: {  	s3 =	sand.u32 $0x4000, s31;
	s1 =	sadd.s32 s1, s30  }
0xbd: {  	s0 =	sor.u32 s3, s0;
	s1 =	sshll.u32 s1, $0x11  }
0xbe: {  	s0 =	sor.u32 s1, s0  }
0xbf: {  	s0 =	sadd.s32 $0x8F2B, s0  }
0xc0: {  	[sflag:s0] =	ssyncadd.remote.s32 $0x1  }
0xc1: {  	_ =	sfence.sel $0xFFFF  }
0xc2: {  	[dreg:$0x0] =	wrdreg $0xFFFFFFFF;
	(pc) =	sbr.abs _section_cstart, $3  }
0xc3: {  	[dreg:$0x1] =	wrdreg $0xFFFFFFFF  }
0xc4: {  	_ =	task.clear_ibuf [dreg:s9], $0x2FFFF;
	_ =	strace $0x9FFFFFFF  }
0xc5: {  	(tm) =	ssettm $0x7FFFFFFF  }
tec
execute0_lowered:
.L_overlay_start_1:
0x0: {  	(tag) =	ssettag $0x1  }
0x1: {  	s3 =	rddreg [dreg:$0x1]  }
0x2: {  	s4 =	rddreg [dreg:$0x2]  }
0x3: {  	s0 =	srdreg.scid;
	s1 =	stileid.u32;
	s5 =	simm.s32 $0x0  }
0x4: {  	s0 =	sand.u32 $0x1, s0;
	s1 =	sshll.u32 s1, $0x7;
	[smem:$0x7FF] =	sst s5  }
0x5: {  	s15 =	sadd.s32 $0x200, s4;
	s2 =	sshll.u32 s0, $0x6;
	s0 =	ssub.s32 $0x2, s0  }
0x6: {  	_ =	strace $0x80000047;
	s31 =	sor.u32 s2, s1;
	s12 =	sshrl.u32 s0, $0x1  }
0x7: {  	[dreg:$0xa] =	wrdreg s15;
	s1 =	sshll.u32 s31, $0x6;
	s0 =	ssub.s32 s0, s12  }
0x8: {  	[dreg:$0x4] =	wrdreg s31;
	s6 =	sadd.s32 s3, s1;
	s3 =	sadd.s32 $0x200, s3  }
0x9: {  	s0 =	smax.u32 s0, $0x1;
	[dreg:$0x6] =	wrdreg s3  }
0xa: {  	[dreg:$0xb] =	wrdreg s0  }
0xb: {  	s13 =	sadd.s32 $0x10, s6;
	[dreg:$0x5] =	wrdreg s6  }
0xc: {  	s14 =	sadd.s32 $0x210, s6;
	[dreg:$0x8] =	wrdreg s13  }
0xd: {  	s16 =	sadd.s32 $0x80, s6;
	[dreg:$0x9] =	wrdreg s14  }
0xe: {  	s17 =	sadd.s32 $0x100, s6;
	[dreg:$0xc] =	wrdreg s16  }
0xf: {  	s18 =	sadd.s32 $0x180, s6;
	[dreg:$0xd] =	wrdreg s17  }
0x10: {  	s1 =	sadd.s32 s1, s3;
	[dreg:$0xe] =	wrdreg s18  }
0x11: {  	s22 =	sadd.s32 $0x90, s6;
	[dreg:$0x7] =	wrdreg s1  }
0x12: {  	s23 =	sadd.s32 $0x110, s6;
	[dreg:$0x12] =	wrdreg s22  }
0x13: {  	s24 =	sadd.s32 $0x190, s6;
	[dreg:$0x13] =	wrdreg s23  }
0x14: {  	s25 =	sadd.s32 $0x290, s6;
	[dreg:$0x14] =	wrdreg s24  }
0x15: {  	s26 =	sadd.s32 $0x310, s6;
	[dreg:$0x15] =	wrdreg s25  }
.Ltmp0:
0x16: {  	s28 =	sadd.s32 $0x390, s6;
	[dreg:$0x16] =	wrdreg s26;
	(pc) =	sbr.rel .LBB2_1-.Ltmp0, $4  }
0x17: {  	s19 =	sadd.s32 $0x80, s1;
	[dreg:$0x17] =	wrdreg s28  }
0x18: {  	s20 =	sadd.s32 $0x100, s1;
	[dreg:$0xf] =	wrdreg s19  }
0x19: {  	s29 =	simm.s32 $0x80;
	s21 =	sadd.s32 $0x180, s1;
	[dreg:$0x10] =	wrdreg s20  }
0x1a: {  	s30 =	simm.s32 $0x100000;
	s2 =	simm.s32 $0x0;
	[dreg:$0x11] =	wrdreg s21  }
.LBB2_12:
0x1b: {  	s0 =	simm.s32 $0x5  }
0x1c: {  	_ =	swait.ge [sflag:s0], $0x2000  }
0x1d: {  	[sflag:s0] =	ssyncset.done $0x0  }
0x1e: {  	s25 =	simm.s32 $0x6;
	[sflag:s0] =	ssyncadd.s32 $0xFFFFE000  }
0x1f: {  	_ =	swait.ge [sflag:s25], $0x2000  }
0x20: {  	[sflag:s25] =	ssyncset.done $0x0  }
0x21: {  	s26 =	simm.s32 $0x7;
	[sflag:s25] =	ssyncadd.s32 $0xFFFFE000  }
0x22: {  	_ =	swait.ge [sflag:s26], $0x2000  }
0x23: {  	[sflag:s26] =	ssyncset.done $0x0  }
0x24: {  	s1 =	simm.s32 $0x8;
	[sflag:s26] =	ssyncadd.s32 $0xFFFFE000  }
0x25: {  	_ =	swait.ge [sflag:s1], $0x2000  }
0x26: {  	s2 =	rddreg [dreg:$0x18]  }
0x27: {  	s28 =	rddreg [dreg:$0xb];
	s2 =	sadd.s32 $0x1, s2  }
0x28: {  	p0 =	sne.s32 s2, s28  }
.Ltmp1:
0x29: {  	_ = 	snop;
	(pc) =	sbr.rel @!p0 .LBB2_13-.Ltmp1, $3  }
0x2a: {  	_ =	sdelay $0x1  }
0x2b: {  	[sflag:s1] =	ssyncset.done $0x0  }
0x2c: {  	[sflag:s1] =	ssyncadd.s32 $0xFFFFE000  }
.LBB2_1:
0x2d: {  	[dreg:$0x18] =	wrdreg s2  }
0x2e: {  	s0 =	rddreg [dreg:$0x5];
	s1 =	simm.s32 $0x10000  }
0x2f: {  	[tilespmem:s1], [sflag:$0x1] =	stream.linear.gather [hbm4b:s0+s5], $0x80, $0x38;
	[tilespmem:$0x18800] =	vst v63  }
0x30: {  	s22 =	rddreg [dreg:$0xc];
	s23 =	simm.s32 $0x10200  }
0x31: {  	[tilespmem:s23], [sflag:$0x1] =	stream.linear.gather [hbm4b:s22+s5], $0x80, $0x38;
	[tilespmem:$0x18800] =	vst v63  }
0x32: {  	s24 =	rddreg [dreg:$0xd];
	s25 =	simm.s32 $0x10400  }
0x33: {  	[tilespmem:s25], [sflag:$0x1] =	stream.linear.gather [hbm4b:s24+s5], $0x80, $0x38;
	[tilespmem:$0x18800] =	vst v63  }
0x34: {  	s26 =	rddreg [dreg:$0xe];
	s28 =	simm.s32 $0x10600  }
0x35: {  	[tilespmem:s28], [sflag:$0x1] =	stream.linear.gather [hbm4b:s26+s5], $0x80, $0x38;
	[tilespmem:$0x18800] =	vst v63  }
0x36: {  	s2 =	simm.s32 $0x10080;
	s1 =	rddreg [dreg:$0x7]  }
0x37: {  	[tilespmem:s2], [sflag:$0x2] =	stream.linear.gather [hbm4b:s1+s5], $0x80, $0x38;
	[tilespmem:$0x18800] =	vst v63  }
0x38: {  	s3 =	rddreg [dreg:$0xf];
	s4 =	simm.s32 $0x10280  }
0x39: {  	[tilespmem:s4], [sflag:$0x2] =	stream.linear.gather [hbm4b:s3+s5], $0x80, $0x38;
	[tilespmem:$0x18800] =	vst v63  }
0x3a: {  	s6 =	rddreg [dreg:$0x10];
	s7 =	simm.s32 $0x10480  }
0x3b: {  	[tilespmem:s7], [sflag:$0x2] =	stream.linear.gather [hbm4b:s6+s5], $0x80, $0x38;
	[tilespmem:$0x18800] =	vst v63  }
0x3c: {  	s8 =	rddreg [dreg:$0x11];
	s9 =	simm.s32 $0x10680  }
0x3d: {  	[tilespmem:s9], [sflag:$0x2] =	stream.linear.gather [hbm4b:s8+s5], $0x80, $0x38;
	[tilespmem:$0x18800] =	vst v63  }
0x3e: {  	s10 =	rddreg [dreg:$0x8];
	s11 =	simm.s32 $0x10100  }
0x3f: {  	[tilespmem:s11], [sflag:$0x3] =	stream.linear.gather [hbm4b:s10+s5], $0x80, $0x38;
	[tilespmem:$0x18800] =	vst v63  }
0x40: {  	s12 =	rddreg [dreg:$0x12];
	s13 =	simm.s32 $0x10300  }
0x41: {  	[tilespmem:s13], [sflag:$0x3] =	stream.linear.gather [hbm4b:s12+s5], $0x80, $0x38;
	[tilespmem:$0x18800] =	vst v63  }
0x42: {  	s14 =	rddreg [dreg:$0x13];
	s15 =	simm.s32 $0x10500  }
0x43: {  	[tilespmem:s15], [sflag:$0x3] =	stream.linear.gather [hbm4b:s14+s5], $0x80, $0x38;
	[tilespmem:$0x18800] =	vst v63  }
0x44: {  	s16 =	rddreg [dreg:$0x14];
	s17 =	simm.s32 $0x10700  }
0x45: {  	[tilespmem:s17], [sflag:$0x3] =	stream.linear.gather [hbm4b:s16+s5], $0x80, $0x38;
	[tilespmem:$0x18800] =	vst v63  }
0x46: {  	s18 =	rddreg [dreg:$0x9];
	s19 =	simm.s32 $0x10180  }
0x47: {  	[tilespmem:s19], [sflag:$0x4] =	stream.linear.gather [hbm4b:s18+s5], $0x80, $0x38;
	[tilespmem:$0x18800] =	vst v63  }
0x48: {  	s20 =	rddreg [dreg:$0x15];
	s21 =	simm.s32 $0x10380  }
0x49: {  	[tilespmem:s21], [sflag:$0x4] =	stream.linear.gather [hbm4b:s20+s5], $0x80, $0x38;
	[tilespmem:$0x18800] =	vst v63  }
0x4a: {  	s22 =	rddreg [dreg:$0x16];
	s23 =	simm.s32 $0x10580  }
0x4b: {  	[tilespmem:s23], [sflag:$0x4] =	stream.linear.gather [hbm4b:s22+s5], $0x80, $0x38;
	[tilespmem:$0x18800] =	vst v63  }
0x4c: {  	s24 =	rddreg [dreg:$0x17];
	s25 =	simm.s32 $0x10780  }
0x4d: {  	[tilespmem:s25], [sflag:$0x4] =	stream.linear.gather [hbm4b:s24+s5], $0x80, $0x38;
	[tilespmem:$0x18800] =	vst v63  }
0x4e: {  	s26 =	rddreg [dreg:$0x0];
	s28 =	simm.s32 $0x9  }
0x4f: {  	[tilespmem:s5], [sflag:$0x9] =	stream.linear.gather [hbm4b:s26+s5], $0x10000, $0x38;
	[tilespmem:$0x18800] =	vst v63  }
0x50: {  	_ =	swait.ge [sflag:s28], $0x10000  }
0x51: {  	[sflag:s28] =	ssyncset.done $0x0  }
0x52: {  	s25 =	simm.s32 $0x0;
	[sflag:s28] =	ssyncadd.s32 $0xFFFF0000  }
.LBB2_2:
0x53: {  	s0 =	simm.s32 $0x1  }
0x54: {  	_ =	swait.ge [sflag:s0], $0x200  }
0x55: {  	p1 =	seq.s32 s25, $0x0;
	s3 =	simm.s32 $0x0;
	[sflag:s0] =	ssyncset.done $0x0  }
0x56: {  	s2 =	simm.s32 $0x0;
	s1 =	simm.s32 @!p1 $0x5;
	[sflag:s0] =	ssyncadd.s32 $0xFFFFFE00  }
0x57: {  	s7 =	sand.u32 $0x40, s3;
	s4 =	sand.u32 $0x3FFFFE00, s2;
	_ =	swait.ge @!p1 [sflag:s1], $0x2000  }
0x58: {  	s2 =	sadd.s32 $0x10000, s4;
	s0 =	sor.u32 $0x30, s7;
	[sflag:s1] =	ssyncset.done @!p1 $0x0  }
0x59: {  	s6 =	sor.u32 s0, s2;
	[sflag:s1] =	ssyncadd.s32 @!p1 $0xFFFFE000  }
0x5a: {  	s16 =	sor.u32 $0x10, s7;
	s3 =	sor.u32 s7, s2;
	v4 =	vld [tilespmem:s6+$0x0]  }
0x5b: {  	s8 =	sor.u32 s16, s2;
	v1 =	vld [tilespmem:s3+$0x0]  }
0x5c: {  	v3 =	vld [tilespmem:s8+$0x0]  }
0x5d: {  	s22 =	sor.u32 $0x20, s7  }
0x5e: {  	s9 =	sor.u32 s22, s2  }
0x5f: {  	v2 =	vld [tilespmem:s9+$0x0];
	_ =	sdelay $0x2  }
0x60: {  	v0 =	vld.idx.msk [tilespmem:v4+s5+$0x0], $0xffff  }
0x61: {  	s10 =	simm.s32 $0x0;
	v6 =	vadd.s32 $0x1000, v4;
	v5 =	vld.idx.msk [tilespmem:v1+s5+$0x0], $0xffff  }
0x62: {  	s9 =	sand.u32 $0x3FFFFC00, s10;
	v7 =	vadd.s32 $0x1000, v1;
	v8 =	vld.idx.msk [tilespmem:v3+s5+$0x0], $0xffff  }
0x63: {  	s11 =	sadd.s32 $0x10800, s9;
	v9 =	vadd.s32 $0x1000, v3  }
0x64: {  	s4 =	sor.u32 s0, s11  }
0x65: {  	s12 =	sor.u32 s7, s11;
	v10 =	vld.idx.msk [tilespmem:v2+s5+$0x0], $0xffff;
	[tilespmem:s4+$0x0] =	vst v0  }
0x66: {  	s13 =	sor.u32 s16, s11;
	v0 =	vadd.s32 $0x1000, v2;
	[tilespmem:s12+$0x0] =	vst v5;
	v5 =	vld.idx.msk [tilespmem:v6+s5+$0x0], $0xffff  }
0x67: {  	[tilespmem:s13+$0x0] =	vst v8;
	v6 =	vld.idx.msk [tilespmem:v7+s5+$0x0], $0xffff;
	v7 =	vadd.s32 $0x2000, v4  }
0x68: {  	v8 =	vadd.s32 $0x2000, v1;
	v9 =	vld.idx.msk [tilespmem:v9+s5+$0x0], $0xffff  }
0x69: {  	s3 =	sor.u32 s22, s11;
	v11 =	vadd.s32 $0x2000, v3  }
0x6a: {  	[tilespmem:s3+$0x0] =	vst v10  }
0x6b: {  	v0 =	vld.idx.msk [tilespmem:v0+s5+$0x0], $0xffff;
	[tilespmem:s4+$0x80] =	vst v5  }
0x6c: {  	v5 =	vadd.s32 $0x2000, v2;
	[tilespmem:s12+$0x80] =	vst v6;
	v6 =	vld.idx.msk [tilespmem:v7+s5+$0x0], $0xffff  }
0x6d: {  	[tilespmem:s13+$0x80] =	vst v9;
	v7 =	vld.idx.msk [tilespmem:v8+s5+$0x0], $0xffff;
	v8 =	vadd.s32 $0x3000, v4  }
0x6e: {  	v9 =	vadd.s32 $0x3000, v1;
	v10 =	vld.idx.msk [tilespmem:v11+s5+$0x0], $0xffff  }
0x6f: {  	v11 =	vadd.s32 $0x3000, v3  }
0x70: {  	[tilespmem:s3+$0x80] =	vst v0  }
0x71: {  	v0 =	vld.idx.msk [tilespmem:v5+s5+$0x0], $0xffff;
	[tilespmem:s4+$0x100] =	vst v6  }
0x72: {  	v5 =	vadd.s32 $0x3000, v2;
	[tilespmem:s12+$0x100] =	vst v7;
	v6 =	vld.idx.msk [tilespmem:v8+s5+$0x0], $0xffff  }
0x73: {  	[tilespmem:s13+$0x100] =	vst v10;
	v7 =	vld.idx.msk [tilespmem:v9+s5+$0x0], $0xffff;
	v8 =	vadd.s32 $0x4000, v4  }
0x74: {  	v9 =	vadd.s32 $0x4000, v1;
	v10 =	vld.idx.msk [tilespmem:v11+s5+$0x0], $0xffff  }
0x75: {  	v11 =	vadd.s32 $0x4000, v3  }
0x76: {  	[tilespmem:s3+$0x100] =	vst v0  }
0x77: {  	v0 =	vld.idx.msk [tilespmem:v5+s5+$0x0], $0xffff;
	[tilespmem:s4+$0x180] =	vst v6  }
0x78: {  	v5 =	vadd.s32 $0x4000, v2;
	[tilespmem:s12+$0x180] =	vst v7;
	v6 =	vld.idx.msk [tilespmem:v8+s5+$0x0], $0xffff  }
0x79: {  	[tilespmem:s13+$0x180] =	vst v10;
	v7 =	vld.idx.msk [tilespmem:v9+s5+$0x0], $0xffff;
	v8 =	vadd.s32 $0x5000, v4  }
0x7a: {  	v9 =	vadd.s32 $0x5000, v1;
	v10 =	vld.idx.msk [tilespmem:v11+s5+$0x0], $0xffff  }
0x7b: {  	v11 =	vadd.s32 $0x5000, v3  }
0x7c: {  	[tilespmem:s3+$0x180] =	vst v0  }
0x7d: {  	v0 =	vld.idx.msk [tilespmem:v5+s5+$0x0], $0xffff;
	[tilespmem:s4+$0x200] =	vst v6  }
0x7e: {  	v5 =	vadd.s32 $0x5000, v2;
	[tilespmem:s12+$0x200] =	vst v7;
	v6 =	vld.idx.msk [tilespmem:v8+s5+$0x0], $0xffff  }
0x7f: {  	[tilespmem:s13+$0x200] =	vst v10;
	v7 =	vld.idx.msk [tilespmem:v9+s5+$0x0], $0xffff;
	v8 =	vadd.s32 $0x6000, v4  }
0x80: {  	v9 =	vadd.s32 $0x6000, v1;
	v10 =	vld.idx.msk [tilespmem:v11+s5+$0x0], $0xffff  }
0x81: {  	v11 =	vadd.s32 $0x6000, v3  }
0x82: {  	[tilespmem:s3+$0x200] =	vst v0  }
0x83: {  	v0 =	vld.idx.msk [tilespmem:v5+s5+$0x0], $0xffff;
	[tilespmem:s4+$0x280] =	vst v6  }
0x84: {  	v5 =	vadd.s32 $0x6000, v2;
	[tilespmem:s12+$0x280] =	vst v7;
	v6 =	vld.idx.msk [tilespmem:v8+s5+$0x0], $0xffff  }
0x85: {  	[tilespmem:s13+$0x280] =	vst v10;
	v7 =	vld.idx.msk [tilespmem:v9+s5+$0x0], $0xffff;
	v8 =	vadd.s32 $0x7000, v4  }
0x86: {  	v9 =	vadd.s32 $0x7000, v1;
	v10 =	vld.idx.msk [tilespmem:v11+s5+$0x0], $0xffff  }
0x87: {  	v11 =	vadd.s32 $0x7000, v3  }
0x88: {  	[tilespmem:s3+$0x280] =	vst v0  }
0x89: {  	v0 =	vld.idx.msk [tilespmem:v5+s5+$0x0], $0xffff;
	[tilespmem:s4+$0x300] =	vst v6  }
0x8a: {  	v5 =	vadd.s32 $0x7000, v2;
	[tilespmem:s12+$0x300] =	vst v7;
	v6 =	vld.idx.msk [tilespmem:v8+s5+$0x0], $0xffff  }
0x8b: {  	[tilespmem:s13+$0x300] =	vst v10;
	v7 =	vld.idx.msk [tilespmem:v9+s5+$0x0], $0xffff;
	v8 =	vadd.s32 $0x8000, v4  }
0x8c: {  	v9 =	vadd.s32 $0x8000, v1;
	v10 =	vld.idx.msk [tilespmem:v11+s5+$0x0], $0xffff  }
0x8d: {  	v11 =	vadd.s32 $0x8000, v3  }
0x8e: {  	[tilespmem:s3+$0x300] =	vst v0  }
0x8f: {  	s14 =	simm.s32 $0x40;
	s15 =	simm.s32 $0x100;
	v5 =	vld.idx.msk [tilespmem:v5+s5+$0x0], $0xffff;
	[tilespmem:s4+$0x380] =	vst v6  }
0x90: {  	s1 =	sand.u32 $0x40, s14;
	[tilespmem:s12+$0x380] =	vst v7;
	s4 =	sand.u32 $0x3FFFFE00, s15;
	v6 =	vld.idx.msk [tilespmem:v8+s5+$0x0], $0xffff  }
0x91: {  	s10 =	sor.u32 $0x30, s1;
	[tilespmem:s13+$0x380] =	vst v10;
	v7 =	vld.idx.msk [tilespmem:v9+s5+$0x0], $0xffff;
	s4 =	sadd.s32 $0x10000, s4  }
0x92: {  	v10 =	vld.idx.msk [tilespmem:v11+s5+$0x0], $0xffff;
	v11 =	vadd.s32 $0x8000, v2;
	s6 =	sor.u32 s10, s4  }
0x93: {  	s2 =	sor.u32 $0x10, s1;
	v9 =	vadd.s32 $0x9000, v4;
	s8 =	sor.u32 s1, s4;
	v0 =	vld [tilespmem:s6+$0x0]  }
0x94: {  	s11 =	sor.u32 $0x20, s1;
	v12 =	vadd.s32 $0x9000, v1;
	s12 =	sor.u32 s2, s4;
	v8 =	vld [tilespmem:s8+$0x0]  }
0x95: {  	s17 =	sadd.s32 $0x11800, s9;
	v13 =	vadd.s32 $0x9000, v3;
	s4 =	sor.u32 s11, s4;
	v26 =	vld [tilespmem:s12+$0x0]  }
0x96: {  	s18 =	sor.u32 s0, s17;
	v25 =	vld [tilespmem:s4+$0x0];
	[tilespmem:s3+$0x380] =	vst v5  }
0x97: {  	s19 =	sor.u32 s7, s17;
	[tilespmem:s18+$0x0] =	vst v6;
	v5 =	vld.idx.msk [tilespmem:v11+s5+$0x0], $0xffff  }
0x98: {  	s20 =	sor.u32 s16, s17;
	[tilespmem:s19+$0x0] =	vst v7;
	v6 =	vld.idx.msk [tilespmem:v9+s5+$0x0], $0xffff  }
0x99: {  	[tilespmem:s20+$0x0] =	vst v10;
	v9 =	vld.idx.msk [tilespmem:v12+s5+$0x0], $0xffff  }
0x9a: {  	v7 =	vadd.s32 $0xA000, v4;
	v10 =	vld.idx.msk [tilespmem:v13+s5+$0x0], $0xffff  }
0x9b: {  	s23 =	sor.u32 s22, s17;
	s3 =	sadd.s32 $0x11880, s9;
	v11 =	vadd.s32 $0x9000, v2;
	v12 =	vld.idx.msk [tilespmem:v0+s5+$0x0], $0xffff  }
0x9c: {  	s24 =	simm.s32 $0x200;
	s21 =	sor.u32 s0, s3;
	v13 =	vadd.s32 $0xA000, v1;
	v14 =	vld.idx.msk [tilespmem:v8+s5+$0x0], $0xffff;
	[tilespmem:s23+$0x0] =	vst v5  }
0x9d: {  	s13 =	sand.u32 $0x3FFFFC00, s24;
	s26 =	sor.u32 s7, s3;
	v16 =	vld.idx.msk [tilespmem:v26+s5+$0x0], $0xffff;
	[tilespmem:s21+$0x0] =	vst v6;
	v6 =	vadd.s32 $0x1000, v0  }
0x9e: {  	s6 =	sadd.s32 $0x10800, s13;
	s12 =	sor.u32 s16, s3;
	v15 =	vadd.s32 $0x1000, v8;
	v5 =	vld.idx.msk [tilespmem:v25+s5+$0x0], $0xffff;
	[tilespmem:s26+$0x0] =	vst v9  }
0x9f: {  	v17 =	vadd.s32 $0x1000, v26;
	s21 =	sor.u32 s10, s6;
	[tilespmem:s12+$0x0] =	vst v10;
	v7 =	vld.idx.msk [tilespmem:v7+s5+$0x0], $0xffff  }
0xa0: {  	s20 =	sor.u32 s1, s6;
	v10 =	vld.idx.msk [tilespmem:v11+s5+$0x0], $0xffff;
	v11 =	vadd.s32 $0x1000, v25;
	[tilespmem:s21+$0x0] =	vst v12  }
0xa1: {  	s17 =	sor.u32 s2, s6;
	v9 =	vadd.s32 $0xB000, v4;
	v12 =	vld.idx.msk [tilespmem:v13+s5+$0x0], $0xffff;
	[tilespmem:s20+$0x0] =	vst v14  }
0xa2: {  	s15 =	sadd.s32 $0x11900, s9;
	s18 =	sor.u32 s11, s6;
	v13 =	vadd.s32 $0xA000, v3;
	[tilespmem:s17+$0x0] =	vst v16;
	v6 =	vld.idx.msk [tilespmem:v6+s5+$0x0], $0xffff  }
0xa3: {  	s19 =	sor.u32 s0, s15;
	v14 =	vadd.s32 $0xA000, v2;
	[tilespmem:s18+$0x0] =	vst v5;
	v15 =	vld.idx.msk [tilespmem:v15+s5+$0x0], $0xffff  }
0xa4: {  	s3 =	sor.u32 s22, s3;
	v17 =	vld.idx.msk [tilespmem:v17+s5+$0x0], $0xffff;
	[tilespmem:s19+$0x0] =	vst v7;
	v7 =	vadd.s32 $0x2000, v0  }
0xa5: {  	s23 =	sor.u32 s7, s15;
	v16 =	vadd.s32 $0x2000, v8;
	v5 =	vld.idx.msk [tilespmem:v11+s5+$0x0], $0xffff;
	[tilespmem:s3+$0x0] =	vst v10  }
0xa6: {  	v11 =	vadd.s32 $0x2000, v26;
	v9 =	vld.idx.msk [tilespmem:v9+s5+$0x0], $0xffff;
	[tilespmem:s23+$0x0] =	vst v12  }
0xa7: {  	v10 =	vadd.s32 $0xC000, v4;
	v12 =	vld.idx.msk [tilespmem:v13+s5+$0x0], $0xffff;
	[tilespmem:s21+$0x80] =	vst v6  }
0xa8: {  	v13 =	vadd.s32 $0x2000, v25;
	v6 =	vld.idx.msk [tilespmem:v14+s5+$0x0], $0xffff;
	[tilespmem:s20+$0x80] =	vst v15  }
0xa9: {  	s24 =	sadd.s32 $0x11980, s9;
	v14 =	vadd.s32 $0xB000, v1;
	[tilespmem:s17+$0x80] =	vst v17;
	v7 =	vld.idx.msk [tilespmem:v7+s5+$0x0], $0xffff  }
0xaa: {  	s26 =	sor.u32 s0, s24;
	v15 =	vadd.s32 $0xB000, v3;
	[tilespmem:s18+$0x80] =	vst v5;
	v16 =	vld.idx.msk [tilespmem:v16+s5+$0x0], $0xffff  }
0xab: {  	s8 =	sor.u32 s16, s15;
	v11 =	vld.idx.msk [tilespmem:v11+s5+$0x0], $0xffff;
	[tilespmem:s26+$0x0] =	vst v9;
	v9 =	vadd.s32 $0x3000, v0  }
0xac: {  	s4 =	sor.u32 s22, s15;
	v17 =	vadd.s32 $0x3000, v8;
	v10 =	vld.idx.msk [tilespmem:v10+s5+$0x0], $0xffff;
	[tilespmem:s8+$0x0] =	vst v12  }
0xad: {  	v5 =	vld.idx.msk [tilespmem:v13+s5+$0x0], $0xffff;
	v12 =	vadd.s32 $0xD000, v4;
	[tilespmem:s4+$0x0] =	vst v6  }
0xae: {  	v13 =	vadd.s32 $0x3000, v26;
	v14 =	vld.idx.msk [tilespmem:v14+s5+$0x0], $0xffff;
	[tilespmem:s21+$0x100] =	vst v7  }
0xaf: {  	s6 =	sadd.s32 $0x11A00, s9;
	v6 =	vadd.s32 $0x3000, v25;
	v7 =	vld.idx.msk [tilespmem:v15+s5+$0x0], $0xffff;
	[tilespmem:s20+$0x100] =	vst v16  }
0xb0: {  	s12 =	sor.u32 s0, s6;
	v15 =	vadd.s32 $0xB000, v2;
	[tilespmem:s17+$0x100] =	vst v11;
	v9 =	vld.idx.msk [tilespmem:v9+s5+$0x0], $0xffff  }
0xb1: {  	v16 =	vadd.s32 $0xC000, v1;
	v17 =	vld.idx.msk [tilespmem:v17+s5+$0x0], $0xffff;
	[tilespmem:s12+$0x0] =	vst v10  }
0xb2: {  	s15 =	sor.u32 s7, s24;
	v10 =	vadd.s32 $0x4000, v0;
	v11 =	vld.idx.msk [tilespmem:v12+s5+$0x0], $0xffff;
	[tilespmem:s18+$0x100] =	vst v5  }
0xb3: {  	s19 =	sor.u32 s16, s24;
	v12 =	vadd.s32 $0x4000, v8;
	v13 =	vld.idx.msk [tilespmem:v13+s5+$0x0], $0xffff;
	[tilespmem:s15+$0x0] =	vst v14  }
0xb4: {  	v5 =	vld.idx.msk [tilespmem:v6+s5+$0x0], $0xffff;
	v6 =	vadd.s32 $0xE000, v4;
	[tilespmem:s19+$0x0] =	vst v7  }
0xb5: {  	s23 =	sadd.s32 $0x11A80, s9;
	v14 =	vadd.s32 $0x4000, v26;
	v7 =	vld.idx.msk [tilespmem:v15+s5+$0x0], $0xffff;
	[tilespmem:s21+$0x180] =	vst v9  }
0xb6: {  	s12 =	sor.u32 s0, s23;
	v15 =	vadd.s32 $0x4000, v25;
	v9 =	vld.idx.msk [tilespmem:v16+s5+$0x0], $0xffff;
	[tilespmem:s20+$0x180] =	vst v17  }
0xb7: {  	v16 =	vadd.s32 $0xC000, v3;
	v10 =	vld.idx.msk [tilespmem:v10+s5+$0x0], $0xffff;
	[tilespmem:s12+$0x0] =	vst v11  }
0xb8: {  	v17 =	vadd.s32 $0xC000, v2;
	v12 =	vld.idx.msk [tilespmem:v12+s5+$0x0], $0xffff;
	[tilespmem:s17+$0x180] =	vst v13  }
0xb9: {  	s3 =	sor.u32 s22, s24;
	v11 =	vadd.s32 $0x5000, v0;
	v6 =	vld.idx.msk [tilespmem:v6+s5+$0x0], $0xffff;
	[tilespmem:s18+$0x180] =	vst v5  }
0xba: {  	s15 =	sor.u32 s7, s6;
	v13 =	vadd.s32 $0x5000, v8;
	v14 =	vld.idx.msk [tilespmem:v14+s5+$0x0], $0xffff;
	[tilespmem:s3+$0x0] =	vst v7  }
0xbb: {  	v4 =	vadd.s32 $0xF000, v4;
	v5 =	vld.idx.msk [tilespmem:v15+s5+$0x0], $0xffff;
	[tilespmem:s15+$0x0] =	vst v9  }
0xbc: {  	s19 =	sadd.s32 $0x11B00, s9;
	v7 =	vadd.s32 $0x5000, v26;
	v9 =	vld.idx.msk [tilespmem:v16+s5+$0x0], $0xffff;
	[tilespmem:s21+$0x200] =	vst v10  }
0xbd: {  	s24 =	sor.u32 s0, s19;
	v15 =	vadd.s32 $0x5000, v25;
	v10 =	vld.idx.msk [tilespmem:v17+s5+$0x0], $0xffff;
	[tilespmem:s20+$0x200] =	vst v12  }
0xbe: {  	v16 =	vadd.s32 $0xD000, v1;
	v11 =	vld.idx.msk [tilespmem:v11+s5+$0x0], $0xffff;
	[tilespmem:s24+$0x0] =	vst v6  }
0xbf: {  	v12 =	vadd.s32 $0xD000, v3;
	v13 =	vld.idx.msk [tilespmem:v13+s5+$0x0], $0xffff;
	[tilespmem:s17+$0x200] =	vst v14  }
0xc0: {  	s26 =	sor.u32 s16, s6;
	v6 =	vadd.s32 $0x6000, v0;
	v4 =	vld.idx.msk [tilespmem:v4+s5+$0x0], $0xffff;
	[tilespmem:s18+$0x200] =	vst v5  }
0xc1: {  	s6 =	sor.u32 s22, s6;
	v14 =	vadd.s32 $0x6000, v8;
	v7 =	vld.idx.msk [tilespmem:v7+s5+$0x0], $0xffff;
	[tilespmem:s26+$0x0] =	vst v9  }
0xc2: {  	v5 =	vadd.s32 $0xD000, v2;
	v15 =	vld.idx.msk [tilespmem:v15+s5+$0x0], $0xffff;
	[tilespmem:s6+$0x0] =	vst v10  }
0xc3: {  	v9 =	vadd.s32 $0x6000, v26;
	v16 =	vld.idx.msk [tilespmem:v16+s5+$0x0], $0xffff;
	s6 =	sadd.s32 $0x11B80, s9;
	[tilespmem:s21+$0x280] =	vst v11  }
0xc4: {  	v10 =	vadd.s32 $0x6000, v25;
	v11 =	vld.idx.msk [tilespmem:v12+s5+$0x0], $0xffff;
	s0 =	sor.u32 s0, s6;
	[tilespmem:s20+$0x280] =	vst v13  }
0xc5: {  	v12 =	vadd.s32 $0xE000, v1;
	v6 =	vld.idx.msk [tilespmem:v6+s5+$0x0], $0xffff;
	[tilespmem:s0+$0x0] =	vst v4  }
0xc6: {  	v13 =	vadd.s32 $0xE000, v3;
	v14 =	vld.idx.msk [tilespmem:v14+s5+$0x0], $0xffff;
	[tilespmem:s17+$0x280] =	vst v7  }
0xc7: {  	v36 =	vadd.s32 $0xF000, v3;
	s8 =	sor.u32 s7, s23;
	v3 =	vadd.s32 $0x7000, v0;
	v4 =	vld.idx.msk [tilespmem:v5+s5+$0x0], $0xffff;
	[tilespmem:s18+$0x280] =	vst v15  }
0xc8: {  	s9 =	sor.u32 s16, s23;
	v7 =	vadd.s32 $0x7000, v8;
	v9 =	vld.idx.msk [tilespmem:v9+s5+$0x0], $0xffff;
	[tilespmem:s8+$0x0] =	vst v16  }
0xc9: {  	v33 =	vld.idx.msk [tilespmem:v10+s5+$0x0], $0xffff;
	[tilespmem:s9+$0x0] =	vst v11  }
0xca: {  	v27 =	vadd.s32 $0xF000, v1;
	v37 =	vadd.s32 $0xF000, v2;
	v24 =	vadd.s32 $0x8000, v8;
	v34 =	vld.idx.msk [tilespmem:v12+s5+$0x0], $0xffff;
	[tilespmem:s21+$0x300] =	vst v6  }
0xcb: {  	v29 =	vadd.s32 $0x7000, v26;
	v32 =	vadd.s32 $0x7000, v25;
	s4 =	sor.u32 s22, s23;
	v5 =	vadd.s32 $0xE000, v2;
	s0 =	sshll.u32 s25, $0x2;
	v35 =	vld.idx.msk [tilespmem:v13+s5+$0x0], $0xffff;
	[tilespmem:s20+$0x300] =	vst v14  }
0xcc: {  	v20 =	vadd.s32 $0x9000, v8;
	v23 =	vadd.s32 $0x8000, v26;
	v22 =	vadd.s32 $0x8000, v25;
	s12 =	sor.u32 s31, s0;
	v30 =	vld.idx.msk [tilespmem:v3+s5+$0x0], $0xffff;
	[tilespmem:s4+$0x0] =	vst v4  }
0xcd: {  	v21 =	vadd.s32 $0x9000, v26;
	v19 =	vadd.s32 $0x9000, v25;
	v18 =	vadd.s32 $0xA000, v26;
	v31 =	vld.idx.msk [tilespmem:v7+s5+$0x0], $0xffff;
	[dreg:$0x19] =	wrdreg s12  }
0xce: {  	v40 =	vadd.s32 $0xE000, v8;
	v38 =	vadd.s32 $0xE000, v26;
	v17 =	vadd.s32 $0xA000, v25;
	[tilespmem:s17+$0x300] =	vst v9  }
0xcf: {  	s23 =	sor.u32 s7, s19;
	v16 =	vadd.s32 $0xA000, v8;
	v15 =	vadd.s32 $0xB000, v26;
	v10 =	vadd.s32 $0xC000, v8;
	[tilespmem:s18+$0x300] =	vst v33  }
0xd0: {  	s15 =	sshll.u32 s25, $0x5;
	s24 =	sor.u32 s16, s19;
	v12 =	vadd.s32 $0xC000, v26;
	v11 =	vadd.s32 $0xC000, v25;
	v13 =	vadd.s32 $0xB000, v8;
	v28 =	vld.idx.msk [tilespmem:v5+s5+$0x0], $0xffff;
	[tilespmem:s23+$0x0] =	vst v34  }
0xd1: {  	s19 =	sor.u32 s22, s19;
	v6 =	vadd.s32 $0xD000, v8;
	v14 =	vadd.s32 $0xB000, v25;
	s4 =	sand.u32 $0x60, s15;
	v7 =	vadd.s32 $0xD000, v26;
	v29 =	vld.idx.msk [tilespmem:v29+s5+$0x0], $0xffff;
	[tilespmem:s24+$0x0] =	vst v35  }
0xd2: {  	s26 =	sor.u32 s7, s6;
	s31 =	sshll.u32 s12, $0x6;
	v26 =	vadd.s32 $0xF000, v26;
	v9 =	vadd.s32 $0xD000, v25;
	v33 =	vadd.s32 $0x8000, v0;
	v32 =	vld.idx.msk [tilespmem:v32+s5+$0x0], $0xffff;
	[dreg:$0x1a] =	wrdreg s4  }
0xd3: {  	s28 =	sor.u32 s16, s6;
	s3 =	sor.u32 s22, s6;
	s16 =	sand.u32 $0x1FC00, s31;
	v34 =	vadd.s32 $0xF000, v8;
	v8 =	vadd.s32 $0xE000, v25;
	v25 =	vadd.s32 $0xF000, v25;
	v27 =	vld.idx.msk [tilespmem:v27+s5+$0x0], $0xffff  }
.LBB2_3:
0xd4: {  	_ =	sdelay $0x2  }
0xd5: {  	[tilespmem:s21+$0x380] =	vst v30;
	v1 =	vmov v26  }
0xd6: {  	s14 =	sadd.s32 $0x40, s14;
	[tilespmem:$0x1FFB0] =	vst v1;
	v26 =	vld.idx.msk [tilespmem:v33+s5+$0x0], $0xffff  }
0xd7: {  	s4 =	sshll.u32 s14, $0x2;
	[tilespmem:s20+$0x380] =	vst v31;
	v30 =	vld.idx.msk [tilespmem:v36+s5+$0x0], $0xffff  }
0xd8: {  	s22 =	sand.u32 $0x40, s14;
	s4 =	sand.u32 $0x3FFFFE00, s4;
	[tilespmem:s19+$0x0] =	vst v28;
	v24 =	vld.idx.msk [tilespmem:v24+s5+$0x0], $0xffff  }
0xd9: {  	s23 =	sor.u32 $0x30, s22;
	s6 =	sadd.s32 $0x10000, s4;
	v28 =	vadd.s32 $0x9000, v0;
	[tilespmem:s17+$0x380] =	vst v29;
	v29 =	vld.idx.msk [tilespmem:v37+s5+$0x0], $0xffff  }
0xda: {  	s24 =	sor.u32 $0x10, s22;
	s9 =	sor.u32 s23, s6;
	[tilespmem:s18+$0x380] =	vst v32;
	s18 =	sadd.s32 $0x11800, s13;
	v23 =	vld.idx.msk [tilespmem:v23+s5+$0x0], $0xffff  }
0xdb: {  	s4 =	sor.u32 $0x20, s22;
	s8 =	sor.u32 s22, s6;
	[tilespmem:s26+$0x0] =	vst v27;
	v31 =	vld [tilespmem:s9+$0x0];
	s20 =	sor.u32 s10, s18  }
0xdc: {  	v1 =	vmov v25;
	s12 =	sor.u32 s24, s6;
	s6 =	sor.u32 s4, s6;
	v25 =	vld [tilespmem:s8+$0x0];
	[tilespmem:s20+$0x0] =	vst v26  }
0xdd: {  	s19 =	sor.u32 s1, s18;
	v50 =	vld [tilespmem:s6+$0x0];
	[tilespmem:s28+$0x0] =	vst v30  }
0xde: {  	[tilespmem:s19+$0x0] =	vst v24;
	v24 =	vld.idx.msk [tilespmem:v28+s5+$0x0], $0xffff  }
0xdf: {  	s15 =	sor.u32 s2, s18;
	[tilespmem:s3+$0x0] =	vst v29;
	v39 =	vld [tilespmem:s12+$0x0]  }
0xe0: {  	[tilespmem:s15+$0x0] =	vst v23;
	v22 =	vld.idx.msk [tilespmem:v22+s5+$0x0], $0xffff;
	v23 =	vadd.s32 $0xA000, v0  }
0xe1: {  	[tilespmem:$0x1FFC0] =	vst v40;
	v20 =	vld.idx.msk [tilespmem:v20+s5+$0x0], $0xffff  }
0xe2: {  	[tilespmem:$0x1FFD0] =	vst v38;
	s21 =	sadd.s32 $0x11880, s13;
	v56 =	vadd.s32 $0xB000, v0;
	v21 =	vld.idx.msk [tilespmem:v21+s5+$0x0], $0xffff  }
0xe3: {  	[tilespmem:$0x1FFE0] =	vst v34;
	s17 =	sor.u32 s10, s21;
	v26 =	vadd.s32 $0x1000, v25;
	v51 =	vadd.s32 $0x2000, v25;
	v46 =	vadd.s32 $0x3000, v25;
	v41 =	vld.idx.msk [tilespmem:v31+s5+$0x0], $0xffff  }
0xe4: {  	s9 =	sor.u32 s11, s18;
	v40 =	vadd.s32 $0x4000, v25;
	v34 =	vadd.s32 $0x5000, v25;
	v45 =	vadd.s32 $0x1000, v50;
	v42 =	vld.idx.msk [tilespmem:v25+s5+$0x0], $0xffff;
	[tilespmem:s17+$0x0] =	vst v24  }
0xe5: {  	s18 =	sshll.u32 s14, $0x3;
	v53 =	vadd.s32 $0x2000, v50;
	v48 =	vadd.s32 $0x3000, v50;
	v47 =	vadd.s32 $0x1000, v31;
	v49 =	vld.idx.msk [tilespmem:v23+s5+$0x0], $0xffff;
	[tilespmem:s9+$0x0] =	vst v22  }
0xe6: {  	[tilespmem:$0x1FFF0] =	vst v1;
	s26 =	sor.u32 s1, s21;
	s3 =	sand.u32 $0x3FFFFC00, s18;
	v43 =	vadd.s32 $0x4000, v50;
	v33 =	vadd.s32 $0x6000, v25;
	v36 =	vadd.s32 $0x5000, v50;
	v55 =	vld.idx.msk [tilespmem:v50+s5+$0x0], $0xffff  }
0xe7: {  	s7 =	sor.u32 s2, s21;
	s19 =	sadd.s32 $0x10800, s3;
	v28 =	vadd.s32 $0x7000, v25;
	v32 =	vadd.s32 $0x6000, v50;
	v27 =	vadd.s32 $0x7000, v50;
	[tilespmem:s26+$0x0] =	vst v20;
	v57 =	vld.idx.msk [tilespmem:v19+s5+$0x0], $0xffff  }
0xe8: {  	s6 =	sor.u32 s11, s21;
	v61 =	vadd.s32 $0xB000, v25;
	v62 =	vadd.s32 $0xA000, v50;
	v63 =	vadd.s32 $0xB000, v50;
	s21 =	sor.u32 s23, s19;
	v54 =	vld.idx.msk [tilespmem:v39+s5+$0x0], $0xffff;
	[tilespmem:s7+$0x0] =	vst v21  }
0xe9: {  	v1 =	vadd.s32 $0x2000, v31;
	v2 =	vadd.s32 $0xC000, v25;
	s20 =	sor.u32 s22, s19;
	v37 =	vadd.s32 $0x1000, v39;
	s26 =	sadd.s32 $0x11900, s13;
	v58 =	vld.idx.msk [tilespmem:v16+s5+$0x0], $0xffff;
	[tilespmem:s21+$0x0] =	vst v41  }
0xea: {  	s18 =	sor.u32 s4, s19;
	v24 =	vadd.s32 $0x8000, v25;
	s17 =	sor.u32 s24, s19;
	v52 =	vadd.s32 $0x2000, v39;
	v44 =	vadd.s32 $0x3000, v39;
	s19 =	sor.u32 s10, s26;
	[tilespmem:s20+$0x0] =	vst v42;
	v59 =	vld.idx.msk [tilespmem:v47+s5+$0x0], $0xffff  }
0xeb: {  	v38 =	vadd.s32 $0x4000, v39;
	v35 =	vadd.s32 $0x5000, v39;
	v30 =	vadd.s32 $0x6000, v39;
	v60 =	vld.idx.msk [tilespmem:v26+s5+$0x0], $0xffff;
	[tilespmem:s19+$0x0] =	vst v49  }
0xec: {  	v29 =	vadd.s32 $0x7000, v39;
	v20 =	vadd.s32 $0x9000, v25;
	v23 =	vadd.s32 $0x8000, v39;
	v56 =	vld.idx.msk [tilespmem:v56+s5+$0x0], $0xffff;
	[tilespmem:s18+$0x0] =	vst v55  }
0xed: {  	v22 =	vadd.s32 $0x8000, v50;
	v4 =	vadd.s32 $0xC000, v39;
	v16 =	vadd.s32 $0xA000, v25;
	v5 =	vld.idx.msk [tilespmem:v45+s5+$0x0], $0xffff;
	[tilespmem:s17+$0x0] =	vst v54  }
0xee: {  	v19 =	vadd.s32 $0x9000, v50;
	v21 =	vadd.s32 $0x9000, v39;
	s7 =	sor.u32 s1, s26;
	[tilespmem:s6+$0x0] =	vst v57;
	v57 =	vadd.s32 $0xC000, v0;
	v3 =	vld.idx.msk [tilespmem:v37+s5+$0x0], $0xffff  }
0xef: {  	v42 =	vadd.s32 $0xE000, v25;
	v41 =	vadd.s32 $0xE000, v39;
	v26 =	vadd.s32 $0xA000, v39;
	[tilespmem:s7+$0x0] =	vst v58;
	v58 =	vld.idx.msk [tilespmem:v18+s5+$0x0], $0xffff  }
0xf0: {  	s12 =	sor.u32 s2, s26;
	s8 =	sor.u32 s11, s26;
	s26 =	sadd.s32 $0x11980, s13;
	v47 =	vadd.s32 $0xD000, v39;
	v49 =	vadd.s32 $0xD000, v25;
	v55 =	vadd.s32 $0xC000, v50;
	[tilespmem:s21+$0x80] =	vst v59;
	v59 =	vld.idx.msk [tilespmem:v17+s5+$0x0], $0xffff  }
0xf1: {  	s7 =	sor.u32 s10, s26;
	v45 =	vadd.s32 $0xD000, v50;
	v54 =	vadd.s32 $0xB000, v39;
	v37 =	vadd.s32 $0xF000, v25;
	[tilespmem:s20+$0x80] =	vst v60;
	v1 =	vld.idx.msk [tilespmem:v1+s5+$0x0], $0xffff  }
0xf2: {  	v18 =	vmovc v26;
	v26 =	vadd.s32 $0xF000, v39;
	v39 =	vadd.s32 $0xE000, v50;
	v25 =	vadd.s32 $0xF000, v50;
	v50 =	vld.idx.msk [tilespmem:v51+s5+$0x0], $0xffff;
	[tilespmem:s7+$0x0] =	vst v56  }
0xf3: {  	v51 =	vld.idx.msk [tilespmem:v57+s5+$0x0], $0xffff;
	[tilespmem:s18+$0x80] =	vst v5  }
0xf4: {  	v5 =	vld.idx.msk [tilespmem:v53+s5+$0x0], $0xffff;
	[tilespmem:s17+$0x80] =	vst v3;
	v3 =	vadd.s32 $0x3000, v31  }
0xf5: {  	v52 =	vld.idx.msk [tilespmem:v52+s5+$0x0], $0xffff;
	[tilespmem:s12+$0x0] =	vst v58  }
0xf6: {  	v17 =	vmov v62;
	v60 =	vadd.s32 $0xD000, v0;
	v62 =	vld.idx.msk [tilespmem:v13+s5+$0x0], $0xffff;
	[tilespmem:s21+$0x100] =	vst v1  }
0xf7: {  	[tilespmem:s20+$0x100] =	vst v50;
	v1 =	vld.idx.msk [tilespmem:v15+s5+$0x0], $0xffff  }
0xf8: {  	[tilespmem:s8+$0x0] =	vst v59;
	s8 =	sadd.s32 $0x11A00, s13;
	v46 =	vld.idx.msk [tilespmem:v46+s5+$0x0], $0xffff  }
0xf9: {  	s7 =	sor.u32 s10, s8;
	[tilespmem:s18+$0x100] =	vst v5;
	v3 =	vld.idx.msk [tilespmem:v3+s5+$0x0], $0xffff  }
0xfa: {  	v57 =	vadd.s32 $0x4000, v31;
	[tilespmem:s7+$0x0] =	vst v51;
	v5 =	vld.idx.msk [tilespmem:v48+s5+$0x0], $0xffff  }
0xfb: {  	s15 =	sor.u32 s1, s26;
	[tilespmem:s17+$0x100] =	vst v52;
	v51 =	vld.idx.msk [tilespmem:v60+s5+$0x0], $0xffff  }
0xfc: {  	s19 =	sor.u32 s2, s26;
	[tilespmem:s15+$0x0] =	vst v62;
	v44 =	vld.idx.msk [tilespmem:v44+s5+$0x0], $0xffff  }
0xfd: {  	v58 =	vadd.s32 $0xE000, v0;
	[tilespmem:s19+$0x0] =	vst v1;
	v1 =	vld.idx.msk [tilespmem:v14+s5+$0x0], $0xffff  }
0xfe: {  	[tilespmem:s21+$0x180] =	vst v3;
	v3 =	vld.idx.msk [tilespmem:v10+s5+$0x0], $0xffff  }
0xff: {  	s19 =	sadd.s32 $0x11A80, s13;
	v10 =	vmov v2;
	[tilespmem:s20+$0x180] =	vst v46;
	v2 =	vld.idx.msk [tilespmem:v57+s5+$0x0], $0xffff  }
0x100: {  	s7 =	sor.u32 s10, s19;
	[tilespmem:s18+$0x180] =	vst v5;
	v40 =	vld.idx.msk [tilespmem:v40+s5+$0x0], $0xffff  }
0x101: {  	v59 =	vadd.s32 $0x5000, v31;
	[tilespmem:s7+$0x0] =	vst v51;
	v5 =	vld.idx.msk [tilespmem:v43+s5+$0x0], $0xffff  }
0x102: {  	s9 =	sor.u32 s11, s26;
	[tilespmem:s17+$0x180] =	vst v44;
	v60 =	vld.idx.msk [tilespmem:v58+s5+$0x0], $0xffff  }
0x103: {  	s12 =	sor.u32 s1, s8;
	[tilespmem:s9+$0x0] =	vst v1;
	v38 =	vld.idx.msk [tilespmem:v38+s5+$0x0], $0xffff  }
0x104: {  	[tilespmem:s12+$0x0] =	vst v3;
	v3 =	vld.idx.msk [tilespmem:v12+s5+$0x0], $0xffff  }
0x105: {  	v1 =	vadd.s32 $0xF000, v0;
	[tilespmem:s21+$0x200] =	vst v2;
	v2 =	vld.idx.msk [tilespmem:v11+s5+$0x0], $0xffff  }
0x106: {  	s26 =	sor.u32 s2, s8;
	s28 =	sor.u32 s11, s8;
	s15 =	sor.u32 s1, s19;
	v12 =	vmov v4;
	[tilespmem:s20+$0x200] =	vst v40;
	v4 =	vld.idx.msk [tilespmem:v59+s5+$0x0], $0xffff  }
0x107: {  	s6 =	sor.u32 s2, s19;
	s8 =	sor.u32 s11, s19;
	s19 =	sadd.s32 $0x11B00, s13;
	v0 =	vmov v31;
	[tilespmem:s18+$0x200] =	vst v5;
	v31 =	vld.idx.msk [tilespmem:v34+s5+$0x0], $0xffff  }
0x108: {  	v13 =	vmov v61;
	s7 =	sor.u32 s10, s19;
	v61 =	vadd.s32 $0x6000, v0;
	v5 =	vld.idx.msk [tilespmem:v36+s5+$0x0], $0xffff;
	[tilespmem:s17+$0x200] =	vst v38  }
0x109: {  	[tilespmem:s7+$0x0] =	vst v60;
	v35 =	vld.idx.msk [tilespmem:v35+s5+$0x0], $0xffff  }
0x10a: {  	v1 =	vld.idx.msk [tilespmem:v1+s5+$0x0], $0xffff;
	[tilespmem:s26+$0x0] =	vst v3  }
0x10b: {  	v3 =	vld.idx.msk [tilespmem:v6+s5+$0x0], $0xffff;
	[tilespmem:s28+$0x0] =	vst v2  }
0x10c: {  	v2 =	vld.idx.msk [tilespmem:v7+s5+$0x0], $0xffff;
	[tilespmem:s21+$0x280] =	vst v4  }
0x10d: {  	s7 =	sadd.s32 $0x11B80, s13;
	[tilespmem:s20+$0x280] =	vst v31;
	v4 =	vld.idx.msk [tilespmem:v61+s5+$0x0], $0xffff  }
0x10e: {  	s10 =	sor.u32 s10, s7;
	v31 =	vld.idx.msk [tilespmem:v33+s5+$0x0], $0xffff;
	[tilespmem:s17+$0x280] =	vst v35  }
0x10f: {  	v14 =	vmov v63;
	[tilespmem:s10+$0x0] =	vst v1;
	v63 =	vld.idx.msk [tilespmem:v30+s5+$0x0], $0xffff  }
0x110: {  	v1 =	vadd.s32 $0x7000, v0;
	[tilespmem:s15+$0x0] =	vst v3;
	v3 =	vld [tilespmem:$0x1FFC0]  }
0x111: {  	[tilespmem:s6+$0x0] =	vst v2;
	v2 =	vld [tilespmem:$0x1FFD0]  }
0x112: {  	v36 =	vld [tilespmem:$0x1FFB0]  }
0x113: {  	v34 =	vmov v37;
	v37 =	vld [tilespmem:$0x1FFF0]  }
0x114: {  	v62 =	vld.idx.msk [tilespmem:v9+s5+$0x0], $0xffff;
	[tilespmem:s21+$0x300] =	vst v4  }
0x115: {  	v30 =	vld.idx.msk [tilespmem:v1+s5+$0x0], $0xffff  }
0x116: {  	[tilespmem:s18+$0x280] =	vst v5;
	v1 =	vld [tilespmem:$0x1FFE0]  }
0x117: {  	v5 =	vld.idx.msk [tilespmem:v32+s5+$0x0], $0xffff  }
0x118: {  	v3 =	vld.idx.msk [tilespmem:v3+s5+$0x0], $0xffff  }
0x119: {  	p0 =	slt.u32 s14, $0x1C0;
	[tilespmem:s20+$0x300] =	vst v31;
	v2 =	vld.idx.msk [tilespmem:v2+s5+$0x0], $0xffff  }
.Ltmp2:
0x11a: {  	[tilespmem:s8+$0x0] =	vst v62;
	v31 =	vld.idx.msk [tilespmem:v28+s5+$0x0], $0xffff;
	(pc) =	sbr.rel @p0 .LBB2_3-.Ltmp2, $4  }
0x11b: {  	s9 =	sor.u32 s1, s19;
	s12 =	sor.u32 s2, s19;
	[tilespmem:s17+$0x300] =	vst v63;
	v28 =	vld.idx.msk [tilespmem:v8+s5+$0x0], $0xffff  }
0x11c: {  	s19 =	sor.u32 s11, s19;
	s13 =	smov.u32 s3;
	s3 =	sor.u32 s11, s7;
	[tilespmem:s18+$0x300] =	vst v5;
	v29 =	vld.idx.msk [tilespmem:v29+s5+$0x0], $0xffff  }
0x11d: {  	v15 =	vmovc v54;
	v11 =	vmov v55;
	v40 =	vmov v42;
	s11 =	smov.u32 s4;
	v38 =	vmov v41;
	s26 =	sor.u32 s1, s7;
	s1 =	smov.u32 s22;
	v32 =	vld.idx.msk [tilespmem:v27+s5+$0x0], $0xffff;
	[tilespmem:s9+$0x0] =	vst v3  }
0x11e: {  	v6 =	vmovc v49;
	v7 =	vmovc v47;
	s28 =	sor.u32 s2, s7;
	s2 =	smov.u32 s24;
	v9 =	vmov v45;
	s10 =	smov.u32 s23;
	v33 =	vadd.s32 $0x8000, v0;
	v8 =	vmov v39;
	v27 =	vld.idx.msk [tilespmem:v1+s5+$0x0], $0xffff;
	[tilespmem:s12+$0x0] =	vst v2  }
0x11f: {  	_ =	sdelay $0x2  }
0x120: {  	[tilespmem:s21+$0x380] =	vst v30  }
0x121: {  	[tilespmem:s20+$0x380] =	vst v31;
	v1 =	vld.idx.msk [tilespmem:v33+s5+$0x0], $0xffff  }
0x122: {  	v3 =	vadd.s32 $0x9000, v0;
	v2 =	vld.idx.msk [tilespmem:v24+s5+$0x0], $0xffff;
	[tilespmem:s17+$0x380] =	vst v29  }
0x123: {  	v4 =	vld.idx.msk [tilespmem:v23+s5+$0x0], $0xffff  }
0x124: {  	s4 =	sadd.s32 $0x11800, s13  }
0x125: {  	s6 =	sor.u32 s10, s4;
	[tilespmem:s18+$0x380] =	vst v32  }
0x126: {  	s7 =	sor.u32 s1, s4;
	v5 =	vld.idx.msk [tilespmem:v22+s5+$0x0], $0xffff;
	[tilespmem:s6+$0x0] =	vst v1  }
0x127: {  	s8 =	sor.u32 s2, s4;
	[tilespmem:s7+$0x0] =	vst v2;
	v1 =	vld.idx.msk [tilespmem:v3+s5+$0x0], $0xffff  }
0x128: {  	v2 =	vadd.s32 $0xA000, v0;
	v3 =	vld.idx.msk [tilespmem:v20+s5+$0x0], $0xffff;
	[tilespmem:s8+$0x0] =	vst v4  }
0x129: {  	v4 =	vld.idx.msk [tilespmem:v21+s5+$0x0], $0xffff  }
0x12a: {  	s9 =	sadd.s32 $0x11880, s13;
	s4 =	sor.u32 s11, s4  }
0x12b: {  	s12 =	sor.u32 s10, s9;
	[tilespmem:s4+$0x0] =	vst v5  }
0x12c: {  	s14 =	sor.u32 s1, s9;
	v5 =	vld.idx.msk [tilespmem:v19+s5+$0x0], $0xffff;
	[tilespmem:s12+$0x0] =	vst v1  }
0x12d: {  	s15 =	sor.u32 s2, s9;
	[tilespmem:s14+$0x0] =	vst v3;
	v1 =	vld.idx.msk [tilespmem:v2+s5+$0x0], $0xffff  }
0x12e: {  	v2 =	vadd.s32 $0xB000, v0;
	v3 =	vld.idx.msk [tilespmem:v16+s5+$0x0], $0xffff;
	[tilespmem:s15+$0x0] =	vst v4  }
0x12f: {  	v4 =	vld.idx.msk [tilespmem:v18+s5+$0x0], $0xffff  }
0x130: {  	s17 =	sadd.s32 $0x11900, s13;
	s4 =	sor.u32 s11, s9  }
0x131: {  	s18 =	sor.u32 s10, s17;
	[tilespmem:s4+$0x0] =	vst v5  }
0x132: {  	s20 =	sor.u32 s1, s17;
	v5 =	vld.idx.msk [tilespmem:v17+s5+$0x0], $0xffff;
	[tilespmem:s18+$0x0] =	vst v1  }
0x133: {  	s21 =	sor.u32 s2, s17;
	[tilespmem:s20+$0x0] =	vst v3;
	v1 =	vld.idx.msk [tilespmem:v2+s5+$0x0], $0xffff  }
0x134: {  	v2 =	vadd.s32 $0xC000, v0;
	v3 =	vld.idx.msk [tilespmem:v13+s5+$0x0], $0xffff;
	[tilespmem:s21+$0x0] =	vst v4  }
0x135: {  	v4 =	vld.idx.msk [tilespmem:v15+s5+$0x0], $0xffff  }
0x136: {  	s22 =	sadd.s32 $0x11980, s13;
	s4 =	sor.u32 s11, s17  }
0x137: {  	s23 =	sor.u32 s10, s22;
	[tilespmem:s4+$0x0] =	vst v5  }
0x138: {  	s24 =	sor.u32 s1, s22;
	v5 =	vld.idx.msk [tilespmem:v14+s5+$0x0], $0xffff;
	[tilespmem:s23+$0x0] =	vst v1  }
0x139: {  	s8 =	sor.u32 s2, s22;
	[tilespmem:s24+$0x0] =	vst v3;
	v1 =	vld.idx.msk [tilespmem:v2+s5+$0x0], $0xffff  }
0x13a: {  	v2 =	vadd.s32 $0xD000, v0;
	v3 =	vld.idx.msk [tilespmem:v10+s5+$0x0], $0xffff;
	[tilespmem:s8+$0x0] =	vst v4  }
0x13b: {  	v4 =	vld.idx.msk [tilespmem:v12+s5+$0x0], $0xffff  }
0x13c: {  	s9 =	sadd.s32 $0x11A00, s13;
	s4 =	sor.u32 s11, s22  }
0x13d: {  	s12 =	sor.u32 s10, s9;
	[tilespmem:s4+$0x0] =	vst v5  }
0x13e: {  	s14 =	sor.u32 s1, s9;
	v5 =	vld.idx.msk [tilespmem:v11+s5+$0x0], $0xffff;
	[tilespmem:s12+$0x0] =	vst v1  }
0x13f: {  	s15 =	sor.u32 s2, s9;
	[tilespmem:s14+$0x0] =	vst v3;
	v1 =	vld.idx.msk [tilespmem:v2+s5+$0x0], $0xffff  }
0x140: {  	v2 =	vadd.s32 $0xE000, v0;
	v3 =	vld.idx.msk [tilespmem:v6+s5+$0x0], $0xffff;
	[tilespmem:s15+$0x0] =	vst v4  }
0x141: {  	v4 =	vld.idx.msk [tilespmem:v7+s5+$0x0], $0xffff  }
0x142: {  	s17 =	sadd.s32 $0x11A80, s13;
	s4 =	sor.u32 s11, s9  }
0x143: {  	s18 =	sor.u32 s10, s17;
	[tilespmem:s4+$0x0] =	vst v5  }
0x144: {  	s20 =	sor.u32 s1, s17;
	v5 =	vld.idx.msk [tilespmem:v9+s5+$0x0], $0xffff;
	[tilespmem:s18+$0x0] =	vst v1  }
0x145: {  	s21 =	sor.u32 s2, s17;
	[tilespmem:s20+$0x0] =	vst v3;
	v1 =	vld.idx.msk [tilespmem:v2+s5+$0x0], $0xffff  }
0x146: {  	v0 =	vadd.s32 $0xF000, v0;
	v2 =	vld.idx.msk [tilespmem:v40+s5+$0x0], $0xffff;
	[tilespmem:s21+$0x0] =	vst v4  }
0x147: {  	[tilespmem:s19+$0x0] =	vst v28;
	v3 =	vld.idx.msk [tilespmem:v38+s5+$0x0], $0xffff  }
0x148: {  	[tilespmem:s26+$0x0] =	vst v27;
	s22 =	sadd.s32 $0x11B00, s13;
	v6 =	vld.idx.msk [tilespmem:v37+s5+$0x0], $0xffff;
	s4 =	sor.u32 s11, s17  }
0x149: {  	s23 =	sor.u32 s10, s22;
	[tilespmem:s4+$0x0] =	vst v5;
	v5 =	vld.idx.msk [tilespmem:v36+s5+$0x0], $0xffff  }
0x14a: {  	s24 =	sor.u32 s1, s22;
	v4 =	vld.idx.msk [tilespmem:v8+s5+$0x0], $0xffff;
	[tilespmem:s23+$0x0] =	vst v1  }
0x14b: {  	s26 =	sor.u32 s2, s22;
	[tilespmem:s24+$0x0] =	vst v2;
	v0 =	vld.idx.msk [tilespmem:v0+s5+$0x0], $0xffff  }
0x14c: {  	v1 =	vld.idx.msk [tilespmem:v34+s5+$0x0], $0xffff;
	[tilespmem:s26+$0x0] =	vst v3  }
0x14d: {  	[tilespmem:s3+$0x0] =	vst v6;
	v2 =	vld.idx.msk [tilespmem:v26+s5+$0x0], $0xffff  }
0x14e: {  	s8 =	sadd.s32 $0x11B80, s13;
	s4 =	sor.u32 s11, s22;
	[tilespmem:s28+$0x0] =	vst v5  }
0x14f: {  	s9 =	sor.u32 s10, s8;
	[tilespmem:s4+$0x0] =	vst v4  }
0x150: {  	s10 =	sor.u32 s1, s8;
	v3 =	vld.idx.msk [tilespmem:v25+s5+$0x0], $0xffff;
	[tilespmem:s9+$0x0] =	vst v0  }
0x151: {  	s12 =	sor.u32 s2, s8;
	[tilespmem:s10+$0x0] =	vst v1  }
0x152: {  	s14 =	rddreg [dreg:$0x2];
	[tilespmem:s12+$0x0] =	vst v2  }
0x153: {  	s12 =	rddreg [dreg:$0x1a]  }
0x154: {  	s13 =	sor.u32 s11, s8;
	s2 =	sadd.s32 s14, s12  }
0x155: {  	[tilespmem:s13+$0x0] =	vst v3;
	s15 =	sadd.s32 s16, s2;
	s16 =	simm.s32 $0x10800  }
0x156: {  	[hbm4b:s15+s29] =	stream.strided.scatter [tilespmem:s16], [sflag:$0x5], $0x400, s30, s29, $0x38;
	[tilespmem:$0x18800] =	vst v63  }
0x157: {  	s18 =	simm.s32 $0x10C00;
	s17 =	sadd.s32 $0x80, s15  }
0x158: {  	[hbm4b:s17+s29] =	stream.strided.scatter [tilespmem:s18], [sflag:$0x5], $0x400, s30, s29, $0x38;
	[tilespmem:$0x18800] =	vst v63  }
0x159: {  	s20 =	simm.s32 $0x11000;
	s19 =	sadd.s32 $0x100, s15  }
0x15a: {  	[hbm4b:s19+s29] =	stream.strided.scatter [tilespmem:s20], [sflag:$0x5], $0x400, s30, s29, $0x38;
	[tilespmem:$0x18800] =	vst v63  }
0x15b: {  	s22 =	simm.s32 $0x11400;
	s21 =	sadd.s32 $0x180, s15  }
0x15c: {  	[hbm4b:s21+s29] =	stream.strided.scatter [tilespmem:s22], [sflag:$0x5], $0x400, s30, s29, $0x38;
	[tilespmem:$0x18800] =	vst v63  }
0x15d: {  	s23 =	simm.s32 $0x11800;
	s1 =	sadd.s32 $0x100000, s15  }
0x15e: {  	[hbm4b:s1+s29] =	stream.strided.scatter [tilespmem:s23], [sflag:$0x5], $0x400, s30, s29, $0x38;
	[tilespmem:$0x18800] =	vst v63  }
0x15f: {  	s26 =	simm.s32 $0x11C00;
	s24 =	sadd.s32 $0x80, s1  }
0x160: {  	[hbm4b:s24+s29] =	stream.strided.scatter [tilespmem:s26], [sflag:$0x5], $0x400, s30, s29, $0x38;
	[tilespmem:$0x18800] =	vst v63  }
0x161: {  	s4 =	simm.s32 $0x12000;
	s3 =	sadd.s32 $0x100, s1  }
0x162: {  	[hbm4b:s3+s29] =	stream.strided.scatter [tilespmem:s4], [sflag:$0x5], $0x400, s30, s29, $0x38;
	[tilespmem:$0x18800] =	vst v63  }
0x163: {  	s6 =	simm.s32 $0x12400;
	s1 =	sadd.s32 $0x180, s1  }
0x164: {  	[hbm4b:s1+s29] =	stream.strided.scatter [tilespmem:s6], [sflag:$0x5], $0x400, s30, s29, $0x38;
	[tilespmem:$0x18800] =	vst v63  }
0x165: {  	p0 =	seq.s32 s25, $0xF;
	s1 =	rddreg [dreg:$0x19]  }
0x166: {  	s1 =	sadd.s32 @!p0 $0x4, s1  }
0x167: {  	s2 =	sshll.u32 @!p0 s1, $0x3  }
0x168: {  	s3 =	rddreg [dreg:$0x1];
	s1 =	sshll.u32 @!p0 s1, $0x6;
	s2 =	sand.u32 @!p0 $0x60, s2  }
0x169: {  	s1 =	sand.u32 @!p0 $0xFFFFC00, s1;
	s3 =	sadd.s32 @!p0 s3, s2  }
0x16a: {  	s4 =	simm.s32 @!p0 $0x0;
	s6 =	simm.s32 @!p0 $0x10000;
	s3 =	sadd.s32 @!p0 s1, s3  }
0x16b: {  	[tilespmem:s6], [sflag:$0x1] =	stream.linear.gather @!p0 [hbm4b:s3+s4], $0x80, $0x38;
	[tilespmem:$0x18800] =	vst v63  }
0x16c: {  	s7 =	simm.s32 @!p0 $0x10200;
	s6 =	sadd.s32 @!p0 $0x80, s3  }
0x16d: {  	[tilespmem:s7], [sflag:$0x1] =	stream.linear.gather @!p0 [hbm4b:s6+s4], $0x80, $0x38;
	[tilespmem:$0x18800] =	vst v63  }
0x16e: {  	s6 =	sadd.s32 @!p0 $0x100, s3;
	s7 =	simm.s32 @!p0 $0x10400  }
0x16f: {  	[tilespmem:s7], [sflag:$0x1] =	stream.linear.gather @!p0 [hbm4b:s6+s4], $0x80, $0x38;
	[tilespmem:$0x18800] =	vst v63  }
0x170: {  	s3 =	sadd.s32 @!p0 $0x180, s3;
	s6 =	simm.s32 @!p0 $0x10600;
	s7 =	simm.s32 $0x2  }
0x171: {  	[tilespmem:s6], [sflag:$0x1] =	stream.linear.gather @!p0 [hbm4b:s3+s4], $0x80, $0x38;
	[tilespmem:$0x18800] =	vst v63  }
0x172: {  	_ =	swait.ge [sflag:s7], $0x200  }
0x173: {  	s8 =	simm.s32 $0x0;
	[sflag:s7] =	ssyncset.done $0x0  }
0x174: {  	s9 =	simm.s32 $0x0;
	s3 =	simm.s32 @!p1 $0x6;
	[sflag:s7] =	ssyncadd.s32 $0xFFFFFE00  }
0x175: {  	s10 =	sand.u32 $0x3FFFFE00, s9;
	s20 =	sand.u32 $0x40, s8;
	_ =	swait.ge @!p1 [sflag:s3], $0x2000  }
0x176: {  	s18 =	sor.u32 $0x30, s20;
	s4 =	sadd.s32 $0x10000, s10;
	[sflag:s3] =	ssyncset.done @!p1 $0x0  }
0x177: {  	s11 =	sor.u32 s18, s4;
	[sflag:s3] =	ssyncadd.s32 @!p1 $0xFFFFE000  }
0x178: {  	s21 =	sor.u32 $0x10, s20;
	s13 =	sor.u32 s20, s4;
	v4 =	vld [tilespmem:s11+$0x80]  }
0x179: {  	s14 =	sor.u32 s21, s4;
	v1 =	vld [tilespmem:s13+$0x80]  }
0x17a: {  	v3 =	vld [tilespmem:s14+$0x80]  }
0x17b: {  	s22 =	sor.u32 $0x20, s20  }
0x17c: {  	s15 =	sor.u32 s22, s4  }
0x17d: {  	v2 =	vld [tilespmem:s15+$0x80];
	_ =	sdelay $0x2  }
0x17e: {  	v0 =	vld.idx.msk [tilespmem:v4+s5+$0x0], $0xffff  }
0x17f: {  	s16 =	simm.s32 $0x0;
	v6 =	vadd.s32 $0x1000, v4;
	v5 =	vld.idx.msk [tilespmem:v1+s5+$0x0], $0xffff  }
0x180: {  	s23 =	sand.u32 $0x3FFFFC00, s16;
	v7 =	vadd.s32 $0x1000, v1;
	v8 =	vld.idx.msk [tilespmem:v3+s5+$0x0], $0xffff  }
0x181: {  	s3 =	sadd.s32 $0x12800, s23;
	v9 =	vadd.s32 $0x1000, v3  }
0x182: {  	s17 =	sor.u32 s18, s3  }
0x183: {  	s19 =	sor.u32 s20, s3;
	v10 =	vld.idx.msk [tilespmem:v2+s5+$0x0], $0xffff;
	[tilespmem:s17+$0x0] =	vst v0  }
0x184: {  	s24 =	sor.u32 s21, s3;
	v0 =	vadd.s32 $0x1000, v2;
	[tilespmem:s19+$0x0] =	vst v5;
	v5 =	vld.idx.msk [tilespmem:v6+s5+$0x0], $0xffff  }
0x185: {  	[tilespmem:s24+$0x0] =	vst v8;
	v6 =	vld.idx.msk [tilespmem:v7+s5+$0x0], $0xffff;
	v7 =	vadd.s32 $0x2000, v4  }
0x186: {  	v8 =	vadd.s32 $0x2000, v1;
	v9 =	vld.idx.msk [tilespmem:v9+s5+$0x0], $0xffff  }
0x187: {  	s26 =	sadd.s32 $0x12880, s23;
	s3 =	sor.u32 s22, s3;
	v11 =	vadd.s32 $0x2000, v3  }
0x188: {  	s7 =	sor.u32 s18, s26;
	[tilespmem:s3+$0x0] =	vst v10  }
0x189: {  	s8 =	sor.u32 s20, s26;
	v0 =	vld.idx.msk [tilespmem:v0+s5+$0x0], $0xffff;
	[tilespmem:s7+$0x0] =	vst v5  }
0x18a: {  	s9 =	sor.u32 s21, s26;
	v5 =	vadd.s32 $0x2000, v2;
	[tilespmem:s8+$0x0] =	vst v6;
	v6 =	vld.idx.msk [tilespmem:v7+s5+$0x0], $0xffff  }
0x18b: {  	[tilespmem:s9+$0x0] =	vst v9;
	v7 =	vld.idx.msk [tilespmem:v8+s5+$0x0], $0xffff;
	v8 =	vadd.s32 $0x3000, v4  }
0x18c: {  	v9 =	vadd.s32 $0x3000, v1;
	v10 =	vld.idx.msk [tilespmem:v11+s5+$0x0], $0xffff  }
0x18d: {  	s10 =	sor.u32 s22, s26;
	s11 =	sadd.s32 $0x12900, s23;
	v11 =	vadd.s32 $0x3000, v3  }
0x18e: {  	s13 =	sor.u32 s18, s11;
	[tilespmem:s10+$0x0] =	vst v0  }
0x18f: {  	s14 =	sor.u32 s20, s11;
	v0 =	vld.idx.msk [tilespmem:v5+s5+$0x0], $0xffff;
	[tilespmem:s13+$0x0] =	vst v6  }
0x190: {  	s15 =	sor.u32 s21, s11;
	v5 =	vadd.s32 $0x3000, v2;
	[tilespmem:s14+$0x0] =	vst v7;
	v6 =	vld.idx.msk [tilespmem:v8+s5+$0x0], $0xffff  }
0x191: {  	[tilespmem:s15+$0x0] =	vst v10;
	v7 =	vld.idx.msk [tilespmem:v9+s5+$0x0], $0xffff;
	v8 =	vadd.s32 $0x4000, v4  }
0x192: {  	v9 =	vadd.s32 $0x4000, v1;
	v10 =	vld.idx.msk [tilespmem:v11+s5+$0x0], $0xffff  }
0x193: {  	s16 =	sor.u32 s22, s11;
	s17 =	sadd.s32 $0x12980, s23;
	v11 =	vadd.s32 $0x4000, v3  }
0x194: {  	s19 =	sor.u32 s18, s17;
	[tilespmem:s16+$0x0] =	vst v0  }
0x195: {  	s24 =	sor.u32 s20, s17;
	v0 =	vld.idx.msk [tilespmem:v5+s5+$0x0], $0xffff;
	[tilespmem:s19+$0x0] =	vst v6  }
0x196: {  	s26 =	sor.u32 s21, s17;
	v5 =	vadd.s32 $0x4000, v2;
	[tilespmem:s24+$0x0] =	vst v7;
	v6 =	vld.idx.msk [tilespmem:v8+s5+$0x0], $0xffff  }
0x197: {  	[tilespmem:s26+$0x0] =	vst v10;
	v7 =	vld.idx.msk [tilespmem:v9+s5+$0x0], $0xffff;
	v8 =	vadd.s32 $0x5000, v4  }
0x198: {  	v9 =	vadd.s32 $0x5000, v1;
	v10 =	vld.idx.msk [tilespmem:v11+s5+$0x0], $0xffff  }
0x199: {  	s6 =	sor.u32 s22, s17;
	s7 =	sadd.s32 $0x12A00, s23;
	v11 =	vadd.s32 $0x5000, v3  }
0x19a: {  	s8 =	sor.u32 s18, s7;
	[tilespmem:s6+$0x0] =	vst v0  }
0x19b: {  	s9 =	sor.u32 s20, s7;
	v0 =	vld.idx.msk [tilespmem:v5+s5+$0x0], $0xffff;
	[tilespmem:s8+$0x0] =	vst v6  }
0x19c: {  	s10 =	sor.u32 s21, s7;
	v5 =	vadd.s32 $0x5000, v2;
	[tilespmem:s9+$0x0] =	vst v7;
	v6 =	vld.idx.msk [tilespmem:v8+s5+$0x0], $0xffff  }
0x19d: {  	[tilespmem:s10+$0x0] =	vst v10;
	v7 =	vld.idx.msk [tilespmem:v9+s5+$0x0], $0xffff;
	v8 =	vadd.s32 $0x6000, v4  }
0x19e: {  	v9 =	vadd.s32 $0x6000, v1;
	v10 =	vld.idx.msk [tilespmem:v11+s5+$0x0], $0xffff  }
0x19f: {  	s11 =	sor.u32 s22, s7;
	s13 =	sadd.s32 $0x12A80, s23;
	v11 =	vadd.s32 $0x6000, v3  }
0x1a0: {  	s14 =	sor.u32 s18, s13;
	[tilespmem:s11+$0x0] =	vst v0  }
0x1a1: {  	s15 =	sor.u32 s20, s13;
	v0 =	vld.idx.msk [tilespmem:v5+s5+$0x0], $0xffff;
	[tilespmem:s14+$0x0] =	vst v6  }
0x1a2: {  	s16 =	sor.u32 s21, s13;
	v5 =	vadd.s32 $0x6000, v2;
	[tilespmem:s15+$0x0] =	vst v7;
	v6 =	vld.idx.msk [tilespmem:v8+s5+$0x0], $0xffff  }
0x1a3: {  	[tilespmem:s16+$0x0] =	vst v10;
	v7 =	vld.idx.msk [tilespmem:v9+s5+$0x0], $0xffff;
	v8 =	vadd.s32 $0x7000, v4  }
0x1a4: {  	v9 =	vadd.s32 $0x7000, v1;
	v10 =	vld.idx.msk [tilespmem:v11+s5+$0x0], $0xffff  }
0x1a5: {  	s17 =	sor.u32 s22, s13;
	s19 =	sadd.s32 $0x12B00, s23;
	v11 =	vadd.s32 $0x7000, v3  }
0x1a6: {  	s24 =	sor.u32 s18, s19;
	[tilespmem:s17+$0x0] =	vst v0  }
0x1a7: {  	s26 =	sor.u32 s20, s19;
	v0 =	vld.idx.msk [tilespmem:v5+s5+$0x0], $0xffff;
	[tilespmem:s24+$0x0] =	vst v6  }
0x1a8: {  	s7 =	sor.u32 s21, s19;
	v5 =	vadd.s32 $0x7000, v2;
	[tilespmem:s26+$0x0] =	vst v7;
	v6 =	vld.idx.msk [tilespmem:v8+s5+$0x0], $0xffff  }
0x1a9: {  	[tilespmem:s7+$0x0] =	vst v10;
	v7 =	vld.idx.msk [tilespmem:v9+s5+$0x0], $0xffff  }
0x1aa: {  	s8 =	sor.u32 s22, s19;
	s14 =	simm.s32 $0x100;
	v8 =	vadd.s32 $0x8000, v4;
	v10 =	vld.idx.msk [tilespmem:v11+s5+$0x0], $0xffff  }
0x1ab: {  	s9 =	sadd.s32 $0x12B80, s23;
	s3 =	sand.u32 $0x3FFFFE00, s14;
	s17 =	simm.s32 $0x40;
	v11 =	vadd.s32 $0x8000, v3  }
0x1ac: {  	s11 =	sor.u32 s18, s9;
	s3 =	sadd.s32 $0x10000, s3;
	s10 =	sand.u32 $0x40, s17;
	v9 =	vadd.s32 $0x8000, v1;
	[tilespmem:s8+$0x0] =	vst v0  }
0x1ad: {  	s13 =	sor.u32 s20, s9;
	s19 =	sor.u32 s10, s3;
	v5 =	vld.idx.msk [tilespmem:v5+s5+$0x0], $0xffff;
	[tilespmem:s11+$0x0] =	vst v6  }
0x1ae: {  	s15 =	sor.u32 s21, s9;
	[tilespmem:s13+$0x0] =	vst v7;
	v7 =	vld [tilespmem:s19+$0x80]  }
0x1af: {  	[tilespmem:s15+$0x0] =	vst v10;
	v6 =	vld.idx.msk [tilespmem:v8+s5+$0x0], $0xffff  }
0x1b0: {  	s13 =	sor.u32 $0x30, s10;
	v10 =	vld.idx.msk [tilespmem:v11+s5+$0x0], $0xffff;
	v11 =	vadd.s32 $0x8000, v2  }
0x1b1: {  	s11 =	sor.u32 $0x10, s10;
	v8 =	vld.idx.msk [tilespmem:v9+s5+$0x0], $0xffff;
	v9 =	vadd.s32 $0x9000, v4;
	s16 =	sor.u32 s13, s3  }
0x1b2: {  	v12 =	vadd.s32 $0x9000, v1;
	s14 =	sor.u32 $0x20, s10;
	s8 =	sor.u32 s11, s3;
	v0 =	vld [tilespmem:s16+$0x80]  }
0x1b3: {  	v13 =	vadd.s32 $0x9000, v3;
	s4 =	sor.u32 s22, s9;
	s24 =	sadd.s32 $0x13800, s23;
	s3 =	sor.u32 s14, s3;
	v25 =	vld [tilespmem:s8+$0x80]  }
0x1b4: {  	s26 =	sor.u32 s18, s24;
	v27 =	vld [tilespmem:s3+$0x80];
	[tilespmem:s4+$0x0] =	vst v5  }
0x1b5: {  	s7 =	sor.u32 s20, s24;
	[tilespmem:s26+$0x0] =	vst v6;
	v5 =	vld.idx.msk [tilespmem:v11+s5+$0x0], $0xffff  }
0x1b6: {  	s8 =	sor.u32 s21, s24;
	[tilespmem:s7+$0x0] =	vst v8;
	v6 =	vld.idx.msk [tilespmem:v9+s5+$0x0], $0xffff  }
0x1b7: {  	[tilespmem:s8+$0x0] =	vst v10;
	v9 =	vld.idx.msk [tilespmem:v12+s5+$0x0], $0xffff  }
0x1b8: {  	v11 =	vadd.s32 $0x9000, v2;
	v10 =	vld.idx.msk [tilespmem:v13+s5+$0x0], $0xffff  }
0x1b9: {  	s15 =	sor.u32 s22, s24;
	s3 =	sadd.s32 $0x13880, s23;
	v8 =	vadd.s32 $0xA000, v4;
	v14 =	vld.idx.msk [tilespmem:v7+s5+$0x0], $0xffff  }
0x1ba: {  	s16 =	simm.s32 $0x200;
	s9 =	sor.u32 s18, s3;
	v15 =	vadd.s32 $0x1000, v7;
	v12 =	vld.idx.msk [tilespmem:v0+s5+$0x0], $0xffff;
	[tilespmem:s15+$0x0] =	vst v5  }
0x1bb: {  	s19 =	sor.u32 s20, s3;
	s16 =	sand.u32 $0x3FFFFC00, s16;
	v13 =	vadd.s32 $0xA000, v1;
	v16 =	vld.idx.msk [tilespmem:v25+s5+$0x0], $0xffff;
	[tilespmem:s9+$0x0] =	vst v6  }
0x1bc: {  	s24 =	sor.u32 s21, s3;
	s6 =	sadd.s32 $0x12800, s16;
	v17 =	vadd.s32 $0x1000, v25;
	v5 =	vld.idx.msk [tilespmem:v27+s5+$0x0], $0xffff;
	[tilespmem:s19+$0x0] =	vst v9  }
0x1bd: {  	s8 =	sor.u32 s10, s6;
	v6 =	vadd.s32 $0x1000, v0;
	[tilespmem:s24+$0x0] =	vst v10;
	v10 =	vld.idx.msk [tilespmem:v11+s5+$0x0], $0xffff  }
0x1be: {  	s26 =	sor.u32 s13, s6;
	v11 =	vadd.s32 $0x1000, v27;
	v8 =	vld.idx.msk [tilespmem:v8+s5+$0x0], $0xffff;
	[tilespmem:s8+$0x0] =	vst v14  }
0x1bf: {  	s15 =	sor.u32 s11, s6;
	v9 =	vadd.s32 $0xB000, v4;
	v15 =	vld.idx.msk [tilespmem:v15+s5+$0x0], $0xffff;
	[tilespmem:s26+$0x0] =	vst v12  }
0x1c0: {  	s19 =	sor.u32 s14, s6;
	v12 =	vld.idx.msk [tilespmem:v13+s5+$0x0], $0xffff;
	v13 =	vadd.s32 $0xA000, v3;
	[tilespmem:s15+$0x0] =	vst v16  }
0x1c1: {  	s3 =	sor.u32 s22, s3;
	s7 =	sadd.s32 $0x13900, s23;
	v16 =	vadd.s32 $0x2000, v7;
	v17 =	vld.idx.msk [tilespmem:v17+s5+$0x0], $0xffff;
	[tilespmem:s19+$0x0] =	vst v5  }
0x1c2: {  	s9 =	sor.u32 s18, s7;
	v14 =	vadd.s32 $0xA000, v2;
	s26 =	sadd.s32 $0x12880, s16;
	v6 =	vld.idx.msk [tilespmem:v6+s5+$0x0], $0xffff;
	[tilespmem:s3+$0x0] =	vst v10  }
0x1c3: {  	v5 =	vld.idx.msk [tilespmem:v11+s5+$0x0], $0xffff;
	v11 =	vadd.s32 $0x2000, v25;
	[tilespmem:s9+$0x0] =	vst v8;
	s9 =	sor.u32 s10, s26  }
0x1c4: {  	s24 =	sor.u32 s20, s7;
	v8 =	vadd.s32 $0x2000, v0;
	v9 =	vld.idx.msk [tilespmem:v9+s5+$0x0], $0xffff;
	[tilespmem:s9+$0x0] =	vst v15  }
0x1c5: {  	s19 =	sor.u32 s11, s26;
	v10 =	vadd.s32 $0xC000, v4;
	[tilespmem:s24+$0x0] =	vst v12;
	v12 =	vld.idx.msk [tilespmem:v13+s5+$0x0], $0xffff  }
0x1c6: {  	s8 =	sor.u32 s13, s26;
	v13 =	vadd.s32 $0x2000, v27;
	v16 =	vld.idx.msk [tilespmem:v16+s5+$0x0], $0xffff;
	[tilespmem:s19+$0x0] =	vst v17  }
0x1c7: {  	s4 =	sadd.s32 $0x13980, s23;
	s24 =	sor.u32 s14, s26;
	[tilespmem:s8+$0x0] =	vst v6;
	v6 =	vld.idx.msk [tilespmem:v14+s5+$0x0], $0xffff;
	v14 =	vadd.s32 $0xB000, v1  }
0x1c8: {  	s15 =	sor.u32 s18, s4;
	v17 =	vadd.s32 $0x3000, v7;
	v11 =	vld.idx.msk [tilespmem:v11+s5+$0x0], $0xffff;
	[tilespmem:s24+$0x0] =	vst v5  }
0x1c9: {  	v15 =	vadd.s32 $0xB000, v3;
	s9 =	sadd.s32 $0x12900, s16;
	s26 =	sor.u32 s21, s7;
	v8 =	vld.idx.msk [tilespmem:v8+s5+$0x0], $0xffff;
	[tilespmem:s15+$0x0] =	vst v9  }
0x1ca: {  	s19 =	sor.u32 s10, s9;
	v9 =	vadd.s32 $0x3000, v0;
	v10 =	vld.idx.msk [tilespmem:v10+s5+$0x0], $0xffff;
	[tilespmem:s26+$0x0] =	vst v12  }
0x1cb: {  	s8 =	sor.u32 s22, s7;
	v5 =	vld.idx.msk [tilespmem:v13+s5+$0x0], $0xffff;
	v13 =	vadd.s32 $0x3000, v25;
	[tilespmem:s19+$0x0] =	vst v16  }
0x1cc: {  	v12 =	vadd.s32 $0xD000, v4;
	s26 =	sor.u32 s11, s9;
	v14 =	vld.idx.msk [tilespmem:v14+s5+$0x0], $0xffff;
	[tilespmem:s8+$0x0] =	vst v6  }
0x1cd: {  	s6 =	sadd.s32 $0x13A00, s23;
	s15 =	sor.u32 s13, s9;
	v17 =	vld.idx.msk [tilespmem:v17+s5+$0x0], $0xffff;
	v6 =	vadd.s32 $0x3000, v27;
	[tilespmem:s26+$0x0] =	vst v11  }
0x1ce: {  	s24 =	sor.u32 s18, s6;
	[tilespmem:s15+$0x0] =	vst v8;
	v8 =	vld.idx.msk [tilespmem:v15+s5+$0x0], $0xffff;
	v15 =	vadd.s32 $0xB000, v2  }
0x1cf: {  	v16 =	vadd.s32 $0xC000, v1;
	s9 =	sor.u32 s14, s9;
	v9 =	vld.idx.msk [tilespmem:v9+s5+$0x0], $0xffff;
	[tilespmem:s24+$0x0] =	vst v10  }
0x1d0: {  	s15 =	sor.u32 s20, s4;
	v10 =	vadd.s32 $0x4000, v0;
	v13 =	vld.idx.msk [tilespmem:v13+s5+$0x0], $0xffff;
	[tilespmem:s9+$0x0] =	vst v5;
	s24 =	sadd.s32 $0x12980, s16  }
0x1d1: {  	v11 =	vld.idx.msk [tilespmem:v12+s5+$0x0], $0xffff;
	v12 =	vadd.s32 $0x4000, v7;
	s9 =	sor.u32 s10, s24;
	[tilespmem:s15+$0x0] =	vst v14  }
0x1d2: {  	s19 =	sor.u32 s21, s4;
	v5 =	vld.idx.msk [tilespmem:v6+s5+$0x0], $0xffff;
	v6 =	vadd.s32 $0xE000, v4;
	[tilespmem:s9+$0x0] =	vst v17  }
0x1d3: {  	s26 =	sor.u32 s13, s24;
	v14 =	vadd.s32 $0x4000, v25;
	[tilespmem:s19+$0x0] =	vst v8;
	v8 =	vld.idx.msk [tilespmem:v15+s5+$0x0], $0xffff  }
0x1d4: {  	s3 =	sadd.s32 $0x13A80, s23;
	v15 =	vadd.s32 $0x4000, v27;
	s19 =	sor.u32 s11, s24;
	[tilespmem:s26+$0x0] =	vst v9;
	v9 =	vld.idx.msk [tilespmem:v16+s5+$0x0], $0xffff  }
0x1d5: {  	s15 =	sor.u32 s18, s3;
	v16 =	vadd.s32 $0xC000, v3;
	v10 =	vld.idx.msk [tilespmem:v10+s5+$0x0], $0xffff;
	[tilespmem:s19+$0x0] =	vst v13  }
0x1d6: {  	s8 =	sor.u32 s14, s24;
	v17 =	vadd.s32 $0xC000, v2;
	[tilespmem:s15+$0x0] =	vst v11;
	v11 =	vld.idx.msk [tilespmem:v12+s5+$0x0], $0xffff  }
0x1d7: {  	s4 =	sor.u32 s22, s4;
	v12 =	vadd.s32 $0x5000, v0;
	v6 =	vld.idx.msk [tilespmem:v6+s5+$0x0], $0xffff;
	[tilespmem:s8+$0x0] =	vst v5  }
0x1d8: {  	s24 =	sor.u32 s20, s6;
	s26 =	sadd.s32 $0x12A00, s16;
	v13 =	vadd.s32 $0x5000, v7;
	v14 =	vld.idx.msk [tilespmem:v14+s5+$0x0], $0xffff;
	[tilespmem:s4+$0x0] =	vst v8  }
0x1d9: {  	v4 =	vadd.s32 $0xF000, v4;
	s9 =	sor.u32 s13, s26;
	v5 =	vld.idx.msk [tilespmem:v15+s5+$0x0], $0xffff;
	[tilespmem:s24+$0x0] =	vst v9  }
0x1da: {  	s15 =	sor.u32 s10, s26;
	v8 =	vadd.s32 $0x5000, v25;
	s4 =	sadd.s32 $0x13B00, s23;
	v9 =	vld.idx.msk [tilespmem:v16+s5+$0x0], $0xffff;
	[tilespmem:s9+$0x0] =	vst v10  }
0x1db: {  	v15 =	vadd.s32 $0x5000, v27;
	s19 =	sor.u32 s18, s4;
	v10 =	vld.idx.msk [tilespmem:v17+s5+$0x0], $0xffff;
	[tilespmem:s15+$0x0] =	vst v11  }
0x1dc: {  	v16 =	vadd.s32 $0xD000, v1;
	s24 =	sor.u32 s11, s26;
	v11 =	vld.idx.msk [tilespmem:v12+s5+$0x0], $0xffff;
	[tilespmem:s19+$0x0] =	vst v6  }
0x1dd: {  	s26 =	sor.u32 s14, s26;
	v12 =	vadd.s32 $0xD000, v3;
	v6 =	vld.idx.msk [tilespmem:v13+s5+$0x0], $0xffff;
	[tilespmem:s24+$0x0] =	vst v14  }
0x1de: {  	s8 =	sor.u32 s21, s6;
	v13 =	vadd.s32 $0x6000, v0;
	v4 =	vld.idx.msk [tilespmem:v4+s5+$0x0], $0xffff;
	[tilespmem:s26+$0x0] =	vst v5  }
0x1df: {  	s6 =	sor.u32 s22, s6;
	s9 =	sadd.s32 $0x12A80, s16;
	v14 =	vadd.s32 $0x6000, v7;
	v5 =	vld.idx.msk [tilespmem:v8+s5+$0x0], $0xffff;
	[tilespmem:s8+$0x0] =	vst v9  }
0x1e0: {  	s15 =	sor.u32 s13, s9;
	v8 =	vadd.s32 $0xD000, v2;
	v9 =	vld.idx.msk [tilespmem:v15+s5+$0x0], $0xffff;
	[tilespmem:s6+$0x0] =	vst v10  }
0x1e1: {  	s19 =	sor.u32 s10, s9;
	v15 =	vadd.s32 $0x6000, v25;
	v10 =	vld.idx.msk [tilespmem:v16+s5+$0x0], $0xffff;
	s6 =	sadd.s32 $0x13B80, s23;
	[tilespmem:s15+$0x0] =	vst v11  }
0x1e2: {  	v16 =	vadd.s32 $0x6000, v27;
	v11 =	vld.idx.msk [tilespmem:v12+s5+$0x0], $0xffff;
	s23 =	sor.u32 s18, s6;
	[tilespmem:s19+$0x0] =	vst v6  }
0x1e3: {  	s24 =	sor.u32 s11, s9;
	v12 =	vadd.s32 $0xE000, v1;
	v6 =	vld.idx.msk [tilespmem:v13+s5+$0x0], $0xffff;
	[tilespmem:s23+$0x0] =	vst v4  }
0x1e4: {  	s7 =	sor.u32 s14, s9;
	v13 =	vadd.s32 $0xE000, v3;
	v14 =	vld.idx.msk [tilespmem:v14+s5+$0x0], $0xffff;
	[tilespmem:s24+$0x0] =	vst v5  }
0x1e5: {  	v60 =	vadd.s32 $0xF000, v1;
	v37 =	vadd.s32 $0xF000, v3;
	s26 =	sor.u32 s20, s3;
	v3 =	vadd.s32 $0x7000, v0;
	v4 =	vld.idx.msk [tilespmem:v8+s5+$0x0], $0xffff;
	[tilespmem:s7+$0x0] =	vst v9  }
0x1e6: {  	v38 =	vadd.s32 $0xF000, v2;
	v23 =	vadd.s32 $0x8000, v7;
	s9 =	sor.u32 s21, s3;
	s15 =	sadd.s32 $0x12B00, s16;
	v8 =	vadd.s32 $0x7000, v7;
	v26 =	vld.idx.msk [tilespmem:v15+s5+$0x0], $0xffff;
	[tilespmem:s26+$0x0] =	vst v10  }
0x1e7: {  	v20 =	vadd.s32 $0x9000, v7;
	v41 =	vadd.s32 $0xE000, v7;
	s18 =	sor.u32 s13, s15;
	v5 =	vadd.s32 $0xE000, v2;
	v62 =	vld.idx.msk [tilespmem:v16+s5+$0x0], $0xffff;
	[tilespmem:s9+$0x0] =	vst v11  }
0x1e8: {  	v39 =	vadd.s32 $0xF000, v7;
	v29 =	vadd.s32 $0x7000, v25;
	v61 =	vadd.s32 $0x7000, v27;
	s19 =	sor.u32 s10, s15;
	v35 =	vld.idx.msk [tilespmem:v12+s5+$0x0], $0xffff;
	[tilespmem:s18+$0x0] =	vst v6  }
0x1e9: {  	v24 =	vadd.s32 $0x8000, v25;
	v22 =	vadd.s32 $0x8000, v27;
	v21 =	vadd.s32 $0x9000, v25;
	s3 =	sor.u32 s22, s3;
	v63 =	vld.idx.msk [tilespmem:v13+s5+$0x0], $0xffff;
	[tilespmem:s19+$0x0] =	vst v14  }
0x1ea: {  	v19 =	vadd.s32 $0x9000, v27;
	v18 =	vadd.s32 $0xA000, v25;
	v40 =	vadd.s32 $0xE000, v25;
	s23 =	sand.u32 $0xFFFFC00, s31;
	v30 =	vld.idx.msk [tilespmem:v3+s5+$0x0], $0xffff;
	[tilespmem:s3+$0x0] =	vst v4  }
0x1eb: {  	v33 =	vadd.s32 $0x8000, v0;
	v17 =	vadd.s32 $0xA000, v27;
	s24 =	sor.u32 s11, s15;
	v15 =	vadd.s32 $0xB000, v25;
	v31 =	vld.idx.msk [tilespmem:v8+s5+$0x0], $0xffff;
	[dreg:$0x1b] =	wrdreg s23  }
0x1ec: {  	s28 =	sor.u32 s20, s6;
	s31 =	sor.u32 s21, s4;
	v9 =	vadd.s32 $0xC000, v7;
	v16 =	vadd.s32 $0xA000, v7;
	v10 =	vadd.s32 $0xC000, v27;
	s9 =	sor.u32 s14, s15;
	[tilespmem:s24+$0x0] =	vst v26;
	v28 =	vld.idx.msk [tilespmem:v5+s5+$0x0], $0xffff  }
0x1ed: {  	s26 =	sor.u32 s20, s4;
	v12 =	vadd.s32 $0xC000, v25;
	v11 =	vadd.s32 $0xD000, v27;
	v13 =	vadd.s32 $0xB000, v7;
	s18 =	sor.u32 s12, s23;
	s3 =	sor.u32 s22, s4;
	[tilespmem:s9+$0x0] =	vst v62;
	v29 =	vld.idx.msk [tilespmem:v29+s5+$0x0], $0xffff  }
0x1ee: {  	v6 =	vadd.s32 $0xD000, v7;
	v7 =	vadd.s32 $0xE000, v27;
	v14 =	vadd.s32 $0xB000, v27;
	s4 =	sor.u32 s22, s6;
	s24 =	sor.u32 s21, s6;
	s9 =	sadd.s32 $0x12B80, s16;
	v32 =	vld.idx.msk [tilespmem:v61+s5+$0x0], $0xffff;
	[tilespmem:s26+$0x0] =	vst v35  }
0x1ef: {  	v8 =	vadd.s32 $0xD000, v25;
	v26 =	vadd.s32 $0xF000, v25;
	v25 =	vadd.s32 $0xF000, v27;
	s12 =	sor.u32 s10, s9;
	s6 =	sor.u32 s11, s9;
	s15 =	sor.u32 s13, s9;
	[tilespmem:s31+$0x0] =	vst v63;
	v27 =	vld.idx.msk [tilespmem:v60+s5+$0x0], $0xffff  }
.LBB2_5:
0x1f0: {  	_ = 	snop  }
0x1f1: {  	[tilespmem:s12+$0x0] =	vst v31  }
0x1f2: {  	s17 =	sadd.s32 $0x40, s17;
	v23 =	vld.idx.msk [tilespmem:v23+s5+$0x0], $0xffff;
	[tilespmem:s3+$0x0] =	vst v28  }
0x1f3: {  	s8 =	sshll.u32 s17, $0x2;
	[tilespmem:s15+$0x0] =	vst v30;
	v30 =	vld.idx.msk [tilespmem:v37+s5+$0x0], $0xffff  }
0x1f4: {  	s20 =	sand.u32 $0x40, s17;
	s8 =	sand.u32 $0x3FFFFE00, s8;
	[tilespmem:s6+$0x0] =	vst v29;
	v29 =	vld.idx.msk [tilespmem:v38+s5+$0x0], $0xffff  }
0x1f5: {  	[tilespmem:$0x1FF70] =	vst v41;
	s7 =	sor.u32 s14, s9;
	v1 =	vmov v26;
	s21 =	sor.u32 $0x30, s20;
	s31 =	sadd.s32 $0x10000, s8;
	v26 =	vld.idx.msk [tilespmem:v33+s5+$0x0], $0xffff  }
0x1f6: {  	s8 =	sor.u32 s21, s31;
	[tilespmem:s7+$0x0] =	vst v32;
	v24 =	vld.idx.msk [tilespmem:v24+s5+$0x0], $0xffff  }
0x1f7: {  	s23 =	sor.u32 $0x20, s20;
	s9 =	sor.u32 s20, s31;
	s15 =	sadd.s32 $0x13800, s16;
	[tilespmem:s28+$0x0] =	vst v27;
	v32 =	vld [tilespmem:s8+$0x80]  }
0x1f8: {  	[tilespmem:$0x1FF60] =	vst v1;
	v28 =	vadd.s32 $0x9000, v0;
	v1 =	vmov v25;
	s3 =	sor.u32 s23, s31;
	v25 =	vld [tilespmem:s9+$0x80];
	s19 =	sor.u32 s10, s15  }
0x1f9: {  	s22 =	sor.u32 $0x10, s20;
	v52 =	vld [tilespmem:s3+$0x80];
	[tilespmem:s19+$0x0] =	vst v23  }
0x1fa: {  	s12 =	sor.u32 s22, s31;
	v20 =	vld.idx.msk [tilespmem:v20+s5+$0x0], $0xffff;
	[tilespmem:s24+$0x0] =	vst v30  }
0x1fb: {  	s31 =	sor.u32 s13, s15;
	[tilespmem:s4+$0x0] =	vst v29;
	v38 =	vld [tilespmem:s12+$0x80]  }
0x1fc: {  	s26 =	sor.u32 s11, s15;
	[tilespmem:s31+$0x0] =	vst v26;
	v22 =	vld.idx.msk [tilespmem:v22+s5+$0x0], $0xffff  }
0x1fd: {  	[tilespmem:s26+$0x0] =	vst v24;
	v23 =	vld.idx.msk [tilespmem:v28+s5+$0x0], $0xffff  }
0x1fe: {  	[tilespmem:$0x1FF80] =	vst v40;
	v51 =	vadd.s32 $0xB000, v0;
	s19 =	sadd.s32 $0x13880, s16;
	v24 =	vadd.s32 $0xA000, v0;
	v21 =	vld.idx.msk [tilespmem:v21+s5+$0x0], $0xffff  }
0x1ff: {  	[tilespmem:$0x1FFA0] =	vst v39;
	s24 =	sor.u32 s10, s19;
	v26 =	vadd.s32 $0x1000, v25;
	v53 =	vadd.s32 $0x2000, v25;
	v48 =	vadd.s32 $0x3000, v25;
	v62 =	vld.idx.msk [tilespmem:v32+s5+$0x0], $0xffff  }
0x200: {  	s15 =	sor.u32 s14, s15;
	v42 =	vadd.s32 $0x4000, v25;
	v34 =	vadd.s32 $0x5000, v25;
	v44 =	vadd.s32 $0x1000, v52;
	v63 =	vld.idx.msk [tilespmem:v25+s5+$0x0], $0xffff;
	[tilespmem:s24+$0x0] =	vst v20  }
0x201: {  	s9 =	sshll.u32 s17, $0x3;
	s31 =	sor.u32 s13, s19;
	v55 =	vadd.s32 $0x2000, v52;
	v49 =	vadd.s32 $0x3000, v52;
	v45 =	vadd.s32 $0x1000, v32;
	v58 =	vld.idx.msk [tilespmem:v16+s5+$0x0], $0xffff;
	[tilespmem:s15+$0x0] =	vst v22  }
0x202: {  	s4 =	sand.u32 $0x3FFFFC00, s9;
	v43 =	vadd.s32 $0x4000, v52;
	v33 =	vadd.s32 $0x6000, v25;
	v37 =	vadd.s32 $0x5000, v52;
	[tilespmem:s31+$0x0] =	vst v23;
	v56 =	vld.idx.msk [tilespmem:v52+s5+$0x0], $0xffff  }
0x203: {  	[tilespmem:$0x1FF90] =	vst v1;
	s26 =	sor.u32 s11, s19;
	s12 =	sadd.s32 $0x12800, s4;
	v31 =	vadd.s32 $0x6000, v52;
	v27 =	vadd.s32 $0x7000, v52;
	v61 =	vadd.s32 $0xB000, v25;
	v47 =	vld.idx.msk [tilespmem:v24+s5+$0x0], $0xffff  }
0x204: {  	s3 =	sor.u32 s14, s19;
	v1 =	vadd.s32 $0xB000, v52;
	v2 =	vadd.s32 $0x2000, v32;
	v4 =	vadd.s32 $0xC000, v25;
	s19 =	sor.u32 s21, s12;
	v50 =	vld.idx.msk [tilespmem:v38+s5+$0x0], $0xffff;
	[tilespmem:s26+$0x0] =	vst v21  }
0x205: {  	v40 =	vadd.s32 $0xE000, v25;
	v28 =	vadd.s32 $0x7000, v25;
	v35 =	vadd.s32 $0x1000, v38;
	s15 =	sor.u32 s20, s12;
	v57 =	vld.idx.msk [tilespmem:v19+s5+$0x0], $0xffff;
	[tilespmem:s19+$0x0] =	vst v62  }
0x206: {  	s7 =	sor.u32 s23, s12;
	v20 =	vadd.s32 $0x9000, v25;
	s24 =	sadd.s32 $0x13900, s16;
	v16 =	vadd.s32 $0xA000, v25;
	v54 =	vadd.s32 $0x2000, v38;
	[tilespmem:s15+$0x0] =	vst v63;
	v59 =	vld.idx.msk [tilespmem:v45+s5+$0x0], $0xffff  }
0x207: {  	v46 =	vadd.s32 $0x3000, v38;
	v41 =	vadd.s32 $0x4000, v38;
	v36 =	vadd.s32 $0x5000, v38;
	s31 =	sor.u32 s13, s24;
	v60 =	vld.idx.msk [tilespmem:v26+s5+$0x0], $0xffff;
	[tilespmem:s7+$0x0] =	vst v56  }
0x208: {  	s9 =	sor.u32 s22, s12;
	v30 =	vadd.s32 $0x6000, v38;
	v29 =	vadd.s32 $0x7000, v38;
	v22 =	vadd.s32 $0x8000, v52;
	[tilespmem:s31+$0x0] =	vst v47;
	v56 =	vld.idx.msk [tilespmem:v44+s5+$0x0], $0xffff  }
0x209: {  	v39 =	vadd.s32 $0xE000, v38;
	v23 =	vadd.s32 $0x8000, v25;
	v19 =	vadd.s32 $0x9000, v52;
	s26 =	sor.u32 s10, s24;
	[tilespmem:s9+$0x0] =	vst v50;
	v3 =	vld.idx.msk [tilespmem:v51+s5+$0x0], $0xffff  }
0x20a: {  	v24 =	vadd.s32 $0x8000, v38;
	v21 =	vadd.s32 $0x9000, v38;
	v62 =	vadd.s32 $0xA000, v52;
	s15 =	sadd.s32 $0x12880, s4;
	[tilespmem:s26+$0x0] =	vst v58;
	v5 =	vld.idx.msk [tilespmem:v35+s5+$0x0], $0xffff  }
0x20b: {  	s6 =	sor.u32 s11, s24;
	s8 =	sor.u32 s14, s24;
	v63 =	vadd.s32 $0xB000, v38;
	v26 =	vadd.s32 $0xA000, v38;
	s24 =	sor.u32 s21, s15;
	[tilespmem:s3+$0x0] =	vst v57;
	v57 =	vadd.s32 $0xC000, v0;
	v58 =	vld.idx.msk [tilespmem:v18+s5+$0x0], $0xffff  }
0x20c: {  	v45 =	vadd.s32 $0xD000, v38;
	s19 =	sor.u32 s20, s15;
	v47 =	vadd.s32 $0xD000, v25;
	v44 =	vadd.s32 $0xD000, v52;
	[tilespmem:s24+$0x0] =	vst v59;
	v59 =	vld.idx.msk [tilespmem:v17+s5+$0x0], $0xffff  }
0x20d: {  	s26 =	sadd.s32 $0x13980, s16;
	s7 =	sor.u32 s23, s15;
	v51 =	vadd.s32 $0xC000, v38;
	v50 =	vadd.s32 $0xC000, v52;
	v35 =	vadd.s32 $0xF000, v25;
	[tilespmem:s19+$0x0] =	vst v60;
	v2 =	vld.idx.msk [tilespmem:v2+s5+$0x0], $0xffff  }
0x20e: {  	s31 =	sor.u32 s13, s26;
	v18 =	vmovc v26;
	v26 =	vadd.s32 $0xF000, v38;
	v38 =	vadd.s32 $0xE000, v52;
	v25 =	vadd.s32 $0xF000, v52;
	v52 =	vld.idx.msk [tilespmem:v53+s5+$0x0], $0xffff;
	[tilespmem:s7+$0x0] =	vst v56  }
0x20f: {  	s3 =	sor.u32 s14, s26;
	s9 =	sor.u32 s22, s15;
	v17 =	vmov v62;
	v62 =	vld.idx.msk [tilespmem:v13+s5+$0x0], $0xffff;
	[tilespmem:s31+$0x0] =	vst v3  }
0x210: {  	s15 =	sor.u32 s10, s26;
	s19 =	sor.u32 s11, s26;
	s26 =	sadd.s32 $0x12900, s4;
	v3 =	vadd.s32 $0x3000, v32;
	[tilespmem:s9+$0x0] =	vst v5;
	v5 =	vld.idx.msk [tilespmem:v57+s5+$0x0], $0xffff  }
0x211: {  	v60 =	vadd.s32 $0xD000, v0;
	s24 =	sor.u32 s21, s26;
	v53 =	vld.idx.msk [tilespmem:v54+s5+$0x0], $0xffff;
	[tilespmem:s6+$0x0] =	vst v58  }
0x212: {  	s31 =	sor.u32 s20, s26;
	v54 =	vld.idx.msk [tilespmem:v55+s5+$0x0], $0xffff;
	[tilespmem:s24+$0x0] =	vst v2  }
0x213: {  	s7 =	sor.u32 s23, s26;
	s9 =	sor.u32 s22, s26;
	s26 =	sadd.s32 $0x13A00, s16;
	[tilespmem:s31+$0x0] =	vst v52;
	v2 =	vld.idx.msk [tilespmem:v15+s5+$0x0], $0xffff  }
0x214: {  	[tilespmem:s8+$0x0] =	vst v59;
	s31 =	sor.u32 s13, s26;
	v48 =	vld.idx.msk [tilespmem:v48+s5+$0x0], $0xffff  }
0x215: {  	v3 =	vld.idx.msk [tilespmem:v3+s5+$0x0], $0xffff;
	[tilespmem:s31+$0x0] =	vst v5  }
0x216: {  	v15 =	vmov v63;
	v5 =	vadd.s32 $0x4000, v32;
	[tilespmem:s9+$0x0] =	vst v53;
	v63 =	vld.idx.msk [tilespmem:v60+s5+$0x0], $0xffff  }
0x217: {  	s6 =	sor.u32 s10, s26;
	[tilespmem:s7+$0x0] =	vst v54;
	v46 =	vld.idx.msk [tilespmem:v46+s5+$0x0], $0xffff  }
0x218: {  	s28 =	sor.u32 s11, s26;
	s24 =	sor.u32 s14, s26;
	s26 =	sadd.s32 $0x12980, s4;
	[tilespmem:s15+$0x0] =	vst v62;
	v49 =	vld.idx.msk [tilespmem:v49+s5+$0x0], $0xffff  }
0x219: {  	v57 =	vadd.s32 $0xE000, v0;
	s15 =	sor.u32 s21, s26;
	[tilespmem:s19+$0x0] =	vst v2;
	v2 =	vld.idx.msk [tilespmem:v14+s5+$0x0], $0xffff  }
0x21a: {  	s31 =	sor.u32 s20, s26;
	v14 =	vmov v1;
	v1 =	vld.idx.msk [tilespmem:v9+s5+$0x0], $0xffff;
	[tilespmem:s15+$0x0] =	vst v3  }
0x21b: {  	s9 =	sor.u32 s22, s26;
	s19 =	sadd.s32 $0x13A80, s16;
	[tilespmem:s31+$0x0] =	vst v48;
	v3 =	vld.idx.msk [tilespmem:v5+s5+$0x0], $0xffff  }
0x21c: {  	v9 =	vmov v4;
	s31 =	sor.u32 s13, s19;
	v4 =	vld.idx.msk [tilespmem:v42+s5+$0x0], $0xffff;
	v5 =	vadd.s32 $0x5000, v32;
	[tilespmem:s9+$0x0] =	vst v46  }
0x21d: {  	s7 =	sor.u32 s23, s26;
	[tilespmem:s31+$0x0] =	vst v63;
	v41 =	vld.idx.msk [tilespmem:v41+s5+$0x0], $0xffff  }
0x21e: {  	s8 =	sadd.s32 $0x12A00, s4;
	v58 =	vld.idx.msk [tilespmem:v57+s5+$0x0], $0xffff;
	[tilespmem:s7+$0x0] =	vst v49  }
0x21f: {  	s12 =	sor.u32 s21, s8;
	[tilespmem:s6+$0x0] =	vst v1;
	v1 =	vld.idx.msk [tilespmem:v12+s5+$0x0], $0xffff  }
0x220: {  	s31 =	sor.u32 s20, s8;
	v43 =	vld.idx.msk [tilespmem:v43+s5+$0x0], $0xffff;
	[tilespmem:s12+$0x0] =	vst v3  }
0x221: {  	s9 =	sor.u32 s22, s8;
	[tilespmem:s31+$0x0] =	vst v4;
	v4 =	vld.idx.msk [tilespmem:v5+s5+$0x0], $0xffff  }
0x222: {  	v5 =	vld.idx.msk [tilespmem:v34+s5+$0x0], $0xffff;
	[tilespmem:s9+$0x0] =	vst v41  }
0x223: {  	[tilespmem:s3+$0x0] =	vst v2;
	s12 =	sadd.s32 $0x13B00, s16;
	v59 =	vld.idx.msk [tilespmem:v36+s5+$0x0], $0xffff  }
0x224: {  	s31 =	sor.u32 s13, s12;
	[tilespmem:s28+$0x0] =	vst v1;
	v1 =	vld.idx.msk [tilespmem:v6+s5+$0x0], $0xffff  }
0x225: {  	[tilespmem:s31+$0x0] =	vst v58;
	s31 =	sadd.s32 $0x12A80, s4  }
0x226: {  	v3 =	vld.idx.msk [tilespmem:v10+s5+$0x0], $0xffff;
	s9 =	sor.u32 s20, s31  }
0x227: {  	s7 =	sor.u32 s23, s8;
	[tilespmem:s9+$0x0] =	vst v5  }
0x228: {  	s15 =	sor.u32 s10, s19;
	v2 =	vadd.s32 $0xF000, v0;
	[tilespmem:s7+$0x0] =	vst v43;
	v5 =	vld.idx.msk [tilespmem:v33+s5+$0x0], $0xffff  }
0x229: {  	[tilespmem:s15+$0x0] =	vst v1;
	v1 =	vld [tilespmem:$0x1FF70]  }
0x22a: {  	v60 =	vld.idx.msk [tilespmem:v37+s5+$0x0], $0xffff  }
0x22b: {  	[tilespmem:s24+$0x0] =	vst v3;
	v3 =	vld.idx.msk [tilespmem:v8+s5+$0x0], $0xffff  }
0x22c: {  	v0 =	vmov v32;
	s6 =	sor.u32 s10, s12  }
0x22d: {  	v32 =	vadd.s32 $0x6000, v0;
	s8 =	sor.u32 s11, s12;
	s3 =	sor.u32 s14, s12;
	v2 =	vld.idx.msk [tilespmem:v2+s5+$0x0], $0xffff;
	s12 =	sor.u32 s22, s31  }
0x22e: {  	[tilespmem:s12+$0x0] =	vst v59  }
0x22f: {  	s26 =	sor.u32 s11, s19;
	v62 =	vld.idx.msk [tilespmem:v30+s5+$0x0], $0xffff  }
0x230: {  	s7 =	sor.u32 s23, s31;
	s28 =	sor.u32 s21, s31;
	s31 =	sadd.s32 $0x13B80, s16;
	[tilespmem:s26+$0x0] =	vst v3;
	v3 =	vld [tilespmem:$0x1FF80]  }
0x231: {  	s16 =	smov.u32 s4;
	s13 =	sor.u32 s13, s31;
	[tilespmem:s28+$0x0] =	vst v4;
	s28 =	sor.u32 s10, s31;
	v1 =	vld.idx.msk [tilespmem:v1+s5+$0x0], $0xffff  }
0x232: {  	s10 =	smov.u32 s20;
	v4 =	vld.idx.msk [tilespmem:v32+s5+$0x0], $0xffff;
	[tilespmem:s13+$0x0] =	vst v2;
	s13 =	smov.u32 s21;
	s21 =	sadd.s32 $0x12B00, s16  }
0x233: {  	v13 =	vmov v61;
	s24 =	sor.u32 s11, s31;
	s11 =	smov.u32 s22;
	v61 =	vld.idx.msk [tilespmem:v11+s5+$0x0], $0xffff;
	v2 =	vadd.s32 $0x7000, v0;
	[tilespmem:s7+$0x0] =	vst v60;
	s22 =	sor.u32 s10, s21  }
0x234: {  	v63 =	vld.idx.msk [tilespmem:v31+s5+$0x0], $0xffff;
	[tilespmem:s22+$0x0] =	vst v5  }
0x235: {  	v31 =	vld.idx.msk [tilespmem:v28+s5+$0x0], $0xffff  }
0x236: {  	s4 =	sor.u32 s14, s31;
	s31 =	sor.u32 s13, s21;
	[tilespmem:s6+$0x0] =	vst v1;
	v1 =	vld [tilespmem:$0x1FFA0]  }
0x237: {  	v37 =	vld [tilespmem:$0x1FF60];
	[tilespmem:s31+$0x0] =	vst v4  }
0x238: {  	s19 =	sor.u32 s14, s19;
	v30 =	vld.idx.msk [tilespmem:v2+s5+$0x0], $0xffff  }
0x239: {  	p2 =	slt.u32 s17, $0x1C0;
	[tilespmem:s19+$0x0] =	vst v61;
	v3 =	vld.idx.msk [tilespmem:v3+s5+$0x0], $0xffff  }
.Ltmp3:
0x23a: {  	s14 =	smov.u32 s23;
	s23 =	sor.u32 s11, s21;
	v28 =	vld.idx.msk [tilespmem:v7+s5+$0x0], $0xffff;
	(pc) =	sbr.rel @p2 .LBB2_5-.Ltmp3, $4  }
0x23b: {  	s7 =	sor.u32 s14, s21;
	[tilespmem:s23+$0x0] =	vst v62;
	v7 =	vmov v38;
	v38 =	vld [tilespmem:$0x1FF90]  }
0x23c: {  	[tilespmem:s7+$0x0] =	vst v63;
	v29 =	vld.idx.msk [tilespmem:v29+s5+$0x0], $0xffff  }
0x23d: {  	v12 =	vmovc v51;
	v10 =	vmov v50;
	v41 =	vmov v40;
	v40 =	vmov v39;
	s9 =	sadd.s32 $0x12B80, s16;
	v32 =	vld.idx.msk [tilespmem:v27+s5+$0x0], $0xffff  }
0x23e: {  	v39 =	vmovc v35;
	v6 =	vmovc v47;
	v8 =	vmov v45;
	v11 =	vmov v44;
	v33 =	vadd.s32 $0x8000, v0;
	s12 =	sor.u32 s10, s9;
	s15 =	sor.u32 s13, s9;
	s6 =	sor.u32 s11, s9;
	[tilespmem:s8+$0x0] =	vst v3;
	v27 =	vld.idx.msk [tilespmem:v1+s5+$0x0], $0xffff  }
0x23f: {  	_ =	sdelay $0x2  }
0x240: {  	[tilespmem:s15+$0x0] =	vst v30  }
0x241: {  	[tilespmem:s12+$0x0] =	vst v31;
	v1 =	vld.idx.msk [tilespmem:v33+s5+$0x0], $0xffff  }
0x242: {  	s7 =	sor.u32 s14, s9;
	v3 =	vadd.s32 $0x9000, v0;
	v2 =	vld.idx.msk [tilespmem:v23+s5+$0x0], $0xffff;
	[tilespmem:s6+$0x0] =	vst v29  }
0x243: {  	v4 =	vld.idx.msk [tilespmem:v24+s5+$0x0], $0xffff;
	[tilespmem:s7+$0x0] =	vst v32  }
0x244: {  	s15 =	sadd.s32 $0x13800, s16;
	v5 =	vld.idx.msk [tilespmem:v22+s5+$0x0], $0xffff  }
0x245: {  	s17 =	sor.u32 s13, s15  }
0x246: {  	s8 =	sor.u32 s10, s15;
	[tilespmem:s17+$0x0] =	vst v1  }
0x247: {  	s19 =	sor.u32 s11, s15;
	[tilespmem:s8+$0x0] =	vst v2;
	v1 =	vld.idx.msk [tilespmem:v3+s5+$0x0], $0xffff  }
0x248: {  	s6 =	sor.u32 s14, s15;
	v2 =	vadd.s32 $0xA000, v0;
	v3 =	vld.idx.msk [tilespmem:v20+s5+$0x0], $0xffff;
	[tilespmem:s19+$0x0] =	vst v4  }
0x249: {  	v4 =	vld.idx.msk [tilespmem:v21+s5+$0x0], $0xffff;
	[tilespmem:s6+$0x0] =	vst v5  }
0x24a: {  	s20 =	sadd.s32 $0x13880, s16;
	v5 =	vld.idx.msk [tilespmem:v19+s5+$0x0], $0xffff  }
0x24b: {  	s21 =	sor.u32 s13, s20  }
0x24c: {  	s22 =	sor.u32 s10, s20;
	[tilespmem:s21+$0x0] =	vst v1  }
0x24d: {  	s23 =	sor.u32 s11, s20;
	[tilespmem:s22+$0x0] =	vst v3;
	v1 =	vld.idx.msk [tilespmem:v2+s5+$0x0], $0xffff  }
0x24e: {  	s6 =	sor.u32 s14, s20;
	v2 =	vadd.s32 $0xB000, v0;
	v3 =	vld.idx.msk [tilespmem:v16+s5+$0x0], $0xffff;
	[tilespmem:s23+$0x0] =	vst v4  }
0x24f: {  	[tilespmem:s6+$0x0] =	vst v5;
	v4 =	vld.idx.msk [tilespmem:v18+s5+$0x0], $0xffff  }
0x250: {  	s26 =	sadd.s32 $0x13900, s16;
	v5 =	vld.idx.msk [tilespmem:v17+s5+$0x0], $0xffff  }
0x251: {  	s8 =	sor.u32 s13, s26  }
0x252: {  	s9 =	sor.u32 s10, s26;
	[tilespmem:s8+$0x0] =	vst v1  }
0x253: {  	s12 =	sor.u32 s11, s26;
	[tilespmem:s9+$0x0] =	vst v3;
	v1 =	vld.idx.msk [tilespmem:v2+s5+$0x0], $0xffff  }
0x254: {  	s6 =	sor.u32 s14, s26;
	v2 =	vadd.s32 $0xC000, v0;
	v3 =	vld.idx.msk [tilespmem:v13+s5+$0x0], $0xffff;
	[tilespmem:s12+$0x0] =	vst v4  }
0x255: {  	[tilespmem:s6+$0x0] =	vst v5;
	v4 =	vld.idx.msk [tilespmem:v15+s5+$0x0], $0xffff  }
0x256: {  	s15 =	sadd.s32 $0x13980, s16;
	v5 =	vld.idx.msk [tilespmem:v14+s5+$0x0], $0xffff  }
0x257: {  	s17 =	sor.u32 s13, s15  }
0x258: {  	s19 =	sor.u32 s10, s15;
	[tilespmem:s17+$0x0] =	vst v1  }
0x259: {  	s20 =	sor.u32 s11, s15;
	[tilespmem:s19+$0x0] =	vst v3;
	v1 =	vld.idx.msk [tilespmem:v2+s5+$0x0], $0xffff  }
0x25a: {  	s6 =	sor.u32 s14, s15;
	v2 =	vadd.s32 $0xD000, v0;
	v3 =	vld.idx.msk [tilespmem:v9+s5+$0x0], $0xffff;
	[tilespmem:s20+$0x0] =	vst v4  }
0x25b: {  	[tilespmem:s6+$0x0] =	vst v5;
	v4 =	vld.idx.msk [tilespmem:v12+s5+$0x0], $0xffff  }
0x25c: {  	s21 =	sadd.s32 $0x13A00, s16;
	v5 =	vld.idx.msk [tilespmem:v10+s5+$0x0], $0xffff  }
0x25d: {  	s22 =	sor.u32 s13, s21  }
0x25e: {  	s23 =	sor.u32 s10, s21;
	[tilespmem:s22+$0x0] =	vst v1  }
0x25f: {  	s26 =	sor.u32 s11, s21;
	[tilespmem:s23+$0x0] =	vst v3;
	v1 =	vld.idx.msk [tilespmem:v2+s5+$0x0], $0xffff  }
0x260: {  	s6 =	sor.u32 s14, s21;
	v2 =	vadd.s32 $0xE000, v0;
	v3 =	vld.idx.msk [tilespmem:v6+s5+$0x0], $0xffff;
	[tilespmem:s26+$0x0] =	vst v4  }
0x261: {  	[tilespmem:s6+$0x0] =	vst v5;
	v4 =	vld.idx.msk [tilespmem:v8+s5+$0x0], $0xffff  }
0x262: {  	s9 =	sadd.s32 $0x13A80, s16;
	v5 =	vld.idx.msk [tilespmem:v11+s5+$0x0], $0xffff  }
0x263: {  	s12 =	sor.u32 s13, s9  }
0x264: {  	s15 =	sor.u32 s10, s9;
	[tilespmem:s12+$0x0] =	vst v1  }
0x265: {  	s17 =	sor.u32 s11, s9;
	[tilespmem:s15+$0x0] =	vst v3;
	v1 =	vld.idx.msk [tilespmem:v2+s5+$0x0], $0xffff  }
0x266: {  	v0 =	vadd.s32 $0xF000, v0;
	s6 =	sor.u32 s14, s9;
	v2 =	vld.idx.msk [tilespmem:v41+s5+$0x0], $0xffff;
	[tilespmem:s17+$0x0] =	vst v4  }
0x267: {  	v3 =	vld.idx.msk [tilespmem:v40+s5+$0x0], $0xffff;
	[tilespmem:s6+$0x0] =	vst v5  }
0x268: {  	[tilespmem:s3+$0x0] =	vst v28;
	s19 =	sadd.s32 $0x13B00, s16;
	v4 =	vld.idx.msk [tilespmem:v7+s5+$0x0], $0xffff  }
0x269: {  	[tilespmem:s28+$0x0] =	vst v27;
	s20 =	sor.u32 s13, s19;
	v6 =	vld.idx.msk [tilespmem:v38+s5+$0x0], $0xffff  }
0x26a: {  	s21 =	sor.u32 s10, s19;
	v5 =	vld.idx.msk [tilespmem:v37+s5+$0x0], $0xffff;
	[tilespmem:s20+$0x0] =	vst v1  }
0x26b: {  	s22 =	sor.u32 s11, s19;
	[tilespmem:s21+$0x0] =	vst v2;
	v0 =	vld.idx.msk [tilespmem:v0+s5+$0x0], $0xffff  }
0x26c: {  	s3 =	sor.u32 s14, s19;
	v1 =	vld.idx.msk [tilespmem:v39+s5+$0x0], $0xffff;
	[tilespmem:s22+$0x0] =	vst v3  }
0x26d: {  	v2 =	vld.idx.msk [tilespmem:v26+s5+$0x0], $0xffff;
	[tilespmem:s3+$0x0] =	vst v4  }
0x26e: {  	s23 =	sadd.s32 $0x13B80, s16;
	[tilespmem:s4+$0x0] =	vst v6;
	v3 =	vld.idx.msk [tilespmem:v25+s5+$0x0], $0xffff  }
0x26f: {  	[tilespmem:s24+$0x0] =	vst v5;
	s24 =	sor.u32 s13, s23  }
0x270: {  	s26 =	sor.u32 s10, s23;
	[tilespmem:s24+$0x0] =	vst v0  }
0x271: {  	s28 =	sor.u32 s11, s23;
	[tilespmem:s26+$0x0] =	vst v1  }
0x272: {  	s3 =	sor.u32 s14, s23;
	[tilespmem:s28+$0x0] =	vst v2  }
0x273: {  	[tilespmem:s3+$0x0] =	vst v3  }
0x274: {  	s3 =	rddreg [dreg:$0xa]  }
0x275: {  	s7 =	simm.s32 $0x12800;
	s3 =	sadd.s32 s18, s3  }
0x276: {  	[hbm4b:s3+s29] =	stream.strided.scatter [tilespmem:s7], [sflag:$0x6], $0x400, s30, s29, $0x38;
	[tilespmem:$0x18800] =	vst v63  }
0x277: {  	s9 =	simm.s32 $0x12C00;
	s8 =	sadd.s32 $0x80, s3  }
0x278: {  	[hbm4b:s8+s29] =	stream.strided.scatter [tilespmem:s9], [sflag:$0x6], $0x400, s30, s29, $0x38;
	[tilespmem:$0x18800] =	vst v63  }
0x279: {  	s11 =	simm.s32 $0x13000;
	s10 =	sadd.s32 $0x100, s3  }
0x27a: {  	[hbm4b:s10+s29] =	stream.strided.scatter [tilespmem:s11], [sflag:$0x6], $0x400, s30, s29, $0x38;
	[tilespmem:$0x18800] =	vst v63  }
0x27b: {  	s13 =	simm.s32 $0x13400;
	s12 =	sadd.s32 $0x180, s3  }
0x27c: {  	[hbm4b:s12+s29] =	stream.strided.scatter [tilespmem:s13], [sflag:$0x6], $0x400, s30, s29, $0x38;
	[tilespmem:$0x18800] =	vst v63  }
0x27d: {  	s14 =	simm.s32 $0x13800;
	s3 =	sadd.s32 $0x100000, s3  }
0x27e: {  	[hbm4b:s3+s29] =	stream.strided.scatter [tilespmem:s14], [sflag:$0x6], $0x400, s30, s29, $0x38;
	[tilespmem:$0x18800] =	vst v63  }
0x27f: {  	s16 =	simm.s32 $0x13C00;
	s15 =	sadd.s32 $0x80, s3  }
0x280: {  	[hbm4b:s15+s29] =	stream.strided.scatter [tilespmem:s16], [sflag:$0x6], $0x400, s30, s29, $0x38;
	[tilespmem:$0x18800] =	vst v63  }
0x281: {  	s1 =	sor.u32 @!p0 s2, s1;
	s18 =	simm.s32 $0x14000;
	s17 =	sadd.s32 $0x100, s3  }
0x282: {  	[hbm4b:s17+s29] =	stream.strided.scatter [tilespmem:s18], [sflag:$0x6], $0x400, s30, s29, $0x38;
	[tilespmem:$0x18800] =	vst v63  }
0x283: {  	s19 =	simm.s32 $0x14400;
	s2 =	rddreg [dreg:$0x6];
	s3 =	sadd.s32 $0x180, s3  }
0x284: {  	[hbm4b:s3+s29] =	stream.strided.scatter [tilespmem:s19], [sflag:$0x6], $0x400, s30, s29, $0x38;
	[tilespmem:$0x18800] =	vst v63  }
0x285: {  	s1 =	sadd.s32 @!p0 s1, s2;
	s2 =	simm.s32 @!p0 $0x0;
	s3 =	simm.s32 @!p0 $0x10080  }
0x286: {  	[tilespmem:s3], [sflag:$0x2] =	stream.linear.gather @!p0 [hbm4b:s1+s2], $0x80, $0x38;
	[tilespmem:$0x18800] =	vst v63  }
0x287: {  	s4 =	simm.s32 @!p0 $0x10280;
	s3 =	sadd.s32 @!p0 $0x80, s1  }
0x288: {  	[tilespmem:s4], [sflag:$0x2] =	stream.linear.gather @!p0 [hbm4b:s3+s2], $0x80, $0x38;
	[tilespmem:$0x18800] =	vst v63  }
0x289: {  	s3 =	sadd.s32 @!p0 $0x100, s1;
	s4 =	simm.s32 @!p0 $0x10480  }
0x28a: {  	[tilespmem:s4], [sflag:$0x2] =	stream.linear.gather @!p0 [hbm4b:s3+s2], $0x80, $0x38;
	[tilespmem:$0x18800] =	vst v63  }
0x28b: {  	s20 =	simm.s32 $0x3;
	s1 =	sadd.s32 @!p0 $0x180, s1;
	s3 =	simm.s32 @!p0 $0x10680  }
0x28c: {  	[tilespmem:s3], [sflag:$0x2] =	stream.linear.gather @!p0 [hbm4b:s1+s2], $0x80, $0x38;
	[tilespmem:$0x18800] =	vst v63  }
0x28d: {  	_ =	swait.ge [sflag:s20], $0x200  }
0x28e: {  	s21 =	simm.s32 $0x0;
	[sflag:s20] =	ssyncset.done $0x0  }
0x28f: {  	s22 =	simm.s32 $0x0;
	s1 =	simm.s32 @!p1 $0x7;
	[sflag:s20] =	ssyncadd.s32 $0xFFFFFE00  }
0x290: {  	s23 =	sand.u32 $0x3FFFFE00, s22;
	s18 =	sand.u32 $0x40, s21;
	_ =	swait.ge @!p1 [sflag:s1], $0x2000  }
0x291: {  	s16 =	sor.u32 $0x30, s18;
	s2 =	sadd.s32 $0x10000, s23;
	[sflag:s1] =	ssyncset.done @!p1 $0x0  }
0x292: {  	s24 =	sor.u32 s16, s2;
	[sflag:s1] =	ssyncadd.s32 @!p1 $0xFFFFE000  }
0x293: {  	s26 =	sor.u32 s18, s2;
	s20 =	sor.u32 $0x10, s18;
	v4 =	vld [tilespmem:s24+$0x100]  }
0x294: {  	s28 =	sor.u32 s20, s2;
	v1 =	vld [tilespmem:s26+$0x100]  }
0x295: {  	v3 =	vld [tilespmem:s28+$0x100]  }
0x296: {  	s21 =	sor.u32 $0x20, s18  }
0x297: {  	s2 =	sor.u32 s21, s2  }
0x298: {  	v2 =	vld [tilespmem:s2+$0x100];
	_ =	sdelay $0x2  }
0x299: {  	v0 =	vld.idx.msk [tilespmem:v4+s5+$0x0], $0xffff  }
0x29a: {  	s3 =	simm.s32 $0x0;
	v6 =	vadd.s32 $0x1000, v4;
	v5 =	vld.idx.msk [tilespmem:v1+s5+$0x0], $0xffff  }
0x29b: {  	s17 =	sand.u32 $0x3FFFFC00, s3;
	v7 =	vadd.s32 $0x1000, v1;
	v8 =	vld.idx.msk [tilespmem:v3+s5+$0x0], $0xffff  }
0x29c: {  	s1 =	sadd.s32 $0x14800, s17;
	v9 =	vadd.s32 $0x1000, v3  }
0x29d: {  	s4 =	sor.u32 s16, s1  }
0x29e: {  	s6 =	sor.u32 s18, s1;
	v10 =	vld.idx.msk [tilespmem:v2+s5+$0x0], $0xffff;
	[tilespmem:s4+$0x0] =	vst v0  }
0x29f: {  	s7 =	sor.u32 s20, s1;
	v0 =	vadd.s32 $0x1000, v2;
	[tilespmem:s6+$0x0] =	vst v5;
	v5 =	vld.idx.msk [tilespmem:v6+s5+$0x0], $0xffff  }
0x2a0: {  	[tilespmem:s7+$0x0] =	vst v8;
	v6 =	vld.idx.msk [tilespmem:v7+s5+$0x0], $0xffff;
	v7 =	vadd.s32 $0x2000, v4  }
0x2a1: {  	v8 =	vadd.s32 $0x2000, v1;
	v9 =	vld.idx.msk [tilespmem:v9+s5+$0x0], $0xffff  }
0x2a2: {  	s8 =	sadd.s32 $0x14880, s17;
	s1 =	sor.u32 s21, s1;
	v11 =	vadd.s32 $0x2000, v3  }
0x2a3: {  	s9 =	sor.u32 s16, s8;
	[tilespmem:s1+$0x0] =	vst v10  }
0x2a4: {  	s10 =	sor.u32 s18, s8;
	v0 =	vld.idx.msk [tilespmem:v0+s5+$0x0], $0xffff;
	[tilespmem:s9+$0x0] =	vst v5  }
0x2a5: {  	s11 =	sor.u32 s20, s8;
	[tilespmem:s10+$0x0] =	vst v6;
	v6 =	vld.idx.msk [tilespmem:v7+s5+$0x0], $0xffff  }
0x2a6: {  	v5 =	vadd.s32 $0x2000, v2;
	[tilespmem:s11+$0x0] =	vst v9;
	v7 =	vld.idx.msk [tilespmem:v8+s5+$0x0], $0xffff  }
0x2a7: {  	v8 =	vadd.s32 $0x3000, v4;
	v10 =	vld.idx.msk [tilespmem:v11+s5+$0x0], $0xffff  }
0x2a8: {  	v11 =	vadd.s32 $0x3000, v3  }
0x2a9: {  	s13 =	sadd.s32 $0x14900, s17;
	s12 =	sor.u32 s21, s8;
	v9 =	vadd.s32 $0x3000, v1  }
0x2aa: {  	s14 =	sor.u32 s16, s13;
	[tilespmem:s12+$0x0] =	vst v0  }
0x2ab: {  	s19 =	sor.u32 s20, s13;
	v0 =	vld.idx.msk [tilespmem:v5+s5+$0x0], $0xffff;
	[tilespmem:s14+$0x0] =	vst v6  }
0x2ac: {  	s15 =	sor.u32 s18, s13;
	v5 =	vadd.s32 $0x3000, v2;
	[tilespmem:s19+$0x0] =	vst v10;
	v6 =	vld.idx.msk [tilespmem:v8+s5+$0x0], $0xffff  }
0x2ad: {  	[tilespmem:s15+$0x0] =	vst v7;
	v8 =	vadd.s32 $0x4000, v4;
	v10 =	vld.idx.msk [tilespmem:v11+s5+$0x0], $0xffff  }
0x2ae: {  	v7 =	vld.idx.msk [tilespmem:v9+s5+$0x0], $0xffff;
	v11 =	vadd.s32 $0x4000, v3  }
0x2af: {  	s23 =	sadd.s32 $0x14980, s17;
	s22 =	sor.u32 s21, s13;
	v9 =	vadd.s32 $0x4000, v1  }
0x2b0: {  	s24 =	sor.u32 s16, s23;
	[tilespmem:s22+$0x0] =	vst v0  }
0x2b1: {  	s28 =	sor.u32 s20, s23;
	v0 =	vld.idx.msk [tilespmem:v5+s5+$0x0], $0xffff;
	[tilespmem:s24+$0x0] =	vst v6  }
0x2b2: {  	s26 =	sor.u32 s18, s23;
	v5 =	vadd.s32 $0x4000, v2;
	[tilespmem:s28+$0x0] =	vst v10;
	v6 =	vld.idx.msk [tilespmem:v8+s5+$0x0], $0xffff  }
0x2b3: {  	[tilespmem:s26+$0x0] =	vst v7;
	v8 =	vadd.s32 $0x5000, v4;
	v10 =	vld.idx.msk [tilespmem:v11+s5+$0x0], $0xffff  }
0x2b4: {  	v7 =	vld.idx.msk [tilespmem:v9+s5+$0x0], $0xffff;
	v11 =	vadd.s32 $0x5000, v3  }
0x2b5: {  	s4 =	sor.u32 s21, s23;
	s6 =	sadd.s32 $0x14A00, s17;
	v9 =	vadd.s32 $0x5000, v1  }
0x2b6: {  	s7 =	sor.u32 s16, s6;
	[tilespmem:s4+$0x0] =	vst v0  }
0x2b7: {  	s9 =	sor.u32 s20, s6;
	v0 =	vld.idx.msk [tilespmem:v5+s5+$0x0], $0xffff;
	[tilespmem:s7+$0x0] =	vst v6  }
0x2b8: {  	s8 =	sor.u32 s18, s6;
	v5 =	vadd.s32 $0x5000, v2;
	[tilespmem:s9+$0x0] =	vst v10;
	v6 =	vld.idx.msk [tilespmem:v8+s5+$0x0], $0xffff  }
0x2b9: {  	[tilespmem:s8+$0x0] =	vst v7;
	v8 =	vadd.s32 $0x6000, v4;
	v10 =	vld.idx.msk [tilespmem:v11+s5+$0x0], $0xffff  }
0x2ba: {  	v7 =	vld.idx.msk [tilespmem:v9+s5+$0x0], $0xffff;
	v11 =	vadd.s32 $0x6000, v3  }
0x2bb: {  	s10 =	sor.u32 s21, s6;
	s11 =	sadd.s32 $0x14A80, s17;
	v9 =	vadd.s32 $0x6000, v1  }
0x2bc: {  	s12 =	sor.u32 s16, s11;
	[tilespmem:s10+$0x0] =	vst v0  }
0x2bd: {  	s14 =	sor.u32 s20, s11;
	v0 =	vld.idx.msk [tilespmem:v5+s5+$0x0], $0xffff;
	[tilespmem:s12+$0x0] =	vst v6  }
0x2be: {  	s13 =	sor.u32 s18, s11;
	v5 =	vadd.s32 $0x6000, v2;
	[tilespmem:s14+$0x0] =	vst v10;
	v6 =	vld.idx.msk [tilespmem:v8+s5+$0x0], $0xffff  }
0x2bf: {  	[tilespmem:s13+$0x0] =	vst v7;
	v8 =	vadd.s32 $0x7000, v4;
	v10 =	vld.idx.msk [tilespmem:v11+s5+$0x0], $0xffff  }
0x2c0: {  	v7 =	vld.idx.msk [tilespmem:v9+s5+$0x0], $0xffff;
	v11 =	vadd.s32 $0x7000, v3  }
0x2c1: {  	s15 =	sor.u32 s21, s11;
	s19 =	sadd.s32 $0x14B00, s17;
	v9 =	vadd.s32 $0x7000, v1  }
0x2c2: {  	s22 =	sor.u32 s16, s19;
	[tilespmem:s15+$0x0] =	vst v0  }
0x2c3: {  	s24 =	sor.u32 s20, s19;
	s8 =	simm.s32 $0x100;
	s14 =	simm.s32 $0x40;
	v0 =	vld.idx.msk [tilespmem:v5+s5+$0x0], $0xffff;
	[tilespmem:s22+$0x0] =	vst v6  }
0x2c4: {  	s23 =	sor.u32 s18, s19;
	s11 =	sand.u32 $0x3FFFFE00, s8;
	s1 =	sand.u32 $0x40, s14;
	v5 =	vadd.s32 $0x7000, v2;
	[tilespmem:s24+$0x0] =	vst v10;
	v6 =	vld.idx.msk [tilespmem:v8+s5+$0x0], $0xffff  }
0x2c5: {  	s4 =	sadd.s32 $0x10000, s11;
	s2 =	sor.u32 $0x10, s1;
	[tilespmem:s23+$0x0] =	vst v7;
	v8 =	vadd.s32 $0x8000, v4;
	v10 =	vld.idx.msk [tilespmem:v11+s5+$0x0], $0xffff  }
0x2c6: {  	s26 =	sor.u32 s21, s19;
	s10 =	sor.u32 $0x30, s1;
	s19 =	sor.u32 s2, s4;
	v7 =	vld.idx.msk [tilespmem:v9+s5+$0x0], $0xffff;
	v11 =	vadd.s32 $0x8000, v3  }
0x2c7: {  	s28 =	sadd.s32 $0x14B80, s17;
	s12 =	sor.u32 s10, s4;
	v25 =	vld [tilespmem:s19+$0x100];
	v9 =	vadd.s32 $0x8000, v1  }
0x2c8: {  	s6 =	sor.u32 s16, s28;
	[tilespmem:s26+$0x0] =	vst v0;
	v0 =	vld [tilespmem:s12+$0x100]  }
0x2c9: {  	s9 =	sor.u32 s20, s28;
	v5 =	vld.idx.msk [tilespmem:v5+s5+$0x0], $0xffff;
	[tilespmem:s6+$0x0] =	vst v6  }
0x2ca: {  	s7 =	sor.u32 s18, s28;
	[tilespmem:s9+$0x0] =	vst v10;
	v6 =	vld.idx.msk [tilespmem:v8+s5+$0x0], $0xffff  }
0x2cb: {  	[tilespmem:s7+$0x0] =	vst v7;
	v10 =	vld.idx.msk [tilespmem:v11+s5+$0x0], $0xffff;
	v11 =	vadd.s32 $0x8000, v2  }
0x2cc: {  	s13 =	sor.u32 s1, s4;
	s11 =	sor.u32 $0x20, s1;
	v8 =	vld.idx.msk [tilespmem:v9+s5+$0x0], $0xffff;
	v9 =	vadd.s32 $0x9000, v4  }
0x2cd: {  	v12 =	vadd.s32 $0x9000, v1;
	s4 =	sor.u32 s11, s4;
	v7 =	vld [tilespmem:s13+$0x100]  }
0x2ce: {  	v13 =	vadd.s32 $0x9000, v3;
	s3 =	sor.u32 s21, s28;
	s15 =	sadd.s32 $0x15800, s17;
	v27 =	vld [tilespmem:s4+$0x100]  }
0x2cf: {  	s22 =	sor.u32 s16, s15;
	v16 =	vld.idx.msk [tilespmem:v25+s5+$0x0], $0xffff;
	[tilespmem:s3+$0x0] =	vst v5  }
0x2d0: {  	s8 =	simm.s32 $0x200;
	s23 =	sor.u32 s18, s15;
	[tilespmem:s22+$0x0] =	vst v6;
	v5 =	vld.idx.msk [tilespmem:v11+s5+$0x0], $0xffff  }
0x2d1: {  	s24 =	sor.u32 s20, s15;
	v17 =	vadd.s32 $0x1000, v25;
	s13 =	sand.u32 $0x3FFFFC00, s8;
	[tilespmem:s23+$0x0] =	vst v8;
	v6 =	vld.idx.msk [tilespmem:v9+s5+$0x0], $0xffff  }
0x2d2: {  	s6 =	sadd.s32 $0x14800, s13;
	[tilespmem:s24+$0x0] =	vst v10;
	v9 =	vld.idx.msk [tilespmem:v12+s5+$0x0], $0xffff  }
0x2d3: {  	v11 =	vadd.s32 $0x9000, v2;
	s23 =	sor.u32 s2, s6;
	v10 =	vld.idx.msk [tilespmem:v13+s5+$0x0], $0xffff  }
0x2d4: {  	s26 =	sadd.s32 $0x15880, s17;
	s7 =	sor.u32 s21, s15;
	v8 =	vadd.s32 $0xA000, v4;
	v12 =	vld.idx.msk [tilespmem:v0+s5+$0x0], $0xffff;
	[tilespmem:s23+$0x0] =	vst v16  }
0x2d5: {  	s28 =	sor.u32 s16, s26;
	v13 =	vadd.s32 $0xA000, v1;
	v14 =	vld.idx.msk [tilespmem:v7+s5+$0x0], $0xffff;
	[tilespmem:s7+$0x0] =	vst v5  }
0x2d6: {  	s9 =	sor.u32 s18, s26;
	v15 =	vadd.s32 $0x1000, v7;
	v17 =	vld.idx.msk [tilespmem:v17+s5+$0x0], $0xffff;
	[tilespmem:s28+$0x0] =	vst v6  }
0x2d7: {  	s12 =	sor.u32 s20, s26;
	v5 =	vld.idx.msk [tilespmem:v27+s5+$0x0], $0xffff;
	[tilespmem:s9+$0x0] =	vst v9  }
0x2d8: {  	s15 =	sor.u32 s10, s6;
	v6 =	vadd.s32 $0x1000, v0;
	[tilespmem:s12+$0x0] =	vst v10;
	v10 =	vld.idx.msk [tilespmem:v11+s5+$0x0], $0xffff  }
0x2d9: {  	s19 =	sor.u32 s1, s6;
	v11 =	vadd.s32 $0x1000, v27;
	[tilespmem:s15+$0x0] =	vst v12;
	v8 =	vld.idx.msk [tilespmem:v8+s5+$0x0], $0xffff  }
0x2da: {  	s28 =	sadd.s32 $0x14880, s13;
	v12 =	vld.idx.msk [tilespmem:v13+s5+$0x0], $0xffff;
	v13 =	vadd.s32 $0xA000, v3;
	[tilespmem:s19+$0x0] =	vst v14  }
0x2db: {  	v9 =	vadd.s32 $0xB000, v4;
	s19 =	sor.u32 s2, s28;
	v15 =	vld.idx.msk [tilespmem:v15+s5+$0x0], $0xffff  }
0x2dc: {  	s24 =	sor.u32 s11, s6;
	v16 =	vadd.s32 $0x2000, v7;
	s7 =	sadd.s32 $0x15900, s17;
	[tilespmem:s19+$0x0] =	vst v17  }
0x2dd: {  	s22 =	sor.u32 s16, s7;
	v14 =	vadd.s32 $0xA000, v2;
	[tilespmem:s24+$0x0] =	vst v5;
	v6 =	vld.idx.msk [tilespmem:v6+s5+$0x0], $0xffff  }
0x2de: {  	s3 =	sor.u32 s21, s26;
	s26 =	sor.u32 s18, s7;
	v5 =	vld.idx.msk [tilespmem:v11+s5+$0x0], $0xffff;
	v11 =	vadd.s32 $0x2000, v25;
	[tilespmem:s22+$0x0] =	vst v8  }
0x2df: {  	s12 =	sor.u32 s1, s28;
	v8 =	vadd.s32 $0x2000, v0;
	[tilespmem:s26+$0x0] =	vst v12;
	v12 =	vld.idx.msk [tilespmem:v13+s5+$0x0], $0xffff  }
0x2e0: {  	v13 =	vadd.s32 $0x2000, v27;
	v9 =	vld.idx.msk [tilespmem:v9+s5+$0x0], $0xffff;
	[tilespmem:s12+$0x0] =	vst v15  }
0x2e1: {  	s9 =	sor.u32 s10, s28;
	[tilespmem:s3+$0x0] =	vst v10;
	v10 =	vadd.s32 $0xC000, v4;
	v16 =	vld.idx.msk [tilespmem:v16+s5+$0x0], $0xffff  }
0x2e2: {  	v17 =	vadd.s32 $0x3000, v7;
	[tilespmem:s9+$0x0] =	vst v6;
	v6 =	vld.idx.msk [tilespmem:v14+s5+$0x0], $0xffff  }
0x2e3: {  	s4 =	sadd.s32 $0x15980, s17;
	s22 =	sor.u32 s11, s28;
	v14 =	vadd.s32 $0xB000, v1;
	v11 =	vld.idx.msk [tilespmem:v11+s5+$0x0], $0xffff  }
0x2e4: {  	s15 =	sor.u32 s16, s4;
	s26 =	sadd.s32 $0x14900, s13;
	v15 =	vadd.s32 $0xB000, v3;
	[tilespmem:s22+$0x0] =	vst v5;
	v8 =	vld.idx.msk [tilespmem:v8+s5+$0x0], $0xffff  }
0x2e5: {  	s8 =	sor.u32 s1, s26;
	v5 =	vld.idx.msk [tilespmem:v13+s5+$0x0], $0xffff;
	[tilespmem:s15+$0x0] =	vst v9;
	v9 =	vadd.s32 $0x3000, v0  }
0x2e6: {  	s23 =	sor.u32 s20, s7;
	v13 =	vadd.s32 $0x3000, v25;
	v10 =	vld.idx.msk [tilespmem:v10+s5+$0x0], $0xffff;
	[tilespmem:s8+$0x0] =	vst v16  }
0x2e7: {  	s24 =	sor.u32 s21, s7;
	[tilespmem:s23+$0x0] =	vst v12;
	v12 =	vadd.s32 $0xD000, v4;
	v17 =	vld.idx.msk [tilespmem:v17+s5+$0x0], $0xffff  }
0x2e8: {  	s28 =	sor.u32 s10, s26;
	v14 =	vld.idx.msk [tilespmem:v14+s5+$0x0], $0xffff;
	[tilespmem:s24+$0x0] =	vst v6;
	v6 =	vadd.s32 $0x3000, v27  }
0x2e9: {  	s6 =	sadd.s32 $0x15A00, s17;
	s12 =	sor.u32 s2, s26;
	[tilespmem:s28+$0x0] =	vst v8;
	v8 =	vld.idx.msk [tilespmem:v15+s5+$0x0], $0xffff;
	v15 =	vadd.s32 $0xB000, v2  }
0x2ea: {  	s9 =	sor.u32 s16, s6;
	v16 =	vadd.s32 $0xC000, v1;
	[tilespmem:s12+$0x0] =	vst v11;
	v9 =	vld.idx.msk [tilespmem:v9+s5+$0x0], $0xffff  }
0x2eb: {  	s15 =	sor.u32 s11, s26;
	v13 =	vld.idx.msk [tilespmem:v13+s5+$0x0], $0xffff;
	[tilespmem:s9+$0x0] =	vst v10;
	v10 =	vadd.s32 $0x4000, v0  }
0x2ec: {  	s19 =	sor.u32 s18, s4;
	[tilespmem:s15+$0x0] =	vst v5;
	v11 =	vld.idx.msk [tilespmem:v12+s5+$0x0], $0xffff;
	v12 =	vadd.s32 $0x4000, v7  }
0x2ed: {  	s22 =	sor.u32 s20, s4;
	s23 =	sadd.s32 $0x14980, s13;
	v5 =	vld.idx.msk [tilespmem:v6+s5+$0x0], $0xffff;
	[tilespmem:s19+$0x0] =	vst v14;
	v6 =	vadd.s32 $0xE000, v4  }
0x2ee: {  	s24 =	sor.u32 s10, s23;
	v14 =	vadd.s32 $0x4000, v25;
	[tilespmem:s22+$0x0] =	vst v8;
	v8 =	vld.idx.msk [tilespmem:v15+s5+$0x0], $0xffff  }
0x2ef: {  	s3 =	sadd.s32 $0x15A80, s17;
	s26 =	sor.u32 s1, s23;
	v15 =	vadd.s32 $0x4000, v27;
	[tilespmem:s24+$0x0] =	vst v9;
	v9 =	vld.idx.msk [tilespmem:v16+s5+$0x0], $0xffff  }
0x2f0: {  	s28 =	sor.u32 s16, s3;
	[tilespmem:s26+$0x0] =	vst v17;
	v16 =	vadd.s32 $0xC000, v3;
	v10 =	vld.idx.msk [tilespmem:v10+s5+$0x0], $0xffff  }
0x2f1: {  	s9 =	sor.u32 s2, s23;
	v17 =	vadd.s32 $0xC000, v2;
	[tilespmem:s28+$0x0] =	vst v11;
	v11 =	vld.idx.msk [tilespmem:v12+s5+$0x0], $0xffff  }
0x2f2: {  	s8 =	sor.u32 s11, s23;
	[tilespmem:s9+$0x0] =	vst v13;
	v12 =	vadd.s32 $0x5000, v0;
	v6 =	vld.idx.msk [tilespmem:v6+s5+$0x0], $0xffff  }
0x2f3: {  	s4 =	sor.u32 s21, s4;
	v13 =	vadd.s32 $0x5000, v7;
	v14 =	vld.idx.msk [tilespmem:v14+s5+$0x0], $0xffff;
	[tilespmem:s8+$0x0] =	vst v5  }
0x2f4: {  	s12 =	sor.u32 s18, s6;
	s15 =	sadd.s32 $0x14A00, s13;
	v4 =	vadd.s32 $0xF000, v4;
	v5 =	vld.idx.msk [tilespmem:v15+s5+$0x0], $0xffff;
	[tilespmem:s4+$0x0] =	vst v8  }
0x2f5: {  	s19 =	sor.u32 s10, s15;
	v8 =	vadd.s32 $0x5000, v25;
	[tilespmem:s12+$0x0] =	vst v9;
	v9 =	vld.idx.msk [tilespmem:v16+s5+$0x0], $0xffff  }
0x2f6: {  	s22 =	sor.u32 s1, s15;
	v15 =	vadd.s32 $0x5000, v27;
	s4 =	sadd.s32 $0x15B00, s17;
	[tilespmem:s19+$0x0] =	vst v10;
	v10 =	vld.idx.msk [tilespmem:v17+s5+$0x0], $0xffff  }
0x2f7: {  	v16 =	vadd.s32 $0xD000, v1;
	s23 =	sor.u32 s16, s4;
	[tilespmem:s22+$0x0] =	vst v11;
	v11 =	vld.idx.msk [tilespmem:v12+s5+$0x0], $0xffff  }
0x2f8: {  	s24 =	sor.u32 s2, s15;
	v12 =	vadd.s32 $0xD000, v3;
	[tilespmem:s23+$0x0] =	vst v6;
	v6 =	vld.idx.msk [tilespmem:v13+s5+$0x0], $0xffff  }
0x2f9: {  	s8 =	sor.u32 s11, s15;
	[tilespmem:s24+$0x0] =	vst v14;
	v13 =	vadd.s32 $0x6000, v0;
	v4 =	vld.idx.msk [tilespmem:v4+s5+$0x0], $0xffff  }
0x2fa: {  	s26 =	sor.u32 s20, s6;
	v14 =	vadd.s32 $0x6000, v7;
	v8 =	vld.idx.msk [tilespmem:v8+s5+$0x0], $0xffff;
	[tilespmem:s8+$0x0] =	vst v5  }
0x2fb: {  	s6 =	sor.u32 s21, s6;
	s28 =	sadd.s32 $0x14A80, s13;
	v5 =	vadd.s32 $0xD000, v2;
	v15 =	vld.idx.msk [tilespmem:v15+s5+$0x0], $0xffff;
	[tilespmem:s26+$0x0] =	vst v9  }
0x2fc: {  	s12 =	sor.u32 s10, s28;
	v9 =	vadd.s32 $0x6000, v25;
	v16 =	vld.idx.msk [tilespmem:v16+s5+$0x0], $0xffff;
	[tilespmem:s6+$0x0] =	vst v10  }
0x2fd: {  	s15 =	sor.u32 s1, s28;
	v10 =	vadd.s32 $0x6000, v27;
	s6 =	sadd.s32 $0x15B80, s17;
	[tilespmem:s12+$0x0] =	vst v11;
	v11 =	vld.idx.msk [tilespmem:v12+s5+$0x0], $0xffff  }
0x2fe: {  	v12 =	vadd.s32 $0xE000, v1;
	s19 =	sor.u32 s16, s6;
	[tilespmem:s15+$0x0] =	vst v6;
	v6 =	vld.idx.msk [tilespmem:v13+s5+$0x0], $0xffff  }
0x2ff: {  	s22 =	sor.u32 s2, s28;
	v13 =	vadd.s32 $0xE000, v3;
	v14 =	vld.idx.msk [tilespmem:v14+s5+$0x0], $0xffff;
	[tilespmem:s19+$0x0] =	vst v4  }
0x300: {  	v34 =	vadd.s32 $0xF000, v1;
	v37 =	vadd.s32 $0xF000, v3;
	s23 =	sor.u32 s11, s28;
	v3 =	vadd.s32 $0x7000, v0;
	[tilespmem:s22+$0x0] =	vst v8;
	v4 =	vld.idx.msk [tilespmem:v5+s5+$0x0], $0xffff  }
0x301: {  	v38 =	vadd.s32 $0xF000, v2;
	v29 =	vadd.s32 $0x7000, v25;
	s24 =	sor.u32 s18, s3;
	v8 =	vadd.s32 $0x7000, v7;
	v26 =	vld.idx.msk [tilespmem:v9+s5+$0x0], $0xffff;
	[tilespmem:s23+$0x0] =	vst v15  }
0x302: {  	v62 =	vadd.s32 $0x7000, v27;
	v24 =	vadd.s32 $0x8000, v25;
	s28 =	sadd.s32 $0x14B00, s13;
	s26 =	sor.u32 s20, s3;
	v5 =	vadd.s32 $0xE000, v2;
	[tilespmem:s24+$0x0] =	vst v16;
	v63 =	vld.idx.msk [tilespmem:v10+s5+$0x0], $0xffff  }
0x303: {  	v22 =	vadd.s32 $0x8000, v27;
	v21 =	vadd.s32 $0x9000, v25;
	v19 =	vadd.s32 $0x9000, v27;
	s17 =	sor.u32 s10, s28;
	v35 =	vld.idx.msk [tilespmem:v12+s5+$0x0], $0xffff;
	[tilespmem:s26+$0x0] =	vst v11  }
0x304: {  	v18 =	vadd.s32 $0xA000, v25;
	v40 =	vadd.s32 $0xE000, v25;
	v33 =	vadd.s32 $0x8000, v0;
	s15 =	sor.u32 $0x2, s0;
	s19 =	sor.u32 s1, s28;
	s31 =	rddreg [dreg:$0x4];
	[tilespmem:s17+$0x0] =	vst v6;
	v36 =	vld.idx.msk [tilespmem:v13+s5+$0x0], $0xffff  }
0x305: {  	v23 =	vadd.s32 $0x8000, v7;
	v20 =	vadd.s32 $0x9000, v7;
	v41 =	vadd.s32 $0xE000, v7;
	s9 =	sor.u32 s11, s28;
	s3 =	sor.u32 s21, s3;
	s23 =	sshll.u32 s15, $0x3;
	[tilespmem:s19+$0x0] =	vst v14;
	v30 =	vld.idx.msk [tilespmem:v3+s5+$0x0], $0xffff  }
0x306: {  	v39 =	vadd.s32 $0xF000, v7;
	v17 =	vadd.s32 $0xA000, v27;
	v16 =	vadd.s32 $0xA000, v7;
	s24 =	sor.u32 s2, s28;
	s28 =	sor.u32 s20, s4;
	s26 =	sor.u32 s18, s4;
	[tilespmem:s3+$0x0] =	vst v4;
	v31 =	vld.idx.msk [tilespmem:v8+s5+$0x0], $0xffff  }
0x307: {  	v15 =	vadd.s32 $0xB000, v25;
	v9 =	vadd.s32 $0xC000, v7;
	v10 =	vadd.s32 $0xC000, v27;
	s17 =	sand.u32 $0x70, s23;
	s23 =	sor.u32 s20, s6;
	s0 =	sor.u32 s31, s15;
	[tilespmem:s24+$0x0] =	vst v26;
	v28 =	vld.idx.msk [tilespmem:v5+s5+$0x0], $0xffff  }
0x308: {  	v12 =	vadd.s32 $0xC000, v25;
	v11 =	vadd.s32 $0xD000, v27;
	v13 =	vadd.s32 $0xB000, v7;
	s3 =	sor.u32 s21, s4;
	s4 =	sor.u32 s21, s6;
	s22 =	sshll.u32 s0, $0x6;
	v29 =	vld.idx.msk [tilespmem:v29+s5+$0x0], $0xffff;
	[tilespmem:s9+$0x0] =	vst v63  }
0x309: {  	v6 =	vadd.s32 $0xD000, v7;
	v7 =	vadd.s32 $0xE000, v27;
	v14 =	vadd.s32 $0xB000, v27;
	s24 =	sor.u32 s18, s6;
	s16 =	sand.u32 $0x1FC00, s22;
	s9 =	sadd.s32 $0x14B80, s13;
	v32 =	vld.idx.msk [tilespmem:v62+s5+$0x0], $0xffff;
	[tilespmem:s26+$0x0] =	vst v35  }
0x30a: {  	v8 =	vadd.s32 $0xD000, v25;
	v26 =	vadd.s32 $0xF000, v25;
	v25 =	vadd.s32 $0xF000, v27;
	s12 =	sor.u32 s1, s9;
	s6 =	sor.u32 s2, s9;
	s15 =	sor.u32 s10, s9;
	[tilespmem:s28+$0x0] =	vst v36;
	v27 =	vld.idx.msk [tilespmem:v34+s5+$0x0], $0xffff  }
.LBB2_7:
0x30b: {  	_ = 	snop  }
0x30c: {  	[tilespmem:s12+$0x0] =	vst v31  }
0x30d: {  	s14 =	sadd.s32 $0x40, s14;
	v23 =	vld.idx.msk [tilespmem:v23+s5+$0x0], $0xffff;
	[tilespmem:s3+$0x0] =	vst v28  }
0x30e: {  	s8 =	sshll.u32 s14, $0x2;
	[tilespmem:s15+$0x0] =	vst v30;
	v30 =	vld.idx.msk [tilespmem:v37+s5+$0x0], $0xffff  }
0x30f: {  	s18 =	sand.u32 $0x40, s14;
	s8 =	sand.u32 $0x3FFFFE00, s8;
	[tilespmem:s6+$0x0] =	vst v29;
	v29 =	vld.idx.msk [tilespmem:v38+s5+$0x0], $0xffff  }
0x310: {  	[tilespmem:$0x1FF20] =	vst v41;
	s7 =	sor.u32 s11, s9;
	v1 =	vmov v26;
	s20 =	sor.u32 $0x30, s18;
	s28 =	sadd.s32 $0x10000, s8;
	v26 =	vld.idx.msk [tilespmem:v33+s5+$0x0], $0xffff  }
0x311: {  	s8 =	sor.u32 s20, s28;
	[tilespmem:s7+$0x0] =	vst v32;
	v24 =	vld.idx.msk [tilespmem:v24+s5+$0x0], $0xffff  }
0x312: {  	s19 =	sadd.s32 $0x15800, s13;
	s22 =	sor.u32 $0x20, s18;
	s9 =	sor.u32 s18, s28;
	[tilespmem:s24+$0x0] =	vst v27;
	v32 =	vld [tilespmem:s8+$0x100]  }
0x313: {  	[tilespmem:$0x1FF10] =	vst v1;
	s26 =	sor.u32 s1, s19;
	v28 =	vadd.s32 $0x9000, v0;
	v1 =	vmov v25;
	s3 =	sor.u32 s22, s28;
	v25 =	vld [tilespmem:s9+$0x100]  }
0x314: {  	s21 =	sor.u32 $0x10, s18;
	v52 =	vld [tilespmem:s3+$0x100];
	[tilespmem:s26+$0x0] =	vst v23  }
0x315: {  	s12 =	sor.u32 s21, s28;
	v20 =	vld.idx.msk [tilespmem:v20+s5+$0x0], $0xffff;
	[tilespmem:s23+$0x0] =	vst v30  }
0x316: {  	s15 =	sor.u32 s10, s19;
	[tilespmem:s4+$0x0] =	vst v29;
	v38 =	vld [tilespmem:s12+$0x100]  }
0x317: {  	s28 =	sor.u32 s2, s19;
	[tilespmem:s15+$0x0] =	vst v26;
	v22 =	vld.idx.msk [tilespmem:v22+s5+$0x0], $0xffff  }
0x318: {  	[tilespmem:s28+$0x0] =	vst v24;
	v23 =	vld.idx.msk [tilespmem:v28+s5+$0x0], $0xffff  }
0x319: {  	[tilespmem:$0x1FF30] =	vst v40;
	v51 =	vadd.s32 $0xB000, v0;
	s23 =	sadd.s32 $0x15880, s13;
	v24 =	vadd.s32 $0xA000, v0;
	v21 =	vld.idx.msk [tilespmem:v21+s5+$0x0], $0xffff  }
0x31a: {  	[tilespmem:$0x1FF50] =	vst v39;
	v26 =	vadd.s32 $0x1000, v25;
	v53 =	vadd.s32 $0x2000, v25;
	v48 =	vadd.s32 $0x3000, v25;
	s24 =	sor.u32 s1, s23;
	v62 =	vld.idx.msk [tilespmem:v32+s5+$0x0], $0xffff  }
0x31b: {  	s19 =	sor.u32 s11, s19;
	v42 =	vadd.s32 $0x4000, v25;
	v34 =	vadd.s32 $0x5000, v25;
	v44 =	vadd.s32 $0x1000, v52;
	v63 =	vld.idx.msk [tilespmem:v25+s5+$0x0], $0xffff;
	[tilespmem:s24+$0x0] =	vst v20  }
0x31c: {  	s9 =	sshll.u32 s14, $0x3;
	s28 =	sor.u32 s10, s23;
	v55 =	vadd.s32 $0x2000, v52;
	v49 =	vadd.s32 $0x3000, v52;
	v45 =	vadd.s32 $0x1000, v32;
	v58 =	vld.idx.msk [tilespmem:v16+s5+$0x0], $0xffff;
	[tilespmem:s19+$0x0] =	vst v22  }
0x31d: {  	s4 =	sand.u32 $0x3FFFFC00, s9;
	v43 =	vadd.s32 $0x4000, v52;
	v33 =	vadd.s32 $0x6000, v25;
	v37 =	vadd.s32 $0x5000, v52;
	[tilespmem:s28+$0x0] =	vst v23;
	v56 =	vld.idx.msk [tilespmem:v52+s5+$0x0], $0xffff  }
0x31e: {  	[tilespmem:$0x1FF40] =	vst v1;
	s26 =	sor.u32 s2, s23;
	s12 =	sadd.s32 $0x14800, s4;
	v31 =	vadd.s32 $0x6000, v52;
	v27 =	vadd.s32 $0x7000, v52;
	v61 =	vadd.s32 $0xB000, v25;
	v47 =	vld.idx.msk [tilespmem:v24+s5+$0x0], $0xffff  }
0x31f: {  	s3 =	sor.u32 s11, s23;
	v1 =	vadd.s32 $0xB000, v52;
	v2 =	vadd.s32 $0x2000, v32;
	v4 =	vadd.s32 $0xC000, v25;
	s23 =	sor.u32 s20, s12;
	v50 =	vld.idx.msk [tilespmem:v38+s5+$0x0], $0xffff;
	[tilespmem:s26+$0x0] =	vst v21  }
0x320: {  	v40 =	vadd.s32 $0xE000, v25;
	v28 =	vadd.s32 $0x7000, v25;
	s15 =	sor.u32 s18, s12;
	v35 =	vadd.s32 $0x1000, v38;
	v57 =	vld.idx.msk [tilespmem:v19+s5+$0x0], $0xffff;
	[tilespmem:s23+$0x0] =	vst v62  }
0x321: {  	s7 =	sor.u32 s22, s12;
	v20 =	vadd.s32 $0x9000, v25;
	s24 =	sadd.s32 $0x15900, s13;
	v16 =	vadd.s32 $0xA000, v25;
	v54 =	vadd.s32 $0x2000, v38;
	[tilespmem:s15+$0x0] =	vst v63;
	v59 =	vld.idx.msk [tilespmem:v45+s5+$0x0], $0xffff  }
0x322: {  	v46 =	vadd.s32 $0x3000, v38;
	v41 =	vadd.s32 $0x4000, v38;
	v36 =	vadd.s32 $0x5000, v38;
	s28 =	sor.u32 s10, s24;
	v60 =	vld.idx.msk [tilespmem:v26+s5+$0x0], $0xffff;
	[tilespmem:s7+$0x0] =	vst v56  }
0x323: {  	v30 =	vadd.s32 $0x6000, v38;
	s19 =	sor.u32 s21, s12;
	v29 =	vadd.s32 $0x7000, v38;
	v22 =	vadd.s32 $0x8000, v52;
	[tilespmem:s28+$0x0] =	vst v47;
	v56 =	vld.idx.msk [tilespmem:v44+s5+$0x0], $0xffff  }
0x324: {  	v39 =	vadd.s32 $0xE000, v38;
	v23 =	vadd.s32 $0x8000, v25;
	v19 =	vadd.s32 $0x9000, v52;
	s26 =	sor.u32 s1, s24;
	[tilespmem:s19+$0x0] =	vst v50;
	v3 =	vld.idx.msk [tilespmem:v51+s5+$0x0], $0xffff  }
0x325: {  	v24 =	vadd.s32 $0x8000, v38;
	v21 =	vadd.s32 $0x9000, v38;
	v62 =	vadd.s32 $0xA000, v52;
	[tilespmem:s26+$0x0] =	vst v58;
	s19 =	sadd.s32 $0x14880, s4;
	v5 =	vld.idx.msk [tilespmem:v35+s5+$0x0], $0xffff  }
0x326: {  	s6 =	sor.u32 s2, s24;
	s8 =	sor.u32 s11, s24;
	v63 =	vadd.s32 $0xB000, v38;
	v26 =	vadd.s32 $0xA000, v38;
	[tilespmem:s3+$0x0] =	vst v57;
	v57 =	vadd.s32 $0xC000, v0;
	s24 =	sor.u32 s20, s19;
	v58 =	vld.idx.msk [tilespmem:v18+s5+$0x0], $0xffff  }
0x327: {  	v45 =	vadd.s32 $0xD000, v38;
	v47 =	vadd.s32 $0xD000, v25;
	v44 =	vadd.s32 $0xD000, v52;
	s23 =	sor.u32 s18, s19;
	[tilespmem:s24+$0x0] =	vst v59;
	v59 =	vld.idx.msk [tilespmem:v17+s5+$0x0], $0xffff  }
0x328: {  	s26 =	sadd.s32 $0x15980, s13;
	v51 =	vadd.s32 $0xC000, v38;
	v50 =	vadd.s32 $0xC000, v52;
	v35 =	vadd.s32 $0xF000, v25;
	s7 =	sor.u32 s22, s19;
	[tilespmem:s23+$0x0] =	vst v60;
	v2 =	vld.idx.msk [tilespmem:v2+s5+$0x0], $0xffff  }
0x329: {  	s28 =	sor.u32 s10, s26;
	v18 =	vmovc v26;
	v26 =	vadd.s32 $0xF000, v38;
	v38 =	vadd.s32 $0xE000, v52;
	v25 =	vadd.s32 $0xF000, v52;
	v52 =	vld.idx.msk [tilespmem:v53+s5+$0x0], $0xffff;
	[tilespmem:s7+$0x0] =	vst v56  }
0x32a: {  	s9 =	sor.u32 s21, s19;
	v17 =	vmov v62;
	v62 =	vld.idx.msk [tilespmem:v13+s5+$0x0], $0xffff;
	[tilespmem:s28+$0x0] =	vst v3  }
0x32b: {  	s12 =	sadd.s32 $0x14900, s4;
	v3 =	vadd.s32 $0x3000, v32;
	[tilespmem:s9+$0x0] =	vst v5;
	v5 =	vld.idx.msk [tilespmem:v57+s5+$0x0], $0xffff  }
0x32c: {  	v60 =	vadd.s32 $0xD000, v0;
	s24 =	sor.u32 s20, s12;
	v53 =	vld.idx.msk [tilespmem:v54+s5+$0x0], $0xffff;
	[tilespmem:s6+$0x0] =	vst v58  }
0x32d: {  	s15 =	sor.u32 s1, s26;
	s23 =	sor.u32 s18, s12;
	v54 =	vld.idx.msk [tilespmem:v55+s5+$0x0], $0xffff;
	[tilespmem:s24+$0x0] =	vst v2  }
0x32e: {  	s3 =	sor.u32 s11, s26;
	s19 =	sor.u32 s2, s26;
	s26 =	sadd.s32 $0x15A00, s13;
	v2 =	vld.idx.msk [tilespmem:v15+s5+$0x0], $0xffff;
	[tilespmem:s23+$0x0] =	vst v52  }
0x32f: {  	s28 =	sor.u32 s10, s26;
	[tilespmem:s8+$0x0] =	vst v59;
	v48 =	vld.idx.msk [tilespmem:v48+s5+$0x0], $0xffff  }
0x330: {  	s9 =	sor.u32 s21, s12;
	v3 =	vld.idx.msk [tilespmem:v3+s5+$0x0], $0xffff;
	[tilespmem:s28+$0x0] =	vst v5  }
0x331: {  	s7 =	sor.u32 s22, s12;
	v15 =	vmov v63;
	v5 =	vadd.s32 $0x4000, v32;
	[tilespmem:s9+$0x0] =	vst v53;
	v63 =	vld.idx.msk [tilespmem:v60+s5+$0x0], $0xffff  }
0x332: {  	s6 =	sor.u32 s1, s26;
	[tilespmem:s7+$0x0] =	vst v54;
	v46 =	vld.idx.msk [tilespmem:v46+s5+$0x0], $0xffff  }
0x333: {  	s24 =	sor.u32 s2, s26;
	s23 =	sor.u32 s11, s26;
	s26 =	sadd.s32 $0x14980, s4;
	[tilespmem:s15+$0x0] =	vst v62;
	v49 =	vld.idx.msk [tilespmem:v49+s5+$0x0], $0xffff  }
0x334: {  	v57 =	vadd.s32 $0xE000, v0;
	s15 =	sor.u32 s20, s26;
	[tilespmem:s19+$0x0] =	vst v2;
	v2 =	vld.idx.msk [tilespmem:v14+s5+$0x0], $0xffff  }
0x335: {  	s28 =	sor.u32 s18, s26;
	v14 =	vmov v1;
	v1 =	vld.idx.msk [tilespmem:v9+s5+$0x0], $0xffff;
	[tilespmem:s15+$0x0] =	vst v3  }
0x336: {  	s9 =	sor.u32 s21, s26;
	s19 =	sadd.s32 $0x15A80, s13;
	[tilespmem:s28+$0x0] =	vst v48;
	v3 =	vld.idx.msk [tilespmem:v5+s5+$0x0], $0xffff  }
0x337: {  	v9 =	vmov v4;
	s28 =	sor.u32 s10, s19;
	v4 =	vld.idx.msk [tilespmem:v42+s5+$0x0], $0xffff;
	v5 =	vadd.s32 $0x5000, v32;
	[tilespmem:s9+$0x0] =	vst v46  }
0x338: {  	s7 =	sor.u32 s22, s26;
	[tilespmem:s28+$0x0] =	vst v63;
	v41 =	vld.idx.msk [tilespmem:v41+s5+$0x0], $0xffff  }
0x339: {  	s8 =	sadd.s32 $0x14A00, s4;
	v58 =	vld.idx.msk [tilespmem:v57+s5+$0x0], $0xffff;
	[tilespmem:s7+$0x0] =	vst v49  }
0x33a: {  	s12 =	sor.u32 s20, s8;
	[tilespmem:s6+$0x0] =	vst v1;
	v1 =	vld.idx.msk [tilespmem:v12+s5+$0x0], $0xffff  }
0x33b: {  	s28 =	sor.u32 s18, s8;
	v43 =	vld.idx.msk [tilespmem:v43+s5+$0x0], $0xffff;
	[tilespmem:s12+$0x0] =	vst v3  }
0x33c: {  	s9 =	sor.u32 s21, s8;
	[tilespmem:s28+$0x0] =	vst v4;
	v4 =	vld.idx.msk [tilespmem:v5+s5+$0x0], $0xffff  }
0x33d: {  	v5 =	vld.idx.msk [tilespmem:v34+s5+$0x0], $0xffff;
	[tilespmem:s9+$0x0] =	vst v41  }
0x33e: {  	[tilespmem:s3+$0x0] =	vst v2;
	v59 =	vld.idx.msk [tilespmem:v36+s5+$0x0], $0xffff  }
0x33f: {  	s7 =	sor.u32 s22, s8;
	[tilespmem:s24+$0x0] =	vst v1;
	v1 =	vld.idx.msk [tilespmem:v6+s5+$0x0], $0xffff  }
0x340: {  	v3 =	vld.idx.msk [tilespmem:v10+s5+$0x0], $0xffff;
	[tilespmem:s7+$0x0] =	vst v43;
	s7 =	sadd.s32 $0x14A80, s4  }
0x341: {  	s9 =	sor.u32 s18, s7  }
0x342: {  	[tilespmem:s9+$0x0] =	vst v5  }
0x343: {  	s15 =	sor.u32 s1, s19;
	v2 =	vadd.s32 $0xF000, v0;
	v5 =	vld.idx.msk [tilespmem:v33+s5+$0x0], $0xffff  }
0x344: {  	[tilespmem:s15+$0x0] =	vst v1;
	v1 =	vld [tilespmem:$0x1FF20]  }
0x345: {  	s12 =	sadd.s32 $0x15B00, s13;
	v60 =	vld.idx.msk [tilespmem:v37+s5+$0x0], $0xffff  }
0x346: {  	s28 =	sor.u32 s10, s12;
	[tilespmem:s23+$0x0] =	vst v3;
	v3 =	vld.idx.msk [tilespmem:v8+s5+$0x0], $0xffff  }
0x347: {  	v0 =	vmov v32;
	s6 =	sor.u32 s1, s12;
	[tilespmem:s28+$0x0] =	vst v58  }
0x348: {  	v32 =	vadd.s32 $0x6000, v0;
	s8 =	sor.u32 s2, s12;
	s3 =	sor.u32 s11, s12;
	v2 =	vld.idx.msk [tilespmem:v2+s5+$0x0], $0xffff;
	s12 =	sor.u32 s21, s7  }
0x349: {  	s28 =	sor.u32 s20, s7;
	[tilespmem:s12+$0x0] =	vst v59  }
0x34a: {  	s26 =	sor.u32 s2, s19;
	[tilespmem:s28+$0x0] =	vst v4;
	v62 =	vld.idx.msk [tilespmem:v30+s5+$0x0], $0xffff  }
0x34b: {  	s7 =	sor.u32 s22, s7;
	s28 =	sadd.s32 $0x15B80, s13;
	[tilespmem:s26+$0x0] =	vst v3;
	v3 =	vld [tilespmem:$0x1FF30]  }
0x34c: {  	s13 =	smov.u32 s4;
	s24 =	sor.u32 s1, s28;
	s10 =	sor.u32 s10, s28;
	v1 =	vld.idx.msk [tilespmem:v1+s5+$0x0], $0xffff  }
0x34d: {  	v4 =	vld.idx.msk [tilespmem:v32+s5+$0x0], $0xffff;
	s1 =	smov.u32 s18;
	[tilespmem:s10+$0x0] =	vst v2;
	s10 =	smov.u32 s20;
	s20 =	sadd.s32 $0x14B00, s13  }
0x34e: {  	v13 =	vmov v61;
	v61 =	vld.idx.msk [tilespmem:v11+s5+$0x0], $0xffff;
	s23 =	sor.u32 s2, s28;
	s2 =	smov.u32 s21;
	v2 =	vadd.s32 $0x7000, v0;
	[tilespmem:s7+$0x0] =	vst v60;
	s21 =	sor.u32 s1, s20  }
0x34f: {  	v63 =	vld.idx.msk [tilespmem:v31+s5+$0x0], $0xffff;
	[tilespmem:s21+$0x0] =	vst v5  }
0x350: {  	v31 =	vld.idx.msk [tilespmem:v28+s5+$0x0], $0xffff  }
0x351: {  	s4 =	sor.u32 s11, s28;
	s28 =	sor.u32 s10, s20;
	[tilespmem:s6+$0x0] =	vst v1;
	v1 =	vld [tilespmem:$0x1FF50]  }
0x352: {  	v37 =	vld [tilespmem:$0x1FF10];
	[tilespmem:s28+$0x0] =	vst v4  }
0x353: {  	s19 =	sor.u32 s11, s19;
	v30 =	vld.idx.msk [tilespmem:v2+s5+$0x0], $0xffff  }
0x354: {  	p2 =	slt.u32 s14, $0x1C0;
	[tilespmem:s19+$0x0] =	vst v61;
	v3 =	vld.idx.msk [tilespmem:v3+s5+$0x0], $0xffff  }
.Ltmp4:
0x355: {  	s11 =	smov.u32 s22;
	s22 =	sor.u32 s2, s20;
	v28 =	vld.idx.msk [tilespmem:v7+s5+$0x0], $0xffff;
	(pc) =	sbr.rel @p2 .LBB2_7-.Ltmp4, $4  }
0x356: {  	s7 =	sor.u32 s11, s20;
	[tilespmem:s22+$0x0] =	vst v62;
	v7 =	vmov v38;
	v38 =	vld [tilespmem:$0x1FF40]  }
0x357: {  	[tilespmem:s7+$0x0] =	vst v63;
	v29 =	vld.idx.msk [tilespmem:v29+s5+$0x0], $0xffff  }
0x358: {  	v12 =	vmovc v51;
	v10 =	vmov v50;
	v41 =	vmov v40;
	v40 =	vmov v39;
	s9 =	sadd.s32 $0x14B80, s13;
	v32 =	vld.idx.msk [tilespmem:v27+s5+$0x0], $0xffff  }
0x359: {  	v39 =	vmovc v35;
	v6 =	vmovc v47;
	v8 =	vmov v45;
	v11 =	vmov v44;
	v33 =	vadd.s32 $0x8000, v0;
	s12 =	sor.u32 s1, s9;
	s15 =	sor.u32 s10, s9;
	s6 =	sor.u32 s2, s9;
	[tilespmem:s8+$0x0] =	vst v3;
	v27 =	vld.idx.msk [tilespmem:v1+s5+$0x0], $0xffff  }
0x35a: {  	_ =	sdelay $0x2  }
0x35b: {  	[tilespmem:s15+$0x0] =	vst v30  }
0x35c: {  	[tilespmem:s12+$0x0] =	vst v31;
	v1 =	vld.idx.msk [tilespmem:v33+s5+$0x0], $0xffff  }
0x35d: {  	s7 =	sor.u32 s11, s9;
	v3 =	vadd.s32 $0x9000, v0;
	v2 =	vld.idx.msk [tilespmem:v23+s5+$0x0], $0xffff;
	[tilespmem:s6+$0x0] =	vst v29  }
0x35e: {  	v4 =	vld.idx.msk [tilespmem:v24+s5+$0x0], $0xffff;
	[tilespmem:s7+$0x0] =	vst v32  }
0x35f: {  	s21 =	sadd.s32 $0x15800, s13;
	v5 =	vld.idx.msk [tilespmem:v22+s5+$0x0], $0xffff  }
0x360: {  	s22 =	sor.u32 s10, s21  }
0x361: {  	s8 =	sor.u32 s1, s21;
	[tilespmem:s22+$0x0] =	vst v1  }
0x362: {  	s26 =	sor.u32 s2, s21;
	[tilespmem:s8+$0x0] =	vst v2;
	v1 =	vld.idx.msk [tilespmem:v3+s5+$0x0], $0xffff  }
0x363: {  	s6 =	sor.u32 s11, s21;
	v2 =	vadd.s32 $0xA000, v0;
	v3 =	vld.idx.msk [tilespmem:v20+s5+$0x0], $0xffff;
	[tilespmem:s26+$0x0] =	vst v4  }
0x364: {  	v4 =	vld.idx.msk [tilespmem:v21+s5+$0x0], $0xffff;
	[tilespmem:s6+$0x0] =	vst v5  }
0x365: {  	s28 =	sadd.s32 $0x15880, s13;
	v5 =	vld.idx.msk [tilespmem:v19+s5+$0x0], $0xffff  }
0x366: {  	s9 =	sor.u32 s10, s28  }
0x367: {  	s12 =	sor.u32 s1, s28;
	[tilespmem:s9+$0x0] =	vst v1  }
0x368: {  	s14 =	sor.u32 s2, s28;
	[tilespmem:s12+$0x0] =	vst v3;
	v1 =	vld.idx.msk [tilespmem:v2+s5+$0x0], $0xffff  }
0x369: {  	s6 =	sor.u32 s11, s28;
	v2 =	vadd.s32 $0xB000, v0;
	v3 =	vld.idx.msk [tilespmem:v16+s5+$0x0], $0xffff;
	[tilespmem:s14+$0x0] =	vst v4  }
0x36a: {  	[tilespmem:s6+$0x0] =	vst v5;
	v4 =	vld.idx.msk [tilespmem:v18+s5+$0x0], $0xffff  }
0x36b: {  	s15 =	sadd.s32 $0x15900, s13;
	v5 =	vld.idx.msk [tilespmem:v17+s5+$0x0], $0xffff  }
0x36c: {  	s18 =	sor.u32 s10, s15  }
0x36d: {  	s19 =	sor.u32 s1, s15;
	[tilespmem:s18+$0x0] =	vst v1  }
0x36e: {  	s20 =	sor.u32 s2, s15;
	[tilespmem:s19+$0x0] =	vst v3;
	v1 =	vld.idx.msk [tilespmem:v2+s5+$0x0], $0xffff  }
0x36f: {  	s6 =	sor.u32 s11, s15;
	v2 =	vadd.s32 $0xC000, v0;
	v3 =	vld.idx.msk [tilespmem:v13+s5+$0x0], $0xffff;
	[tilespmem:s20+$0x0] =	vst v4  }
0x370: {  	[tilespmem:s6+$0x0] =	vst v5;
	v4 =	vld.idx.msk [tilespmem:v15+s5+$0x0], $0xffff  }
0x371: {  	s21 =	sadd.s32 $0x15980, s13;
	v5 =	vld.idx.msk [tilespmem:v14+s5+$0x0], $0xffff  }
0x372: {  	s22 =	sor.u32 s10, s21  }
0x373: {  	s26 =	sor.u32 s1, s21;
	[tilespmem:s22+$0x0] =	vst v1  }
0x374: {  	s28 =	sor.u32 s2, s21;
	[tilespmem:s26+$0x0] =	vst v3;
	v1 =	vld.idx.msk [tilespmem:v2+s5+$0x0], $0xffff  }
0x375: {  	s6 =	sor.u32 s11, s21;
	v2 =	vadd.s32 $0xD000, v0;
	v3 =	vld.idx.msk [tilespmem:v9+s5+$0x0], $0xffff;
	[tilespmem:s28+$0x0] =	vst v4  }
0x376: {  	[tilespmem:s6+$0x0] =	vst v5;
	v4 =	vld.idx.msk [tilespmem:v12+s5+$0x0], $0xffff  }
0x377: {  	s9 =	sadd.s32 $0x15A00, s13;
	v5 =	vld.idx.msk [tilespmem:v10+s5+$0x0], $0xffff  }
0x378: {  	s12 =	sor.u32 s10, s9  }
0x379: {  	s14 =	sor.u32 s1, s9;
	[tilespmem:s12+$0x0] =	vst v1  }
0x37a: {  	s15 =	sor.u32 s2, s9;
	[tilespmem:s14+$0x0] =	vst v3;
	v1 =	vld.idx.msk [tilespmem:v2+s5+$0x0], $0xffff  }
0x37b: {  	s6 =	sor.u32 s11, s9;
	v2 =	vadd.s32 $0xE000, v0;
	v3 =	vld.idx.msk [tilespmem:v6+s5+$0x0], $0xffff;
	[tilespmem:s15+$0x0] =	vst v4  }
0x37c: {  	[tilespmem:s6+$0x0] =	vst v5;
	v4 =	vld.idx.msk [tilespmem:v8+s5+$0x0], $0xffff  }
0x37d: {  	s18 =	sadd.s32 $0x15A80, s13;
	v5 =	vld.idx.msk [tilespmem:v11+s5+$0x0], $0xffff  }
0x37e: {  	s19 =	sor.u32 s10, s18  }
0x37f: {  	s20 =	sor.u32 s1, s18;
	[tilespmem:s19+$0x0] =	vst v1  }
0x380: {  	s21 =	sor.u32 s2, s18;
	[tilespmem:s20+$0x0] =	vst v3;
	v1 =	vld.idx.msk [tilespmem:v2+s5+$0x0], $0xffff  }
0x381: {  	v0 =	vadd.s32 $0xF000, v0;
	s6 =	sor.u32 s11, s18;
	v2 =	vld.idx.msk [tilespmem:v41+s5+$0x0], $0xffff;
	[tilespmem:s21+$0x0] =	vst v4  }
0x382: {  	v3 =	vld.idx.msk [tilespmem:v40+s5+$0x0], $0xffff;
	[tilespmem:s6+$0x0] =	vst v5  }
0x383: {  	[tilespmem:s3+$0x0] =	vst v28;
	s22 =	sadd.s32 $0x15B00, s13;
	v4 =	vld.idx.msk [tilespmem:v7+s5+$0x0], $0xffff  }
0x384: {  	[tilespmem:s24+$0x0] =	vst v27;
	s24 =	sor.u32 s10, s22;
	v6 =	vld.idx.msk [tilespmem:v38+s5+$0x0], $0xffff  }
0x385: {  	s26 =	sor.u32 s1, s22;
	v5 =	vld.idx.msk [tilespmem:v37+s5+$0x0], $0xffff;
	[tilespmem:s24+$0x0] =	vst v1  }
0x386: {  	s28 =	sor.u32 s2, s22;
	[tilespmem:s26+$0x0] =	vst v2;
	v0 =	vld.idx.msk [tilespmem:v0+s5+$0x0], $0xffff  }
0x387: {  	s3 =	sor.u32 s11, s22;
	v1 =	vld.idx.msk [tilespmem:v39+s5+$0x0], $0xffff;
	[tilespmem:s28+$0x0] =	vst v3  }
0x388: {  	v2 =	vld.idx.msk [tilespmem:v26+s5+$0x0], $0xffff;
	[tilespmem:s3+$0x0] =	vst v4  }
0x389: {  	s7 =	sadd.s32 $0x15B80, s13;
	[tilespmem:s4+$0x0] =	vst v6;
	v3 =	vld.idx.msk [tilespmem:v25+s5+$0x0], $0xffff  }
0x38a: {  	s8 =	sor.u32 s10, s7;
	[tilespmem:s23+$0x0] =	vst v5  }
0x38b: {  	s9 =	sor.u32 s1, s7;
	[tilespmem:s8+$0x0] =	vst v0  }
0x38c: {  	s10 =	sor.u32 s2, s7;
	s12 =	rddreg [dreg:$0x2];
	[tilespmem:s9+$0x0] =	vst v1  }
0x38d: {  	s2 =	sadd.s32 s12, s17;
	s11 =	sor.u32 s11, s7;
	[tilespmem:s10+$0x0] =	vst v2  }
0x38e: {  	s14 =	simm.s32 $0x14800;
	s13 =	sadd.s32 s16, s2;
	[tilespmem:s11+$0x0] =	vst v3  }
0x38f: {  	[hbm4b:s13+s29] =	stream.strided.scatter [tilespmem:s14], [sflag:$0x7], $0x400, s30, s29, $0x38;
	[tilespmem:$0x18800] =	vst v63  }
0x390: {  	s16 =	simm.s32 $0x14C00;
	s15 =	sadd.s32 $0x80, s13  }
0x391: {  	[hbm4b:s15+s29] =	stream.strided.scatter [tilespmem:s16], [sflag:$0x7], $0x400, s30, s29, $0x38;
	[tilespmem:$0x18800] =	vst v63  }
0x392: {  	s17 =	sadd.s32 $0x100, s13;
	s18 =	simm.s32 $0x15000  }
0x393: {  	[hbm4b:s17+s29] =	stream.strided.scatter [tilespmem:s18], [sflag:$0x7], $0x400, s30, s29, $0x38;
	[tilespmem:$0x18800] =	vst v63  }
0x394: {  	s19 =	sadd.s32 $0x180, s13;
	s20 =	simm.s32 $0x15400  }
0x395: {  	[hbm4b:s19+s29] =	stream.strided.scatter [tilespmem:s20], [sflag:$0x7], $0x400, s30, s29, $0x38;
	[tilespmem:$0x18800] =	vst v63  }
0x396: {  	s1 =	sadd.s32 $0x100000, s13;
	s21 =	simm.s32 $0x15800  }
0x397: {  	[hbm4b:s1+s29] =	stream.strided.scatter [tilespmem:s21], [sflag:$0x7], $0x400, s30, s29, $0x38;
	[tilespmem:$0x18800] =	vst v63  }
0x398: {  	s22 =	sadd.s32 $0x80, s1;
	s23 =	simm.s32 $0x15C00  }
0x399: {  	[hbm4b:s22+s29] =	stream.strided.scatter [tilespmem:s23], [sflag:$0x7], $0x400, s30, s29, $0x38;
	[tilespmem:$0x18800] =	vst v63  }
0x39a: {  	s24 =	sadd.s32 $0x100, s1;
	s26 =	simm.s32 $0x16000  }
0x39b: {  	[hbm4b:s24+s29] =	stream.strided.scatter [tilespmem:s26], [sflag:$0x7], $0x400, s30, s29, $0x38;
	[tilespmem:$0x18800] =	vst v63  }
0x39c: {  	s0 =	sadd.s32 @!p0 $0x4, s0;
	s28 =	simm.s32 $0x16400;
	s1 =	sadd.s32 $0x180, s1  }
0x39d: {  	[hbm4b:s1+s29] =	stream.strided.scatter [tilespmem:s28], [sflag:$0x7], $0x400, s30, s29, $0x38;
	[tilespmem:$0x18800] =	vst v63  }
0x39e: {  	s1 =	sshll.u32 @!p0 s0, $0x3  }
0x39f: {  	s2 =	rddreg [dreg:$0x1];
	s0 =	sshll.u32 @!p0 s0, $0x6;
	s1 =	sand.u32 @!p0 $0x70, s1  }
0x3a0: {  	s0 =	sand.u32 @!p0 $0xFFFFC00, s0;
	s1 =	sadd.s32 @!p0 s2, s1  }
0x3a1: {  	s2 =	simm.s32 @!p0 $0x10100;
	s0 =	sadd.s32 @!p0 s0, s1;
	s1 =	simm.s32 @!p0 $0x0  }
0x3a2: {  	[tilespmem:s2], [sflag:$0x3] =	stream.linear.gather @!p0 [hbm4b:s0+s1], $0x80, $0x38;
	[tilespmem:$0x18800] =	vst v63  }
0x3a3: {  	s3 =	simm.s32 @!p0 $0x10300;
	s2 =	sadd.s32 @!p0 $0x80, s0  }
0x3a4: {  	[tilespmem:s3], [sflag:$0x3] =	stream.linear.gather @!p0 [hbm4b:s2+s1], $0x80, $0x38;
	[tilespmem:$0x18800] =	vst v63  }
0x3a5: {  	s2 =	sadd.s32 @!p0 $0x100, s0;
	s3 =	simm.s32 @!p0 $0x10500  }
0x3a6: {  	[tilespmem:s3], [sflag:$0x3] =	stream.linear.gather @!p0 [hbm4b:s2+s1], $0x80, $0x38;
	[tilespmem:$0x18800] =	vst v63  }
0x3a7: {  	s0 =	sadd.s32 @!p0 $0x180, s0;
	s2 =	simm.s32 @!p0 $0x10700;
	s3 =	simm.s32 $0x4  }
0x3a8: {  	[tilespmem:s2], [sflag:$0x3] =	stream.linear.gather @!p0 [hbm4b:s0+s1], $0x80, $0x38;
	[tilespmem:$0x18800] =	vst v63  }
0x3a9: {  	_ =	swait.ge [sflag:s3], $0x200  }
0x3aa: {  	s4 =	simm.s32 $0x0;
	[sflag:s3] =	ssyncset.done $0x0  }
0x3ab: {  	s6 =	simm.s32 $0x0;
	s0 =	simm.s32 @!p1 $0x8;
	[sflag:s3] =	ssyncadd.s32 $0xFFFFFE00  }
0x3ac: {  	s7 =	sand.u32 $0x3FFFFE00, s6;
	s14 =	sand.u32 $0x40, s4;
	_ =	swait.ge @!p1 [sflag:s0], $0x2000  }
0x3ad: {  	s18 =	sor.u32 $0x30, s14;
	s1 =	sadd.s32 $0x10000, s7;
	[sflag:s0] =	ssyncset.done @!p1 $0x0  }
0x3ae: {  	s8 =	sor.u32 s18, s1;
	[sflag:s0] =	ssyncadd.s32 @!p1 $0xFFFFE000  }
0x3af: {  	s16 =	sor.u32 $0x10, s14;
	s9 =	sor.u32 s14, s1;
	v4 =	vld [tilespmem:s8+$0x180]  }
0x3b0: {  	s10 =	sor.u32 s16, s1;
	v1 =	vld [tilespmem:s9+$0x180]  }
0x3b1: {  	v3 =	vld [tilespmem:s10+$0x180]  }
0x3b2: {  	s17 =	sor.u32 $0x20, s14  }
0x3b3: {  	s11 =	sor.u32 s17, s1  }
0x3b4: {  	v2 =	vld [tilespmem:s11+$0x180];
	_ =	sdelay $0x2  }
0x3b5: {  	v0 =	vld.idx.msk [tilespmem:v4+s5+$0x0], $0xffff  }
0x3b6: {  	s12 =	simm.s32 $0x0;
	v6 =	vadd.s32 $0x1000, v4;
	v5 =	vld.idx.msk [tilespmem:v1+s5+$0x0], $0xffff  }
0x3b7: {  	s20 =	sand.u32 $0x3FFFFC00, s12;
	v7 =	vadd.s32 $0x1000, v1;
	v8 =	vld.idx.msk [tilespmem:v3+s5+$0x0], $0xffff  }
0x3b8: {  	s0 =	sadd.s32 $0x16800, s20;
	v9 =	vadd.s32 $0x1000, v3  }
0x3b9: {  	s13 =	sor.u32 s18, s0  }
0x3ba: {  	s15 =	sor.u32 s14, s0;
	v10 =	vld.idx.msk [tilespmem:v2+s5+$0x0], $0xffff;
	[tilespmem:s13+$0x0] =	vst v0  }
0x3bb: {  	s19 =	sor.u32 s16, s0;
	v0 =	vadd.s32 $0x1000, v2;
	[tilespmem:s15+$0x0] =	vst v5;
	v5 =	vld.idx.msk [tilespmem:v6+s5+$0x0], $0xffff  }
0x3bc: {  	[tilespmem:s19+$0x0] =	vst v8;
	v6 =	vld.idx.msk [tilespmem:v7+s5+$0x0], $0xffff;
	v7 =	vadd.s32 $0x2000, v4  }
0x3bd: {  	v8 =	vadd.s32 $0x2000, v1;
	v9 =	vld.idx.msk [tilespmem:v9+s5+$0x0], $0xffff  }
0x3be: {  	s21 =	sadd.s32 $0x16880, s20;
	s0 =	sor.u32 s17, s0;
	v11 =	vadd.s32 $0x2000, v3  }
0x3bf: {  	s22 =	sor.u32 s18, s21;
	[tilespmem:s0+$0x0] =	vst v10  }
0x3c0: {  	s23 =	sor.u32 s14, s21;
	v0 =	vld.idx.msk [tilespmem:v0+s5+$0x0], $0xffff;
	[tilespmem:s22+$0x0] =	vst v5  }
0x3c1: {  	s24 =	sor.u32 s16, s21;
	v5 =	vadd.s32 $0x2000, v2;
	[tilespmem:s23+$0x0] =	vst v6;
	v6 =	vld.idx.msk [tilespmem:v7+s5+$0x0], $0xffff  }
0x3c2: {  	[tilespmem:s24+$0x0] =	vst v9;
	v7 =	vld.idx.msk [tilespmem:v8+s5+$0x0], $0xffff;
	v8 =	vadd.s32 $0x3000, v4  }
0x3c3: {  	v9 =	vadd.s32 $0x3000, v1;
	v10 =	vld.idx.msk [tilespmem:v11+s5+$0x0], $0xffff  }
0x3c4: {  	s26 =	sor.u32 s17, s21;
	s28 =	sadd.s32 $0x16900, s20;
	v11 =	vadd.s32 $0x3000, v3  }
0x3c5: {  	s3 =	sor.u32 s18, s28;
	[tilespmem:s26+$0x0] =	vst v0  }
0x3c6: {  	s4 =	sor.u32 s14, s28;
	v0 =	vld.idx.msk [tilespmem:v5+s5+$0x0], $0xffff;
	[tilespmem:s3+$0x0] =	vst v6  }
0x3c7: {  	s6 =	sor.u32 s16, s28;
	v5 =	vadd.s32 $0x3000, v2;
	[tilespmem:s4+$0x0] =	vst v7;
	v6 =	vld.idx.msk [tilespmem:v8+s5+$0x0], $0xffff  }
0x3c8: {  	[tilespmem:s6+$0x0] =	vst v10;
	v7 =	vld.idx.msk [tilespmem:v9+s5+$0x0], $0xffff;
	v8 =	vadd.s32 $0x4000, v4  }
0x3c9: {  	v9 =	vadd.s32 $0x4000, v1;
	v10 =	vld.idx.msk [tilespmem:v11+s5+$0x0], $0xffff  }
0x3ca: {  	s7 =	sor.u32 s17, s28;
	s8 =	sadd.s32 $0x16980, s20;
	v11 =	vadd.s32 $0x4000, v3  }
0x3cb: {  	s9 =	sor.u32 s18, s8;
	[tilespmem:s7+$0x0] =	vst v0  }
0x3cc: {  	s10 =	sor.u32 s14, s8;
	v0 =	vld.idx.msk [tilespmem:v5+s5+$0x0], $0xffff;
	[tilespmem:s9+$0x0] =	vst v6  }
0x3cd: {  	s11 =	sor.u32 s16, s8;
	v5 =	vadd.s32 $0x4000, v2;
	[tilespmem:s10+$0x0] =	vst v7;
	v6 =	vld.idx.msk [tilespmem:v8+s5+$0x0], $0xffff  }
0x3ce: {  	[tilespmem:s11+$0x0] =	vst v10;
	v7 =	vld.idx.msk [tilespmem:v9+s5+$0x0], $0xffff;
	v8 =	vadd.s32 $0x5000, v4  }
0x3cf: {  	v9 =	vadd.s32 $0x5000, v1;
	v10 =	vld.idx.msk [tilespmem:v11+s5+$0x0], $0xffff  }
0x3d0: {  	s12 =	sor.u32 s17, s8;
	s13 =	sadd.s32 $0x16A00, s20;
	v11 =	vadd.s32 $0x5000, v3  }
0x3d1: {  	s15 =	sor.u32 s18, s13;
	[tilespmem:s12+$0x0] =	vst v0  }
0x3d2: {  	s19 =	sor.u32 s14, s13;
	v0 =	vld.idx.msk [tilespmem:v5+s5+$0x0], $0xffff;
	[tilespmem:s15+$0x0] =	vst v6  }
0x3d3: {  	s21 =	sor.u32 s16, s13;
	v5 =	vadd.s32 $0x5000, v2;
	[tilespmem:s19+$0x0] =	vst v7;
	v6 =	vld.idx.msk [tilespmem:v8+s5+$0x0], $0xffff  }
0x3d4: {  	[tilespmem:s21+$0x0] =	vst v10;
	v7 =	vld.idx.msk [tilespmem:v9+s5+$0x0], $0xffff;
	v8 =	vadd.s32 $0x6000, v4  }
0x3d5: {  	v9 =	vadd.s32 $0x6000, v1;
	v10 =	vld.idx.msk [tilespmem:v11+s5+$0x0], $0xffff  }
0x3d6: {  	s22 =	sor.u32 s17, s13;
	s23 =	sadd.s32 $0x16A80, s20;
	v11 =	vadd.s32 $0x6000, v3  }
0x3d7: {  	s24 =	sor.u32 s18, s23;
	[tilespmem:s22+$0x0] =	vst v0  }
0x3d8: {  	s26 =	sor.u32 s14, s23;
	v0 =	vld.idx.msk [tilespmem:v5+s5+$0x0], $0xffff;
	[tilespmem:s24+$0x0] =	vst v6  }
0x3d9: {  	s28 =	sor.u32 s16, s23;
	v5 =	vadd.s32 $0x6000, v2;
	[tilespmem:s26+$0x0] =	vst v7;
	v6 =	vld.idx.msk [tilespmem:v8+s5+$0x0], $0xffff  }
0x3da: {  	[tilespmem:s28+$0x0] =	vst v10;
	v7 =	vld.idx.msk [tilespmem:v9+s5+$0x0], $0xffff;
	v8 =	vadd.s32 $0x7000, v4  }
0x3db: {  	v9 =	vadd.s32 $0x7000, v1;
	v10 =	vld.idx.msk [tilespmem:v11+s5+$0x0], $0xffff  }
0x3dc: {  	s2 =	sor.u32 s17, s23;
	s3 =	sadd.s32 $0x16B00, s20;
	v11 =	vadd.s32 $0x7000, v3  }
0x3dd: {  	s4 =	sor.u32 s18, s3;
	[tilespmem:s2+$0x0] =	vst v0  }
0x3de: {  	s13 =	simm.s32 $0x40;
	s6 =	sor.u32 s14, s3;
	s12 =	simm.s32 $0x100;
	v0 =	vld.idx.msk [tilespmem:v5+s5+$0x0], $0xffff;
	[tilespmem:s4+$0x0] =	vst v6  }
0x3df: {  	s0 =	sand.u32 $0x40, s13;
	s7 =	sor.u32 s16, s3;
	s19 =	sand.u32 $0x3FFFFE00, s12;
	v5 =	vadd.s32 $0x7000, v2;
	[tilespmem:s6+$0x0] =	vst v7;
	v6 =	vld.idx.msk [tilespmem:v8+s5+$0x0], $0xffff  }
0x3e0: {  	s1 =	sor.u32 $0x10, s0;
	s21 =	sadd.s32 $0x10000, s19;
	[tilespmem:s7+$0x0] =	vst v10;
	v7 =	vld.idx.msk [tilespmem:v9+s5+$0x0], $0xffff;
	v8 =	vadd.s32 $0x8000, v4  }
0x3e1: {  	s26 =	sor.u32 s1, s21;
	v9 =	vadd.s32 $0x8000, v1;
	v10 =	vld.idx.msk [tilespmem:v11+s5+$0x0], $0xffff  }
0x3e2: {  	s8 =	sor.u32 s17, s3;
	s9 =	sadd.s32 $0x16B80, s20;
	v25 =	vld [tilespmem:s26+$0x180];
	v11 =	vadd.s32 $0x8000, v3  }
0x3e3: {  	s10 =	sor.u32 s18, s9;
	[tilespmem:s8+$0x0] =	vst v0  }
0x3e4: {  	s11 =	sor.u32 s14, s9;
	v5 =	vld.idx.msk [tilespmem:v5+s5+$0x0], $0xffff;
	[tilespmem:s10+$0x0] =	vst v6  }
0x3e5: {  	s15 =	sor.u32 s16, s9;
	[tilespmem:s11+$0x0] =	vst v7;
	v6 =	vld.idx.msk [tilespmem:v8+s5+$0x0], $0xffff  }
0x3e6: {  	s2 =	sor.u32 $0x30, s0;
	[tilespmem:s15+$0x0] =	vst v10;
	v8 =	vld.idx.msk [tilespmem:v9+s5+$0x0], $0xffff  }
0x3e7: {  	s22 =	sor.u32 s2, s21;
	v10 =	vld.idx.msk [tilespmem:v11+s5+$0x0], $0xffff;
	v11 =	vadd.s32 $0x8000, v2  }
0x3e8: {  	s23 =	sor.u32 s0, s21;
	v0 =	vld [tilespmem:s22+$0x180];
	v9 =	vadd.s32 $0x9000, v4  }
0x3e9: {  	v12 =	vadd.s32 $0x9000, v1;
	s3 =	sor.u32 s17, s9;
	s24 =	sadd.s32 $0x17800, s20;
	v7 =	vld [tilespmem:s23+$0x180];
	s10 =	sor.u32 $0x20, s0  }
0x3ea: {  	v13 =	vadd.s32 $0x9000, v3;
	s28 =	sor.u32 s18, s24;
	v16 =	vld.idx.msk [tilespmem:v25+s5+$0x0], $0xffff;
	s6 =	sor.u32 s10, s21;
	[tilespmem:s3+$0x0] =	vst v5  }
0x3eb: {  	s9 =	sor.u32 s14, s24;
	v27 =	vld [tilespmem:s6+$0x180];
	[tilespmem:s28+$0x0] =	vst v6  }
0x3ec: {  	s19 =	simm.s32 $0x200;
	s11 =	sor.u32 s16, s24;
	[tilespmem:s9+$0x0] =	vst v8;
	v5 =	vld.idx.msk [tilespmem:v11+s5+$0x0], $0xffff  }
0x3ed: {  	v17 =	vadd.s32 $0x1000, v25;
	[tilespmem:s11+$0x0] =	vst v10;
	s11 =	sand.u32 $0x3FFFFC00, s19;
	v6 =	vld.idx.msk [tilespmem:v9+s5+$0x0], $0xffff  }
0x3ee: {  	v9 =	vld.idx.msk [tilespmem:v12+s5+$0x0], $0xffff;
	s6 =	sadd.s32 $0x16800, s11  }
0x3ef: {  	v11 =	vadd.s32 $0x9000, v2;
	v10 =	vld.idx.msk [tilespmem:v13+s5+$0x0], $0xffff;
	s28 =	sor.u32 s1, s6  }
0x3f0: {  	s12 =	sadd.s32 $0x17880, s20;
	s4 =	sor.u32 s17, s24;
	v8 =	vadd.s32 $0xA000, v4;
	v12 =	vld.idx.msk [tilespmem:v0+s5+$0x0], $0xffff;
	[tilespmem:s28+$0x0] =	vst v16  }
0x3f1: {  	s15 =	sor.u32 s18, s12;
	v13 =	vadd.s32 $0xA000, v1;
	v14 =	vld.idx.msk [tilespmem:v7+s5+$0x0], $0xffff;
	[tilespmem:s4+$0x0] =	vst v5  }
0x3f2: {  	s21 =	sor.u32 s14, s12;
	v15 =	vadd.s32 $0x1000, v7;
	v17 =	vld.idx.msk [tilespmem:v17+s5+$0x0], $0xffff;
	[tilespmem:s15+$0x0] =	vst v6  }
0x3f3: {  	s22 =	sor.u32 s16, s12;
	v5 =	vld.idx.msk [tilespmem:v27+s5+$0x0], $0xffff;
	[tilespmem:s21+$0x0] =	vst v9  }
0x3f4: {  	s23 =	sor.u32 s2, s6;
	v6 =	vadd.s32 $0x1000, v0;
	[tilespmem:s22+$0x0] =	vst v10;
	v10 =	vld.idx.msk [tilespmem:v11+s5+$0x0], $0xffff  }
0x3f5: {  	s24 =	sor.u32 s0, s6;
	v11 =	vadd.s32 $0x1000, v27;
	[tilespmem:s23+$0x0] =	vst v12;
	v8 =	vld.idx.msk [tilespmem:v8+s5+$0x0], $0xffff  }
0x3f6: {  	s3 =	sor.u32 s17, s12;
	s12 =	sadd.s32 $0x16880, s11;
	v12 =	vld.idx.msk [tilespmem:v13+s5+$0x0], $0xffff;
	v13 =	vadd.s32 $0xA000, v3;
	[tilespmem:s24+$0x0] =	vst v14  }
0x3f7: {  	v9 =	vadd.s32 $0xB000, v4;
	s22 =	sor.u32 s1, s12;
	v15 =	vld.idx.msk [tilespmem:v15+s5+$0x0], $0xffff  }
0x3f8: {  	s7 =	sadd.s32 $0x17900, s20;
	s6 =	sor.u32 s10, s6;
	v16 =	vadd.s32 $0x2000, v7;
	[tilespmem:s22+$0x0] =	vst v17  }
0x3f9: {  	s26 =	sor.u32 s18, s7;
	v14 =	vadd.s32 $0xA000, v2;
	[tilespmem:s6+$0x0] =	vst v5;
	v6 =	vld.idx.msk [tilespmem:v6+s5+$0x0], $0xffff  }
0x3fa: {  	s9 =	sor.u32 s14, s7;
	v5 =	vld.idx.msk [tilespmem:v11+s5+$0x0], $0xffff;
	v11 =	vadd.s32 $0x2000, v25;
	[tilespmem:s26+$0x0] =	vst v8  }
0x3fb: {  	s19 =	sor.u32 s0, s12;
	v8 =	vadd.s32 $0x2000, v0;
	[tilespmem:s9+$0x0] =	vst v12;
	v12 =	vld.idx.msk [tilespmem:v13+s5+$0x0], $0xffff  }
0x3fc: {  	v13 =	vadd.s32 $0x2000, v27;
	v9 =	vld.idx.msk [tilespmem:v9+s5+$0x0], $0xffff;
	[tilespmem:s19+$0x0] =	vst v15  }
0x3fd: {  	s15 =	sor.u32 s2, s12;
	[tilespmem:s3+$0x0] =	vst v10;
	v10 =	vadd.s32 $0xC000, v4;
	v16 =	vld.idx.msk [tilespmem:v16+s5+$0x0], $0xffff  }
0x3fe: {  	s23 =	sor.u32 s10, s12;
	v17 =	vadd.s32 $0x3000, v7;
	[tilespmem:s15+$0x0] =	vst v6;
	v6 =	vld.idx.msk [tilespmem:v14+s5+$0x0], $0xffff  }
0x3ff: {  	s4 =	sadd.s32 $0x17980, s20;
	s24 =	sor.u32 s16, s7;
	v14 =	vadd.s32 $0xB000, v1;
	v11 =	vld.idx.msk [tilespmem:v11+s5+$0x0], $0xffff;
	[tilespmem:s23+$0x0] =	vst v5  }
0x400: {  	s28 =	sadd.s32 $0x16900, s11;
	s21 =	sor.u32 s18, s4;
	v15 =	vadd.s32 $0xB000, v3;
	v8 =	vld.idx.msk [tilespmem:v8+s5+$0x0], $0xffff;
	[tilespmem:s24+$0x0] =	vst v12  }
0x401: {  	s9 =	sor.u32 s0, s28;
	v5 =	vld.idx.msk [tilespmem:v13+s5+$0x0], $0xffff;
	[tilespmem:s21+$0x0] =	vst v9;
	v9 =	vadd.s32 $0x3000, v0  }
0x402: {  	s26 =	sor.u32 s17, s7;
	v13 =	vadd.s32 $0x3000, v25;
	v10 =	vld.idx.msk [tilespmem:v10+s5+$0x0], $0xffff;
	[tilespmem:s9+$0x0] =	vst v16  }
0x403: {  	s15 =	sor.u32 s1, s28;
	v12 =	vadd.s32 $0xD000, v4;
	v17 =	vld.idx.msk [tilespmem:v17+s5+$0x0], $0xffff;
	[tilespmem:s26+$0x0] =	vst v6  }
0x404: {  	s8 =	sor.u32 s2, s28;
	v14 =	vld.idx.msk [tilespmem:v14+s5+$0x0], $0xffff;
	v6 =	vadd.s32 $0x3000, v27;
	[tilespmem:s15+$0x0] =	vst v11  }
0x405: {  	s6 =	sadd.s32 $0x17A00, s20;
	s19 =	sor.u32 s10, s28;
	[tilespmem:s8+$0x0] =	vst v8;
	v8 =	vld.idx.msk [tilespmem:v15+s5+$0x0], $0xffff;
	v15 =	vadd.s32 $0xB000, v2  }
0x406: {  	s12 =	sor.u32 s18, s6;
	s23 =	sadd.s32 $0x16980, s11;
	v16 =	vadd.s32 $0xC000, v1;
	[tilespmem:s19+$0x0] =	vst v5;
	v9 =	vld.idx.msk [tilespmem:v9+s5+$0x0], $0xffff  }
0x407: {  	s26 =	sor.u32 s0, s23;
	v13 =	vld.idx.msk [tilespmem:v13+s5+$0x0], $0xffff;
	[tilespmem:s12+$0x0] =	vst v10;
	v10 =	vadd.s32 $0x4000, v0  }
0x408: {  	s21 =	sor.u32 s14, s4;
	v11 =	vld.idx.msk [tilespmem:v12+s5+$0x0], $0xffff;
	v12 =	vadd.s32 $0x4000, v7;
	[tilespmem:s26+$0x0] =	vst v17  }
0x409: {  	s22 =	sor.u32 s16, s4;
	v5 =	vld.idx.msk [tilespmem:v6+s5+$0x0], $0xffff;
	[tilespmem:s21+$0x0] =	vst v14;
	v6 =	vadd.s32 $0xE000, v4  }
0x40a: {  	s24 =	sor.u32 s2, s23;
	v14 =	vadd.s32 $0x4000, v25;
	[tilespmem:s22+$0x0] =	vst v8;
	v8 =	vld.idx.msk [tilespmem:v15+s5+$0x0], $0xffff  }
0x40b: {  	s3 =	sadd.s32 $0x17A80, s20;
	s9 =	sor.u32 s1, s23;
	v15 =	vadd.s32 $0x4000, v27;
	[tilespmem:s24+$0x0] =	vst v9;
	v9 =	vld.idx.msk [tilespmem:v16+s5+$0x0], $0xffff  }
0x40c: {  	s28 =	sor.u32 s18, s3;
	[tilespmem:s9+$0x0] =	vst v13;
	v16 =	vadd.s32 $0xC000, v3;
	v10 =	vld.idx.msk [tilespmem:v10+s5+$0x0], $0xffff  }
0x40d: {  	s8 =	sor.u32 s10, s23;
	v17 =	vadd.s32 $0xC000, v2;
	[tilespmem:s28+$0x0] =	vst v11;
	v11 =	vld.idx.msk [tilespmem:v12+s5+$0x0], $0xffff  }
0x40e: {  	s4 =	sor.u32 s17, s4;
	v12 =	vadd.s32 $0x5000, v0;
	v6 =	vld.idx.msk [tilespmem:v6+s5+$0x0], $0xffff;
	[tilespmem:s8+$0x0] =	vst v5  }
0x40f: {  	s15 =	sadd.s32 $0x16A00, s11;
	s12 =	sor.u32 s14, s6;
	v13 =	vadd.s32 $0x5000, v7;
	v14 =	vld.idx.msk [tilespmem:v14+s5+$0x0], $0xffff;
	[tilespmem:s4+$0x0] =	vst v8  }
0x410: {  	s19 =	sor.u32 s2, s15;
	v4 =	vadd.s32 $0xF000, v4;
	v5 =	vld.idx.msk [tilespmem:v15+s5+$0x0], $0xffff;
	[tilespmem:s12+$0x0] =	vst v9  }
0x411: {  	s21 =	sor.u32 s0, s15;
	v8 =	vadd.s32 $0x5000, v25;
	s4 =	sadd.s32 $0x17B00, s20;
	v9 =	vld.idx.msk [tilespmem:v16+s5+$0x0], $0xffff;
	[tilespmem:s19+$0x0] =	vst v10  }
0x412: {  	v15 =	vadd.s32 $0x5000, v27;
	s22 =	sor.u32 s18, s4;
	v10 =	vld.idx.msk [tilespmem:v17+s5+$0x0], $0xffff;
	[tilespmem:s21+$0x0] =	vst v11  }
0x413: {  	s23 =	sor.u32 s1, s15;
	v16 =	vadd.s32 $0xD000, v1;
	v11 =	vld.idx.msk [tilespmem:v12+s5+$0x0], $0xffff;
	[tilespmem:s22+$0x0] =	vst v6  }
0x414: {  	s24 =	sor.u32 s10, s15;
	v12 =	vadd.s32 $0xD000, v3;
	v6 =	vld.idx.msk [tilespmem:v13+s5+$0x0], $0xffff;
	[tilespmem:s23+$0x0] =	vst v14  }
0x415: {  	s26 =	sor.u32 s16, s6;
	v13 =	vadd.s32 $0x6000, v0;
	v4 =	vld.idx.msk [tilespmem:v4+s5+$0x0], $0xffff;
	[tilespmem:s24+$0x0] =	vst v5  }
0x416: {  	s6 =	sor.u32 s17, s6;
	s28 =	sadd.s32 $0x16A80, s11;
	v14 =	vadd.s32 $0x6000, v7;
	v5 =	vld.idx.msk [tilespmem:v8+s5+$0x0], $0xffff;
	[tilespmem:s26+$0x0] =	vst v9  }
0x417: {  	s8 =	sor.u32 s2, s28;
	v8 =	vadd.s32 $0xD000, v2;
	v9 =	vld.idx.msk [tilespmem:v15+s5+$0x0], $0xffff;
	[tilespmem:s6+$0x0] =	vst v10  }
0x418: {  	s9 =	sor.u32 s0, s28;
	s12 =	sadd.s32 $0x17B80, s20;
	v15 =	vadd.s32 $0x6000, v25;
	v10 =	vld.idx.msk [tilespmem:v16+s5+$0x0], $0xffff;
	[tilespmem:s8+$0x0] =	vst v11  }
0x419: {  	s15 =	sor.u32 s18, s12;
	v16 =	vadd.s32 $0x6000, v27;
	v11 =	vld.idx.msk [tilespmem:v12+s5+$0x0], $0xffff;
	[tilespmem:s9+$0x0] =	vst v6  }
0x41a: {  	s18 =	sor.u32 s1, s28;
	v6 =	vadd.s32 $0xE000, v1;
	v12 =	vld.idx.msk [tilespmem:v13+s5+$0x0], $0xffff;
	[tilespmem:s15+$0x0] =	vst v4  }
0x41b: {  	s7 =	sor.u32 s10, s28;
	v13 =	vadd.s32 $0xE000, v3;
	v4 =	vld.idx.msk [tilespmem:v14+s5+$0x0], $0xffff;
	[tilespmem:s18+$0x0] =	vst v5  }
0x41c: {  	v34 =	vadd.s32 $0xF000, v1;
	v37 =	vadd.s32 $0xF000, v3;
	s19 =	sor.u32 s14, s3;
	v3 =	vadd.s32 $0x7000, v0;
	v5 =	vld.idx.msk [tilespmem:v8+s5+$0x0], $0xffff;
	[tilespmem:s7+$0x0] =	vst v9  }
0x41d: {  	v38 =	vadd.s32 $0xF000, v2;
	v29 =	vadd.s32 $0x7000, v25;
	v26 =	vadd.s32 $0x7000, v7;
	s20 =	sor.u32 s16, s3;
	s21 =	sadd.s32 $0x16B00, s11;
	v28 =	vld.idx.msk [tilespmem:v15+s5+$0x0], $0xffff;
	[tilespmem:s19+$0x0] =	vst v10  }
0x41e: {  	v24 =	vadd.s32 $0x8000, v25;
	v21 =	vadd.s32 $0x9000, v25;
	s22 =	sor.u32 s2, s21;
	v8 =	vadd.s32 $0xE000, v2;
	v63 =	vld.idx.msk [tilespmem:v16+s5+$0x0], $0xffff;
	[tilespmem:s20+$0x0] =	vst v11  }
0x41f: {  	v18 =	vadd.s32 $0xA000, v25;
	v40 =	vadd.s32 $0xE000, v25;
	v33 =	vadd.s32 $0x8000, v0;
	s23 =	sor.u32 s0, s21;
	v35 =	vld.idx.msk [tilespmem:v6+s5+$0x0], $0xffff;
	[tilespmem:s22+$0x0] =	vst v12  }
0x420: {  	v23 =	vadd.s32 $0x8000, v7;
	v20 =	vadd.s32 $0x9000, v7;
	v62 =	vadd.s32 $0x7000, v27;
	v36 =	vld.idx.msk [tilespmem:v13+s5+$0x0], $0xffff;
	[tilespmem:s23+$0x0] =	vst v4  }
0x421: {  	v41 =	vadd.s32 $0xE000, v7;
	v39 =	vadd.s32 $0xF000, v7;
	v22 =	vadd.s32 $0x8000, v27;
	s3 =	sor.u32 s17, s3;
	v30 =	vld.idx.msk [tilespmem:v3+s5+$0x0], $0xffff;
	s7 =	rddreg [dreg:$0x1a]  }
0x422: {  	v19 =	vadd.s32 $0x9000, v27;
	v17 =	vadd.s32 $0xA000, v27;
	s28 =	sor.u32 s16, s4;
	s24 =	sor.u32 s1, s21;
	v14 =	vadd.s32 $0xB000, v27;
	s9 =	rddreg [dreg:$0x1b];
	v31 =	vld.idx.msk [tilespmem:v26+s5+$0x0], $0xffff;
	[tilespmem:s3+$0x0] =	vst v5  }
0x423: {  	s26 =	sor.u32 s14, s4;
	s8 =	sor.u32 s10, s21;
	s21 =	sor.u32 s14, s12;
	v15 =	vadd.s32 $0xB000, v25;
	v9 =	vadd.s32 $0xC000, v7;
	v16 =	vadd.s32 $0xA000, v7;
	[tilespmem:s24+$0x0] =	vst v28;
	v28 =	vld.idx.msk [tilespmem:v8+s5+$0x0], $0xffff  }
0x424: {  	v10 =	vadd.s32 $0xC000, v27;
	v11 =	vadd.s32 $0xD000, v27;
	s20 =	sor.u32 s16, s12;
	v13 =	vadd.s32 $0xB000, v7;
	s3 =	sor.u32 s17, s4;
	s7 =	sor.u32 s9, s7;
	v29 =	vld.idx.msk [tilespmem:v29+s5+$0x0], $0xffff;
	[tilespmem:s8+$0x0] =	vst v63  }
0x425: {  	v12 =	vadd.s32 $0xC000, v25;
	v6 =	vadd.s32 $0xD000, v7;
	v7 =	vadd.s32 $0xE000, v27;
	s4 =	sor.u32 s17, s12;
	s9 =	sadd.s32 $0x16B80, s11;
	s7 =	sor.u32 $0x10, s7;
	v32 =	vld.idx.msk [tilespmem:v62+s5+$0x0], $0xffff;
	[tilespmem:s26+$0x0] =	vst v35  }
0x426: {  	v26 =	vadd.s32 $0xF000, v25;
	v8 =	vadd.s32 $0xD000, v25;
	v25 =	vadd.s32 $0xF000, v27;
	s12 =	sor.u32 s0, s9;
	s6 =	sor.u32 s1, s9;
	s14 =	sor.u32 s2, s9;
	[tilespmem:s28+$0x0] =	vst v36;
	v27 =	vld.idx.msk [tilespmem:v34+s5+$0x0], $0xffff  }
.LBB2_9:
0x427: {  	_ = 	snop  }
0x428: {  	[tilespmem:s12+$0x0] =	vst v31  }
0x429: {  	s13 =	sadd.s32 $0x40, s13;
	v23 =	vld.idx.msk [tilespmem:v23+s5+$0x0], $0xffff;
	[tilespmem:s3+$0x0] =	vst v28  }
0x42a: {  	s18 =	sshll.u32 s13, $0x2;
	[tilespmem:s14+$0x0] =	vst v30;
	v30 =	vld.idx.msk [tilespmem:v37+s5+$0x0], $0xffff  }
0x42b: {  	s8 =	sor.u32 s10, s9;
	v1 =	vmov v26;
	s9 =	sand.u32 $0x3FFFFE00, s18;
	[tilespmem:s6+$0x0] =	vst v29;
	v29 =	vld.idx.msk [tilespmem:v38+s5+$0x0], $0xffff  }
0x42c: {  	[tilespmem:$0x1FED0] =	vst v41;
	s19 =	sadd.s32 $0x10000, s9;
	s14 =	sand.u32 $0x40, s13;
	v26 =	vld.idx.msk [tilespmem:v33+s5+$0x0], $0xffff  }
0x42d: {  	[tilespmem:s21+$0x0] =	vst v27;
	s16 =	sor.u32 $0x30, s14;
	s22 =	sor.u32 s14, s19;
	v24 =	vld.idx.msk [tilespmem:v24+s5+$0x0], $0xffff  }
0x42e: {  	s24 =	sadd.s32 $0x17800, s11;
	[tilespmem:$0x1FEC0] =	vst v1;
	v1 =	vmov v25;
	s18 =	sor.u32 $0x20, s14;
	s9 =	sor.u32 s16, s19;
	v25 =	vld [tilespmem:s22+$0x180]  }
0x42f: {  	s26 =	sor.u32 s0, s24;
	v28 =	vadd.s32 $0x9000, v0;
	[tilespmem:s8+$0x0] =	vst v32;
	s3 =	sor.u32 s18, s19;
	v32 =	vld [tilespmem:s9+$0x180]  }
0x430: {  	s17 =	sor.u32 $0x10, s14;
	[tilespmem:s26+$0x0] =	vst v23;
	v52 =	vld [tilespmem:s3+$0x180]  }
0x431: {  	s23 =	sor.u32 s17, s19;
	v20 =	vld.idx.msk [tilespmem:v20+s5+$0x0], $0xffff;
	[tilespmem:s20+$0x0] =	vst v30  }
0x432: {  	s15 =	sor.u32 s2, s24;
	[tilespmem:s4+$0x0] =	vst v29;
	v38 =	vld [tilespmem:s23+$0x180]  }
0x433: {  	s28 =	sor.u32 s1, s24;
	[tilespmem:s15+$0x0] =	vst v26;
	v22 =	vld.idx.msk [tilespmem:v22+s5+$0x0], $0xffff  }
0x434: {  	[tilespmem:s28+$0x0] =	vst v24;
	v23 =	vld.idx.msk [tilespmem:v28+s5+$0x0], $0xffff  }
0x435: {  	[tilespmem:$0x1FEE0] =	vst v40;
	s12 =	sadd.s32 $0x17880, s11;
	v51 =	vadd.s32 $0xB000, v0;
	v24 =	vadd.s32 $0xA000, v0;
	v21 =	vld.idx.msk [tilespmem:v21+s5+$0x0], $0xffff  }
0x436: {  	[tilespmem:$0x1FF00] =	vst v39;
	s15 =	sor.u32 s0, s12;
	v26 =	vadd.s32 $0x1000, v25;
	v53 =	vadd.s32 $0x2000, v25;
	v48 =	vadd.s32 $0x3000, v25;
	v63 =	vld.idx.msk [tilespmem:v25+s5+$0x0], $0xffff  }
0x437: {  	s9 =	sor.u32 s10, s24;
	v42 =	vadd.s32 $0x4000, v25;
	v34 =	vadd.s32 $0x5000, v25;
	v33 =	vadd.s32 $0x6000, v25;
	[tilespmem:s15+$0x0] =	vst v20;
	v62 =	vld.idx.msk [tilespmem:v32+s5+$0x0], $0xffff  }
0x438: {  	s21 =	sshll.u32 s13, $0x3;
	s20 =	sor.u32 s2, s12;
	v28 =	vadd.s32 $0x7000, v25;
	v61 =	vadd.s32 $0xB000, v25;
	v4 =	vadd.s32 $0xC000, v25;
	[tilespmem:s9+$0x0] =	vst v22;
	v58 =	vld.idx.msk [tilespmem:v16+s5+$0x0], $0xffff  }
0x439: {  	s4 =	sand.u32 $0x3FFFFC00, s21;
	v40 =	vadd.s32 $0xE000, v25;
	v44 =	vadd.s32 $0x1000, v52;
	v55 =	vadd.s32 $0x2000, v52;
	[tilespmem:s20+$0x0] =	vst v23;
	v56 =	vld.idx.msk [tilespmem:v52+s5+$0x0], $0xffff  }
0x43a: {  	[tilespmem:$0x1FEF0] =	vst v1;
	s19 =	sor.u32 s1, s12;
	s22 =	sadd.s32 $0x16800, s4;
	v49 =	vadd.s32 $0x3000, v52;
	v43 =	vadd.s32 $0x4000, v52;
	v45 =	vadd.s32 $0x1000, v32;
	v47 =	vld.idx.msk [tilespmem:v24+s5+$0x0], $0xffff  }
0x43b: {  	s23 =	sor.u32 s14, s22;
	v37 =	vadd.s32 $0x5000, v52;
	v31 =	vadd.s32 $0x6000, v52;
	v27 =	vadd.s32 $0x7000, v52;
	v50 =	vld.idx.msk [tilespmem:v38+s5+$0x0], $0xffff;
	[tilespmem:s19+$0x0] =	vst v21  }
0x43c: {  	s26 =	sor.u32 s16, s22;
	v1 =	vadd.s32 $0xB000, v52;
	v2 =	vadd.s32 $0x2000, v32;
	v20 =	vadd.s32 $0x9000, v25;
	s15 =	sadd.s32 $0x17900, s11;
	[tilespmem:s23+$0x0] =	vst v63  }
0x43d: {  	v35 =	vadd.s32 $0x1000, v38;
	v54 =	vadd.s32 $0x2000, v38;
	v46 =	vadd.s32 $0x3000, v38;
	v57 =	vld.idx.msk [tilespmem:v19+s5+$0x0], $0xffff;
	s20 =	sor.u32 s0, s15;
	[tilespmem:s26+$0x0] =	vst v62  }
0x43e: {  	s28 =	sor.u32 s18, s22;
	v41 =	vadd.s32 $0x4000, v38;
	v36 =	vadd.s32 $0x5000, v38;
	v30 =	vadd.s32 $0x6000, v38;
	v60 =	vld.idx.msk [tilespmem:v26+s5+$0x0], $0xffff;
	[tilespmem:s20+$0x0] =	vst v58  }
0x43f: {  	v29 =	vadd.s32 $0x7000, v38;
	v22 =	vadd.s32 $0x8000, v52;
	v16 =	vadd.s32 $0xA000, v25;
	s19 =	sor.u32 s2, s15;
	v59 =	vld.idx.msk [tilespmem:v45+s5+$0x0], $0xffff;
	[tilespmem:s28+$0x0] =	vst v56  }
0x440: {  	s24 =	sor.u32 s17, s22;
	v39 =	vadd.s32 $0xE000, v38;
	v23 =	vadd.s32 $0x8000, v25;
	v19 =	vadd.s32 $0x9000, v52;
	[tilespmem:s19+$0x0] =	vst v47;
	v56 =	vld.idx.msk [tilespmem:v44+s5+$0x0], $0xffff  }
0x441: {  	s3 =	sor.u32 s10, s12;
	s21 =	sadd.s32 $0x16880, s4;
	v24 =	vadd.s32 $0x8000, v38;
	v21 =	vadd.s32 $0x9000, v38;
	v63 =	vadd.s32 $0xB000, v38;
	[tilespmem:s24+$0x0] =	vst v50;
	v3 =	vld.idx.msk [tilespmem:v51+s5+$0x0], $0xffff  }
0x442: {  	s22 =	sor.u32 s14, s21;
	v26 =	vadd.s32 $0xA000, v38;
	v62 =	vadd.s32 $0xA000, v52;
	v45 =	vadd.s32 $0xD000, v38;
	[tilespmem:s3+$0x0] =	vst v57;
	v5 =	vld.idx.msk [tilespmem:v35+s5+$0x0], $0xffff  }
0x443: {  	v47 =	vadd.s32 $0xD000, v25;
	v57 =	vadd.s32 $0xC000, v0;
	v44 =	vadd.s32 $0xD000, v52;
	s24 =	sor.u32 s16, s21;
	v58 =	vld.idx.msk [tilespmem:v18+s5+$0x0], $0xffff;
	[tilespmem:s22+$0x0] =	vst v60  }
0x444: {  	v51 =	vadd.s32 $0xC000, v38;
	v50 =	vadd.s32 $0xC000, v52;
	v35 =	vadd.s32 $0xF000, v25;
	[tilespmem:s24+$0x0] =	vst v59;
	v59 =	vld.idx.msk [tilespmem:v17+s5+$0x0], $0xffff  }
0x445: {  	s9 =	sor.u32 s18, s21;
	s26 =	sadd.s32 $0x17980, s11;
	v18 =	vmovc v26;
	v26 =	vadd.s32 $0xF000, v38;
	v38 =	vadd.s32 $0xE000, v52;
	v25 =	vadd.s32 $0xF000, v52;
	v52 =	vld.idx.msk [tilespmem:v53+s5+$0x0], $0xffff  }
0x446: {  	s28 =	sor.u32 s2, s26;
	v2 =	vld.idx.msk [tilespmem:v2+s5+$0x0], $0xffff;
	[tilespmem:s9+$0x0] =	vst v56  }
0x447: {  	s23 =	sor.u32 s17, s21;
	v17 =	vmov v62;
	v62 =	vld.idx.msk [tilespmem:v13+s5+$0x0], $0xffff;
	[tilespmem:s28+$0x0] =	vst v3  }
0x448: {  	s6 =	sor.u32 s1, s15;
	s20 =	sadd.s32 $0x16900, s4;
	v3 =	vadd.s32 $0x3000, v32;
	[tilespmem:s23+$0x0] =	vst v5;
	v5 =	vld.idx.msk [tilespmem:v57+s5+$0x0], $0xffff  }
0x449: {  	s21 =	sor.u32 s14, s20;
	v60 =	vadd.s32 $0xD000, v0;
	v53 =	vld.idx.msk [tilespmem:v54+s5+$0x0], $0xffff;
	[tilespmem:s6+$0x0] =	vst v58  }
0x44a: {  	s8 =	sor.u32 s10, s15;
	s19 =	sor.u32 s0, s26;
	s23 =	sor.u32 s16, s20;
	v54 =	vld.idx.msk [tilespmem:v55+s5+$0x0], $0xffff;
	[tilespmem:s21+$0x0] =	vst v52  }
0x44b: {  	s3 =	sor.u32 s10, s26;
	s22 =	sor.u32 s1, s26;
	s26 =	sadd.s32 $0x17A00, s11;
	[tilespmem:s23+$0x0] =	vst v2;
	v2 =	vld.idx.msk [tilespmem:v15+s5+$0x0], $0xffff  }
0x44c: {  	s28 =	sor.u32 s2, s26;
	[tilespmem:s8+$0x0] =	vst v59;
	v48 =	vld.idx.msk [tilespmem:v48+s5+$0x0], $0xffff  }
0x44d: {  	s12 =	sor.u32 s17, s20;
	v3 =	vld.idx.msk [tilespmem:v3+s5+$0x0], $0xffff;
	[tilespmem:s28+$0x0] =	vst v5  }
0x44e: {  	s24 =	sor.u32 s18, s20;
	v15 =	vmov v63;
	v5 =	vadd.s32 $0x4000, v32;
	[tilespmem:s12+$0x0] =	vst v53;
	v63 =	vld.idx.msk [tilespmem:v60+s5+$0x0], $0xffff  }
0x44f: {  	[tilespmem:s24+$0x0] =	vst v54;
	v46 =	vld.idx.msk [tilespmem:v46+s5+$0x0], $0xffff  }
0x450: {  	s15 =	sadd.s32 $0x16980, s4;
	[tilespmem:s19+$0x0] =	vst v62;
	v49 =	vld.idx.msk [tilespmem:v49+s5+$0x0], $0xffff  }
0x451: {  	v57 =	vadd.s32 $0xE000, v0;
	s24 =	sor.u32 s16, s15;
	[tilespmem:s22+$0x0] =	vst v2;
	v2 =	vld.idx.msk [tilespmem:v14+s5+$0x0], $0xffff  }
0x452: {  	s20 =	sor.u32 s10, s26;
	s6 =	sor.u32 s0, s26;
	s19 =	sor.u32 s14, s15;
	v14 =	vmov v1;
	v1 =	vld.idx.msk [tilespmem:v9+s5+$0x0], $0xffff;
	[tilespmem:s24+$0x0] =	vst v3  }
0x453: {  	s21 =	sor.u32 s1, s26;
	s26 =	sadd.s32 $0x17A80, s11;
	s23 =	sor.u32 s17, s15;
	[tilespmem:s19+$0x0] =	vst v48;
	v3 =	vld.idx.msk [tilespmem:v5+s5+$0x0], $0xffff  }
0x454: {  	s28 =	sor.u32 s2, s26;
	v9 =	vmov v4;
	v4 =	vld.idx.msk [tilespmem:v42+s5+$0x0], $0xffff;
	v5 =	vadd.s32 $0x5000, v32;
	[tilespmem:s23+$0x0] =	vst v46  }
0x455: {  	s8 =	sor.u32 s18, s15;
	[tilespmem:s28+$0x0] =	vst v63;
	v41 =	vld.idx.msk [tilespmem:v41+s5+$0x0], $0xffff  }
0x456: {  	s15 =	sor.u32 s0, s26;
	v58 =	vld.idx.msk [tilespmem:v57+s5+$0x0], $0xffff;
	[tilespmem:s8+$0x0] =	vst v49;
	s23 =	sadd.s32 $0x16A00, s4  }
0x457: {  	s22 =	sor.u32 s1, s26;
	s19 =	sor.u32 s10, s26;
	s26 =	sor.u32 s16, s23;
	[tilespmem:s6+$0x0] =	vst v1;
	v1 =	vld.idx.msk [tilespmem:v12+s5+$0x0], $0xffff  }
0x458: {  	v43 =	vld.idx.msk [tilespmem:v43+s5+$0x0], $0xffff;
	s24 =	sor.u32 s14, s23;
	[tilespmem:s26+$0x0] =	vst v3  }
0x459: {  	s9 =	sor.u32 s17, s23;
	[tilespmem:s24+$0x0] =	vst v4;
	v4 =	vld.idx.msk [tilespmem:v5+s5+$0x0], $0xffff  }
0x45a: {  	v5 =	vld.idx.msk [tilespmem:v34+s5+$0x0], $0xffff;
	[tilespmem:s9+$0x0] =	vst v41  }
0x45b: {  	v59 =	vld.idx.msk [tilespmem:v36+s5+$0x0], $0xffff  }
0x45c: {  	s28 =	sadd.s32 $0x17B00, s11;
	[tilespmem:s21+$0x0] =	vst v1;
	v1 =	vld.idx.msk [tilespmem:v6+s5+$0x0], $0xffff  }
0x45d: {  	s12 =	sadd.s32 $0x16A80, s4;
	[tilespmem:s3+$0x0] =	vst v2;
	s24 =	sor.u32 s2, s28  }
0x45e: {  	v3 =	vld.idx.msk [tilespmem:v10+s5+$0x0], $0xffff;
	[tilespmem:s24+$0x0] =	vst v58;
	s24 =	sor.u32 s14, s12  }
0x45f: {  	s23 =	sor.u32 s18, s23;
	[tilespmem:s24+$0x0] =	vst v5  }
0x460: {  	v2 =	vadd.s32 $0xF000, v0;
	[tilespmem:s23+$0x0] =	vst v43;
	v5 =	vld.idx.msk [tilespmem:v33+s5+$0x0], $0xffff  }
0x461: {  	[tilespmem:s15+$0x0] =	vst v1;
	v1 =	vld [tilespmem:$0x1FED0]  }
0x462: {  	v60 =	vld.idx.msk [tilespmem:v37+s5+$0x0], $0xffff  }
0x463: {  	[tilespmem:s20+$0x0] =	vst v3;
	v3 =	vld.idx.msk [tilespmem:v8+s5+$0x0], $0xffff  }
0x464: {  	v0 =	vmov v32  }
0x465: {  	v32 =	vadd.s32 $0x6000, v0;
	v2 =	vld.idx.msk [tilespmem:v2+s5+$0x0], $0xffff;
	s23 =	sor.u32 s17, s12  }
0x466: {  	[tilespmem:s23+$0x0] =	vst v59  }
0x467: {  	s8 =	sor.u32 s1, s28;
	s6 =	sor.u32 s0, s28;
	v62 =	vld.idx.msk [tilespmem:v30+s5+$0x0], $0xffff  }
0x468: {  	s3 =	sor.u32 s10, s28;
	s28 =	sadd.s32 $0x17B80, s11;
	s26 =	sor.u32 s16, s12;
	[tilespmem:s22+$0x0] =	vst v3;
	v3 =	vld [tilespmem:$0x1FEE0]  }
0x469: {  	s11 =	smov.u32 s4;
	s9 =	sor.u32 s18, s12;
	s12 =	sor.u32 s2, s28;
	[tilespmem:s26+$0x0] =	vst v4;
	v1 =	vld.idx.msk [tilespmem:v1+s5+$0x0], $0xffff  }
0x46a: {  	s21 =	sor.u32 s0, s28;
	s0 =	smov.u32 s14;
	v4 =	vld.idx.msk [tilespmem:v32+s5+$0x0], $0xffff;
	[tilespmem:s12+$0x0] =	vst v2;
	s23 =	sadd.s32 $0x16B00, s11  }
0x46b: {  	v13 =	vmov v61;
	v61 =	vld.idx.msk [tilespmem:v11+s5+$0x0], $0xffff;
	v2 =	vadd.s32 $0x7000, v0;
	[tilespmem:s9+$0x0] =	vst v60;
	s24 =	sor.u32 s0, s23  }
0x46c: {  	v63 =	vld.idx.msk [tilespmem:v31+s5+$0x0], $0xffff;
	[tilespmem:s24+$0x0] =	vst v5  }
0x46d: {  	s2 =	smov.u32 s16;
	v31 =	vld.idx.msk [tilespmem:v28+s5+$0x0], $0xffff  }
0x46e: {  	s4 =	sor.u32 s10, s28;
	s20 =	sor.u32 s1, s28;
	s28 =	sor.u32 s2, s23;
	[tilespmem:s6+$0x0] =	vst v1;
	v1 =	vld [tilespmem:$0x1FF00]  }
0x46f: {  	v37 =	vld [tilespmem:$0x1FEC0];
	[tilespmem:s28+$0x0] =	vst v4  }
0x470: {  	v30 =	vld.idx.msk [tilespmem:v2+s5+$0x0], $0xffff  }
0x471: {  	p1 =	slt.u32 s13, $0x1C0;
	s1 =	smov.u32 s17;
	[tilespmem:s19+$0x0] =	vst v61;
	v3 =	vld.idx.msk [tilespmem:v3+s5+$0x0], $0xffff  }
.Ltmp5:
0x472: {  	s10 =	smov.u32 s18;
	s26 =	sor.u32 s1, s23;
	v28 =	vld.idx.msk [tilespmem:v7+s5+$0x0], $0xffff;
	(pc) =	sbr.rel @p1 .LBB2_9-.Ltmp5, $4  }
0x473: {  	s9 =	sor.u32 s10, s23;
	[tilespmem:s26+$0x0] =	vst v62;
	v7 =	vmov v38;
	v38 =	vld [tilespmem:$0x1FEF0]  }
0x474: {  	[tilespmem:s9+$0x0] =	vst v63;
	v29 =	vld.idx.msk [tilespmem:v29+s5+$0x0], $0xffff  }
0x475: {  	v12 =	vmovc v51;
	v10 =	vmov v50;
	v41 =	vmov v40;
	v40 =	vmov v39;
	s9 =	sadd.s32 $0x16B80, s11;
	v32 =	vld.idx.msk [tilespmem:v27+s5+$0x0], $0xffff  }
0x476: {  	v39 =	vmovc v35;
	v6 =	vmovc v47;
	v8 =	vmov v45;
	v11 =	vmov v44;
	v33 =	vadd.s32 $0x8000, v0;
	s12 =	sor.u32 s0, s9;
	s14 =	sor.u32 s2, s9;
	s6 =	sor.u32 s1, s9;
	[tilespmem:s8+$0x0] =	vst v3;
	v27 =	vld.idx.msk [tilespmem:v1+s5+$0x0], $0xffff  }
0x477: {  	_ =	sdelay $0x2  }
0x478: {  	[tilespmem:s14+$0x0] =	vst v30  }
0x479: {  	[tilespmem:s12+$0x0] =	vst v31;
	v1 =	vld.idx.msk [tilespmem:v33+s5+$0x0], $0xffff  }
0x47a: {  	s8 =	sor.u32 s10, s9;
	v3 =	vadd.s32 $0x9000, v0;
	v2 =	vld.idx.msk [tilespmem:v23+s5+$0x0], $0xffff;
	[tilespmem:s6+$0x0] =	vst v29  }
0x47b: {  	v4 =	vld.idx.msk [tilespmem:v24+s5+$0x0], $0xffff;
	[tilespmem:s8+$0x0] =	vst v32  }
0x47c: {  	s9 =	sadd.s32 $0x17800, s11;
	v5 =	vld.idx.msk [tilespmem:v22+s5+$0x0], $0xffff  }
0x47d: {  	s12 =	sor.u32 s2, s9  }
0x47e: {  	s13 =	sor.u32 s0, s9;
	[tilespmem:s12+$0x0] =	vst v1  }
0x47f: {  	s14 =	sor.u32 s1, s9;
	[tilespmem:s13+$0x0] =	vst v2;
	v1 =	vld.idx.msk [tilespmem:v3+s5+$0x0], $0xffff  }
0x480: {  	v49 =	vadd.s32 $0xA000, v0;
	s6 =	sor.u32 s10, s9;
	v50 =	vld.idx.msk [tilespmem:v20+s5+$0x0], $0xffff;
	[tilespmem:s14+$0x0] =	vst v4  }
0x481: {  	v4 =	vld.idx.msk [tilespmem:v21+s5+$0x0], $0xffff;
	[tilespmem:s6+$0x0] =	vst v5  }
0x482: {  	s15 =	sadd.s32 $0x17880, s11;
	v5 =	vld.idx.msk [tilespmem:v19+s5+$0x0], $0xffff  }
0x483: {  	s16 =	sor.u32 s2, s15  }
0x484: {  	s17 =	sor.u32 s0, s15;
	[tilespmem:s16+$0x0] =	vst v1  }
0x485: {  	s18 =	sor.u32 s1, s15;
	[tilespmem:s17+$0x0] =	vst v50;
	v1 =	vld.idx.msk [tilespmem:v49+s5+$0x0], $0xffff  }
0x486: {  	v51 =	vadd.s32 $0xB000, v0;
	s6 =	sor.u32 s10, s15;
	v3 =	vld.idx.msk [tilespmem:v16+s5+$0x0], $0xffff;
	[tilespmem:s18+$0x0] =	vst v4  }
0x487: {  	[tilespmem:s6+$0x0] =	vst v5;
	v4 =	vld.idx.msk [tilespmem:v18+s5+$0x0], $0xffff  }
0x488: {  	s19 =	sadd.s32 $0x17900, s11;
	v5 =	vld.idx.msk [tilespmem:v17+s5+$0x0], $0xffff  }
0x489: {  	s22 =	sor.u32 s2, s19  }
0x48a: {  	s23 =	sor.u32 s0, s19;
	[tilespmem:s22+$0x0] =	vst v1  }
0x48b: {  	s24 =	sor.u32 s1, s19;
	[tilespmem:s23+$0x0] =	vst v3;
	v1 =	vld.idx.msk [tilespmem:v51+s5+$0x0], $0xffff  }
0x48c: {  	v52 =	vadd.s32 $0xC000, v0;
	s6 =	sor.u32 s10, s19;
	v3 =	vld.idx.msk [tilespmem:v13+s5+$0x0], $0xffff;
	[tilespmem:s24+$0x0] =	vst v4  }
0x48d: {  	[tilespmem:s6+$0x0] =	vst v5;
	v4 =	vld.idx.msk [tilespmem:v15+s5+$0x0], $0xffff  }
0x48e: {  	s26 =	sadd.s32 $0x17980, s11;
	v5 =	vld.idx.msk [tilespmem:v14+s5+$0x0], $0xffff  }
0x48f: {  	s28 =	sor.u32 s2, s26  }
0x490: {  	s9 =	sor.u32 s0, s26;
	[tilespmem:s28+$0x0] =	vst v1  }
0x491: {  	s12 =	sor.u32 s1, s26;
	[tilespmem:s9+$0x0] =	vst v3;
	v1 =	vld.idx.msk [tilespmem:v52+s5+$0x0], $0xffff  }
0x492: {  	v53 =	vadd.s32 $0xD000, v0;
	s6 =	sor.u32 s10, s26;
	v3 =	vld.idx.msk [tilespmem:v9+s5+$0x0], $0xffff;
	[tilespmem:s12+$0x0] =	vst v4  }
0x493: {  	[tilespmem:s6+$0x0] =	vst v5;
	v4 =	vld.idx.msk [tilespmem:v12+s5+$0x0], $0xffff  }
0x494: {  	s13 =	sadd.s32 $0x17A00, s11;
	v5 =	vld.idx.msk [tilespmem:v10+s5+$0x0], $0xffff  }
0x495: {  	s14 =	sor.u32 s2, s13  }
0x496: {  	s15 =	sor.u32 s0, s13;
	[tilespmem:s14+$0x0] =	vst v1  }
0x497: {  	s16 =	sor.u32 s1, s13;
	[tilespmem:s15+$0x0] =	vst v3;
	v1 =	vld.idx.msk [tilespmem:v53+s5+$0x0], $0xffff  }
0x498: {  	v54 =	vadd.s32 $0xE000, v0;
	s6 =	sor.u32 s10, s13;
	v3 =	vld.idx.msk [tilespmem:v6+s5+$0x0], $0xffff;
	[tilespmem:s16+$0x0] =	vst v4  }
0x499: {  	[tilespmem:s6+$0x0] =	vst v5;
	v4 =	vld.idx.msk [tilespmem:v8+s5+$0x0], $0xffff  }
0x49a: {  	s17 =	sadd.s32 $0x17A80, s11;
	v5 =	vld.idx.msk [tilespmem:v11+s5+$0x0], $0xffff  }
0x49b: {  	s18 =	sor.u32 s2, s17  }
0x49c: {  	s19 =	sor.u32 s0, s17;
	[tilespmem:s18+$0x0] =	vst v1  }
0x49d: {  	s22 =	sor.u32 s1, s17;
	[tilespmem:s19+$0x0] =	vst v3;
	v1 =	vld.idx.msk [tilespmem:v54+s5+$0x0], $0xffff  }
0x49e: {  	v55 =	vadd.s32 $0xF000, v0;
	s6 =	sor.u32 s10, s17;
	v56 =	vld.idx.msk [tilespmem:v41+s5+$0x0], $0xffff;
	[tilespmem:s22+$0x0] =	vst v4  }
0x49f: {  	[tilespmem:s6+$0x0] =	vst v5;
	v57 =	vld.idx.msk [tilespmem:v40+s5+$0x0], $0xffff  }
0x4a0: {  	[tilespmem:s3+$0x0] =	vst v28;
	s23 =	sadd.s32 $0x17B00, s11;
	v58 =	vld.idx.msk [tilespmem:v7+s5+$0x0], $0xffff  }
0x4a1: {  	v59 =	vld.idx.msk [tilespmem:v37+s5+$0x0], $0xffff;
	[tilespmem:s21+$0x0] =	vst v27;
	s24 =	sor.u32 s2, s23  }
0x4a2: {  	v60 =	vld.idx.msk [tilespmem:v38+s5+$0x0], $0xffff;
	s26 =	sor.u32 s0, s23;
	[tilespmem:s24+$0x0] =	vst v1  }
0x4a3: {  	s28 =	sor.u32 s1, s23;
	[tilespmem:s26+$0x0] =	vst v56;
	v0 =	vld.idx.msk [tilespmem:v55+s5+$0x0], $0xffff  }
0x4a4: {  	s3 =	sor.u32 s10, s23;
	v61 =	vld.idx.msk [tilespmem:v39+s5+$0x0], $0xffff;
	[tilespmem:s28+$0x0] =	vst v57  }
0x4a5: {  	[tilespmem:s3+$0x0] =	vst v58;
	v62 =	vld.idx.msk [tilespmem:v26+s5+$0x0], $0xffff  }
0x4a6: {  	s8 =	sadd.s32 $0x17B80, s11;
	[tilespmem:s20+$0x0] =	vst v59;
	v63 =	vld.idx.msk [tilespmem:v25+s5+$0x0], $0xffff  }
0x4a7: {  	[tilespmem:s4+$0x0] =	vst v60;
	s9 =	sor.u32 s2, s8  }
0x4a8: {  	s11 =	sor.u32 s0, s8;
	[tilespmem:s9+$0x0] =	vst v0  }
0x4a9: {  	s12 =	sor.u32 s1, s8;
	[tilespmem:s11+$0x0] =	vst v61  }
0x4aa: {  	s13 =	sor.u32 s10, s8;
	[tilespmem:s12+$0x0] =	vst v62  }
0x4ab: {  	[tilespmem:s13+$0x0] =	vst v63  }
0x4ac: {  	s0 =	rddreg [dreg:$0xa]  }
0x4ad: {  	s14 =	simm.s32 $0x16800;
	s0 =	sadd.s32 s7, s0  }
0x4ae: {  	[hbm4b:s0+s29] =	stream.strided.scatter [tilespmem:s14], [sflag:$0x8], $0x400, s30, s29, $0x38;
	[tilespmem:$0x18800] =	vst v63  }
0x4af: {  	s16 =	simm.s32 $0x16C00;
	s15 =	sadd.s32 $0x80, s0  }
0x4b0: {  	[hbm4b:s15+s29] =	stream.strided.scatter [tilespmem:s16], [sflag:$0x8], $0x400, s30, s29, $0x38;
	[tilespmem:$0x18800] =	vst v63  }
0x4b1: {  	s18 =	simm.s32 $0x17000;
	s17 =	sadd.s32 $0x100, s0  }
0x4b2: {  	[hbm4b:s17+s29] =	stream.strided.scatter [tilespmem:s18], [sflag:$0x8], $0x400, s30, s29, $0x38;
	[tilespmem:$0x18800] =	vst v63  }
0x4b3: {  	s20 =	simm.s32 $0x17400;
	s19 =	sadd.s32 $0x180, s0  }
0x4b4: {  	[hbm4b:s19+s29] =	stream.strided.scatter [tilespmem:s20], [sflag:$0x8], $0x400, s30, s29, $0x38;
	[tilespmem:$0x18800] =	vst v63  }
0x4b5: {  	s21 =	simm.s32 $0x17800;
	s0 =	sadd.s32 $0x100000, s0  }
0x4b6: {  	[hbm4b:s0+s29] =	stream.strided.scatter [tilespmem:s21], [sflag:$0x8], $0x400, s30, s29, $0x38;
	[tilespmem:$0x18800] =	vst v63  }
0x4b7: {  	s23 =	simm.s32 $0x17C00;
	s22 =	sadd.s32 $0x80, s0  }
0x4b8: {  	[hbm4b:s22+s29] =	stream.strided.scatter [tilespmem:s23], [sflag:$0x8], $0x400, s30, s29, $0x38;
	[tilespmem:$0x18800] =	vst v63  }
.Ltmp6:
0x4b9: {  	_ = 	snop;
	(pc) =	sbr.rel @p0 .LBB2_12-.Ltmp6, $4  }
0x4ba: {  	s26 =	simm.s32 $0x18000;
	s24 =	sadd.s32 $0x100, s0  }
0x4bb: {  	[hbm4b:s24+s29] =	stream.strided.scatter [tilespmem:s26], [sflag:$0x8], $0x400, s30, s29, $0x38;
	[tilespmem:$0x18800] =	vst v63  }
0x4bc: {  	s28 =	simm.s32 $0x18400;
	s0 =	sadd.s32 $0x180, s0  }
0x4bd: {  	[hbm4b:s0+s29] =	stream.strided.scatter [tilespmem:s28], [sflag:$0x8], $0x400, s30, s29, $0x38;
	[tilespmem:$0x18800] =	vst v63  }
0x4be: {  	s0 =	rddreg [dreg:$0x19]  }
0x4bf: {  	s0 =	sadd.s32 $0x6, s0  }
0x4c0: {  	s1 =	sshll.u32 s0, $0x6;
	s0 =	sshll.u32 s0, $0x3  }
0x4c1: {  	s1 =	sand.u32 $0xFFFFC00, s1;
	s0 =	sand.u32 $0x70, s0  }
0x4c2: {  	s21 =	rddreg [dreg:$0x6];
	s0 =	sor.u32 s0, s1  }
0x4c3: {  	s22 =	simm.s32 $0x10180;
	s0 =	sadd.s32 s0, s21  }
0x4c4: {  	[tilespmem:s22], [sflag:$0x4] =	stream.linear.gather [hbm4b:s0+s5], $0x80, $0x38;
	[tilespmem:$0x18800] =	vst v63  }
0x4c5: {  	s2 =	simm.s32 $0x10380;
	s23 =	sadd.s32 $0x80, s0  }
0x4c6: {  	[tilespmem:s2], [sflag:$0x4] =	stream.linear.gather [hbm4b:s23+s5], $0x80, $0x38;
	[tilespmem:$0x18800] =	vst v63  }
.Ltmp7:
0x4c7: {  	_ = 	snop;
	(pc) =	sbr.rel .LBB2_2-.Ltmp7, $4  }
0x4c8: {  	s26 =	simm.s32 $0x10580;
	s24 =	sadd.s32 $0x100, s0  }
0x4c9: {  	[tilespmem:s26], [sflag:$0x4] =	stream.linear.gather [hbm4b:s24+s5], $0x80, $0x38;
	[tilespmem:$0x18800] =	vst v63  }
0x4ca: {  	s28 =	simm.s32 $0x10780;
	s25 =	sadd.s32 $0x1, s25;
	s0 =	sadd.s32 $0x180, s0  }
0x4cb: {  	[tilespmem:s28], [sflag:$0x4] =	stream.linear.gather [hbm4b:s0+s5], $0x80, $0x38;
	[tilespmem:$0x18800] =	vst v63  }
.LBB2_13:
0x4cc: {  	_ =	sfence.sel $0x180000  }
0x4cd: {  	[bflag:$0x0] =	sbarrier.arrive $0xFFFF  }
0x4ce: {  	_ =	strace $0x90000047  }
0x4cf: {  	s0 =	stileid.u32;
	[bflag:$0x2] =	sbarrier.arrive $0xFFFF  }
0x4d0: {  	p0 =	sne.s32 s0, $0x0;
	s0 =	rddreg [dreg:$0x3]  }
0x4d1: {  	s0 =	sadd.s32 @!p0 $0x100000, s0  }
0x4d2: {  	[sflag:s0] =	ssyncadd.tile.s32 @!p0 $0x1;
	_ =	shalt  }
.Lfunc_end2:
_tile_overlayer_lowered:
.L_overlay_start_2:
0x4d3: {  	(tag) =	ssettag $0x2  }
0x4d4: {  	s0 =	rddreg [dreg:$0x0];
	s2 =	stileid.u32  }
0x4d5: {  	s1 =	rddreg [dreg:$0x1];
	p0 =	sne.s32 s2, $0x0  }
0x4d6: {  	s3 =	rddreg [dreg:$0x2];
	[bflag:$0x3] =	sbarrier.arrive $0xFFFF;
	s2 =	simm.s32 @!p0 $0x1C09  }
0x4d7: {  	[timem:s3], [sflag:s2] =	dma.local @!p0 [hbm:s0], s1  }
0x4d8: {  	s0 =	simm.s32 @!p0 $0x9  }
0x4d9: {  	_ =	swait.ge @!p0 [sflag:s0], s1  }
0x4da: {  	s1 =	ssub.s32 @!p0 $0x0, s1;
	[sflag:s0] =	ssyncset.done @!p0 $0x0  }
0x4db: {  	[sflag:s0] =	ssyncadd.s32 @!p0 s1  }
0x4dc: {  	[bflag:$0x3] =	sbarrier.arrive $0xFFFF  }
0x4dd: {  	_ =	shalt  }

</sc_bundles>
